<compile_context>
chip_gen: v7x
topology: tpu7x:2x2x1
jax: 0.10.2.dev20260603
libtpu: 0.0.44.dev20260713+nightly
codegen_flags: <defaults>
</compile_context>

<pallas_src>
import functools

import jax
import jax.numpy as jnp
from jax import lax
from jax.experimental import pallas as pl
from jax.experimental.pallas import tpu as pltpu
from jax.experimental.pallas import tpu_sc as plsc

NC = 2
NS = 16
LN = 16
WIN = 128
K = 6
ROWB = 1024


def _mesh():
    return plsc.VectorSubcoreMesh(core_axis_name="c", subcore_axis_name="s")


_SC_PARAMS = pltpu.CompilerParams(use_tc_tiling_on_sc=False)


def _sc_hist(dst2d, ones_w, zeros_stripe, nt):
    wins_per = dst2d.shape[0] // (NC * NS)
    groups = wins_per // K
    stripe = nt // NS

    @functools.partial(
        pl.kernel,
        out_type=jax.ShapeDtypeStruct((NC * nt, LN), jnp.float32),
        mesh=_mesh(),
        compiler_params=_SC_PARAMS,
        scratch_types=[
            pltpu.VMEM((2, K, WIN), jnp.int32),
            pltpu.VMEM((WIN, LN), jnp.float32),
            pltpu.VMEM_SHARED((nt, LN), jnp.float32),
            pltpu.SemaphoreType.DMA,
            pltpu.SemaphoreType.DMA((2,)),
        ],
    )
    def k(dst_hbm, ones_hbm, zeros_hbm, out_hbm, di_v, val_v, acc, isem, ssems):
        c = lax.axis_index("c")
        s = lax.axis_index("s")
        pltpu.sync_copy(zeros_hbm, acc.at[pl.ds(s * stripe, stripe)])
        pltpu.sync_copy(ones_hbm, val_v)
        plsc.subcore_barrier()
        base = (c * NS + s) * wins_per

        pltpu.async_copy(dst_hbm.at[pl.ds(base, K)], di_v.at[0], isem)

        @pl.loop(0, groups)
        def _(g):
            b = g & 1
            pltpu.make_async_copy(
                dst_hbm.at[pl.ds(base, K)], di_v.at[b], isem
            ).wait()

            for j in range(K):
                pltpu.async_copy(
                    val_v, acc.at[di_v.at[b].at[j]], ssems.at[b], add=True
                )

            @pl.when(g > 0)
            def _():
                for j in range(K):
                    pltpu.make_async_copy(
                        val_v, acc.at[di_v.at[1 - b].at[j]], ssems.at[1 - b]
                    ).wait()

            @pl.when(g + 1 < groups)
            def _():
                pltpu.async_copy(
                    dst_hbm.at[pl.ds(base + (g + 1) * K, K)],
                    di_v.at[1 - b], isem,
                )

        bl = (groups - 1) & 1
        for j in range(K):
            pltpu.make_async_copy(
                val_v, acc.at[di_v.at[bl].at[j]], ssems.at[bl]
            ).wait()
        plsc.subcore_barrier()
        pltpu.sync_copy(
            acc.at[pl.ds(s * stripe, stripe)],
            out_hbm.at[pl.ds(c * nt + s * stripe, stripe)],
        )

    return k(dst2d, ones_w, zeros_stripe)


def _edge_loop(src_hbm, dst_hbm, tab, acc, si_v, di_v, rows_v,
               isem, gsems, ssems, base, wins_per):
    groups = wins_per // K

    pltpu.async_copy(src_hbm.at[pl.ds(base, K)], si_v.at[0], isem)
    pltpu.async_copy(dst_hbm.at[pl.ds(base, K)], di_v.at[0], isem)

    @pl.loop(0, groups)
    def _(g):
        b = g & 1
        pltpu.make_async_copy(
            src_hbm.at[pl.ds(base, K)], si_v.at[b], isem
        ).wait()
        pltpu.make_async_copy(
            dst_hbm.at[pl.ds(base, K)], di_v.at[b], isem
        ).wait()

        for j in range(K):
            pltpu.async_copy(
                tab.at[si_v.at[b].at[j]], rows_v.at[b].at[j], gsems.at[j]
            )

        @pl.when(g > 0)
        def _():
            for j in range(K):
                pltpu.make_async_copy(
                    rows_v.at[1 - b].at[j],
                    acc.at[di_v.at[1 - b].at[j]],
                    ssems.at[1 - b],
                ).wait()

        @pl.when(g + 1 < groups)
        def _():
            pltpu.async_copy(
                src_hbm.at[pl.ds(base + (g + 1) * K, K)], si_v.at[1 - b], isem
            )
            pltpu.async_copy(
                dst_hbm.at[pl.ds(base + (g + 1) * K, K)], di_v.at[1 - b], isem
            )
        for j in range(K):
            pltpu.make_async_copy(
                tab.at[si_v.at[b].at[j]], rows_v.at[b].at[j], gsems.at[j]
            ).wait()
            pltpu.async_copy(
                rows_v.at[b].at[j], acc.at[di_v.at[b].at[j]],
                ssems.at[b], add=True,
            )

    bl = (groups - 1) & 1
    for j in range(K):
        pltpu.make_async_copy(
            rows_v.at[bl].at[j], acc.at[di_v.at[bl].at[j]], ssems.at[bl]
        ).wait()


def _sc_edge_half(src2d, dst2d, tab0, tab1, zeros_stripe, nt):
    wins_per = src2d.shape[0] // NS
    stripe = nt // NS

    @functools.partial(
        pl.kernel,
        out_type=jax.ShapeDtypeStruct((NC * nt, LN), jnp.float32),
        mesh=_mesh(),
        compiler_params=_SC_PARAMS,
        scratch_types=[
            pltpu.VMEM((2, K, WIN), jnp.int32),
            pltpu.VMEM((2, K, WIN), jnp.int32),
            pltpu.VMEM((2, K, WIN, LN), jnp.float32),
            pltpu.VMEM_SHARED((nt, LN), jnp.float32),
            pltpu.SemaphoreType.DMA,
            pltpu.SemaphoreType.DMA((K,)),
            pltpu.SemaphoreType.DMA((2,)),
        ],
    )
    def k(src_hbm, dst_hbm, t0_hbm, t1_hbm, zeros_hbm, out_hbm,
          si_v, di_v, rows_v, acc, isem, gsems, ssems):
        c = lax.axis_index("c")
        s = lax.axis_index("s")
        pltpu.sync_copy(zeros_hbm, acc.at[pl.ds(s * stripe, stripe)])
        plsc.subcore_barrier()
        base = s * wins_per

        @pl.when(c == 0)
        def _():
            _edge_loop(src_hbm, dst_hbm, t0_hbm, acc, si_v, di_v, rows_v,
                       isem, gsems, ssems, base, wins_per)

        @pl.when(c == 1)
        def _():
            _edge_loop(src_hbm, dst_hbm, t1_hbm, acc, si_v, di_v, rows_v,
                       isem, gsems, ssems, base, wins_per)

        plsc.subcore_barrier()
        pltpu.sync_copy(
            acc.at[pl.ds(s * stripe, stripe)],
            out_hbm.at[pl.ds(c * nt + s * stripe, stripe)],
        )

    return k(src2d, dst2d, tab0, tab1, zeros_stripe)


def _sc_edge_split(src2d, dst2d, tab, zeros_stripe, nt):
    wins_per = src2d.shape[0] // (NC * NS)
    stripe = nt // NS

    @functools.partial(
        pl.kernel,
        out_type=jax.ShapeDtypeStruct((NC * nt, LN), jnp.float32),
        mesh=_mesh(),
        compiler_params=_SC_PARAMS,
        scratch_types=[
            pltpu.VMEM((2, K, WIN), jnp.int32),
            pltpu.VMEM((2, K, WIN), jnp.int32),
            pltpu.VMEM((2, K, WIN, LN), jnp.float32),
            pltpu.VMEM_SHARED((nt, LN), jnp.float32),
            pltpu.SemaphoreType.DMA,
            pltpu.SemaphoreType.DMA((K,)),
            pltpu.SemaphoreType.DMA((2,)),
        ],
    )
    def k(src_hbm, dst_hbm, tab_hbm, zeros_hbm, out_hbm,
          si_v, di_v, rows_v, acc, isem, gsems, ssems):
        c = lax.axis_index("c")
        s = lax.axis_index("s")
        pltpu.sync_copy(zeros_hbm, acc.at[pl.ds(s * stripe, stripe)])
        plsc.subcore_barrier()
        base = (c * NS + s) * wins_per
        _edge_loop(src_hbm, dst_hbm, tab_hbm, acc, si_v, di_v, rows_v,
                   isem, gsems, ssems, base, wins_per)
        plsc.subcore_barrier()
        pltpu.sync_copy(
            acc.at[pl.ds(s * stripe, stripe)],
            out_hbm.at[pl.ds(c * nt + s * stripe, stripe)],
        )

    return k(src2d, dst2d, tab, zeros_stripe)


def _tc_mm(xpad, W1, nt):
    grid = nt // ROWB
    d_in, d_out = W1.shape

    def body(x_ref, w_ref, h_ref):
        h_ref[...] = jnp.dot(
            x_ref[...], w_ref[...], preferred_element_type=jnp.float32
        )

    return pl.pallas_call(
        body,
        grid=(grid,),
        in_specs=[
            pl.BlockSpec((ROWB, d_in), lambda i: (i, 0)),
            pl.BlockSpec((d_in, d_out), lambda i: (0, 0)),
        ],
        out_specs=pl.BlockSpec((ROWB, d_out), lambda i: (i, 0)),
        out_shape=jax.ShapeDtypeStruct((nt, d_out), jnp.float32),
    )(xpad, W1)


def _tc_prep(h1, degp, nt):
    grid = nt // ROWB
    d_out = h1.shape[1]

    def body(h_ref, dg_ref, dinv_ref, a_ref, b_ref):
        deg = dg_ref[0][:, 0:1] + dg_ref[1][:, 0:1] + 1.0
        dinv = lax.rsqrt(deg)
        hp = h_ref[...] * dinv
        dinv_ref[...] = dinv
        a_ref[...] = hp[:, : d_out // 2]
        b_ref[...] = hp[:, d_out // 2:]

    return pl.pallas_call(
        body,
        grid=(grid,),
        in_specs=[
            pl.BlockSpec((ROWB, d_out), lambda i: (i, 0)),
            pl.BlockSpec((2, ROWB, LN), lambda i: (0, i, 0)),
        ],
        out_specs=[
            pl.BlockSpec((ROWB, 1), lambda i: (i, 0)),
            pl.BlockSpec((ROWB, d_out // 2), lambda i: (i, 0)),
            pl.BlockSpec((ROWB, d_out // 2), lambda i: (i, 0)),
        ],
        out_shape=[
            jax.ShapeDtypeStruct((nt, 1), jnp.float32),
            jax.ShapeDtypeStruct((nt, d_out // 2), jnp.float32),
            jax.ShapeDtypeStruct((nt, d_out // 2), jnp.float32),
        ],
    )(h1, degp)


def _tc_mid(agg1, h1a, h1b, dinv, b1, W2, nt):
    grid = nt // ROWB
    d_hid, d_out = W2.shape

    def body(agg_ref, a_ref, b_ref, dinv_ref, b1_ref, w2_ref, out_ref):
        dv = dinv_ref[...]
        xa = (agg_ref[0] + a_ref[...]) * dv
        xb = (agg_ref[1] + b_ref[...]) * dv
        x2 = jnp.concatenate([xa, xb], axis=1) + b1_ref[...]
        x2 = jnp.maximum(x2, 0.0)
        h2 = jnp.dot(x2, w2_ref[...], preferred_element_type=jnp.float32)
        out_ref[...] = h2 * dv

    return pl.pallas_call(
        body,
        grid=(grid,),
        in_specs=[
            pl.BlockSpec((2, ROWB, LN), lambda i: (0, i, 0)),
            pl.BlockSpec((ROWB, LN), lambda i: (i, 0)),
            pl.BlockSpec((ROWB, LN), lambda i: (i, 0)),
            pl.BlockSpec((ROWB, 1), lambda i: (i, 0)),
            pl.BlockSpec((1, d_hid), lambda i: (0, 0)),
            pl.BlockSpec((d_hid, d_out), lambda i: (0, 0)),
        ],
        out_specs=pl.BlockSpec((ROWB, d_out), lambda i: (i, 0)),
        out_shape=jax.ShapeDtypeStruct((nt, d_out), jnp.float32),
    )(agg1, h1a, h1b, dinv, b1, W2)


def _tc_final(agg2, h2p, dinv, b2, nt):
    grid = nt // ROWB

    def body(agg_ref, h_ref, dinv_ref, b2_ref, out_ref):
        out_ref[...] = (
            (agg_ref[0] + agg_ref[1] + h_ref[...]) * dinv_ref[...] + b2_ref[...]
        )

    return pl.pallas_call(
        body,
        grid=(grid,),
        in_specs=[
            pl.BlockSpec((2, ROWB, LN), lambda i: (0, i, 0)),
            pl.BlockSpec((ROWB, LN), lambda i: (i, 0)),
            pl.BlockSpec((ROWB, 1), lambda i: (i, 0)),
            pl.BlockSpec((1, LN), lambda i: (0, 0)),
        ],
        out_specs=pl.BlockSpec((ROWB, LN), lambda i: (i, 0)),
        out_shape=jax.ShapeDtypeStruct((nt, LN), jnp.float32),
    )(agg2, h2p, dinv, b2)


def kernel(edge_index, user_emb, item_emb, W1, b1, W2, b2):
    nu = user_emb.shape[0]
    nn = nu + item_emb.shape[0]
    ne = edge_index.shape[1]
    nt = ((nn + ROWB) // ROWB) * ROWB
    chunk = NC * NS * WIN * K
    nep = -(-ne // chunk) * chunk

    src = jnp.pad(edge_index[0], (0, nep - ne), constant_values=nn)
    dst = jnp.pad(edge_index[1], (0, nep - ne), constant_values=nn)
    nw = nep // WIN
    src2d = src.reshape(nw // (NC * NS), NC * NS, WIN).transpose(1, 0, 2)
    src2d = src2d.reshape(nw, WIN)
    dst2d = dst.reshape(nw // (NC * NS), NC * NS, WIN).transpose(1, 0, 2)
    dst2d = dst2d.reshape(nw, WIN)

    x = jnp.concatenate([user_emb, item_emb], axis=0)
    xpad = jnp.pad(x, ((0, nt - nn), (0, 0)))
    zeros_stripe = jnp.zeros((nt // NS, LN), jnp.float32)
    ones_w = jnp.ones((WIN, LN), jnp.float32)

    h1 = _tc_mm(xpad, W1, nt)
    degp = _sc_hist(dst2d, ones_w, zeros_stripe, nt).reshape(NC, nt, LN)
    dinv, h1a, h1b = _tc_prep(h1, degp, nt)
    agg1 = _sc_edge_half(src2d, dst2d, h1a, h1b, zeros_stripe, nt).reshape(NC, nt, LN)
    h2p = _tc_mid(agg1, h1a, h1b, dinv, b1.reshape(1, -1), W2, nt)
    agg2 = _sc_edge_split(src2d, dst2d, h2p, zeros_stripe, nt).reshape(NC, nt, LN)
    out = _tc_final(agg2, h2p, dinv, b2.reshape(1, -1), nt)

    return out[:nu], out[nu:nn]

# --- scband reference (transcript-rebuilt; emitter-appended) ---
"""Pipeline reference for scband-gcn-43868795961778 (READ-ONLY COPY).

The authoritative reference and input builder live on the scoring server;
editing this copy changes nothing except your own understanding.
"""

import jax, jax.numpy as jnp
import numpy as np

NUM_USERS = 50000
NUM_ITEMS = 50000
NUM_NODES = NUM_USERS + NUM_ITEMS
EMBED_DIM = 16
HIDDEN_DIM = 32
NUM_EDGES = 1600000


def gcn_conv(x, edge_index, W, b):
    # PyG-style GCNConv: add self-loops, symmetric normalization, linear, scatter-add, bias
    num_nodes = x.shape[0]
    loop = jnp.arange(num_nodes, dtype=edge_index.dtype)
    src = jnp.concatenate([edge_index[0], loop])
    dst = jnp.concatenate([edge_index[1], loop])
    deg = jnp.zeros((num_nodes,), dtype=x.dtype).at[dst].add(1.0)
    deg_inv_sqrt = jnp.where(deg > 0, jax.lax.rsqrt(jnp.maximum(deg, 1e-12)), 0.0)
    norm = deg_inv_sqrt[src] * deg_inv_sqrt[dst]
    h = x @ W
    msg = h[src] * norm[:, None]
    out = jnp.zeros((num_nodes, W.shape[1]), dtype=x.dtype).at[dst].add(msg)
    return out + b


def setup_inputs(seed: int = 0) -> dict:
    key = jax.random.key(seed)
    ks = jax.random.split(key, 8)
    edge_index = jax.random.randint(ks[0], (2, NUM_EDGES), 0, NUM_NODES, dtype=jnp.int32)
    user_emb = jax.random.normal(ks[1], (NUM_USERS, EMBED_DIM), dtype=jnp.float32)
    item_emb = jax.random.normal(ks[2], (NUM_ITEMS, EMBED_DIM), dtype=jnp.float32)
    W1 = jax.random.normal(ks[3], (EMBED_DIM, HIDDEN_DIM), dtype=jnp.float32) * (1.0 / np.sqrt(EMBED_DIM))
    b1 = jnp.zeros((HIDDEN_DIM,), dtype=jnp.float32)
    W2 = jax.random.normal(ks[4], (HIDDEN_DIM, EMBED_DIM), dtype=jnp.float32) * (1.0 / np.sqrt(HIDDEN_DIM))
    b2 = jnp.zeros((EMBED_DIM,), dtype=jnp.float32)
    return {"edge_index": edge_index, "user_emb": user_emb, "item_emb": item_emb, "W1": W1, "b1": b1, "W2": W2, "b2": b2}


def reference(edge_index, user_emb, item_emb, W1, b1, W2, b2):
    x = jnp.concatenate([user_emb, item_emb], axis=0)
    x = gcn_conv(x, edge_index, W1, b1)
    x = jax.nn.relu(x)
    x = gcn_conv(x, edge_index, W2, b2)
    user_emb_final = x[:NUM_USERS]
    item_emb_final = x[NUM_USERS:]
    return (user_emb_final, item_emb_final)

if __name__ == "__main__":
    import jax
    _d = setup_inputs()
    print(jax.jit(kernel)(*tuple(_d.values())))

</pallas_src>

<mosaic_0001>
#map = affine_map<(d0, d1) -> (0, 0)>
module attributes {stable_mosaic.version = 14 : i64} {
  func.func @k(%arg0: i32, %arg1: i32, %arg2: memref<12672x128xi32, #tpu.memory_space<hbm>>, %arg3: memref<12672x128xi32, #tpu.memory_space<hbm>>, %arg4: memref<100352x16xf32, #tpu.memory_space<hbm>>, %arg5: memref<6272x16xf32, #tpu.memory_space<hbm>>, %arg6: memref<200704x16xf32, #tpu.memory_space<hbm>>, %arg7: memref<2x6x128xi32, #tpu.memory_space<vmem>>, %arg8: memref<2x6x128xi32, #tpu.memory_space<vmem>>, %arg9: memref<2x6x128x16xf32, #tpu.memory_space<vmem>>, %arg10: memref<100352x16xf32, #tpu.memory_space<vmem_shared>>, %arg11: memref<!tpu.dma_semaphore, #tpu.memory_space<semaphore_mem>>, %arg12: memref<6x!tpu.dma_semaphore, #tpu.memory_space<semaphore_mem>>, %arg13: memref<2x!tpu.dma_semaphore, #tpu.memory_space<semaphore_mem>>) attributes {dimension_semantics = [#tpu.dimension_semantics<core_parallel>, #tpu.dimension_semantics<subcore_parallel>], iteration_bounds = array<i64: 2, 16>, scalar_prefetch = 0 : i64, scratch_operands = 7 : i64, tpu.core_type = #tpu.core_type<sc_vector_subcore>, window_params = [{transform_indices = #map}, {transform_indices = #map}, {transform_indices = #map}, {transform_indices = #map}, {transform_indices = #map}]} {
    %mul3A = arith.constant 6272 : i32
    %mul3A_0 = arith.muli %arg1, %mul3A : i32
    "tpu.region"() ({
      %run_scoped3A = tpu.sem_alloc : memref<!tpu.dma_semaphore, #tpu.memory_space<semaphore_mem>>
      %dma_start3A_197 = arith.constant 0 : i32
      %dma_start3A_198 = tpu.memref_slice %arg10[%mul3A_0, %dma_start3A_197] : memref<100352x16xf32, #tpu.memory_space<vmem_shared>> -> memref<6272x16xf32, #tpu.memory_space<vmem_shared>>
      tpu.enqueue_dma source(%arg5 : memref<6272x16xf32, #tpu.memory_space<hbm>>) target(%dma_start3A_198 : memref<6272x16xf32, #tpu.memory_space<vmem_shared>>) target_semaphore(%run_scoped3A : memref<!tpu.dma_semaphore, #tpu.memory_space<semaphore_mem>>)
      %dma_wait3A_199 = arith.constant 0 : i32
      %dma_wait3A_200 = tpu.memref_slice %arg10[%mul3A_0, %dma_wait3A_199] : memref<100352x16xf32, #tpu.memory_space<vmem_shared>> -> memref<6272x16xf32, #tpu.memory_space<vmem_shared>>
      tpu.wait_dma2 semaphore(%run_scoped3A : memref<!tpu.dma_semaphore, #tpu.memory_space<semaphore_mem>>) src(%arg5 : memref<6272x16xf32, #tpu.memory_space<hbm>>) dst(%dma_wait3A_200 : memref<6272x16xf32, #tpu.memory_space<vmem_shared>>)
      tpu.yield
    }) : () -> ()
    %barrier3A = arith.constant 0 : index
    tpu.barrier barrier_id(%barrier3A)
    %mul3A_1 = arith.constant 16 : i32
    %mul3A_2 = arith.muli %arg0, %mul3A_1 : i32
    %add3A = arith.addi %mul3A_2, %arg1 : i32
    %mul3A_3 = arith.constant 396 : i32
    %mul3A_4 = arith.muli %add3A, %mul3A_3 : i32
    %dma_start3A = arith.constant 0 : i32
    %dma_start3A_5 = arith.constant 0 : i32
    %dma_start3A_6 = arith.constant 0 : i32
    %dma_start3A_7 = tpu.memref_slice %arg7[%dma_start3A, %dma_start3A_5, %dma_start3A_6] : memref<2x6x128xi32, #tpu.memory_space<vmem>> -> memref<1x6x128xi32, #tpu.memory_space<vmem>>
    %dma_start3A_8 = tpu.memref_squeeze %dma_start3A_7 : memref<1x6x128xi32, #tpu.memory_space<vmem>> -> memref<6x128xi32, #tpu.memory_space<vmem>>
    %dma_start3A_9 = arith.constant 0 : i32
    %dma_start3A_10 = tpu.memref_slice %arg2[%mul3A_4, %dma_start3A_9] : memref<12672x128xi32, #tpu.memory_space<hbm>> -> memref<6x128xi32, #tpu.memory_space<hbm>>
    %dma_start3A_11 = arith.constant 0 : i32
    %dma_start3A_12 = arith.constant 0 : i32
    %dma_start3A_13 = tpu.memref_slice %arg7[%dma_start3A, %dma_start3A_11, %dma_start3A_12] : memref<2x6x128xi32, #tpu.memory_space<vmem>> -> memref<1x6x128xi32, #tpu.memory_space<vmem>>
    %dma_start3A_14 = tpu.memref_squeeze %dma_start3A_13 : memref<1x6x128xi32, #tpu.memory_space<vmem>> -> memref<6x128xi32, #tpu.memory_space<vmem>>
    %dma_start3A_15 = arith.constant 0 : i32
    %dma_start3A_16 = tpu.memref_slice %arg2[%mul3A_4, %dma_start3A_15] : memref<12672x128xi32, #tpu.memory_space<hbm>> -> memref<6x128xi32, #tpu.memory_space<hbm>>
    tpu.enqueue_dma source(%dma_start3A_16 : memref<6x128xi32, #tpu.memory_space<hbm>>) target(%dma_start3A_14 : memref<6x128xi32, #tpu.memory_space<vmem>>) target_semaphore(%arg11 : memref<!tpu.dma_semaphore, #tpu.memory_space<semaphore_mem>>)
    %dma_start3A_17 = arith.constant 0 : i32
    %dma_start3A_18 = arith.constant 0 : i32
    %dma_start3A_19 = arith.constant 0 : i32
    %dma_start3A_20 = tpu.memref_slice %arg8[%dma_start3A_17, %dma_start3A_18, %dma_start3A_19] : memref<2x6x128xi32, #tpu.memory_space<vmem>> -> memref<1x6x128xi32, #tpu.memory_space<vmem>>
    %dma_start3A_21 = tpu.memref_squeeze %dma_start3A_20 : memref<1x6x128xi32, #tpu.memory_space<vmem>> -> memref<6x128xi32, #tpu.memory_space<vmem>>
    %dma_start3A_22 = arith.constant 0 : i32
    %dma_start3A_23 = tpu.memref_slice %arg3[%mul3A_4, %dma_start3A_22] : memref<12672x128xi32, #tpu.memory_space<hbm>> -> memref<6x128xi32, #tpu.memory_space<hbm>>
    %dma_start3A_24 = arith.constant 0 : i32
    %dma_start3A_25 = arith.constant 0 : i32
    %dma_start3A_26 = tpu.memref_slice %arg8[%dma_start3A_17, %dma_start3A_24, %dma_start3A_25] : memref<2x6x128xi32, #tpu.memory_space<vmem>> -> memref<1x6x128xi32, #tpu.memory_space<vmem>>
    %dma_start3A_27 = tpu.memref_squeeze %dma_start3A_26 : memref<1x6x128xi32, #tpu.memory_space<vmem>> -> memref<6x128xi32, #tpu.memory_space<vmem>>
    %dma_start3A_28 = arith.constant 0 : i32
    %dma_start3A_29 = tpu.memref_slice %arg3[%mul3A_4, %dma_start3A_28] : memref<12672x128xi32, #tpu.memory_space<hbm>> -> memref<6x128xi32, #tpu.memory_space<hbm>>
    tpu.enqueue_dma source(%dma_start3A_29 : memref<6x128xi32, #tpu.memory_space<hbm>>) target(%dma_start3A_27 : memref<6x128xi32, #tpu.memory_space<vmem>>) target_semaphore(%arg11 : memref<!tpu.dma_semaphore, #tpu.memory_space<semaphore_mem>>)
    %scan3A = arith.constant 0 : i32
    %scan3A_30 = arith.constant 66 : i32
    %scan3A_31 = arith.addi %scan3A, %scan3A_30 : i32
    %scan3A_32 = arith.constant 1 : i32
    scf.for %scan3A_197 = %scan3A to %scan3A_31 step %scan3A_32  : i32 {
      %mul3A_198 = arith.constant 1 : i32
      %mul3A_199 = arith.muli %scan3A_197, %mul3A_198 : i32
      %add3A_200 = arith.constant 0 : i32
      %add3A_201 = arith.addi %add3A_200, %mul3A_199 : i32
      %and3A = arith.constant 1 : i32
      %and3A_202 = arith.andi %add3A_201, %and3A : i32
      %dma_wait3A_203 = arith.constant 0 : i32
      %dma_wait3A_204 = arith.constant 0 : i32
      %dma_wait3A_205 = tpu.memref_slice %arg7[%and3A_202, %dma_wait3A_203, %dma_wait3A_204] : memref<2x6x128xi32, #tpu.memory_space<vmem>> -> memref<1x6x128xi32, #tpu.memory_space<vmem>>
      %dma_wait3A_206 = tpu.memref_squeeze %dma_wait3A_205 : memref<1x6x128xi32, #tpu.memory_space<vmem>> -> memref<6x128xi32, #tpu.memory_space<vmem>>
      %dma_wait3A_207 = arith.constant 0 : i32
      %dma_wait3A_208 = tpu.memref_slice %arg2[%mul3A_4, %dma_wait3A_207] : memref<12672x128xi32, #tpu.memory_space<hbm>> -> memref<6x128xi32, #tpu.memory_space<hbm>>
      %dma_wait3A_209 = arith.constant 0 : i32
      %dma_wait3A_210 = arith.constant 0 : i32
      %dma_wait3A_211 = tpu.memref_slice %arg7[%and3A_202, %dma_wait3A_209, %dma_wait3A_210] : memref<2x6x128xi32, #tpu.memory_space<vmem>> -> memref<1x6x128xi32, #tpu.memory_space<vmem>>
      %dma_wait3A_212 = tpu.memref_squeeze %dma_wait3A_211 : memref<1x6x128xi32, #tpu.memory_space<vmem>> -> memref<6x128xi32, #tpu.memory_space<vmem>>
      %dma_wait3A_213 = arith.constant 0 : i32
      %dma_wait3A_214 = tpu.memref_slice %arg2[%mul3A_4, %dma_wait3A_213] : memref<12672x128xi32, #tpu.memory_space<hbm>> -> memref<6x128xi32, #tpu.memory_space<hbm>>
      tpu.wait_dma2 semaphore(%arg11 : memref<!tpu.dma_semaphore, #tpu.memory_space<semaphore_mem>>) src(%dma_wait3A_214 : memref<6x128xi32, #tpu.memory_space<hbm>>) dst(%dma_wait3A_212 : memref<6x128xi32, #tpu.memory_space<vmem>>)
      %dma_wait3A_215 = arith.constant 0 : i32
      %dma_wait3A_216 = arith.constant 0 : i32
      %dma_wait3A_217 = tpu.memref_slice %arg8[%and3A_202, %dma_wait3A_215, %dma_wait3A_216] : memref<2x6x128xi32, #tpu.memory_space<vmem>> -> memref<1x6x128xi32, #tpu.memory_space<vmem>>
      %dma_wait3A_218 = tpu.memref_squeeze %dma_wait3A_217 : memref<1x6x128xi32, #tpu.memory_space<vmem>> -> memref<6x128xi32, #tpu.memory_space<vmem>>
      %dma_wait3A_219 = arith.constant 0 : i32
      %dma_wait3A_220 = tpu.memref_slice %arg3[%mul3A_4, %dma_wait3A_219] : memref<12672x128xi32, #tpu.memory_space<hbm>> -> memref<6x128xi32, #tpu.memory_space<hbm>>
      %dma_wait3A_221 = arith.constant 0 : i32
      %dma_wait3A_222 = arith.constant 0 : i32
      %dma_wait3A_223 = tpu.memref_slice %arg8[%and3A_202, %dma_wait3A_221, %dma_wait3A_222] : memref<2x6x128xi32, #tpu.memory_space<vmem>> -> memref<1x6x128xi32, #tpu.memory_space<vmem>>
      %dma_wait3A_224 = tpu.memref_squeeze %dma_wait3A_223 : memref<1x6x128xi32, #tpu.memory_space<vmem>> -> memref<6x128xi32, #tpu.memory_space<vmem>>
      %dma_wait3A_225 = arith.constant 0 : i32
      %dma_wait3A_226 = tpu.memref_slice %arg3[%mul3A_4, %dma_wait3A_225] : memref<12672x128xi32, #tpu.memory_space<hbm>> -> memref<6x128xi32, #tpu.memory_space<hbm>>
      tpu.wait_dma2 semaphore(%arg11 : memref<!tpu.dma_semaphore, #tpu.memory_space<semaphore_mem>>) src(%dma_wait3A_226 : memref<6x128xi32, #tpu.memory_space<hbm>>) dst(%dma_wait3A_224 : memref<6x128xi32, #tpu.memory_space<vmem>>)
      %dma_start3A_227 = arith.constant 0 : i32
      %dma_start3A_228 = arith.constant 0 : i32
      %dma_start3A_229 = arith.constant 0 : i32
      %dma_start3A_230 = arith.constant 0 : i32
      %dma_start3A_231 = arith.constant 0 : i32
      %dma_start3A_232 = arith.constant 0 : i32
      %dma_start3A_233 = tpu.memref_slice %arg9[%and3A_202, %dma_start3A_230, %dma_start3A_231, %dma_start3A_232] : memref<2x6x128x16xf32, #tpu.memory_space<vmem>> -> memref<1x6x128x16xf32, #tpu.memory_space<vmem>>
      %dma_start3A_234 = tpu.memref_squeeze %dma_start3A_233 : memref<1x6x128x16xf32, #tpu.memory_space<vmem>> -> memref<6x128x16xf32, #tpu.memory_space<vmem>>
      %dma_start3A_235 = arith.constant 0 : i32
      %dma_start3A_236 = arith.constant 0 : i32
      %dma_start3A_237 = tpu.memref_slice %dma_start3A_234[%dma_start3A_228, %dma_start3A_235, %dma_start3A_236] : memref<6x128x16xf32, #tpu.memory_space<vmem>> -> memref<1x128x16xf32, #tpu.memory_space<vmem>>
      %dma_start3A_238 = tpu.memref_squeeze %dma_start3A_237 : memref<1x128x16xf32, #tpu.memory_space<vmem>> -> memref<128x16xf32, #tpu.memory_space<vmem>>
      %dma_start3A_239 = arith.constant 0 : i32
      %dma_start3A_240 = arith.constant 0 : i32
      %dma_start3A_241 = tpu.memref_slice %arg7[%and3A_202, %dma_start3A_239, %dma_start3A_240] : memref<2x6x128xi32, #tpu.memory_space<vmem>> -> memref<1x6x128xi32, #tpu.memory_space<vmem>>
      %dma_start3A_242 = tpu.memref_squeeze %dma_start3A_241 : memref<1x6x128xi32, #tpu.memory_space<vmem>> -> memref<6x128xi32, #tpu.memory_space<vmem>>
      %dma_start3A_243 = arith.constant 0 : i32
      %dma_start3A_244 = tpu.memref_slice %dma_start3A_242[%dma_start3A_227, %dma_start3A_243] : memref<6x128xi32, #tpu.memory_space<vmem>> -> memref<1x128xi32, #tpu.memory_space<vmem>>
      %dma_start3A_245 = tpu.memref_squeeze %dma_start3A_244 : memref<1x128xi32, #tpu.memory_space<vmem>> -> memref<128xi32, #tpu.memory_space<vmem>>
      %dma_start3A_246 = arith.constant 0 : i32
      %dma_start3A_247 = arith.constant 0 : i32
      %dma_start3A_248 = tpu.memref_slice %arg4[%dma_start3A_246, %dma_start3A_247] : memref<100352x16xf32, #tpu.memory_space<hbm>> -> memref<100352x16xf32, #tpu.memory_space<hbm>>
      %dma_start3A_249 = tpu.memref_slice %arg12[%dma_start3A_229] : memref<6x!tpu.dma_semaphore, #tpu.memory_space<semaphore_mem>> -> memref<1x!tpu.dma_semaphore, #tpu.memory_space<semaphore_mem>>
      %dma_start3A_250 = tpu.memref_squeeze %dma_start3A_249 : memref<1x!tpu.dma_semaphore, #tpu.memory_space<semaphore_mem>> -> memref<!tpu.dma_semaphore, #tpu.memory_space<semaphore_mem>>
      tpu.enqueue_indirect_dma source(%dma_start3A_248 : memref<100352x16xf32, #tpu.memory_space<hbm>>) target(%dma_start3A_238 : memref<128x16xf32, #tpu.memory_space<vmem>>) offsets(%dma_start3A_245 : memref<128xi32, #tpu.memory_space<vmem>>) semaphore(%dma_start3A_250 : memref<!tpu.dma_semaphore, #tpu.memory_space<semaphore_mem>>)
      %dma_start3A_251 = arith.constant 1 : i32
      %dma_start3A_252 = arith.constant 1 : i32
      %dma_start3A_253 = arith.constant 1 : i32
      %dma_start3A_254 = arith.constant 0 : i32
      %dma_start3A_255 = arith.constant 0 : i32
      %dma_start3A_256 = arith.constant 0 : i32
      %dma_start3A_257 = tpu.memref_slice %arg9[%and3A_202, %dma_start3A_254, %dma_start3A_255, %dma_start3A_256] : memref<2x6x128x16xf32, #tpu.memory_space<vmem>> -> memref<1x6x128x16xf32, #tpu.memory_space<vmem>>
      %dma_start3A_258 = tpu.memref_squeeze %dma_start3A_257 : memref<1x6x128x16xf32, #tpu.memory_space<vmem>> -> memref<6x128x16xf32, #tpu.memory_space<vmem>>
      %dma_start3A_259 = arith.constant 0 : i32
      %dma_start3A_260 = arith.constant 0 : i32
      %dma_start3A_261 = tpu.memref_slice %dma_start3A_258[%dma_start3A_252, %dma_start3A_259, %dma_start3A_260] : memref<6x128x16xf32, #tpu.memory_space<vmem>> -> memref<1x128x16xf32, #tpu.memory_space<vmem>>
      %dma_start3A_262 = tpu.memref_squeeze %dma_start3A_261 : memref<1x128x16xf32, #tpu.memory_space<vmem>> -> memref<128x16xf32, #tpu.memory_space<vmem>>
      %dma_start3A_263 = arith.constant 0 : i32
      %dma_start3A_264 = arith.constant 0 : i32
      %dma_start3A_265 = tpu.memref_slice %arg7[%and3A_202, %dma_start3A_263, %dma_start3A_264] : memref<2x6x128xi32, #tpu.memory_space<vmem>> -> memref<1x6x128xi32, #tpu.memory_space<vmem>>
      %dma_start3A_266 = tpu.memref_squeeze %dma_start3A_265 : memref<1x6x128xi32, #tpu.memory_space<vmem>> -> memref<6x128xi32, #tpu.memory_space<vmem>>
      %dma_start3A_267 = arith.constant 0 : i32
      %dma_start3A_268 = tpu.memref_slice %dma_start3A_266[%dma_start3A_251, %dma_start3A_267] : memref<6x128xi32, #tpu.memory_space<vmem>> -> memref<1x128xi32, #tpu.memory_space<vmem>>
      %dma_start3A_269 = tpu.memref_squeeze %dma_start3A_268 : memref<1x128xi32, #tpu.memory_space<vmem>> -> memref<128xi32, #tpu.memory_space<vmem>>
      %dma_start3A_270 = arith.constant 0 : i32
      %dma_start3A_271 = arith.constant 0 : i32
      %dma_start3A_272 = tpu.memref_slice %arg4[%dma_start3A_270, %dma_start3A_271] : memref<100352x16xf32, #tpu.memory_space<hbm>> -> memref<100352x16xf32, #tpu.memory_space<hbm>>
      %dma_start3A_273 = tpu.memref_slice %arg12[%dma_start3A_253] : memref<6x!tpu.dma_semaphore, #tpu.memory_space<semaphore_mem>> -> memref<1x!tpu.dma_semaphore, #tpu.memory_space<semaphore_mem>>
      %dma_start3A_274 = tpu.memref_squeeze %dma_start3A_273 : memref<1x!tpu.dma_semaphore, #tpu.memory_space<semaphore_mem>> -> memref<!tpu.dma_semaphore, #tpu.memory_space<semaphore_mem>>
      tpu.enqueue_indirect_dma source(%dma_start3A_272 : memref<100352x16xf32, #tpu.memory_space<hbm>>) target(%dma_start3A_262 : memref<128x16xf32, #tpu.memory_space<vmem>>) offsets(%dma_start3A_269 : memref<128xi32, #tpu.memory_space<vmem>>) semaphore(%dma_start3A_274 : memref<!tpu.dma_semaphore, #tpu.memory_space<semaphore_mem>>)
      %dma_start3A_275 = arith.constant 2 : i32
      %dma_start3A_276 = arith.constant 2 : i32
      %dma_start3A_277 = arith.constant 2 : i32
      %dma_start3A_278 = arith.constant 0 : i32
      %dma_start3A_279 = arith.constant 0 : i32
      %dma_start3A_280 = arith.constant 0 : i32
      %dma_start3A_281 = tpu.memref_slice %arg9[%and3A_202, %dma_start3A_278, %dma_start3A_279, %dma_start3A_280] : memref<2x6x128x16xf32, #tpu.memory_space<vmem>> -> memref<1x6x128x16xf32, #tpu.memory_space<vmem>>
      %dma_start3A_282 = tpu.memref_squeeze %dma_start3A_281 : memref<1x6x128x16xf32, #tpu.memory_space<vmem>> -> memref<6x128x16xf32, #tpu.memory_space<vmem>>
      %dma_start3A_283 = arith.constant 0 : i32
      %dma_start3A_284 = arith.constant 0 : i32
      %dma_start3A_285 = tpu.memref_slice %dma_start3A_282[%dma_start3A_276, %dma_start3A_283, %dma_start3A_284] : memref<6x128x16xf32, #tpu.memory_space<vmem>> -> memref<1x128x16xf32, #tpu.memory_space<vmem>>
      %dma_start3A_286 = tpu.memref_squeeze %dma_start3A_285 : memref<1x128x16xf32, #tpu.memory_space<vmem>> -> memref<128x16xf32, #tpu.memory_space<vmem>>
      %dma_start3A_287 = arith.constant 0 : i32
      %dma_start3A_288 = arith.constant 0 : i32
      %dma_start3A_289 = tpu.memref_slice %arg7[%and3A_202, %dma_start3A_287, %dma_start3A_288] : memref<2x6x128xi32, #tpu.memory_space<vmem>> -> memref<1x6x128xi32, #tpu.memory_space<vmem>>
      %dma_start3A_290 = tpu.memref_squeeze %dma_start3A_289 : memref<1x6x128xi32, #tpu.memory_space<vmem>> -> memref<6x128xi32, #tpu.memory_space<vmem>>
      %dma_start3A_291 = arith.constant 0 : i32
      %dma_start3A_292 = tpu.memref_slice %dma_start3A_290[%dma_start3A_275, %dma_start3A_291] : memref<6x128xi32, #tpu.memory_space<vmem>> -> memref<1x128xi32, #tpu.memory_space<vmem>>
      %dma_start3A_293 = tpu.memref_squeeze %dma_start3A_292 : memref<1x128xi32, #tpu.memory_space<vmem>> -> memref<128xi32, #tpu.memory_space<vmem>>
      %dma_start3A_294 = arith.constant 0 : i32
      %dma_start3A_295 = arith.constant 0 : i32
      %dma_start3A_296 = tpu.memref_slice %arg4[%dma_start3A_294, %dma_start3A_295] : memref<100352x16xf32, #tpu.memory_space<hbm>> -> memref<100352x16xf32, #tpu.memory_space<hbm>>
      %dma_start3A_297 = tpu.memref_slice %arg12[%dma_start3A_277] : memref<6x!tpu.dma_semaphore, #tpu.memory_space<semaphore_mem>> -> memref<1x!tpu.dma_semaphore, #tpu.memory_space<semaphore_mem>>
      %dma_start3A_298 = tpu.memref_squeeze %dma_start3A_297 : memref<1x!tpu.dma_semaphore, #tpu.memory_space<semaphore_mem>> -> memref<!tpu.dma_semaphore, #tpu.memory_space<semaphore_mem>>
      tpu.enqueue_indirect_dma source(%dma_start3A_296 : memref<100352x16xf32, #tpu.memory_space<hbm>>) target(%dma_start3A_286 : memref<128x16xf32, #tpu.memory_space<vmem>>) offsets(%dma_start3A_293 : memref<128xi32, #tpu.memory_space<vmem>>) semaphore(%dma_start3A_298 : memref<!tpu.dma_semaphore, #tpu.memory_space<semaphore_mem>>)
      %dma_start3A_299 = arith.constant 3 : i32
      %dma_start3A_300 = arith.constant 3 : i32
      %dma_start3A_301 = arith.constant 3 : i32
      %dma_start3A_302 = arith.constant 0 : i32
      %dma_start3A_303 = arith.constant 0 : i32
      %dma_start3A_304 = arith.constant 0 : i32
      %dma_start3A_305 = tpu.memref_slice %arg9[%and3A_202, %dma_start3A_302, %dma_start3A_303, %dma_start3A_304] : memref<2x6x128x16xf32, #tpu.memory_space<vmem>> -> memref<1x6x128x16xf32, #tpu.memory_space<vmem>>
      %dma_start3A_306 = tpu.memref_squeeze %dma_start3A_305 : memref<1x6x128x16xf32, #tpu.memory_space<vmem>> -> memref<6x128x16xf32, #tpu.memory_space<vmem>>
      %dma_start3A_307 = arith.constant 0 : i32
      %dma_start3A_308 = arith.constant 0 : i32
      %dma_start3A_309 = tpu.memref_slice %dma_start3A_306[%dma_start3A_300, %dma_start3A_307, %dma_start3A_308] : memref<6x128x16xf32, #tpu.memory_space<vmem>> -> memref<1x128x16xf32, #tpu.memory_space<vmem>>
      %dma_start3A_310 = tpu.memref_squeeze %dma_start3A_309 : memref<1x128x16xf32, #tpu.memory_space<vmem>> -> memref<128x16xf32, #tpu.memory_space<vmem>>
      %dma_start3A_311 = arith.constant 0 : i32
      %dma_start3A_312 = arith.constant 0 : i32
      %dma_start3A_313 = tpu.memref_slice %arg7[%and3A_202, %dma_start3A_311, %dma_start3A_312] : memref<2x6x128xi32, #tpu.memory_space<vmem>> -> memref<1x6x128xi32, #tpu.memory_space<vmem>>
      %dma_start3A_314 = tpu.memref_squeeze %dma_start3A_313 : memref<1x6x128xi32, #tpu.memory_space<vmem>> -> memref<6x128xi32, #tpu.memory_space<vmem>>
      %dma_start3A_315 = arith.constant 0 : i32
      %dma_start3A_316 = tpu.memref_slice %dma_start3A_314[%dma_start3A_299, %dma_start3A_315] : memref<6x128xi32, #tpu.memory_space<vmem>> -> memref<1x128xi32, #tpu.memory_space<vmem>>
      %dma_start3A_317 = tpu.memref_squeeze %dma_start3A_316 : memref<1x128xi32, #tpu.memory_space<vmem>> -> memref<128xi32, #tpu.memory_space<vmem>>
      %dma_start3A_318 = arith.constant 0 : i32
      %dma_start3A_319 = arith.constant 0 : i32
      %dma_start3A_320 = tpu.memref_slice %arg4[%dma_start3A_318, %dma_start3A_319] : memref<100352x16xf32, #tpu.memory_space<hbm>> -> memref<100352x16xf32, #tpu.memory_space<hbm>>
      %dma_start3A_321 = tpu.memref_slice %arg12[%dma_start3A_301] : memref<6x!tpu.dma_semaphore, #tpu.memory_space<semaphore_mem>> -> memref<1x!tpu.dma_semaphore, #tpu.memory_space<semaphore_mem>>
      %dma_start3A_322 = tpu.memref_squeeze %dma_start3A_321 : memref<1x!tpu.dma_semaphore, #tpu.memory_space<semaphore_mem>> -> memref<!tpu.dma_semaphore, #tpu.memory_space<semaphore_mem>>
      tpu.enqueue_indirect_dma source(%dma_start3A_320 : memref<100352x16xf32, #tpu.memory_space<hbm>>) target(%dma_start3A_310 : memref<128x16xf32, #tpu.memory_space<vmem>>) offsets(%dma_start3A_317 : memref<128xi32, #tpu.memory_space<vmem>>) semaphore(%dma_start3A_322 : memref<!tpu.dma_semaphore, #tpu.memory_space<semaphore_mem>>)
      %dma_start3A_323 = arith.constant 4 : i32
      %dma_start3A_324 = arith.constant 4 : i32
      %dma_start3A_325 = arith.constant 4 : i32
      %dma_start3A_326 = arith.constant 0 : i32
      %dma_start3A_327 = arith.constant 0 : i32
      %dma_start3A_328 = arith.constant 0 : i32
      %dma_start3A_329 = tpu.memref_slice %arg9[%and3A_202, %dma_start3A_326, %dma_start3A_327, %dma_start3A_328] : memref<2x6x128x16xf32, #tpu.memory_space<vmem>> -> memref<1x6x128x16xf32, #tpu.memory_space<vmem>>
      %dma_start3A_330 = tpu.memref_squeeze %dma_start3A_329 : memref<1x6x128x16xf32, #tpu.memory_space<vmem>> -> memref<6x128x16xf32, #tpu.memory_space<vmem>>
      %dma_start3A_331 = arith.constant 0 : i32
      %dma_start3A_332 = arith.constant 0 : i32
      %dma_start3A_333 = tpu.memref_slice %dma_start3A_330[%dma_start3A_324, %dma_start3A_331, %dma_start3A_332] : memref<6x128x16xf32, #tpu.memory_space<vmem>> -> memref<1x128x16xf32, #tpu.memory_space<vmem>>
      %dma_start3A_334 = tpu.memref_squeeze %dma_start3A_333 : memref<1x128x16xf32, #tpu.memory_space<vmem>> -> memref<128x16xf32, #tpu.memory_space<vmem>>
      %dma_start3A_335 = arith.constant 0 : i32
      %dma_start3A_336 = arith.constant 0 : i32
      %dma_start3A_337 = tpu.memref_slice %arg7[%and3A_202, %dma_start3A_335, %dma_start3A_336] : memref<2x6x128xi32, #tpu.memory_space<vmem>> -> memref<1x6x128xi32, #tpu.memory_space<vmem>>
      %dma_start3A_338 = tpu.memref_squeeze %dma_start3A_337 : memref<1x6x128xi32, #tpu.memory_space<vmem>> -> memref<6x128xi32, #tpu.memory_space<vmem>>
      %dma_start3A_339 = arith.constant 0 : i32
      %dma_start3A_340 = tpu.memref_slice %dma_start3A_338[%dma_start3A_323, %dma_start3A_339] : memref<6x128xi32, #tpu.memory_space<vmem>> -> memref<1x128xi32, #tpu.memory_space<vmem>>
      %dma_start3A_341 = tpu.memref_squeeze %dma_start3A_340 : memref<1x128xi32, #tpu.memory_space<vmem>> -> memref<128xi32, #tpu.memory_space<vmem>>
      %dma_start3A_342 = arith.constant 0 : i32
      %dma_start3A_343 = arith.constant 0 : i32
      %dma_start3A_344 = tpu.memref_slice %arg4[%dma_start3A_342, %dma_start3A_343] : memref<100352x16xf32, #tpu.memory_space<hbm>> -> memref<100352x16xf32, #tpu.memory_space<hbm>>
      %dma_start3A_345 = tpu.memref_slice %arg12[%dma_start3A_325] : memref<6x!tpu.dma_semaphore, #tpu.memory_space<semaphore_mem>> -> memref<1x!tpu.dma_semaphore, #tpu.memory_space<semaphore_mem>>
      %dma_start3A_346 = tpu.memref_squeeze %dma_start3A_345 : memref<1x!tpu.dma_semaphore, #tpu.memory_space<semaphore_mem>> -> memref<!tpu.dma_semaphore, #tpu.memory_space<semaphore_mem>>
      tpu.enqueue_indirect_dma source(%dma_start3A_344 : memref<100352x16xf32, #tpu.memory_space<hbm>>) target(%dma_start3A_334 : memref<128x16xf32, #tpu.memory_space<vmem>>) offsets(%dma_start3A_341 : memref<128xi32, #tpu.memory_space<vmem>>) semaphore(%dma_start3A_346 : memref<!tpu.dma_semaphore, #tpu.memory_space<semaphore_mem>>)
      %dma_start3A_347 = arith.constant 5 : i32
      %dma_start3A_348 = arith.constant 5 : i32
      %dma_start3A_349 = arith.constant 5 : i32
      %dma_start3A_350 = arith.constant 0 : i32
      %dma_start3A_351 = arith.constant 0 : i32
      %dma_start3A_352 = arith.constant 0 : i32
      %dma_start3A_353 = tpu.memref_slice %arg9[%and3A_202, %dma_start3A_350, %dma_start3A_351, %dma_start3A_352] : memref<2x6x128x16xf32, #tpu.memory_space<vmem>> -> memref<1x6x128x16xf32, #tpu.memory_space<vmem>>
      %dma_start3A_354 = tpu.memref_squeeze %dma_start3A_353 : memref<1x6x128x16xf32, #tpu.memory_space<vmem>> -> memref<6x128x16xf32, #tpu.memory_space<vmem>>
      %dma_start3A_355 = arith.constant 0 : i32
      %dma_start3A_356 = arith.constant 0 : i32
      %dma_start3A_357 = tpu.memref_slice %dma_start3A_354[%dma_start3A_348, %dma_start3A_355, %dma_start3A_356] : memref<6x128x16xf32, #tpu.memory_space<vmem>> -> memref<1x128x16xf32, #tpu.memory_space<vmem>>
      %dma_start3A_358 = tpu.memref_squeeze %dma_start3A_357 : memref<1x128x16xf32, #tpu.memory_space<vmem>> -> memref<128x16xf32, #tpu.memory_space<vmem>>
      %dma_start3A_359 = arith.constant 0 : i32
      %dma_start3A_360 = arith.constant 0 : i32
      %dma_start3A_361 = tpu.memref_slice %arg7[%and3A_202, %dma_start3A_359, %dma_start3A_360] : memref<2x6x128xi32, #tpu.memory_space<vmem>> -> memref<1x6x128xi32, #tpu.memory_space<vmem>>
      %dma_start3A_362 = tpu.memref_squeeze %dma_start3A_361 : memref<1x6x128xi32, #tpu.memory_space<vmem>> -> memref<6x128xi32, #tpu.memory_space<vmem>>
      %dma_start3A_363 = arith.constant 0 : i32
      %dma_start3A_364 = tpu.memref_slice %dma_start3A_362[%dma_start3A_347, %dma_start3A_363] : memref<6x128xi32, #tpu.memory_space<vmem>> -> memref<1x128xi32, #tpu.memory_space<vmem>>
      %dma_start3A_365 = tpu.memref_squeeze %dma_start3A_364 : memref<1x128xi32, #tpu.memory_space<vmem>> -> memref<128xi32, #tpu.memory_space<vmem>>
      %dma_start3A_366 = arith.constant 0 : i32
      %dma_start3A_367 = arith.constant 0 : i32
      %dma_start3A_368 = tpu.memref_slice %arg4[%dma_start3A_366, %dma_start3A_367] : memref<100352x16xf32, #tpu.memory_space<hbm>> -> memref<100352x16xf32, #tpu.memory_space<hbm>>
      %dma_start3A_369 = tpu.memref_slice %arg12[%dma_start3A_349] : memref<6x!tpu.dma_semaphore, #tpu.memory_space<semaphore_mem>> -> memref<1x!tpu.dma_semaphore, #tpu.memory_space<semaphore_mem>>
      %dma_start3A_370 = tpu.memref_squeeze %dma_start3A_369 : memref<1x!tpu.dma_semaphore, #tpu.memory_space<semaphore_mem>> -> memref<!tpu.dma_semaphore, #tpu.memory_space<semaphore_mem>>
      tpu.enqueue_indirect_dma source(%dma_start3A_368 : memref<100352x16xf32, #tpu.memory_space<hbm>>) target(%dma_start3A_358 : memref<128x16xf32, #tpu.memory_space<vmem>>) offsets(%dma_start3A_365 : memref<128xi32, #tpu.memory_space<vmem>>) semaphore(%dma_start3A_370 : memref<!tpu.dma_semaphore, #tpu.memory_space<semaphore_mem>>)
      %gt3A = arith.constant 0 : i32
      %gt3A_371 = arith.cmpi sgt, %add3A_201, %gt3A : i32
      %convert_element_type3A = arith.extui %gt3A_371 : i1 to i32
      %cond3A = arith.constant 0 : i32
      %cond3A_372 = arith.cmpi ne, %convert_element_type3A, %cond3A : i32
      scf.if %cond3A_372 {
        %sub3A = arith.constant 1 : i32
        %sub3A_661 = arith.subi %sub3A, %and3A_202 : i32
        %sub3A_662 = arith.constant 1 : i32
        %sub3A_663 = arith.subi %sub3A_662, %and3A_202 : i32
        %sub3A_664 = arith.constant 1 : i32
        %sub3A_665 = arith.subi %sub3A_664, %and3A_202 : i32
        %dma_wait3A_666 = arith.constant 0 : i32
        %dma_wait3A_667 = arith.constant 0 : i32
        %dma_wait3A_668 = arith.constant 0 : i32
        %dma_wait3A_669 = arith.constant 0 : i32
        %dma_wait3A_670 = arith.constant 0 : i32
        %dma_wait3A_671 = tpu.memref_slice %arg9[%sub3A_661, %dma_wait3A_668, %dma_wait3A_669, %dma_wait3A_670] : memref<2x6x128x16xf32, #tpu.memory_space<vmem>> -> memref<1x6x128x16xf32, #tpu.memory_space<vmem>>
        %dma_wait3A_672 = tpu.memref_squeeze %dma_wait3A_671 : memref<1x6x128x16xf32, #tpu.memory_space<vmem>> -> memref<6x128x16xf32, #tpu.memory_space<vmem>>
        %dma_wait3A_673 = arith.constant 0 : i32
        %dma_wait3A_674 = arith.constant 0 : i32
        %dma_wait3A_675 = tpu.memref_slice %dma_wait3A_672[%dma_wait3A_666, %dma_wait3A_673, %dma_wait3A_674] : memref<6x128x16xf32, #tpu.memory_space<vmem>> -> memref<1x128x16xf32, #tpu.memory_space<vmem>>
        %dma_wait3A_676 = tpu.memref_squeeze %dma_wait3A_675 : memref<1x128x16xf32, #tpu.memory_space<vmem>> -> memref<128x16xf32, #tpu.memory_space<vmem>>
        %dma_wait3A_677 = arith.constant 0 : i32
        %dma_wait3A_678 = arith.constant 0 : i32
        %dma_wait3A_679 = tpu.memref_slice %arg8[%sub3A_663, %dma_wait3A_677, %dma_wait3A_678] : memref<2x6x128xi32, #tpu.memory_space<vmem>> -> memref<1x6x128xi32, #tpu.memory_space<vmem>>
        %dma_wait3A_680 = tpu.memref_squeeze %dma_wait3A_679 : memref<1x6x128xi32, #tpu.memory_space<vmem>> -> memref<6x128xi32, #tpu.memory_space<vmem>>
        %dma_wait3A_681 = arith.constant 0 : i32
        %dma_wait3A_682 = tpu.memref_slice %dma_wait3A_680[%dma_wait3A_667, %dma_wait3A_681] : memref<6x128xi32, #tpu.memory_space<vmem>> -> memref<1x128xi32, #tpu.memory_space<vmem>>
        %dma_wait3A_683 = tpu.memref_squeeze %dma_wait3A_682 : memref<1x128xi32, #tpu.memory_space<vmem>> -> memref<128xi32, #tpu.memory_space<vmem>>
        %dma_wait3A_684 = arith.constant 0 : i32
        %dma_wait3A_685 = arith.constant 0 : i32
        %dma_wait3A_686 = tpu.memref_slice %arg10[%dma_wait3A_684, %dma_wait3A_685] : memref<100352x16xf32, #tpu.memory_space<vmem_shared>> -> memref<100352x16xf32, #tpu.memory_space<vmem_shared>>
        %dma_wait3A_687 = tpu.memref_slice %arg13[%sub3A_665] : memref<2x!tpu.dma_semaphore, #tpu.memory_space<semaphore_mem>> -> memref<1x!tpu.dma_semaphore, #tpu.memory_space<semaphore_mem>>
        %dma_wait3A_688 = tpu.memref_squeeze %dma_wait3A_687 : memref<1x!tpu.dma_semaphore, #tpu.memory_space<semaphore_mem>> -> memref<!tpu.dma_semaphore, #tpu.memory_space<semaphore_mem>>
        tpu.wait_indirect_dma semaphore(%dma_wait3A_688 : memref<!tpu.dma_semaphore, #tpu.memory_space<semaphore_mem>>) src(%dma_wait3A_676 : memref<128x16xf32, #tpu.memory_space<vmem>>) dst(%dma_wait3A_686 : memref<100352x16xf32, #tpu.memory_space<vmem_shared>>)
        %sub3A_689 = arith.constant 1 : i32
        %sub3A_690 = arith.subi %sub3A_689, %and3A_202 : i32
        %sub3A_691 = arith.constant 1 : i32
        %sub3A_692 = arith.subi %sub3A_691, %and3A_202 : i32
        %sub3A_693 = arith.constant 1 : i32
        %sub3A_694 = arith.subi %sub3A_693, %and3A_202 : i32
        %dma_wait3A_695 = arith.constant 1 : i32
        %dma_wait3A_696 = arith.constant 1 : i32
        %dma_wait3A_697 = arith.constant 0 : i32
        %dma_wait3A_698 = arith.constant 0 : i32
        %dma_wait3A_699 = arith.constant 0 : i32
        %dma_wait3A_700 = tpu.memref_slice %arg9[%sub3A_690, %dma_wait3A_697, %dma_wait3A_698, %dma_wait3A_699] : memref<2x6x128x16xf32, #tpu.memory_space<vmem>> -> memref<1x6x128x16xf32, #tpu.memory_space<vmem>>
        %dma_wait3A_701 = tpu.memref_squeeze %dma_wait3A_700 : memref<1x6x128x16xf32, #tpu.memory_space<vmem>> -> memref<6x128x16xf32, #tpu.memory_space<vmem>>
        %dma_wait3A_702 = arith.constant 0 : i32
        %dma_wait3A_703 = arith.constant 0 : i32
        %dma_wait3A_704 = tpu.memref_slice %dma_wait3A_701[%dma_wait3A_695, %dma_wait3A_702, %dma_wait3A_703] : memref<6x128x16xf32, #tpu.memory_space<vmem>> -> memref<1x128x16xf32, #tpu.memory_space<vmem>>
        %dma_wait3A_705 = tpu.memref_squeeze %dma_wait3A_704 : memref<1x128x16xf32, #tpu.memory_space<vmem>> -> memref<128x16xf32, #tpu.memory_space<vmem>>
        %dma_wait3A_706 = arith.constant 0 : i32
        %dma_wait3A_707 = arith.constant 0 : i32
        %dma_wait3A_708 = tpu.memref_slice %arg8[%sub3A_692, %dma_wait3A_706, %dma_wait3A_707] : memref<2x6x128xi32, #tpu.memory_space<vmem>> -> memref<1x6x128xi32, #tpu.memory_space<vmem>>
        %dma_wait3A_709 = tpu.memref_squeeze %dma_wait3A_708 : memref<1x6x128xi32, #tpu.memory_space<vmem>> -> memref<6x128xi32, #tpu.memory_space<vmem>>
        %dma_wait3A_710 = arith.constant 0 : i32
        %dma_wait3A_711 = tpu.memref_slice %dma_wait3A_709[%dma_wait3A_696, %dma_wait3A_710] : memref<6x128xi32, #tpu.memory_space<vmem>> -> memref<1x128xi32, #tpu.memory_space<vmem>>
        %dma_wait3A_712 = tpu.memref_squeeze %dma_wait3A_711 : memref<1x128xi32, #tpu.memory_space<vmem>> -> memref<128xi32, #tpu.memory_space<vmem>>
        %dma_wait3A_713 = arith.constant 0 : i32
        %dma_wait3A_714 = arith.constant 0 : i32
        %dma_wait3A_715 = tpu.memref_slice %arg10[%dma_wait3A_713, %dma_wait3A_714] : memref<100352x16xf32, #tpu.memory_space<vmem_shared>> -> memref<100352x16xf32, #tpu.memory_space<vmem_shared>>
        %dma_wait3A_716 = tpu.memref_slice %arg13[%sub3A_694] : memref<2x!tpu.dma_semaphore, #tpu.memory_space<semaphore_mem>> -> memref<1x!tpu.dma_semaphore, #tpu.memory_space<semaphore_mem>>
        %dma_wait3A_717 = tpu.memref_squeeze %dma_wait3A_716 : memref<1x!tpu.dma_semaphore, #tpu.memory_space<semaphore_mem>> -> memref<!tpu.dma_semaphore, #tpu.memory_space<semaphore_mem>>
        tpu.wait_indirect_dma semaphore(%dma_wait3A_717 : memref<!tpu.dma_semaphore, #tpu.memory_space<semaphore_mem>>) src(%dma_wait3A_705 : memref<128x16xf32, #tpu.memory_space<vmem>>) dst(%dma_wait3A_715 : memref<100352x16xf32, #tpu.memory_space<vmem_shared>>)
        %sub3A_718 = arith.constant 1 : i32
        %sub3A_719 = arith.subi %sub3A_718, %and3A_202 : i32
        %sub3A_720 = arith.constant 1 : i32
        %sub3A_721 = arith.subi %sub3A_720, %and3A_202 : i32
        %sub3A_722 = arith.constant 1 : i32
        %sub3A_723 = arith.subi %sub3A_722, %and3A_202 : i32
        %dma_wait3A_724 = arith.constant 2 : i32
        %dma_wait3A_725 = arith.constant 2 : i32
        %dma_wait3A_726 = arith.constant 0 : i32
        %dma_wait3A_727 = arith.constant 0 : i32
        %dma_wait3A_728 = arith.constant 0 : i32
        %dma_wait3A_729 = tpu.memref_slice %arg9[%sub3A_719, %dma_wait3A_726, %dma_wait3A_727, %dma_wait3A_728] : memref<2x6x128x16xf32, #tpu.memory_space<vmem>> -> memref<1x6x128x16xf32, #tpu.memory_space<vmem>>
        %dma_wait3A_730 = tpu.memref_squeeze %dma_wait3A_729 : memref<1x6x128x16xf32, #tpu.memory_space<vmem>> -> memref<6x128x16xf32, #tpu.memory_space<vmem>>
        %dma_wait3A_731 = arith.constant 0 : i32
        %dma_wait3A_732 = arith.constant 0 : i32
        %dma_wait3A_733 = tpu.memref_slice %dma_wait3A_730[%dma_wait3A_724, %dma_wait3A_731, %dma_wait3A_732] : memref<6x128x16xf32, #tpu.memory_space<vmem>> -> memref<1x128x16xf32, #tpu.memory_space<vmem>>
        %dma_wait3A_734 = tpu.memref_squeeze %dma_wait3A_733 : memref<1x128x16xf32, #tpu.memory_space<vmem>> -> memref<128x16xf32, #tpu.memory_space<vmem>>
        %dma_wait3A_735 = arith.constant 0 : i32
        %dma_wait3A_736 = arith.constant 0 : i32
        %dma_wait3A_737 = tpu.memref_slice %arg8[%sub3A_721, %dma_wait3A_735, %dma_wait3A_736] : memref<2x6x128xi32, #tpu.memory_space<vmem>> -> memref<1x6x128xi32, #tpu.memory_space<vmem>>
        %dma_wait3A_738 = tpu.memref_squeeze %dma_wait3A_737 : memref<1x6x128xi32, #tpu.memory_space<vmem>> -> memref<6x128xi32, #tpu.memory_space<vmem>>
        %dma_wait3A_739 = arith.constant 0 : i32
        %dma_wait3A_740 = tpu.memref_slice %dma_wait3A_738[%dma_wait3A_725, %dma_wait3A_739] : memref<6x128xi32, #tpu.memory_space<vmem>> -> memref<1x128xi32, #tpu.memory_space<vmem>>
        %dma_wait3A_741 = tpu.memref_squeeze %dma_wait3A_740 : memref<1x128xi32, #tpu.memory_space<vmem>> -> memref<128xi32, #tpu.memory_space<vmem>>
        %dma_wait3A_742 = arith.constant 0 : i32
        %dma_wait3A_743 = arith.constant 0 : i32
        %dma_wait3A_744 = tpu.memref_slice %arg10[%dma_wait3A_742, %dma_wait3A_743] : memref<100352x16xf32, #tpu.memory_space<vmem_shared>> -> memref<100352x16xf32, #tpu.memory_space<vmem_shared>>
        %dma_wait3A_745 = tpu.memref_slice %arg13[%sub3A_723] : memref<2x!tpu.dma_semaphore, #tpu.memory_space<semaphore_mem>> -> memref<1x!tpu.dma_semaphore, #tpu.memory_space<semaphore_mem>>
        %dma_wait3A_746 = tpu.memref_squeeze %dma_wait3A_745 : memref<1x!tpu.dma_semaphore, #tpu.memory_space<semaphore_mem>> -> memref<!tpu.dma_semaphore, #tpu.memory_space<semaphore_mem>>
        tpu.wait_indirect_dma semaphore(%dma_wait3A_746 : memref<!tpu.dma_semaphore, #tpu.memory_space<semaphore_mem>>) src(%dma_wait3A_734 : memref<128x16xf32, #tpu.memory_space<vmem>>) dst(%dma_wait3A_744 : memref<100352x16xf32, #tpu.memory_space<vmem_shared>>)
        %sub3A_747 = arith.constant 1 : i32
        %sub3A_748 = arith.subi %sub3A_747, %and3A_202 : i32
        %sub3A_749 = arith.constant 1 : i32
        %sub3A_750 = arith.subi %sub3A_749, %and3A_202 : i32
        %sub3A_751 = arith.constant 1 : i32
        %sub3A_752 = arith.subi %sub3A_751, %and3A_202 : i32
        %dma_wait3A_753 = arith.constant 3 : i32
        %dma_wait3A_754 = arith.constant 3 : i32
        %dma_wait3A_755 = arith.constant 0 : i32
        %dma_wait3A_756 = arith.constant 0 : i32
        %dma_wait3A_757 = arith.constant 0 : i32
        %dma_wait3A_758 = tpu.memref_slice %arg9[%sub3A_748, %dma_wait3A_755, %dma_wait3A_756, %dma_wait3A_757] : memref<2x6x128x16xf32, #tpu.memory_space<vmem>> -> memref<1x6x128x16xf32, #tpu.memory_space<vmem>>
        %dma_wait3A_759 = tpu.memref_squeeze %dma_wait3A_758 : memref<1x6x128x16xf32, #tpu.memory_space<vmem>> -> memref<6x128x16xf32, #tpu.memory_space<vmem>>
        %dma_wait3A_760 = arith.constant 0 : i32
        %dma_wait3A_761 = arith.constant 0 : i32
        %dma_wait3A_762 = tpu.memref_slice %dma_wait3A_759[%dma_wait3A_753, %dma_wait3A_760, %dma_wait3A_761] : memref<6x128x16xf32, #tpu.memory_space<vmem>> -> memref<1x128x16xf32, #tpu.memory_space<vmem>>
        %dma_wait3A_763 = tpu.memref_squeeze %dma_wait3A_762 : memref<1x128x16xf32, #tpu.memory_space<vmem>> -> memref<128x16xf32, #tpu.memory_space<vmem>>
        %dma_wait3A_764 = arith.constant 0 : i32
        %dma_wait3A_765 = arith.constant 0 : i32
        %dma_wait3A_766 = tpu.memref_slice %arg8[%sub3A_750, %dma_wait3A_764, %dma_wait3A_765] : memref<2x6x128xi32, #tpu.memory_space<vmem>> -> memref<1x6x128xi32, #tpu.memory_space<vmem>>
        %dma_wait3A_767 = tpu.memref_squeeze %dma_wait3A_766 : memref<1x6x128xi32, #tpu.memory_space<vmem>> -> memref<6x128xi32, #tpu.memory_space<vmem>>
        %dma_wait3A_768 = arith.constant 0 : i32
        %dma_wait3A_769 = tpu.memref_slice %dma_wait3A_767[%dma_wait3A_754, %dma_wait3A_768] : memref<6x128xi32, #tpu.memory_space<vmem>> -> memref<1x128xi32, #tpu.memory_space<vmem>>
        %dma_wait3A_770 = tpu.memref_squeeze %dma_wait3A_769 : memref<1x128xi32, #tpu.memory_space<vmem>> -> memref<128xi32, #tpu.memory_space<vmem>>
        %dma_wait3A_771 = arith.constant 0 : i32
        %dma_wait3A_772 = arith.constant 0 : i32
        %dma_wait3A_773 = tpu.memref_slice %arg10[%dma_wait3A_771, %dma_wait3A_772] : memref<100352x16xf32, #tpu.memory_space<vmem_shared>> -> memref<100352x16xf32, #tpu.memory_space<vmem_shared>>
        %dma_wait3A_774 = tpu.memref_slice %arg13[%sub3A_752] : memref<2x!tpu.dma_semaphore, #tpu.memory_space<semaphore_mem>> -> memref<1x!tpu.dma_semaphore, #tpu.memory_space<semaphore_mem>>
        %dma_wait3A_775 = tpu.memref_squeeze %dma_wait3A_774 : memref<1x!tpu.dma_semaphore, #tpu.memory_space<semaphore_mem>> -> memref<!tpu.dma_semaphore, #tpu.memory_space<semaphore_mem>>
        tpu.wait_indirect_dma semaphore(%dma_wait3A_775 : memref<!tpu.dma_semaphore, #tpu.memory_space<semaphore_mem>>) src(%dma_wait3A_763 : memref<128x16xf32, #tpu.memory_space<vmem>>) dst(%dma_wait3A_773 : memref<100352x16xf32, #tpu.memory_space<vmem_shared>>)
        %sub3A_776 = arith.constant 1 : i32
        %sub3A_777 = arith.subi %sub3A_776, %and3A_202 : i32
        %sub3A_778 = arith.constant 1 : i32
        %sub3A_779 = arith.subi %sub3A_778, %and3A_202 : i32
        %sub3A_780 = arith.constant 1 : i32
        %sub3A_781 = arith.subi %sub3A_780, %and3A_202 : i32
        %dma_wait3A_782 = arith.constant 4 : i32
        %dma_wait3A_783 = arith.constant 4 : i32
        %dma_wait3A_784 = arith.constant 0 : i32
        %dma_wait3A_785 = arith.constant 0 : i32
        %dma_wait3A_786 = arith.constant 0 : i32
        %dma_wait3A_787 = tpu.memref_slice %arg9[%sub3A_777, %dma_wait3A_784, %dma_wait3A_785, %dma_wait3A_786] : memref<2x6x128x16xf32, #tpu.memory_space<vmem>> -> memref<1x6x128x16xf32, #tpu.memory_space<vmem>>
        %dma_wait3A_788 = tpu.memref_squeeze %dma_wait3A_787 : memref<1x6x128x16xf32, #tpu.memory_space<vmem>> -> memref<6x128x16xf32, #tpu.memory_space<vmem>>
        %dma_wait3A_789 = arith.constant 0 : i32
        %dma_wait3A_790 = arith.constant 0 : i32
        %dma_wait3A_791 = tpu.memref_slice %dma_wait3A_788[%dma_wait3A_782, %dma_wait3A_789, %dma_wait3A_790] : memref<6x128x16xf32, #tpu.memory_space<vmem>> -> memref<1x128x16xf32, #tpu.memory_space<vmem>>
        %dma_wait3A_792 = tpu.memref_squeeze %dma_wait3A_791 : memref<1x128x16xf32, #tpu.memory_space<vmem>> -> memref<128x16xf32, #tpu.memory_space<vmem>>
        %dma_wait3A_793 = arith.constant 0 : i32
        %dma_wait3A_794 = arith.constant 0 : i32
        %dma_wait3A_795 = tpu.memref_slice %arg8[%sub3A_779, %dma_wait3A_793, %dma_wait3A_794] : memref<2x6x128xi32, #tpu.memory_space<vmem>> -> memref<1x6x128xi32, #tpu.memory_space<vmem>>
        %dma_wait3A_796 = tpu.memref_squeeze %dma_wait3A_795 : memref<1x6x128xi32, #tpu.memory_space<vmem>> -> memref<6x128xi32, #tpu.memory_space<vmem>>
        %dma_wait3A_797 = arith.constant 0 : i32
        %dma_wait3A_798 = tpu.memref_slice %dma_wait3A_796[%dma_wait3A_783, %dma_wait3A_797] : memref<6x128xi32, #tpu.memory_space<vmem>> -> memref<1x128xi32, #tpu.memory_space<vmem>>
        %dma_wait3A_799 = tpu.memref_squeeze %dma_wait3A_798 : memref<1x128xi32, #tpu.memory_space<vmem>> -> memref<128xi32, #tpu.memory_space<vmem>>
        %dma_wait3A_800 = arith.constant 0 : i32
        %dma_wait3A_801 = arith.constant 0 : i32
        %dma_wait3A_802 = tpu.memref_slice %arg10[%dma_wait3A_800, %dma_wait3A_801] : memref<100352x16xf32, #tpu.memory_space<vmem_shared>> -> memref<100352x16xf32, #tpu.memory_space<vmem_shared>>
        %dma_wait3A_803 = tpu.memref_slice %arg13[%sub3A_781] : memref<2x!tpu.dma_semaphore, #tpu.memory_space<semaphore_mem>> -> memref<1x!tpu.dma_semaphore, #tpu.memory_space<semaphore_mem>>
        %dma_wait3A_804 = tpu.memref_squeeze %dma_wait3A_803 : memref<1x!tpu.dma_semaphore, #tpu.memory_space<semaphore_mem>> -> memref<!tpu.dma_semaphore, #tpu.memory_space<semaphore_mem>>
        tpu.wait_indirect_dma semaphore(%dma_wait3A_804 : memref<!tpu.dma_semaphore, #tpu.memory_space<semaphore_mem>>) src(%dma_wait3A_792 : memref<128x16xf32, #tpu.memory_space<vmem>>) dst(%dma_wait3A_802 : memref<100352x16xf32, #tpu.memory_space<vmem_shared>>)
        %sub3A_805 = arith.constant 1 : i32
        %sub3A_806 = arith.subi %sub3A_805, %and3A_202 : i32
        %sub3A_807 = arith.constant 1 : i32
        %sub3A_808 = arith.subi %sub3A_807, %and3A_202 : i32
        %sub3A_809 = arith.constant 1 : i32
        %sub3A_810 = arith.subi %sub3A_809, %and3A_202 : i32
        %dma_wait3A_811 = arith.constant 5 : i32
        %dma_wait3A_812 = arith.constant 5 : i32
        %dma_wait3A_813 = arith.constant 0 : i32
        %dma_wait3A_814 = arith.constant 0 : i32
        %dma_wait3A_815 = arith.constant 0 : i32
        %dma_wait3A_816 = tpu.memref_slice %arg9[%sub3A_806, %dma_wait3A_813, %dma_wait3A_814, %dma_wait3A_815] : memref<2x6x128x16xf32, #tpu.memory_space<vmem>> -> memref<1x6x128x16xf32, #tpu.memory_space<vmem>>
        %dma_wait3A_817 = tpu.memref_squeeze %dma_wait3A_816 : memref<1x6x128x16xf32, #tpu.memory_space<vmem>> -> memref<6x128x16xf32, #tpu.memory_space<vmem>>
        %dma_wait3A_818 = arith.constant 0 : i32
        %dma_wait3A_819 = arith.constant 0 : i32
        %dma_wait3A_820 = tpu.memref_slice %dma_wait3A_817[%dma_wait3A_811, %dma_wait3A_818, %dma_wait3A_819] : memref<6x128x16xf32, #tpu.memory_space<vmem>> -> memref<1x128x16xf32, #tpu.memory_space<vmem>>
        %dma_wait3A_821 = tpu.memref_squeeze %dma_wait3A_820 : memref<1x128x16xf32, #tpu.memory_space<vmem>> -> memref<128x16xf32, #tpu.memory_space<vmem>>
        %dma_wait3A_822 = arith.constant 0 : i32
        %dma_wait3A_823 = arith.constant 0 : i32
        %dma_wait3A_824 = tpu.memref_slice %arg8[%sub3A_808, %dma_wait3A_822, %dma_wait3A_823] : memref<2x6x128xi32, #tpu.memory_space<vmem>> -> memref<1x6x128xi32, #tpu.memory_space<vmem>>
        %dma_wait3A_825 = tpu.memref_squeeze %dma_wait3A_824 : memref<1x6x128xi32, #tpu.memory_space<vmem>> -> memref<6x128xi32, #tpu.memory_space<vmem>>
        %dma_wait3A_826 = arith.constant 0 : i32
        %dma_wait3A_827 = tpu.memref_slice %dma_wait3A_825[%dma_wait3A_812, %dma_wait3A_826] : memref<6x128xi32, #tpu.memory_space<vmem>> -> memref<1x128xi32, #tpu.memory_space<vmem>>
        %dma_wait3A_828 = tpu.memref_squeeze %dma_wait3A_827 : memref<1x128xi32, #tpu.memory_space<vmem>> -> memref<128xi32, #tpu.memory_space<vmem>>
        %dma_wait3A_829 = arith.constant 0 : i32
        %dma_wait3A_830 = arith.constant 0 : i32
        %dma_wait3A_831 = tpu.memref_slice %arg10[%dma_wait3A_829, %dma_wait3A_830] : memref<100352x16xf32, #tpu.memory_space<vmem_shared>> -> memref<100352x16xf32, #tpu.memory_space<vmem_shared>>
        %dma_wait3A_832 = tpu.memref_slice %arg13[%sub3A_810] : memref<2x!tpu.dma_semaphore, #tpu.memory_space<semaphore_mem>> -> memref<1x!tpu.dma_semaphore, #tpu.memory_space<semaphore_mem>>
        %dma_wait3A_833 = tpu.memref_squeeze %dma_wait3A_832 : memref<1x!tpu.dma_semaphore, #tpu.memory_space<semaphore_mem>> -> memref<!tpu.dma_semaphore, #tpu.memory_space<semaphore_mem>>
        tpu.wait_indirect_dma semaphore(%dma_wait3A_833 : memref<!tpu.dma_semaphore, #tpu.memory_space<semaphore_mem>>) src(%dma_wait3A_821 : memref<128x16xf32, #tpu.memory_space<vmem>>) dst(%dma_wait3A_831 : memref<100352x16xf32, #tpu.memory_space<vmem_shared>>)
      } else {
      }
      %add3A_373 = arith.constant 1 : i32
      %add3A_374 = arith.addi %add3A_201, %add3A_373 : i32
      %lt3A = arith.constant 66 : i32
      %lt3A_375 = arith.cmpi slt, %add3A_374, %lt3A : i32
      %convert_element_type3A_376 = arith.extui %lt3A_375 : i1 to i32
      %cond3A_377 = arith.constant 0 : i32
      %cond3A_378 = arith.cmpi ne, %convert_element_type3A_376, %cond3A_377 : i32
      scf.if %cond3A_378 {
        %add3A_661 = arith.constant 1 : i32
        %add3A_662 = arith.addi %add3A_201, %add3A_661 : i32
        %mul3A_663 = arith.constant 6 : i32
        %mul3A_664 = arith.muli %add3A_662, %mul3A_663 : i32
        %add3A_665 = arith.addi %mul3A_4, %mul3A_664 : i32
        %sub3A = arith.constant 1 : i32
        %sub3A_666 = arith.subi %sub3A, %and3A_202 : i32
        %dma_start3A_667 = arith.constant 0 : i32
        %dma_start3A_668 = arith.constant 0 : i32
        %dma_start3A_669 = tpu.memref_slice %arg7[%sub3A_666, %dma_start3A_667, %dma_start3A_668] : memref<2x6x128xi32, #tpu.memory_space<vmem>> -> memref<1x6x128xi32, #tpu.memory_space<vmem>>
        %dma_start3A_670 = tpu.memref_squeeze %dma_start3A_669 : memref<1x6x128xi32, #tpu.memory_space<vmem>> -> memref<6x128xi32, #tpu.memory_space<vmem>>
        %dma_start3A_671 = arith.constant 0 : i32
        %dma_start3A_672 = tpu.memref_slice %arg2[%add3A_665, %dma_start3A_671] : memref<12672x128xi32, #tpu.memory_space<hbm>> -> memref<6x128xi32, #tpu.memory_space<hbm>>
        %dma_start3A_673 = arith.constant 0 : i32
        %dma_start3A_674 = arith.constant 0 : i32
        %dma_start3A_675 = tpu.memref_slice %arg7[%sub3A_666, %dma_start3A_673, %dma_start3A_674] : memref<2x6x128xi32, #tpu.memory_space<vmem>> -> memref<1x6x128xi32, #tpu.memory_space<vmem>>
        %dma_start3A_676 = tpu.memref_squeeze %dma_start3A_675 : memref<1x6x128xi32, #tpu.memory_space<vmem>> -> memref<6x128xi32, #tpu.memory_space<vmem>>
        %dma_start3A_677 = arith.constant 0 : i32
        %dma_start3A_678 = tpu.memref_slice %arg2[%add3A_665, %dma_start3A_677] : memref<12672x128xi32, #tpu.memory_space<hbm>> -> memref<6x128xi32, #tpu.memory_space<hbm>>
        tpu.enqueue_dma source(%dma_start3A_678 : memref<6x128xi32, #tpu.memory_space<hbm>>) target(%dma_start3A_676 : memref<6x128xi32, #tpu.memory_space<vmem>>) target_semaphore(%arg11 : memref<!tpu.dma_semaphore, #tpu.memory_space<semaphore_mem>>)
        %add3A_679 = arith.constant 1 : i32
        %add3A_680 = arith.addi %add3A_201, %add3A_679 : i32
        %mul3A_681 = arith.constant 6 : i32
        %mul3A_682 = arith.muli %add3A_680, %mul3A_681 : i32
        %add3A_683 = arith.addi %mul3A_4, %mul3A_682 : i32
        %sub3A_684 = arith.constant 1 : i32
        %sub3A_685 = arith.subi %sub3A_684, %and3A_202 : i32
        %dma_start3A_686 = arith.constant 0 : i32
        %dma_start3A_687 = arith.constant 0 : i32
        %dma_start3A_688 = tpu.memref_slice %arg8[%sub3A_685, %dma_start3A_686, %dma_start3A_687] : memref<2x6x128xi32, #tpu.memory_space<vmem>> -> memref<1x6x128xi32, #tpu.memory_space<vmem>>
        %dma_start3A_689 = tpu.memref_squeeze %dma_start3A_688 : memref<1x6x128xi32, #tpu.memory_space<vmem>> -> memref<6x128xi32, #tpu.memory_space<vmem>>
        %dma_start3A_690 = arith.constant 0 : i32
        %dma_start3A_691 = tpu.memref_slice %arg3[%add3A_683, %dma_start3A_690] : memref<12672x128xi32, #tpu.memory_space<hbm>> -> memref<6x128xi32, #tpu.memory_space<hbm>>
        %dma_start3A_692 = arith.constant 0 : i32
        %dma_start3A_693 = arith.constant 0 : i32
        %dma_start3A_694 = tpu.memref_slice %arg8[%sub3A_685, %dma_start3A_692, %dma_start3A_693] : memref<2x6x128xi32, #tpu.memory_space<vmem>> -> memref<1x6x128xi32, #tpu.memory_space<vmem>>
        %dma_start3A_695 = tpu.memref_squeeze %dma_start3A_694 : memref<1x6x128xi32, #tpu.memory_space<vmem>> -> memref<6x128xi32, #tpu.memory_space<vmem>>
        %dma_start3A_696 = arith.constant 0 : i32
        %dma_start3A_697 = tpu.memref_slice %arg3[%add3A_683, %dma_start3A_696] : memref<12672x128xi32, #tpu.memory_space<hbm>> -> memref<6x128xi32, #tpu.memory_space<hbm>>
        tpu.enqueue_dma source(%dma_start3A_697 : memref<6x128xi32, #tpu.memory_space<hbm>>) target(%dma_start3A_695 : memref<6x128xi32, #tpu.memory_space<vmem>>) target_semaphore(%arg11 : memref<!tpu.dma_semaphore, #tpu.memory_space<semaphore_mem>>)
      } else {
      }
      %dma_wait3A_379 = arith.constant 0 : i32
      %dma_wait3A_380 = arith.constant 0 : i32
      %dma_wait3A_381 = arith.constant 0 : i32
      %dma_wait3A_382 = arith.constant 0 : i32
      %dma_wait3A_383 = arith.constant 0 : i32
      %dma_wait3A_384 = arith.constant 0 : i32
      %dma_wait3A_385 = tpu.memref_slice %arg9[%and3A_202, %dma_wait3A_382, %dma_wait3A_383, %dma_wait3A_384] : memref<2x6x128x16xf32, #tpu.memory_space<vmem>> -> memref<1x6x128x16xf32, #tpu.memory_space<vmem>>
      %dma_wait3A_386 = tpu.memref_squeeze %dma_wait3A_385 : memref<1x6x128x16xf32, #tpu.memory_space<vmem>> -> memref<6x128x16xf32, #tpu.memory_space<vmem>>
      %dma_wait3A_387 = arith.constant 0 : i32
      %dma_wait3A_388 = arith.constant 0 : i32
      %dma_wait3A_389 = tpu.memref_slice %dma_wait3A_386[%dma_wait3A_380, %dma_wait3A_387, %dma_wait3A_388] : memref<6x128x16xf32, #tpu.memory_space<vmem>> -> memref<1x128x16xf32, #tpu.memory_space<vmem>>
      %dma_wait3A_390 = tpu.memref_squeeze %dma_wait3A_389 : memref<1x128x16xf32, #tpu.memory_space<vmem>> -> memref<128x16xf32, #tpu.memory_space<vmem>>
      %dma_wait3A_391 = arith.constant 0 : i32
      %dma_wait3A_392 = arith.constant 0 : i32
      %dma_wait3A_393 = tpu.memref_slice %arg7[%and3A_202, %dma_wait3A_391, %dma_wait3A_392] : memref<2x6x128xi32, #tpu.memory_space<vmem>> -> memref<1x6x128xi32, #tpu.memory_space<vmem>>
      %dma_wait3A_394 = tpu.memref_squeeze %dma_wait3A_393 : memref<1x6x128xi32, #tpu.memory_space<vmem>> -> memref<6x128xi32, #tpu.memory_space<vmem>>
      %dma_wait3A_395 = arith.constant 0 : i32
      %dma_wait3A_396 = tpu.memref_slice %dma_wait3A_394[%dma_wait3A_379, %dma_wait3A_395] : memref<6x128xi32, #tpu.memory_space<vmem>> -> memref<1x128xi32, #tpu.memory_space<vmem>>
      %dma_wait3A_397 = tpu.memref_squeeze %dma_wait3A_396 : memref<1x128xi32, #tpu.memory_space<vmem>> -> memref<128xi32, #tpu.memory_space<vmem>>
      %dma_wait3A_398 = arith.constant 0 : i32
      %dma_wait3A_399 = arith.constant 0 : i32
      %dma_wait3A_400 = tpu.memref_slice %arg4[%dma_wait3A_398, %dma_wait3A_399] : memref<100352x16xf32, #tpu.memory_space<hbm>> -> memref<100352x16xf32, #tpu.memory_space<hbm>>
      %dma_wait3A_401 = tpu.memref_slice %arg12[%dma_wait3A_381] : memref<6x!tpu.dma_semaphore, #tpu.memory_space<semaphore_mem>> -> memref<1x!tpu.dma_semaphore, #tpu.memory_space<semaphore_mem>>
      %dma_wait3A_402 = tpu.memref_squeeze %dma_wait3A_401 : memref<1x!tpu.dma_semaphore, #tpu.memory_space<semaphore_mem>> -> memref<!tpu.dma_semaphore, #tpu.memory_space<semaphore_mem>>
      tpu.wait_indirect_dma semaphore(%dma_wait3A_402 : memref<!tpu.dma_semaphore, #tpu.memory_space<semaphore_mem>>) src(%dma_wait3A_400 : memref<100352x16xf32, #tpu.memory_space<hbm>>) dst(%dma_wait3A_390 : memref<128x16xf32, #tpu.memory_space<vmem>>)
      %dma_start3A_403 = arith.constant 0 : i32
      %dma_start3A_404 = arith.constant 0 : i32
      %dma_start3A_405 = arith.constant 0 : i32
      %dma_start3A_406 = arith.constant 0 : i32
      %dma_start3A_407 = arith.constant 0 : i32
      %dma_start3A_408 = tpu.memref_slice %arg9[%and3A_202, %dma_start3A_405, %dma_start3A_406, %dma_start3A_407] : memref<2x6x128x16xf32, #tpu.memory_space<vmem>> -> memref<1x6x128x16xf32, #tpu.memory_space<vmem>>
      %dma_start3A_409 = tpu.memref_squeeze %dma_start3A_408 : memref<1x6x128x16xf32, #tpu.memory_space<vmem>> -> memref<6x128x16xf32, #tpu.memory_space<vmem>>
      %dma_start3A_410 = arith.constant 0 : i32
      %dma_start3A_411 = arith.constant 0 : i32
      %dma_start3A_412 = tpu.memref_slice %dma_start3A_409[%dma_start3A_403, %dma_start3A_410, %dma_start3A_411] : memref<6x128x16xf32, #tpu.memory_space<vmem>> -> memref<1x128x16xf32, #tpu.memory_space<vmem>>
      %dma_start3A_413 = tpu.memref_squeeze %dma_start3A_412 : memref<1x128x16xf32, #tpu.memory_space<vmem>> -> memref<128x16xf32, #tpu.memory_space<vmem>>
      %dma_start3A_414 = arith.constant 0 : i32
      %dma_start3A_415 = arith.constant 0 : i32
      %dma_start3A_416 = tpu.memref_slice %arg8[%and3A_202, %dma_start3A_414, %dma_start3A_415] : memref<2x6x128xi32, #tpu.memory_space<vmem>> -> memref<1x6x128xi32, #tpu.memory_space<vmem>>
      %dma_start3A_417 = tpu.memref_squeeze %dma_start3A_416 : memref<1x6x128xi32, #tpu.memory_space<vmem>> -> memref<6x128xi32, #tpu.memory_space<vmem>>
      %dma_start3A_418 = arith.constant 0 : i32
      %dma_start3A_419 = tpu.memref_slice %dma_start3A_417[%dma_start3A_404, %dma_start3A_418] : memref<6x128xi32, #tpu.memory_space<vmem>> -> memref<1x128xi32, #tpu.memory_space<vmem>>
      %dma_start3A_420 = tpu.memref_squeeze %dma_start3A_419 : memref<1x128xi32, #tpu.memory_space<vmem>> -> memref<128xi32, #tpu.memory_space<vmem>>
      %dma_start3A_421 = arith.constant 0 : i32
      %dma_start3A_422 = arith.constant 0 : i32
      %dma_start3A_423 = tpu.memref_slice %arg10[%dma_start3A_421, %dma_start3A_422] : memref<100352x16xf32, #tpu.memory_space<vmem_shared>> -> memref<100352x16xf32, #tpu.memory_space<vmem_shared>>
      %dma_start3A_424 = tpu.memref_slice %arg13[%and3A_202] : memref<2x!tpu.dma_semaphore, #tpu.memory_space<semaphore_mem>> -> memref<1x!tpu.dma_semaphore, #tpu.memory_space<semaphore_mem>>
      %dma_start3A_425 = tpu.memref_squeeze %dma_start3A_424 : memref<1x!tpu.dma_semaphore, #tpu.memory_space<semaphore_mem>> -> memref<!tpu.dma_semaphore, #tpu.memory_space<semaphore_mem>>
      tpu.enqueue_indirect_dma source(%dma_start3A_413 : memref<128x16xf32, #tpu.memory_space<vmem>>) target(%dma_start3A_423 : memref<100352x16xf32, #tpu.memory_space<vmem_shared>>) offsets(%dma_start3A_420 : memref<128xi32, #tpu.memory_space<vmem>>) semaphore(%dma_start3A_425 : memref<!tpu.dma_semaphore, #tpu.memory_space<semaphore_mem>>) {add = true}
      %dma_wait3A_426 = arith.constant 1 : i32
      %dma_wait3A_427 = arith.constant 1 : i32
      %dma_wait3A_428 = arith.constant 1 : i32
      %dma_wait3A_429 = arith.constant 0 : i32
      %dma_wait3A_430 = arith.constant 0 : i32
      %dma_wait3A_431 = arith.constant 0 : i32
      %dma_wait3A_432 = tpu.memref_slice %arg9[%and3A_202, %dma_wait3A_429, %dma_wait3A_430, %dma_wait3A_431] : memref<2x6x128x16xf32, #tpu.memory_space<vmem>> -> memref<1x6x128x16xf32, #tpu.memory_space<vmem>>
      %dma_wait3A_433 = tpu.memref_squeeze %dma_wait3A_432 : memref<1x6x128x16xf32, #tpu.memory_space<vmem>> -> memref<6x128x16xf32, #tpu.memory_space<vmem>>
      %dma_wait3A_434 = arith.constant 0 : i32
      %dma_wait3A_435 = arith.constant 0 : i32
      %dma_wait3A_436 = tpu.memref_slice %dma_wait3A_433[%dma_wait3A_427, %dma_wait3A_434, %dma_wait3A_435] : memref<6x128x16xf32, #tpu.memory_space<vmem>> -> memref<1x128x16xf32, #tpu.memory_space<vmem>>
      %dma_wait3A_437 = tpu.memref_squeeze %dma_wait3A_436 : memref<1x128x16xf32, #tpu.memory_space<vmem>> -> memref<128x16xf32, #tpu.memory_space<vmem>>
      %dma_wait3A_438 = arith.constant 0 : i32
      %dma_wait3A_439 = arith.constant 0 : i32
      %dma_wait3A_440 = tpu.memref_slice %arg7[%and3A_202, %dma_wait3A_438, %dma_wait3A_439] : memref<2x6x128xi32, #tpu.memory_space<vmem>> -> memref<1x6x128xi32, #tpu.memory_space<vmem>>
      %dma_wait3A_441 = tpu.memref_squeeze %dma_wait3A_440 : memref<1x6x128xi32, #tpu.memory_space<vmem>> -> memref<6x128xi32, #tpu.memory_space<vmem>>
      %dma_wait3A_442 = arith.constant 0 : i32
      %dma_wait3A_443 = tpu.memref_slice %dma_wait3A_441[%dma_wait3A_426, %dma_wait3A_442] : memref<6x128xi32, #tpu.memory_space<vmem>> -> memref<1x128xi32, #tpu.memory_space<vmem>>
      %dma_wait3A_444 = tpu.memref_squeeze %dma_wait3A_443 : memref<1x128xi32, #tpu.memory_space<vmem>> -> memref<128xi32, #tpu.memory_space<vmem>>
      %dma_wait3A_445 = arith.constant 0 : i32
      %dma_wait3A_446 = arith.constant 0 : i32
      %dma_wait3A_447 = tpu.memref_slice %arg4[%dma_wait3A_445, %dma_wait3A_446] : memref<100352x16xf32, #tpu.memory_space<hbm>> -> memref<100352x16xf32, #tpu.memory_space<hbm>>
      %dma_wait3A_448 = tpu.memref_slice %arg12[%dma_wait3A_428] : memref<6x!tpu.dma_semaphore, #tpu.memory_space<semaphore_mem>> -> memref<1x!tpu.dma_semaphore, #tpu.memory_space<semaphore_mem>>
      %dma_wait3A_449 = tpu.memref_squeeze %dma_wait3A_448 : memref<1x!tpu.dma_semaphore, #tpu.memory_space<semaphore_mem>> -> memref<!tpu.dma_semaphore, #tpu.memory_space<semaphore_mem>>
      tpu.wait_indirect_dma semaphore(%dma_wait3A_449 : memref<!tpu.dma_semaphore, #tpu.memory_space<semaphore_mem>>) src(%dma_wait3A_447 : memref<100352x16xf32, #tpu.memory_space<hbm>>) dst(%dma_wait3A_437 : memref<128x16xf32, #tpu.memory_space<vmem>>)
      %dma_start3A_450 = arith.constant 1 : i32
      %dma_start3A_451 = arith.constant 1 : i32
      %dma_start3A_452 = arith.constant 0 : i32
      %dma_start3A_453 = arith.constant 0 : i32
      %dma_start3A_454 = arith.constant 0 : i32
      %dma_start3A_455 = tpu.memref_slice %arg9[%and3A_202, %dma_start3A_452, %dma_start3A_453, %dma_start3A_454] : memref<2x6x128x16xf32, #tpu.memory_space<vmem>> -> memref<1x6x128x16xf32, #tpu.memory_space<vmem>>
      %dma_start3A_456 = tpu.memref_squeeze %dma_start3A_455 : memref<1x6x128x16xf32, #tpu.memory_space<vmem>> -> memref<6x128x16xf32, #tpu.memory_space<vmem>>
      %dma_start3A_457 = arith.constant 0 : i32
      %dma_start3A_458 = arith.constant 0 : i32
      %dma_start3A_459 = tpu.memref_slice %dma_start3A_456[%dma_start3A_450, %dma_start3A_457, %dma_start3A_458] : memref<6x128x16xf32, #tpu.memory_space<vmem>> -> memref<1x128x16xf32, #tpu.memory_space<vmem>>
      %dma_start3A_460 = tpu.memref_squeeze %dma_start3A_459 : memref<1x128x16xf32, #tpu.memory_space<vmem>> -> memref<128x16xf32, #tpu.memory_space<vmem>>
      %dma_start3A_461 = arith.constant 0 : i32
      %dma_start3A_462 = arith.constant 0 : i32
      %dma_start3A_463 = tpu.memref_slice %arg8[%and3A_202, %dma_start3A_461, %dma_start3A_462] : memref<2x6x128xi32, #tpu.memory_space<vmem>> -> memref<1x6x128xi32, #tpu.memory_space<vmem>>
      %dma_start3A_464 = tpu.memref_squeeze %dma_start3A_463 : memref<1x6x128xi32, #tpu.memory_space<vmem>> -> memref<6x128xi32, #tpu.memory_space<vmem>>
      %dma_start3A_465 = arith.constant 0 : i32
      %dma_start3A_466 = tpu.memref_slice %dma_start3A_464[%dma_start3A_451, %dma_start3A_465] : memref<6x128xi32, #tpu.memory_space<vmem>> -> memref<1x128xi32, #tpu.memory_space<vmem>>
      %dma_start3A_467 = tpu.memref_squeeze %dma_start3A_466 : memref<1x128xi32, #tpu.memory_space<vmem>> -> memref<128xi32, #tpu.memory_space<vmem>>
      %dma_start3A_468 = arith.constant 0 : i32
      %dma_start3A_469 = arith.constant 0 : i32
      %dma_start3A_470 = tpu.memref_slice %arg10[%dma_start3A_468, %dma_start3A_469] : memref<100352x16xf32, #tpu.memory_space<vmem_shared>> -> memref<100352x16xf32, #tpu.memory_space<vmem_shared>>
      %dma_start3A_471 = tpu.memref_slice %arg13[%and3A_202] : memref<2x!tpu.dma_semaphore, #tpu.memory_space<semaphore_mem>> -> memref<1x!tpu.dma_semaphore, #tpu.memory_space<semaphore_mem>>
      %dma_start3A_472 = tpu.memref_squeeze %dma_start3A_471 : memref<1x!tpu.dma_semaphore, #tpu.memory_space<semaphore_mem>> -> memref<!tpu.dma_semaphore, #tpu.memory_space<semaphore_mem>>
      tpu.enqueue_indirect_dma source(%dma_start3A_460 : memref<128x16xf32, #tpu.memory_space<vmem>>) target(%dma_start3A_470 : memref<100352x16xf32, #tpu.memory_space<vmem_shared>>) offsets(%dma_start3A_467 : memref<128xi32, #tpu.memory_space<vmem>>) semaphore(%dma_start3A_472 : memref<!tpu.dma_semaphore, #tpu.memory_space<semaphore_mem>>) {add = true}
      %dma_wait3A_473 = arith.constant 2 : i32
      %dma_wait3A_474 = arith.constant 2 : i32
      %dma_wait3A_475 = arith.constant 2 : i32
      %dma_wait3A_476 = arith.constant 0 : i32
      %dma_wait3A_477 = arith.constant 0 : i32
      %dma_wait3A_478 = arith.constant 0 : i32
      %dma_wait3A_479 = tpu.memref_slice %arg9[%and3A_202, %dma_wait3A_476, %dma_wait3A_477, %dma_wait3A_478] : memref<2x6x128x16xf32, #tpu.memory_space<vmem>> -> memref<1x6x128x16xf32, #tpu.memory_space<vmem>>
      %dma_wait3A_480 = tpu.memref_squeeze %dma_wait3A_479 : memref<1x6x128x16xf32, #tpu.memory_space<vmem>> -> memref<6x128x16xf32, #tpu.memory_space<vmem>>
      %dma_wait3A_481 = arith.constant 0 : i32
      %dma_wait3A_482 = arith.constant 0 : i32
      %dma_wait3A_483 = tpu.memref_slice %dma_wait3A_480[%dma_wait3A_474, %dma_wait3A_481, %dma_wait3A_482] : memref<6x128x16xf32, #tpu.memory_space<vmem>> -> memref<1x128x16xf32, #tpu.memory_space<vmem>>
      %dma_wait3A_484 = tpu.memref_squeeze %dma_wait3A_483 : memref<1x128x16xf32, #tpu.memory_space<vmem>> -> memref<128x16xf32, #tpu.memory_space<vmem>>
      %dma_wait3A_485 = arith.constant 0 : i32
      %dma_wait3A_486 = arith.constant 0 : i32
      %dma_wait3A_487 = tpu.memref_slice %arg7[%and3A_202, %dma_wait3A_485, %dma_wait3A_486] : memref<2x6x128xi32, #tpu.memory_space<vmem>> -> memref<1x6x128xi32, #tpu.memory_space<vmem>>
      %dma_wait3A_488 = tpu.memref_squeeze %dma_wait3A_487 : memref<1x6x128xi32, #tpu.memory_space<vmem>> -> memref<6x128xi32, #tpu.memory_space<vmem>>
      %dma_wait3A_489 = arith.constant 0 : i32
      %dma_wait3A_490 = tpu.memref_slice %dma_wait3A_488[%dma_wait3A_473, %dma_wait3A_489] : memref<6x128xi32, #tpu.memory_space<vmem>> -> memref<1x128xi32, #tpu.memory_space<vmem>>
      %dma_wait3A_491 = tpu.memref_squeeze %dma_wait3A_490 : memref<1x128xi32, #tpu.memory_space<vmem>> -> memref<128xi32, #tpu.memory_space<vmem>>
      %dma_wait3A_492 = arith.constant 0 : i32
      %dma_wait3A_493 = arith.constant 0 : i32
      %dma_wait3A_494 = tpu.memref_slice %arg4[%dma_wait3A_492, %dma_wait3A_493] : memref<100352x16xf32, #tpu.memory_space<hbm>> -> memref<100352x16xf32, #tpu.memory_space<hbm>>
      %dma_wait3A_495 = tpu.memref_slice %arg12[%dma_wait3A_475] : memref<6x!tpu.dma_semaphore, #tpu.memory_space<semaphore_mem>> -> memref<1x!tpu.dma_semaphore, #tpu.memory_space<semaphore_mem>>
      %dma_wait3A_496 = tpu.memref_squeeze %dma_wait3A_495 : memref<1x!tpu.dma_semaphore, #tpu.memory_space<semaphore_mem>> -> memref<!tpu.dma_semaphore, #tpu.memory_space<semaphore_mem>>
      tpu.wait_indirect_dma semaphore(%dma_wait3A_496 : memref<!tpu.dma_semaphore, #tpu.memory_space<semaphore_mem>>) src(%dma_wait3A_494 : memref<100352x16xf32, #tpu.memory_space<hbm>>) dst(%dma_wait3A_484 : memref<128x16xf32, #tpu.memory_space<vmem>>)
      %dma_start3A_497 = arith.constant 2 : i32
      %dma_start3A_498 = arith.constant 2 : i32
      %dma_start3A_499 = arith.constant 0 : i32
      %dma_start3A_500 = arith.constant 0 : i32
      %dma_start3A_501 = arith.constant 0 : i32
      %dma_start3A_502 = tpu.memref_slice %arg9[%and3A_202, %dma_start3A_499, %dma_start3A_500, %dma_start3A_501] : memref<2x6x128x16xf32, #tpu.memory_space<vmem>> -> memref<1x6x128x16xf32, #tpu.memory_space<vmem>>
      %dma_start3A_503 = tpu.memref_squeeze %dma_start3A_502 : memref<1x6x128x16xf32, #tpu.memory_space<vmem>> -> memref<6x128x16xf32, #tpu.memory_space<vmem>>
      %dma_start3A_504 = arith.constant 0 : i32
      %dma_start3A_505 = arith.constant 0 : i32
      %dma_start3A_506 = tpu.memref_slice %dma_start3A_503[%dma_start3A_497, %dma_start3A_504, %dma_start3A_505] : memref<6x128x16xf32, #tpu.memory_space<vmem>> -> memref<1x128x16xf32, #tpu.memory_space<vmem>>
      %dma_start3A_507 = tpu.memref_squeeze %dma_start3A_506 : memref<1x128x16xf32, #tpu.memory_space<vmem>> -> memref<128x16xf32, #tpu.memory_space<vmem>>
      %dma_start3A_508 = arith.constant 0 : i32
      %dma_start3A_509 = arith.constant 0 : i32
      %dma_start3A_510 = tpu.memref_slice %arg8[%and3A_202, %dma_start3A_508, %dma_start3A_509] : memref<2x6x128xi32, #tpu.memory_space<vmem>> -> memref<1x6x128xi32, #tpu.memory_space<vmem>>
      %dma_start3A_511 = tpu.memref_squeeze %dma_start3A_510 : memref<1x6x128xi32, #tpu.memory_space<vmem>> -> memref<6x128xi32, #tpu.memory_space<vmem>>
      %dma_start3A_512 = arith.constant 0 : i32
      %dma_start3A_513 = tpu.memref_slice %dma_start3A_511[%dma_start3A_498, %dma_start3A_512] : memref<6x128xi32, #tpu.memory_space<vmem>> -> memref<1x128xi32, #tpu.memory_space<vmem>>
      %dma_start3A_514 = tpu.memref_squeeze %dma_start3A_513 : memref<1x128xi32, #tpu.memory_space<vmem>> -> memref<128xi32, #tpu.memory_space<vmem>>
      %dma_start3A_515 = arith.constant 0 : i32
      %dma_start3A_516 = arith.constant 0 : i32
      %dma_start3A_517 = tpu.memref_slice %arg10[%dma_start3A_515, %dma_start3A_516] : memref<100352x16xf32, #tpu.memory_space<vmem_shared>> -> memref<100352x16xf32, #tpu.memory_space<vmem_shared>>
      %dma_start3A_518 = tpu.memref_slice %arg13[%and3A_202] : memref<2x!tpu.dma_semaphore, #tpu.memory_space<semaphore_mem>> -> memref<1x!tpu.dma_semaphore, #tpu.memory_space<semaphore_mem>>
      %dma_start3A_519 = tpu.memref_squeeze %dma_start3A_518 : memref<1x!tpu.dma_semaphore, #tpu.memory_space<semaphore_mem>> -> memref<!tpu.dma_semaphore, #tpu.memory_space<semaphore_mem>>
      tpu.enqueue_indirect_dma source(%dma_start3A_507 : memref<128x16xf32, #tpu.memory_space<vmem>>) target(%dma_start3A_517 : memref<100352x16xf32, #tpu.memory_space<vmem_shared>>) offsets(%dma_start3A_514 : memref<128xi32, #tpu.memory_space<vmem>>) semaphore(%dma_start3A_519 : memref<!tpu.dma_semaphore, #tpu.memory_space<semaphore_mem>>) {add = true}
      %dma_wait3A_520 = arith.constant 3 : i32
      %dma_wait3A_521 = arith.constant 3 : i32
      %dma_wait3A_522 = arith.constant 3 : i32
      %dma_wait3A_523 = arith.constant 0 : i32
      %dma_wait3A_524 = arith.constant 0 : i32
      %dma_wait3A_525 = arith.constant 0 : i32
      %dma_wait3A_526 = tpu.memref_slice %arg9[%and3A_202, %dma_wait3A_523, %dma_wait3A_524, %dma_wait3A_525] : memref<2x6x128x16xf32, #tpu.memory_space<vmem>> -> memref<1x6x128x16xf32, #tpu.memory_space<vmem>>
      %dma_wait3A_527 = tpu.memref_squeeze %dma_wait3A_526 : memref<1x6x128x16xf32, #tpu.memory_space<vmem>> -> memref<6x128x16xf32, #tpu.memory_space<vmem>>
      %dma_wait3A_528 = arith.constant 0 : i32
      %dma_wait3A_529 = arith.constant 0 : i32
      %dma_wait3A_530 = tpu.memref_slice %dma_wait3A_527[%dma_wait3A_521, %dma_wait3A_528, %dma_wait3A_529] : memref<6x128x16xf32, #tpu.memory_space<vmem>> -> memref<1x128x16xf32, #tpu.memory_space<vmem>>
      %dma_wait3A_531 = tpu.memref_squeeze %dma_wait3A_530 : memref<1x128x16xf32, #tpu.memory_space<vmem>> -> memref<128x16xf32, #tpu.memory_space<vmem>>
      %dma_wait3A_532 = arith.constant 0 : i32
      %dma_wait3A_533 = arith.constant 0 : i32
      %dma_wait3A_534 = tpu.memref_slice %arg7[%and3A_202, %dma_wait3A_532, %dma_wait3A_533] : memref<2x6x128xi32, #tpu.memory_space<vmem>> -> memref<1x6x128xi32, #tpu.memory_space<vmem>>
      %dma_wait3A_535 = tpu.memref_squeeze %dma_wait3A_534 : memref<1x6x128xi32, #tpu.memory_space<vmem>> -> memref<6x128xi32, #tpu.memory_space<vmem>>
      %dma_wait3A_536 = arith.constant 0 : i32
      %dma_wait3A_537 = tpu.memref_slice %dma_wait3A_535[%dma_wait3A_520, %dma_wait3A_536] : memref<6x128xi32, #tpu.memory_space<vmem>> -> memref<1x128xi32, #tpu.memory_space<vmem>>
      %dma_wait3A_538 = tpu.memref_squeeze %dma_wait3A_537 : memref<1x128xi32, #tpu.memory_space<vmem>> -> memref<128xi32, #tpu.memory_space<vmem>>
      %dma_wait3A_539 = arith.constant 0 : i32
      %dma_wait3A_540 = arith.constant 0 : i32
      %dma_wait3A_541 = tpu.memref_slice %arg4[%dma_wait3A_539, %dma_wait3A_540] : memref<100352x16xf32, #tpu.memory_space<hbm>> -> memref<100352x16xf32, #tpu.memory_space<hbm>>
      %dma_wait3A_542 = tpu.memref_slice %arg12[%dma_wait3A_522] : memref<6x!tpu.dma_semaphore, #tpu.memory_space<semaphore_mem>> -> memref<1x!tpu.dma_semaphore, #tpu.memory_space<semaphore_mem>>
      %dma_wait3A_543 = tpu.memref_squeeze %dma_wait3A_542 : memref<1x!tpu.dma_semaphore, #tpu.memory_space<semaphore_mem>> -> memref<!tpu.dma_semaphore, #tpu.memory_space<semaphore_mem>>
      tpu.wait_indirect_dma semaphore(%dma_wait3A_543 : memref<!tpu.dma_semaphore, #tpu.memory_space<semaphore_mem>>) src(%dma_wait3A_541 : memref<100352x16xf32, #tpu.memory_space<hbm>>) dst(%dma_wait3A_531 : memref<128x16xf32, #tpu.memory_space<vmem>>)
      %dma_start3A_544 = arith.constant 3 : i32
      %dma_start3A_545 = arith.constant 3 : i32
      %dma_start3A_546 = arith.constant 0 : i32
      %dma_start3A_547 = arith.constant 0 : i32
      %dma_start3A_548 = arith.constant 0 : i32
      %dma_start3A_549 = tpu.memref_slice %arg9[%and3A_202, %dma_start3A_546, %dma_start3A_547, %dma_start3A_548] : memref<2x6x128x16xf32, #tpu.memory_space<vmem>> -> memref<1x6x128x16xf32, #tpu.memory_space<vmem>>
      %dma_start3A_550 = tpu.memref_squeeze %dma_start3A_549 : memref<1x6x128x16xf32, #tpu.memory_space<vmem>> -> memref<6x128x16xf32, #tpu.memory_space<vmem>>
      %dma_start3A_551 = arith.constant 0 : i32
      %dma_start3A_552 = arith.constant 0 : i32
      %dma_start3A_553 = tpu.memref_slice %dma_start3A_550[%dma_start3A_544, %dma_start3A_551, %dma_start3A_552] : memref<6x128x16xf32, #tpu.memory_space<vmem>> -> memref<1x128x16xf32, #tpu.memory_space<vmem>>
      %dma_start3A_554 = tpu.memref_squeeze %dma_start3A_553 : memref<1x128x16xf32, #tpu.memory_space<vmem>> -> memref<128x16xf32, #tpu.memory_space<vmem>>
      %dma_start3A_555 = arith.constant 0 : i32
      %dma_start3A_556 = arith.constant 0 : i32
      %dma_start3A_557 = tpu.memref_slice %arg8[%and3A_202, %dma_start3A_555, %dma_start3A_556] : memref<2x6x128xi32, #tpu.memory_space<vmem>> -> memref<1x6x128xi32, #tpu.memory_space<vmem>>
      %dma_start3A_558 = tpu.memref_squeeze %dma_start3A_557 : memref<1x6x128xi32, #tpu.memory_space<vmem>> -> memref<6x128xi32, #tpu.memory_space<vmem>>
      %dma_start3A_559 = arith.constant 0 : i32
      %dma_start3A_560 = tpu.memref_slice %dma_start3A_558[%dma_start3A_545, %dma_start3A_559] : memref<6x128xi32, #tpu.memory_space<vmem>> -> memref<1x128xi32, #tpu.memory_space<vmem>>
      %dma_start3A_561 = tpu.memref_squeeze %dma_start3A_560 : memref<1x128xi32, #tpu.memory_space<vmem>> -> memref<128xi32, #tpu.memory_space<vmem>>
      %dma_start3A_562 = arith.constant 0 : i32
      %dma_start3A_563 = arith.constant 0 : i32
      %dma_start3A_564 = tpu.memref_slice %arg10[%dma_start3A_562, %dma_start3A_563] : memref<100352x16xf32, #tpu.memory_space<vmem_shared>> -> memref<100352x16xf32, #tpu.memory_space<vmem_shared>>
      %dma_start3A_565 = tpu.memref_slice %arg13[%and3A_202] : memref<2x!tpu.dma_semaphore, #tpu.memory_space<semaphore_mem>> -> memref<1x!tpu.dma_semaphore, #tpu.memory_space<semaphore_mem>>
      %dma_start3A_566 = tpu.memref_squeeze %dma_start3A_565 : memref<1x!tpu.dma_semaphore, #tpu.memory_space<semaphore_mem>> -> memref<!tpu.dma_semaphore, #tpu.memory_space<semaphore_mem>>
      tpu.enqueue_indirect_dma source(%dma_start3A_554 : memref<128x16xf32, #tpu.memory_space<vmem>>) target(%dma_start3A_564 : memref<100352x16xf32, #tpu.memory_space<vmem_shared>>) offsets(%dma_start3A_561 : memref<128xi32, #tpu.memory_space<vmem>>) semaphore(%dma_start3A_566 : memref<!tpu.dma_semaphore, #tpu.memory_space<semaphore_mem>>) {add = true}
      %dma_wait3A_567 = arith.constant 4 : i32
      %dma_wait3A_568 = arith.constant 4 : i32
      %dma_wait3A_569 = arith.constant 4 : i32
      %dma_wait3A_570 = arith.constant 0 : i32
      %dma_wait3A_571 = arith.constant 0 : i32
      %dma_wait3A_572 = arith.constant 0 : i32
      %dma_wait3A_573 = tpu.memref_slice %arg9[%and3A_202, %dma_wait3A_570, %dma_wait3A_571, %dma_wait3A_572] : memref<2x6x128x16xf32, #tpu.memory_space<vmem>> -> memref<1x6x128x16xf32, #tpu.memory_space<vmem>>
      %dma_wait3A_574 = tpu.memref_squeeze %dma_wait3A_573 : memref<1x6x128x16xf32, #tpu.memory_space<vmem>> -> memref<6x128x16xf32, #tpu.memory_space<vmem>>
      %dma_wait3A_575 = arith.constant 0 : i32
      %dma_wait3A_576 = arith.constant 0 : i32
      %dma_wait3A_577 = tpu.memref_slice %dma_wait3A_574[%dma_wait3A_568, %dma_wait3A_575, %dma_wait3A_576] : memref<6x128x16xf32, #tpu.memory_space<vmem>> -> memref<1x128x16xf32, #tpu.memory_space<vmem>>
      %dma_wait3A_578 = tpu.memref_squeeze %dma_wait3A_577 : memref<1x128x16xf32, #tpu.memory_space<vmem>> -> memref<128x16xf32, #tpu.memory_space<vmem>>
      %dma_wait3A_579 = arith.constant 0 : i32
      %dma_wait3A_580 = arith.constant 0 : i32
      %dma_wait3A_581 = tpu.memref_slice %arg7[%and3A_202, %dma_wait3A_579, %dma_wait3A_580] : memref<2x6x128xi32, #tpu.memory_space<vmem>> -> memref<1x6x128xi32, #tpu.memory_space<vmem>>
      %dma_wait3A_582 = tpu.memref_squeeze %dma_wait3A_581 : memref<1x6x128xi32, #tpu.memory_space<vmem>> -> memref<6x128xi32, #tpu.memory_space<vmem>>
      %dma_wait3A_583 = arith.constant 0 : i32
      %dma_wait3A_584 = tpu.memref_slice %dma_wait3A_582[%dma_wait3A_567, %dma_wait3A_583] : memref<6x128xi32, #tpu.memory_space<vmem>> -> memref<1x128xi32, #tpu.memory_space<vmem>>
      %dma_wait3A_585 = tpu.memref_squeeze %dma_wait3A_584 : memref<1x128xi32, #tpu.memory_space<vmem>> -> memref<128xi32, #tpu.memory_space<vmem>>
      %dma_wait3A_586 = arith.constant 0 : i32
      %dma_wait3A_587 = arith.constant 0 : i32
      %dma_wait3A_588 = tpu.memref_slice %arg4[%dma_wait3A_586, %dma_wait3A_587] : memref<100352x16xf32, #tpu.memory_space<hbm>> -> memref<100352x16xf32, #tpu.memory_space<hbm>>
      %dma_wait3A_589 = tpu.memref_slice %arg12[%dma_wait3A_569] : memref<6x!tpu.dma_semaphore, #tpu.memory_space<semaphore_mem>> -> memref<1x!tpu.dma_semaphore, #tpu.memory_space<semaphore_mem>>
      %dma_wait3A_590 = tpu.memref_squeeze %dma_wait3A_589 : memref<1x!tpu.dma_semaphore, #tpu.memory_space<semaphore_mem>> -> memref<!tpu.dma_semaphore, #tpu.memory_space<semaphore_mem>>
      tpu.wait_indirect_dma semaphore(%dma_wait3A_590 : memref<!tpu.dma_semaphore, #tpu.memory_space<semaphore_mem>>) src(%dma_wait3A_588 : memref<100352x16xf32, #tpu.memory_space<hbm>>) dst(%dma_wait3A_578 : memref<128x16xf32, #tpu.memory_space<vmem>>)
      %dma_start3A_591 = arith.constant 4 : i32
      %dma_start3A_592 = arith.constant 4 : i32
      %dma_start3A_593 = arith.constant 0 : i32
      %dma_start3A_594 = arith.constant 0 : i32
      %dma_start3A_595 = arith.constant 0 : i32
      %dma_start3A_596 = tpu.memref_slice %arg9[%and3A_202, %dma_start3A_593, %dma_start3A_594, %dma_start3A_595] : memref<2x6x128x16xf32, #tpu.memory_space<vmem>> -> memref<1x6x128x16xf32, #tpu.memory_space<vmem>>
      %dma_start3A_597 = tpu.memref_squeeze %dma_start3A_596 : memref<1x6x128x16xf32, #tpu.memory_space<vmem>> -> memref<6x128x16xf32, #tpu.memory_space<vmem>>
      %dma_start3A_598 = arith.constant 0 : i32
      %dma_start3A_599 = arith.constant 0 : i32
      %dma_start3A_600 = tpu.memref_slice %dma_start3A_597[%dma_start3A_591, %dma_start3A_598, %dma_start3A_599] : memref<6x128x16xf32, #tpu.memory_space<vmem>> -> memref<1x128x16xf32, #tpu.memory_space<vmem>>
      %dma_start3A_601 = tpu.memref_squeeze %dma_start3A_600 : memref<1x128x16xf32, #tpu.memory_space<vmem>> -> memref<128x16xf32, #tpu.memory_space<vmem>>
      %dma_start3A_602 = arith.constant 0 : i32
      %dma_start3A_603 = arith.constant 0 : i32
      %dma_start3A_604 = tpu.memref_slice %arg8[%and3A_202, %dma_start3A_602, %dma_start3A_603] : memref<2x6x128xi32, #tpu.memory_space<vmem>> -> memref<1x6x128xi32, #tpu.memory_space<vmem>>
      %dma_start3A_605 = tpu.memref_squeeze %dma_start3A_604 : memref<1x6x128xi32, #tpu.memory_space<vmem>> -> memref<6x128xi32, #tpu.memory_space<vmem>>
      %dma_start3A_606 = arith.constant 0 : i32
      %dma_start3A_607 = tpu.memref_slice %dma_start3A_605[%dma_start3A_592, %dma_start3A_606] : memref<6x128xi32, #tpu.memory_space<vmem>> -> memref<1x128xi32, #tpu.memory_space<vmem>>
      %dma_start3A_608 = tpu.memref_squeeze %dma_start3A_607 : memref<1x128xi32, #tpu.memory_space<vmem>> -> memref<128xi32, #tpu.memory_space<vmem>>
      %dma_start3A_609 = arith.constant 0 : i32
      %dma_start3A_610 = arith.constant 0 : i32
      %dma_start3A_611 = tpu.memref_slice %arg10[%dma_start3A_609, %dma_start3A_610] : memref<100352x16xf32, #tpu.memory_space<vmem_shared>> -> memref<100352x16xf32, #tpu.memory_space<vmem_shared>>
      %dma_start3A_612 = tpu.memref_slice %arg13[%and3A_202] : memref<2x!tpu.dma_semaphore, #tpu.memory_space<semaphore_mem>> -> memref<1x!tpu.dma_semaphore, #tpu.memory_space<semaphore_mem>>
      %dma_start3A_613 = tpu.memref_squeeze %dma_start3A_612 : memref<1x!tpu.dma_semaphore, #tpu.memory_space<semaphore_mem>> -> memref<!tpu.dma_semaphore, #tpu.memory_space<semaphore_mem>>
      tpu.enqueue_indirect_dma source(%dma_start3A_601 : memref<128x16xf32, #tpu.memory_space<vmem>>) target(%dma_start3A_611 : memref<100352x16xf32, #tpu.memory_space<vmem_shared>>) offsets(%dma_start3A_608 : memref<128xi32, #tpu.memory_space<vmem>>) semaphore(%dma_start3A_613 : memref<!tpu.dma_semaphore, #tpu.memory_space<semaphore_mem>>) {add = true}
      %dma_wait3A_614 = arith.constant 5 : i32
      %dma_wait3A_615 = arith.constant 5 : i32
      %dma_wait3A_616 = arith.constant 5 : i32
      %dma_wait3A_617 = arith.constant 0 : i32
      %dma_wait3A_618 = arith.constant 0 : i32
      %dma_wait3A_619 = arith.constant 0 : i32
      %dma_wait3A_620 = tpu.memref_slice %arg9[%and3A_202, %dma_wait3A_617, %dma_wait3A_618, %dma_wait3A_619] : memref<2x6x128x16xf32, #tpu.memory_space<vmem>> -> memref<1x6x128x16xf32, #tpu.memory_space<vmem>>
      %dma_wait3A_621 = tpu.memref_squeeze %dma_wait3A_620 : memref<1x6x128x16xf32, #tpu.memory_space<vmem>> -> memref<6x128x16xf32, #tpu.memory_space<vmem>>
      %dma_wait3A_622 = arith.constant 0 : i32
      %dma_wait3A_623 = arith.constant 0 : i32
      %dma_wait3A_624 = tpu.memref_slice %dma_wait3A_621[%dma_wait3A_615, %dma_wait3A_622, %dma_wait3A_623] : memref<6x128x16xf32, #tpu.memory_space<vmem>> -> memref<1x128x16xf32, #tpu.memory_space<vmem>>
      %dma_wait3A_625 = tpu.memref_squeeze %dma_wait3A_624 : memref<1x128x16xf32, #tpu.memory_space<vmem>> -> memref<128x16xf32, #tpu.memory_space<vmem>>
      %dma_wait3A_626 = arith.constant 0 : i32
      %dma_wait3A_627 = arith.constant 0 : i32
      %dma_wait3A_628 = tpu.memref_slice %arg7[%and3A_202, %dma_wait3A_626, %dma_wait3A_627] : memref<2x6x128xi32, #tpu.memory_space<vmem>> -> memref<1x6x128xi32, #tpu.memory_space<vmem>>
      %dma_wait3A_629 = tpu.memref_squeeze %dma_wait3A_628 : memref<1x6x128xi32, #tpu.memory_space<vmem>> -> memref<6x128xi32, #tpu.memory_space<vmem>>
      %dma_wait3A_630 = arith.constant 0 : i32
      %dma_wait3A_631 = tpu.memref_slice %dma_wait3A_629[%dma_wait3A_614, %dma_wait3A_630] : memref<6x128xi32, #tpu.memory_space<vmem>> -> memref<1x128xi32, #tpu.memory_space<vmem>>
      %dma_wait3A_632 = tpu.memref_squeeze %dma_wait3A_631 : memref<1x128xi32, #tpu.memory_space<vmem>> -> memref<128xi32, #tpu.memory_space<vmem>>
      %dma_wait3A_633 = arith.constant 0 : i32
      %dma_wait3A_634 = arith.constant 0 : i32
      %dma_wait3A_635 = tpu.memref_slice %arg4[%dma_wait3A_633, %dma_wait3A_634] : memref<100352x16xf32, #tpu.memory_space<hbm>> -> memref<100352x16xf32, #tpu.memory_space<hbm>>
      %dma_wait3A_636 = tpu.memref_slice %arg12[%dma_wait3A_616] : memref<6x!tpu.dma_semaphore, #tpu.memory_space<semaphore_mem>> -> memref<1x!tpu.dma_semaphore, #tpu.memory_space<semaphore_mem>>
      %dma_wait3A_637 = tpu.memref_squeeze %dma_wait3A_636 : memref<1x!tpu.dma_semaphore, #tpu.memory_space<semaphore_mem>> -> memref<!tpu.dma_semaphore, #tpu.memory_space<semaphore_mem>>
      tpu.wait_indirect_dma semaphore(%dma_wait3A_637 : memref<!tpu.dma_semaphore, #tpu.memory_space<semaphore_mem>>) src(%dma_wait3A_635 : memref<100352x16xf32, #tpu.memory_space<hbm>>) dst(%dma_wait3A_625 : memref<128x16xf32, #tpu.memory_space<vmem>>)
      %dma_start3A_638 = arith.constant 5 : i32
      %dma_start3A_639 = arith.constant 5 : i32
      %dma_start3A_640 = arith.constant 0 : i32
      %dma_start3A_641 = arith.constant 0 : i32
      %dma_start3A_642 = arith.constant 0 : i32
      %dma_start3A_643 = tpu.memref_slice %arg9[%and3A_202, %dma_start3A_640, %dma_start3A_641, %dma_start3A_642] : memref<2x6x128x16xf32, #tpu.memory_space<vmem>> -> memref<1x6x128x16xf32, #tpu.memory_space<vmem>>
      %dma_start3A_644 = tpu.memref_squeeze %dma_start3A_643 : memref<1x6x128x16xf32, #tpu.memory_space<vmem>> -> memref<6x128x16xf32, #tpu.memory_space<vmem>>
      %dma_start3A_645 = arith.constant 0 : i32
      %dma_start3A_646 = arith.constant 0 : i32
      %dma_start3A_647 = tpu.memref_slice %dma_start3A_644[%dma_start3A_638, %dma_start3A_645, %dma_start3A_646] : memref<6x128x16xf32, #tpu.memory_space<vmem>> -> memref<1x128x16xf32, #tpu.memory_space<vmem>>
      %dma_start3A_648 = tpu.memref_squeeze %dma_start3A_647 : memref<1x128x16xf32, #tpu.memory_space<vmem>> -> memref<128x16xf32, #tpu.memory_space<vmem>>
      %dma_start3A_649 = arith.constant 0 : i32
      %dma_start3A_650 = arith.constant 0 : i32
      %dma_start3A_651 = tpu.memref_slice %arg8[%and3A_202, %dma_start3A_649, %dma_start3A_650] : memref<2x6x128xi32, #tpu.memory_space<vmem>> -> memref<1x6x128xi32, #tpu.memory_space<vmem>>
      %dma_start3A_652 = tpu.memref_squeeze %dma_start3A_651 : memref<1x6x128xi32, #tpu.memory_space<vmem>> -> memref<6x128xi32, #tpu.memory_space<vmem>>
      %dma_start3A_653 = arith.constant 0 : i32
      %dma_start3A_654 = tpu.memref_slice %dma_start3A_652[%dma_start3A_639, %dma_start3A_653] : memref<6x128xi32, #tpu.memory_space<vmem>> -> memref<1x128xi32, #tpu.memory_space<vmem>>
      %dma_start3A_655 = tpu.memref_squeeze %dma_start3A_654 : memref<1x128xi32, #tpu.memory_space<vmem>> -> memref<128xi32, #tpu.memory_space<vmem>>
      %dma_start3A_656 = arith.constant 0 : i32
      %dma_start3A_657 = arith.constant 0 : i32
      %dma_start3A_658 = tpu.memref_slice %arg10[%dma_start3A_656, %dma_start3A_657] : memref<100352x16xf32, #tpu.memory_space<vmem_shared>> -> memref<100352x16xf32, #tpu.memory_space<vmem_shared>>
      %dma_start3A_659 = tpu.memref_slice %arg13[%and3A_202] : memref<2x!tpu.dma_semaphore, #tpu.memory_space<semaphore_mem>> -> memref<1x!tpu.dma_semaphore, #tpu.memory_space<semaphore_mem>>
      %dma_start3A_660 = tpu.memref_squeeze %dma_start3A_659 : memref<1x!tpu.dma_semaphore, #tpu.memory_space<semaphore_mem>> -> memref<!tpu.dma_semaphore, #tpu.memory_space<semaphore_mem>>
      tpu.enqueue_indirect_dma source(%dma_start3A_648 : memref<128x16xf32, #tpu.memory_space<vmem>>) target(%dma_start3A_658 : memref<100352x16xf32, #tpu.memory_space<vmem_shared>>) offsets(%dma_start3A_655 : memref<128xi32, #tpu.memory_space<vmem>>) semaphore(%dma_start3A_660 : memref<!tpu.dma_semaphore, #tpu.memory_space<semaphore_mem>>) {add = true}
    }
    %scan3A_33 = arith.constant 66 : i32
    %dma_wait3A = arith.constant 1 : i32
    %dma_wait3A_34 = arith.constant 0 : i32
    %dma_wait3A_35 = arith.constant 1 : i32
    %dma_wait3A_36 = arith.constant 0 : i32
    %dma_wait3A_37 = arith.constant 1 : i32
    %dma_wait3A_38 = arith.constant 0 : i32
    %dma_wait3A_39 = arith.constant 0 : i32
    %dma_wait3A_40 = arith.constant 0 : i32
    %dma_wait3A_41 = tpu.memref_slice %arg9[%dma_wait3A, %dma_wait3A_38, %dma_wait3A_39, %dma_wait3A_40] : memref<2x6x128x16xf32, #tpu.memory_space<vmem>> -> memref<1x6x128x16xf32, #tpu.memory_space<vmem>>
    %dma_wait3A_42 = tpu.memref_squeeze %dma_wait3A_41 : memref<1x6x128x16xf32, #tpu.memory_space<vmem>> -> memref<6x128x16xf32, #tpu.memory_space<vmem>>
    %dma_wait3A_43 = arith.constant 0 : i32
    %dma_wait3A_44 = arith.constant 0 : i32
    %dma_wait3A_45 = tpu.memref_slice %dma_wait3A_42[%dma_wait3A_34, %dma_wait3A_43, %dma_wait3A_44] : memref<6x128x16xf32, #tpu.memory_space<vmem>> -> memref<1x128x16xf32, #tpu.memory_space<vmem>>
    %dma_wait3A_46 = tpu.memref_squeeze %dma_wait3A_45 : memref<1x128x16xf32, #tpu.memory_space<vmem>> -> memref<128x16xf32, #tpu.memory_space<vmem>>
    %dma_wait3A_47 = arith.constant 0 : i32
    %dma_wait3A_48 = arith.constant 0 : i32
    %dma_wait3A_49 = tpu.memref_slice %arg8[%dma_wait3A_35, %dma_wait3A_47, %dma_wait3A_48] : memref<2x6x128xi32, #tpu.memory_space<vmem>> -> memref<1x6x128xi32, #tpu.memory_space<vmem>>
    %dma_wait3A_50 = tpu.memref_squeeze %dma_wait3A_49 : memref<1x6x128xi32, #tpu.memory_space<vmem>> -> memref<6x128xi32, #tpu.memory_space<vmem>>
    %dma_wait3A_51 = arith.constant 0 : i32
    %dma_wait3A_52 = tpu.memref_slice %dma_wait3A_50[%dma_wait3A_36, %dma_wait3A_51] : memref<6x128xi32, #tpu.memory_space<vmem>> -> memref<1x128xi32, #tpu.memory_space<vmem>>
    %dma_wait3A_53 = tpu.memref_squeeze %dma_wait3A_52 : memref<1x128xi32, #tpu.memory_space<vmem>> -> memref<128xi32, #tpu.memory_space<vmem>>
    %dma_wait3A_54 = arith.constant 0 : i32
    %dma_wait3A_55 = arith.constant 0 : i32
    %dma_wait3A_56 = tpu.memref_slice %arg10[%dma_wait3A_54, %dma_wait3A_55] : memref<100352x16xf32, #tpu.memory_space<vmem_shared>> -> memref<100352x16xf32, #tpu.memory_space<vmem_shared>>
    %dma_wait3A_57 = tpu.memref_slice %arg13[%dma_wait3A_37] : memref<2x!tpu.dma_semaphore, #tpu.memory_space<semaphore_mem>> -> memref<1x!tpu.dma_semaphore, #tpu.memory_space<semaphore_mem>>
    %dma_wait3A_58 = tpu.memref_squeeze %dma_wait3A_57 : memref<1x!tpu.dma_semaphore, #tpu.memory_space<semaphore_mem>> -> memref<!tpu.dma_semaphore, #tpu.memory_space<semaphore_mem>>
    tpu.wait_indirect_dma semaphore(%dma_wait3A_58 : memref<!tpu.dma_semaphore, #tpu.memory_space<semaphore_mem>>) src(%dma_wait3A_46 : memref<128x16xf32, #tpu.memory_space<vmem>>) dst(%dma_wait3A_56 : memref<100352x16xf32, #tpu.memory_space<vmem_shared>>)
    %dma_wait3A_59 = arith.constant 1 : i32
    %dma_wait3A_60 = arith.constant 1 : i32
    %dma_wait3A_61 = arith.constant 1 : i32
    %dma_wait3A_62 = arith.constant 1 : i32
    %dma_wait3A_63 = arith.constant 1 : i32
    %dma_wait3A_64 = arith.constant 0 : i32
    %dma_wait3A_65 = arith.constant 0 : i32
    %dma_wait3A_66 = arith.constant 0 : i32
    %dma_wait3A_67 = tpu.memref_slice %arg9[%dma_wait3A_59, %dma_wait3A_64, %dma_wait3A_65, %dma_wait3A_66] : memref<2x6x128x16xf32, #tpu.memory_space<vmem>> -> memref<1x6x128x16xf32, #tpu.memory_space<vmem>>
    %dma_wait3A_68 = tpu.memref_squeeze %dma_wait3A_67 : memref<1x6x128x16xf32, #tpu.memory_space<vmem>> -> memref<6x128x16xf32, #tpu.memory_space<vmem>>
    %dma_wait3A_69 = arith.constant 0 : i32
    %dma_wait3A_70 = arith.constant 0 : i32
    %dma_wait3A_71 = tpu.memref_slice %dma_wait3A_68[%dma_wait3A_60, %dma_wait3A_69, %dma_wait3A_70] : memref<6x128x16xf32, #tpu.memory_space<vmem>> -> memref<1x128x16xf32, #tpu.memory_space<vmem>>
    %dma_wait3A_72 = tpu.memref_squeeze %dma_wait3A_71 : memref<1x128x16xf32, #tpu.memory_space<vmem>> -> memref<128x16xf32, #tpu.memory_space<vmem>>
    %dma_wait3A_73 = arith.constant 0 : i32
    %dma_wait3A_74 = arith.constant 0 : i32
    %dma_wait3A_75 = tpu.memref_slice %arg8[%dma_wait3A_61, %dma_wait3A_73, %dma_wait3A_74] : memref<2x6x128xi32, #tpu.memory_space<vmem>> -> memref<1x6x128xi32, #tpu.memory_space<vmem>>
    %dma_wait3A_76 = tpu.memref_squeeze %dma_wait3A_75 : memref<1x6x128xi32, #tpu.memory_space<vmem>> -> memref<6x128xi32, #tpu.memory_space<vmem>>
    %dma_wait3A_77 = arith.constant 0 : i32
    %dma_wait3A_78 = tpu.memref_slice %dma_wait3A_76[%dma_wait3A_62, %dma_wait3A_77] : memref<6x128xi32, #tpu.memory_space<vmem>> -> memref<1x128xi32, #tpu.memory_space<vmem>>
    %dma_wait3A_79 = tpu.memref_squeeze %dma_wait3A_78 : memref<1x128xi32, #tpu.memory_space<vmem>> -> memref<128xi32, #tpu.memory_space<vmem>>
    %dma_wait3A_80 = arith.constant 0 : i32
    %dma_wait3A_81 = arith.constant 0 : i32
    %dma_wait3A_82 = tpu.memref_slice %arg10[%dma_wait3A_80, %dma_wait3A_81] : memref<100352x16xf32, #tpu.memory_space<vmem_shared>> -> memref<100352x16xf32, #tpu.memory_space<vmem_shared>>
    %dma_wait3A_83 = tpu.memref_slice %arg13[%dma_wait3A_63] : memref<2x!tpu.dma_semaphore, #tpu.memory_space<semaphore_mem>> -> memref<1x!tpu.dma_semaphore, #tpu.memory_space<semaphore_mem>>
    %dma_wait3A_84 = tpu.memref_squeeze %dma_wait3A_83 : memref<1x!tpu.dma_semaphore, #tpu.memory_space<semaphore_mem>> -> memref<!tpu.dma_semaphore, #tpu.memory_space<semaphore_mem>>
    tpu.wait_indirect_dma semaphore(%dma_wait3A_84 : memref<!tpu.dma_semaphore, #tpu.memory_space<semaphore_mem>>) src(%dma_wait3A_72 : memref<128x16xf32, #tpu.memory_space<vmem>>) dst(%dma_wait3A_82 : memref<100352x16xf32, #tpu.memory_space<vmem_shared>>)
    %dma_wait3A_85 = arith.constant 1 : i32
    %dma_wait3A_86 = arith.constant 2 : i32
    %dma_wait3A_87 = arith.constant 1 : i32
    %dma_wait3A_88 = arith.constant 2 : i32
    %dma_wait3A_89 = arith.constant 1 : i32
    %dma_wait3A_90 = arith.constant 0 : i32
    %dma_wait3A_91 = arith.constant 0 : i32
    %dma_wait3A_92 = arith.constant 0 : i32
    %dma_wait3A_93 = tpu.memref_slice %arg9[%dma_wait3A_85, %dma_wait3A_90, %dma_wait3A_91, %dma_wait3A_92] : memref<2x6x128x16xf32, #tpu.memory_space<vmem>> -> memref<1x6x128x16xf32, #tpu.memory_space<vmem>>
    %dma_wait3A_94 = tpu.memref_squeeze %dma_wait3A_93 : memref<1x6x128x16xf32, #tpu.memory_space<vmem>> -> memref<6x128x16xf32, #tpu.memory_space<vmem>>
    %dma_wait3A_95 = arith.constant 0 : i32
    %dma_wait3A_96 = arith.constant 0 : i32
    %dma_wait3A_97 = tpu.memref_slice %dma_wait3A_94[%dma_wait3A_86, %dma_wait3A_95, %dma_wait3A_96] : memref<6x128x16xf32, #tpu.memory_space<vmem>> -> memref<1x128x16xf32, #tpu.memory_space<vmem>>
    %dma_wait3A_98 = tpu.memref_squeeze %dma_wait3A_97 : memref<1x128x16xf32, #tpu.memory_space<vmem>> -> memref<128x16xf32, #tpu.memory_space<vmem>>
    %dma_wait3A_99 = arith.constant 0 : i32
    %dma_wait3A_100 = arith.constant 0 : i32
    %dma_wait3A_101 = tpu.memref_slice %arg8[%dma_wait3A_87, %dma_wait3A_99, %dma_wait3A_100] : memref<2x6x128xi32, #tpu.memory_space<vmem>> -> memref<1x6x128xi32, #tpu.memory_space<vmem>>
    %dma_wait3A_102 = tpu.memref_squeeze %dma_wait3A_101 : memref<1x6x128xi32, #tpu.memory_space<vmem>> -> memref<6x128xi32, #tpu.memory_space<vmem>>
    %dma_wait3A_103 = arith.constant 0 : i32
    %dma_wait3A_104 = tpu.memref_slice %dma_wait3A_102[%dma_wait3A_88, %dma_wait3A_103] : memref<6x128xi32, #tpu.memory_space<vmem>> -> memref<1x128xi32, #tpu.memory_space<vmem>>
    %dma_wait3A_105 = tpu.memref_squeeze %dma_wait3A_104 : memref<1x128xi32, #tpu.memory_space<vmem>> -> memref<128xi32, #tpu.memory_space<vmem>>
    %dma_wait3A_106 = arith.constant 0 : i32
    %dma_wait3A_107 = arith.constant 0 : i32
    %dma_wait3A_108 = tpu.memref_slice %arg10[%dma_wait3A_106, %dma_wait3A_107] : memref<100352x16xf32, #tpu.memory_space<vmem_shared>> -> memref<100352x16xf32, #tpu.memory_space<vmem_shared>>
    %dma_wait3A_109 = tpu.memref_slice %arg13[%dma_wait3A_89] : memref<2x!tpu.dma_semaphore, #tpu.memory_space<semaphore_mem>> -> memref<1x!tpu.dma_semaphore, #tpu.memory_space<semaphore_mem>>
    %dma_wait3A_110 = tpu.memref_squeeze %dma_wait3A_109 : memref<1x!tpu.dma_semaphore, #tpu.memory_space<semaphore_mem>> -> memref<!tpu.dma_semaphore, #tpu.memory_space<semaphore_mem>>
    tpu.wait_indirect_dma semaphore(%dma_wait3A_110 : memref<!tpu.dma_semaphore, #tpu.memory_space<semaphore_mem>>) src(%dma_wait3A_98 : memref<128x16xf32, #tpu.memory_space<vmem>>) dst(%dma_wait3A_108 : memref<100352x16xf32, #tpu.memory_space<vmem_shared>>)
    %dma_wait3A_111 = arith.constant 1 : i32
    %dma_wait3A_112 = arith.constant 3 : i32
    %dma_wait3A_113 = arith.constant 1 : i32
    %dma_wait3A_114 = arith.constant 3 : i32
    %dma_wait3A_115 = arith.constant 1 : i32
    %dma_wait3A_116 = arith.constant 0 : i32
    %dma_wait3A_117 = arith.constant 0 : i32
    %dma_wait3A_118 = arith.constant 0 : i32
    %dma_wait3A_119 = tpu.memref_slice %arg9[%dma_wait3A_111, %dma_wait3A_116, %dma_wait3A_117, %dma_wait3A_118] : memref<2x6x128x16xf32, #tpu.memory_space<vmem>> -> memref<1x6x128x16xf32, #tpu.memory_space<vmem>>
    %dma_wait3A_120 = tpu.memref_squeeze %dma_wait3A_119 : memref<1x6x128x16xf32, #tpu.memory_space<vmem>> -> memref<6x128x16xf32, #tpu.memory_space<vmem>>
    %dma_wait3A_121 = arith.constant 0 : i32
    %dma_wait3A_122 = arith.constant 0 : i32
    %dma_wait3A_123 = tpu.memref_slice %dma_wait3A_120[%dma_wait3A_112, %dma_wait3A_121, %dma_wait3A_122] : memref<6x128x16xf32, #tpu.memory_space<vmem>> -> memref<1x128x16xf32, #tpu.memory_space<vmem>>
    %dma_wait3A_124 = tpu.memref_squeeze %dma_wait3A_123 : memref<1x128x16xf32, #tpu.memory_space<vmem>> -> memref<128x16xf32, #tpu.memory_space<vmem>>
    %dma_wait3A_125 = arith.constant 0 : i32
    %dma_wait3A_126 = arith.constant 0 : i32
    %dma_wait3A_127 = tpu.memref_slice %arg8[%dma_wait3A_113, %dma_wait3A_125, %dma_wait3A_126] : memref<2x6x128xi32, #tpu.memory_space<vmem>> -> memref<1x6x128xi32, #tpu.memory_space<vmem>>
    %dma_wait3A_128 = tpu.memref_squeeze %dma_wait3A_127 : memref<1x6x128xi32, #tpu.memory_space<vmem>> -> memref<6x128xi32, #tpu.memory_space<vmem>>
    %dma_wait3A_129 = arith.constant 0 : i32
    %dma_wait3A_130 = tpu.memref_slice %dma_wait3A_128[%dma_wait3A_114, %dma_wait3A_129] : memref<6x128xi32, #tpu.memory_space<vmem>> -> memref<1x128xi32, #tpu.memory_space<vmem>>
    %dma_wait3A_131 = tpu.memref_squeeze %dma_wait3A_130 : memref<1x128xi32, #tpu.memory_space<vmem>> -> memref<128xi32, #tpu.memory_space<vmem>>
    %dma_wait3A_132 = arith.constant 0 : i32
    %dma_wait3A_133 = arith.constant 0 : i32
    %dma_wait3A_134 = tpu.memref_slice %arg10[%dma_wait3A_132, %dma_wait3A_133] : memref<100352x16xf32, #tpu.memory_space<vmem_shared>> -> memref<100352x16xf32, #tpu.memory_space<vmem_shared>>
    %dma_wait3A_135 = tpu.memref_slice %arg13[%dma_wait3A_115] : memref<2x!tpu.dma_semaphore, #tpu.memory_space<semaphore_mem>> -> memref<1x!tpu.dma_semaphore, #tpu.memory_space<semaphore_mem>>
    %dma_wait3A_136 = tpu.memref_squeeze %dma_wait3A_135 : memref<1x!tpu.dma_semaphore, #tpu.memory_space<semaphore_mem>> -> memref<!tpu.dma_semaphore, #tpu.memory_space<semaphore_mem>>
    tpu.wait_indirect_dma semaphore(%dma_wait3A_136 : memref<!tpu.dma_semaphore, #tpu.memory_space<semaphore_mem>>) src(%dma_wait3A_124 : memref<128x16xf32, #tpu.memory_space<vmem>>) dst(%dma_wait3A_134 : memref<100352x16xf32, #tpu.memory_space<vmem_shared>>)
    %dma_wait3A_137 = arith.constant 1 : i32
    %dma_wait3A_138 = arith.constant 4 : i32
    %dma_wait3A_139 = arith.constant 1 : i32
    %dma_wait3A_140 = arith.constant 4 : i32
    %dma_wait3A_141 = arith.constant 1 : i32
    %dma_wait3A_142 = arith.constant 0 : i32
    %dma_wait3A_143 = arith.constant 0 : i32
    %dma_wait3A_144 = arith.constant 0 : i32
    %dma_wait3A_145 = tpu.memref_slice %arg9[%dma_wait3A_137, %dma_wait3A_142, %dma_wait3A_143, %dma_wait3A_144] : memref<2x6x128x16xf32, #tpu.memory_space<vmem>> -> memref<1x6x128x16xf32, #tpu.memory_space<vmem>>
    %dma_wait3A_146 = tpu.memref_squeeze %dma_wait3A_145 : memref<1x6x128x16xf32, #tpu.memory_space<vmem>> -> memref<6x128x16xf32, #tpu.memory_space<vmem>>
    %dma_wait3A_147 = arith.constant 0 : i32
    %dma_wait3A_148 = arith.constant 0 : i32
    %dma_wait3A_149 = tpu.memref_slice %dma_wait3A_146[%dma_wait3A_138, %dma_wait3A_147, %dma_wait3A_148] : memref<6x128x16xf32, #tpu.memory_space<vmem>> -> memref<1x128x16xf32, #tpu.memory_space<vmem>>
    %dma_wait3A_150 = tpu.memref_squeeze %dma_wait3A_149 : memref<1x128x16xf32, #tpu.memory_space<vmem>> -> memref<128x16xf32, #tpu.memory_space<vmem>>
    %dma_wait3A_151 = arith.constant 0 : i32
    %dma_wait3A_152 = arith.constant 0 : i32
    %dma_wait3A_153 = tpu.memref_slice %arg8[%dma_wait3A_139, %dma_wait3A_151, %dma_wait3A_152] : memref<2x6x128xi32, #tpu.memory_space<vmem>> -> memref<1x6x128xi32, #tpu.memory_space<vmem>>
    %dma_wait3A_154 = tpu.memref_squeeze %dma_wait3A_153 : memref<1x6x128xi32, #tpu.memory_space<vmem>> -> memref<6x128xi32, #tpu.memory_space<vmem>>
    %dma_wait3A_155 = arith.constant 0 : i32
    %dma_wait3A_156 = tpu.memref_slice %dma_wait3A_154[%dma_wait3A_140, %dma_wait3A_155] : memref<6x128xi32, #tpu.memory_space<vmem>> -> memref<1x128xi32, #tpu.memory_space<vmem>>
    %dma_wait3A_157 = tpu.memref_squeeze %dma_wait3A_156 : memref<1x128xi32, #tpu.memory_space<vmem>> -> memref<128xi32, #tpu.memory_space<vmem>>
    %dma_wait3A_158 = arith.constant 0 : i32
    %dma_wait3A_159 = arith.constant 0 : i32
    %dma_wait3A_160 = tpu.memref_slice %arg10[%dma_wait3A_158, %dma_wait3A_159] : memref<100352x16xf32, #tpu.memory_space<vmem_shared>> -> memref<100352x16xf32, #tpu.memory_space<vmem_shared>>
    %dma_wait3A_161 = tpu.memref_slice %arg13[%dma_wait3A_141] : memref<2x!tpu.dma_semaphore, #tpu.memory_space<semaphore_mem>> -> memref<1x!tpu.dma_semaphore, #tpu.memory_space<semaphore_mem>>
    %dma_wait3A_162 = tpu.memref_squeeze %dma_wait3A_161 : memref<1x!tpu.dma_semaphore, #tpu.memory_space<semaphore_mem>> -> memref<!tpu.dma_semaphore, #tpu.memory_space<semaphore_mem>>
    tpu.wait_indirect_dma semaphore(%dma_wait3A_162 : memref<!tpu.dma_semaphore, #tpu.memory_space<semaphore_mem>>) src(%dma_wait3A_150 : memref<128x16xf32, #tpu.memory_space<vmem>>) dst(%dma_wait3A_160 : memref<100352x16xf32, #tpu.memory_space<vmem_shared>>)
    %dma_wait3A_163 = arith.constant 1 : i32
    %dma_wait3A_164 = arith.constant 5 : i32
    %dma_wait3A_165 = arith.constant 1 : i32
    %dma_wait3A_166 = arith.constant 5 : i32
    %dma_wait3A_167 = arith.constant 1 : i32
    %dma_wait3A_168 = arith.constant 0 : i32
    %dma_wait3A_169 = arith.constant 0 : i32
    %dma_wait3A_170 = arith.constant 0 : i32
    %dma_wait3A_171 = tpu.memref_slice %arg9[%dma_wait3A_163, %dma_wait3A_168, %dma_wait3A_169, %dma_wait3A_170] : memref<2x6x128x16xf32, #tpu.memory_space<vmem>> -> memref<1x6x128x16xf32, #tpu.memory_space<vmem>>
    %dma_wait3A_172 = tpu.memref_squeeze %dma_wait3A_171 : memref<1x6x128x16xf32, #tpu.memory_space<vmem>> -> memref<6x128x16xf32, #tpu.memory_space<vmem>>
    %dma_wait3A_173 = arith.constant 0 : i32
    %dma_wait3A_174 = arith.constant 0 : i32
    %dma_wait3A_175 = tpu.memref_slice %dma_wait3A_172[%dma_wait3A_164, %dma_wait3A_173, %dma_wait3A_174] : memref<6x128x16xf32, #tpu.memory_space<vmem>> -> memref<1x128x16xf32, #tpu.memory_space<vmem>>
    %dma_wait3A_176 = tpu.memref_squeeze %dma_wait3A_175 : memref<1x128x16xf32, #tpu.memory_space<vmem>> -> memref<128x16xf32, #tpu.memory_space<vmem>>
    %dma_wait3A_177 = arith.constant 0 : i32
    %dma_wait3A_178 = arith.constant 0 : i32
    %dma_wait3A_179 = tpu.memref_slice %arg8[%dma_wait3A_165, %dma_wait3A_177, %dma_wait3A_178] : memref<2x6x128xi32, #tpu.memory_space<vmem>> -> memref<1x6x128xi32, #tpu.memory_space<vmem>>
    %dma_wait3A_180 = tpu.memref_squeeze %dma_wait3A_179 : memref<1x6x128xi32, #tpu.memory_space<vmem>> -> memref<6x128xi32, #tpu.memory_space<vmem>>
    %dma_wait3A_181 = arith.constant 0 : i32
    %dma_wait3A_182 = tpu.memref_slice %dma_wait3A_180[%dma_wait3A_166, %dma_wait3A_181] : memref<6x128xi32, #tpu.memory_space<vmem>> -> memref<1x128xi32, #tpu.memory_space<vmem>>
    %dma_wait3A_183 = tpu.memref_squeeze %dma_wait3A_182 : memref<1x128xi32, #tpu.memory_space<vmem>> -> memref<128xi32, #tpu.memory_space<vmem>>
    %dma_wait3A_184 = arith.constant 0 : i32
    %dma_wait3A_185 = arith.constant 0 : i32
    %dma_wait3A_186 = tpu.memref_slice %arg10[%dma_wait3A_184, %dma_wait3A_185] : memref<100352x16xf32, #tpu.memory_space<vmem_shared>> -> memref<100352x16xf32, #tpu.memory_space<vmem_shared>>
    %dma_wait3A_187 = tpu.memref_slice %arg13[%dma_wait3A_167] : memref<2x!tpu.dma_semaphore, #tpu.memory_space<semaphore_mem>> -> memref<1x!tpu.dma_semaphore, #tpu.memory_space<semaphore_mem>>
    %dma_wait3A_188 = tpu.memref_squeeze %dma_wait3A_187 : memref<1x!tpu.dma_semaphore, #tpu.memory_space<semaphore_mem>> -> memref<!tpu.dma_semaphore, #tpu.memory_space<semaphore_mem>>
    tpu.wait_indirect_dma semaphore(%dma_wait3A_188 : memref<!tpu.dma_semaphore, #tpu.memory_space<semaphore_mem>>) src(%dma_wait3A_176 : memref<128x16xf32, #tpu.memory_space<vmem>>) dst(%dma_wait3A_186 : memref<100352x16xf32, #tpu.memory_space<vmem_shared>>)
    %barrier3A_189 = arith.constant 0 : index
    tpu.barrier barrier_id(%barrier3A_189)
    %mul3A_190 = arith.constant 6272 : i32
    %mul3A_191 = arith.muli %arg1, %mul3A_190 : i32
    %mul3A_192 = arith.constant 100352 : i32
    %mul3A_193 = arith.muli %arg0, %mul3A_192 : i32
    %mul3A_194 = arith.constant 6272 : i32
    %mul3A_195 = arith.muli %arg1, %mul3A_194 : i32
    %add3A_196 = arith.addi %mul3A_193, %mul3A_195 : i32
    "tpu.region"() ({
      %run_scoped3A = tpu.sem_alloc : memref<!tpu.dma_semaphore, #tpu.memory_space<semaphore_mem>>
      %dma_start3A_197 = arith.constant 0 : i32
      %dma_start3A_198 = tpu.memref_slice %arg6[%add3A_196, %dma_start3A_197] : memref<200704x16xf32, #tpu.memory_space<hbm>> -> memref<6272x16xf32, #tpu.memory_space<hbm>>
      %dma_start3A_199 = arith.constant 0 : i32
      %dma_start3A_200 = tpu.memref_slice %arg10[%mul3A_191, %dma_start3A_199] : memref<100352x16xf32, #tpu.memory_space<vmem_shared>> -> memref<6272x16xf32, #tpu.memory_space<vmem_shared>>
      tpu.enqueue_dma source(%dma_start3A_200 : memref<6272x16xf32, #tpu.memory_space<vmem_shared>>) target(%dma_start3A_198 : memref<6272x16xf32, #tpu.memory_space<hbm>>) target_semaphore(%run_scoped3A : memref<!tpu.dma_semaphore, #tpu.memory_space<semaphore_mem>>)
      %dma_wait3A_201 = arith.constant 0 : i32
      %dma_wait3A_202 = tpu.memref_slice %arg6[%add3A_196, %dma_wait3A_201] : memref<200704x16xf32, #tpu.memory_space<hbm>> -> memref<6272x16xf32, #tpu.memory_space<hbm>>
      %dma_wait3A_203 = arith.constant 0 : i32
      %dma_wait3A_204 = tpu.memref_slice %arg10[%mul3A_191, %dma_wait3A_203] : memref<100352x16xf32, #tpu.memory_space<vmem_shared>> -> memref<6272x16xf32, #tpu.memory_space<vmem_shared>>
      tpu.wait_dma2 semaphore(%run_scoped3A : memref<!tpu.dma_semaphore, #tpu.memory_space<semaphore_mem>>) src(%dma_wait3A_204 : memref<6272x16xf32, #tpu.memory_space<vmem_shared>>) dst(%dma_wait3A_202 : memref<6272x16xf32, #tpu.memory_space<hbm>>)
      tpu.yield
    }) : () -> ()
    return
  }
}

#map = affine_map<(d0, d1) -> (0, 0)>
module attributes {stable_mosaic.version = 14 : i64} {
  func.func @k(%arg0: i32, %arg1: i32, %arg2: memref<12672x128xi32, #tpu.memory_space<hbm>>, %arg3: memref<128x16xf32, #tpu.memory_space<hbm>>, %arg4: memref<6272x16xf32, #tpu.memory_space<hbm>>, %arg5: memref<200704x16xf32, #tpu.memory_space<hbm>>, %arg6: memref<2x6x128xi32, #tpu.memory_space<vmem>>, %arg7: memref<128x16xf32, #tpu.memory_space<vmem>>, %arg8: memref<100352x16xf32, #tpu.memory_space<vmem_shared>>, %arg9: memref<!tpu.dma_semaphore, #tpu.memory_space<semaphore_mem>>, %arg10: memref<2x!tpu.dma_semaphore, #tpu.memory_space<semaphore_mem>>) attributes {dimension_semantics = [#tpu.dimension_semantics<core_parallel>, #tpu.dimension_semantics<subcore_parallel>], iteration_bounds = array<i64: 2, 16>, scalar_prefetch = 0 : i64, scratch_operands = 5 : i64, tpu.core_type = #tpu.core_type<sc_vector_subcore>, window_params = [{transform_indices = #map}, {transform_indices = #map}, {transform_indices = #map}, {transform_indices = #map}]} {
    %mul3A = arith.constant 6272 : i32
    %mul3A_0 = arith.muli %arg1, %mul3A : i32
    "tpu.region"() ({
      %run_scoped3A = tpu.sem_alloc : memref<!tpu.dma_semaphore, #tpu.memory_space<semaphore_mem>>
      %dma_start3A_118 = arith.constant 0 : i32
      %dma_start3A_119 = tpu.memref_slice %arg8[%mul3A_0, %dma_start3A_118] : memref<100352x16xf32, #tpu.memory_space<vmem_shared>> -> memref<6272x16xf32, #tpu.memory_space<vmem_shared>>
      tpu.enqueue_dma source(%arg4 : memref<6272x16xf32, #tpu.memory_space<hbm>>) target(%dma_start3A_119 : memref<6272x16xf32, #tpu.memory_space<vmem_shared>>) target_semaphore(%run_scoped3A : memref<!tpu.dma_semaphore, #tpu.memory_space<semaphore_mem>>)
      %dma_wait3A_120 = arith.constant 0 : i32
      %dma_wait3A_121 = tpu.memref_slice %arg8[%mul3A_0, %dma_wait3A_120] : memref<100352x16xf32, #tpu.memory_space<vmem_shared>> -> memref<6272x16xf32, #tpu.memory_space<vmem_shared>>
      tpu.wait_dma2 semaphore(%run_scoped3A : memref<!tpu.dma_semaphore, #tpu.memory_space<semaphore_mem>>) src(%arg4 : memref<6272x16xf32, #tpu.memory_space<hbm>>) dst(%dma_wait3A_121 : memref<6272x16xf32, #tpu.memory_space<vmem_shared>>)
      tpu.yield
    }) : () -> ()
    "tpu.region"() ({
      %run_scoped3A = tpu.sem_alloc : memref<!tpu.dma_semaphore, #tpu.memory_space<semaphore_mem>>
      tpu.enqueue_dma source(%arg3 : memref<128x16xf32, #tpu.memory_space<hbm>>) target(%arg7 : memref<128x16xf32, #tpu.memory_space<vmem>>) target_semaphore(%run_scoped3A : memref<!tpu.dma_semaphore, #tpu.memory_space<semaphore_mem>>)
      tpu.wait_dma2 semaphore(%run_scoped3A : memref<!tpu.dma_semaphore, #tpu.memory_space<semaphore_mem>>) src(%arg3 : memref<128x16xf32, #tpu.memory_space<hbm>>) dst(%arg7 : memref<128x16xf32, #tpu.memory_space<vmem>>)
      tpu.yield
    }) : () -> ()
    %barrier3A = arith.constant 0 : index
    tpu.barrier barrier_id(%barrier3A)
    %mul3A_1 = arith.constant 16 : i32
    %mul3A_2 = arith.muli %arg0, %mul3A_1 : i32
    %add3A = arith.addi %mul3A_2, %arg1 : i32
    %mul3A_3 = arith.constant 396 : i32
    %mul3A_4 = arith.muli %add3A, %mul3A_3 : i32
    %dma_start3A = arith.constant 0 : i32
    %dma_start3A_5 = arith.constant 0 : i32
    %dma_start3A_6 = arith.constant 0 : i32
    %dma_start3A_7 = tpu.memref_slice %arg6[%dma_start3A, %dma_start3A_5, %dma_start3A_6] : memref<2x6x128xi32, #tpu.memory_space<vmem>> -> memref<1x6x128xi32, #tpu.memory_space<vmem>>
    %dma_start3A_8 = tpu.memref_squeeze %dma_start3A_7 : memref<1x6x128xi32, #tpu.memory_space<vmem>> -> memref<6x128xi32, #tpu.memory_space<vmem>>
    %dma_start3A_9 = arith.constant 0 : i32
    %dma_start3A_10 = tpu.memref_slice %arg2[%mul3A_4, %dma_start3A_9] : memref<12672x128xi32, #tpu.memory_space<hbm>> -> memref<6x128xi32, #tpu.memory_space<hbm>>
    %dma_start3A_11 = arith.constant 0 : i32
    %dma_start3A_12 = arith.constant 0 : i32
    %dma_start3A_13 = tpu.memref_slice %arg6[%dma_start3A, %dma_start3A_11, %dma_start3A_12] : memref<2x6x128xi32, #tpu.memory_space<vmem>> -> memref<1x6x128xi32, #tpu.memory_space<vmem>>
    %dma_start3A_14 = tpu.memref_squeeze %dma_start3A_13 : memref<1x6x128xi32, #tpu.memory_space<vmem>> -> memref<6x128xi32, #tpu.memory_space<vmem>>
    %dma_start3A_15 = arith.constant 0 : i32
    %dma_start3A_16 = tpu.memref_slice %arg2[%mul3A_4, %dma_start3A_15] : memref<12672x128xi32, #tpu.memory_space<hbm>> -> memref<6x128xi32, #tpu.memory_space<hbm>>
    tpu.enqueue_dma source(%dma_start3A_16 : memref<6x128xi32, #tpu.memory_space<hbm>>) target(%dma_start3A_14 : memref<6x128xi32, #tpu.memory_space<vmem>>) target_semaphore(%arg9 : memref<!tpu.dma_semaphore, #tpu.memory_space<semaphore_mem>>)
    %scan3A = arith.constant 0 : i32
    %scan3A_17 = arith.constant 66 : i32
    %scan3A_18 = arith.addi %scan3A, %scan3A_17 : i32
    %scan3A_19 = arith.constant 1 : i32
    scf.for %scan3A_118 = %scan3A to %scan3A_18 step %scan3A_19  : i32 {
      %mul3A_119 = arith.constant 1 : i32
      %mul3A_120 = arith.muli %scan3A_118, %mul3A_119 : i32
      %add3A_121 = arith.constant 0 : i32
      %add3A_122 = arith.addi %add3A_121, %mul3A_120 : i32
      %and3A = arith.constant 1 : i32
      %and3A_123 = arith.andi %add3A_122, %and3A : i32
      %dma_wait3A_124 = arith.constant 0 : i32
      %dma_wait3A_125 = arith.constant 0 : i32
      %dma_wait3A_126 = tpu.memref_slice %arg6[%and3A_123, %dma_wait3A_124, %dma_wait3A_125] : memref<2x6x128xi32, #tpu.memory_space<vmem>> -> memref<1x6x128xi32, #tpu.memory_space<vmem>>
      %dma_wait3A_127 = tpu.memref_squeeze %dma_wait3A_126 : memref<1x6x128xi32, #tpu.memory_space<vmem>> -> memref<6x128xi32, #tpu.memory_space<vmem>>
      %dma_wait3A_128 = arith.constant 0 : i32
      %dma_wait3A_129 = tpu.memref_slice %arg2[%mul3A_4, %dma_wait3A_128] : memref<12672x128xi32, #tpu.memory_space<hbm>> -> memref<6x128xi32, #tpu.memory_space<hbm>>
      %dma_wait3A_130 = arith.constant 0 : i32
      %dma_wait3A_131 = arith.constant 0 : i32
      %dma_wait3A_132 = tpu.memref_slice %arg6[%and3A_123, %dma_wait3A_130, %dma_wait3A_131] : memref<2x6x128xi32, #tpu.memory_space<vmem>> -> memref<1x6x128xi32, #tpu.memory_space<vmem>>
      %dma_wait3A_133 = tpu.memref_squeeze %dma_wait3A_132 : memref<1x6x128xi32, #tpu.memory_space<vmem>> -> memref<6x128xi32, #tpu.memory_space<vmem>>
      %dma_wait3A_134 = arith.constant 0 : i32
      %dma_wait3A_135 = tpu.memref_slice %arg2[%mul3A_4, %dma_wait3A_134] : memref<12672x128xi32, #tpu.memory_space<hbm>> -> memref<6x128xi32, #tpu.memory_space<hbm>>
      tpu.wait_dma2 semaphore(%arg9 : memref<!tpu.dma_semaphore, #tpu.memory_space<semaphore_mem>>) src(%dma_wait3A_135 : memref<6x128xi32, #tpu.memory_space<hbm>>) dst(%dma_wait3A_133 : memref<6x128xi32, #tpu.memory_space<vmem>>)
      %dma_start3A_136 = arith.constant 0 : i32
      %dma_start3A_137 = arith.constant 0 : i32
      %dma_start3A_138 = arith.constant 0 : i32
      %dma_start3A_139 = tpu.memref_slice %arg6[%and3A_123, %dma_start3A_137, %dma_start3A_138] : memref<2x6x128xi32, #tpu.memory_space<vmem>> -> memref<1x6x128xi32, #tpu.memory_space<vmem>>
      %dma_start3A_140 = tpu.memref_squeeze %dma_start3A_139 : memref<1x6x128xi32, #tpu.memory_space<vmem>> -> memref<6x128xi32, #tpu.memory_space<vmem>>
      %dma_start3A_141 = arith.constant 0 : i32
      %dma_start3A_142 = tpu.memref_slice %dma_start3A_140[%dma_start3A_136, %dma_start3A_141] : memref<6x128xi32, #tpu.memory_space<vmem>> -> memref<1x128xi32, #tpu.memory_space<vmem>>
      %dma_start3A_143 = tpu.memref_squeeze %dma_start3A_142 : memref<1x128xi32, #tpu.memory_space<vmem>> -> memref<128xi32, #tpu.memory_space<vmem>>
      %dma_start3A_144 = arith.constant 0 : i32
      %dma_start3A_145 = arith.constant 0 : i32
      %dma_start3A_146 = tpu.memref_slice %arg8[%dma_start3A_144, %dma_start3A_145] : memref<100352x16xf32, #tpu.memory_space<vmem_shared>> -> memref<100352x16xf32, #tpu.memory_space<vmem_shared>>
      %dma_start3A_147 = tpu.memref_slice %arg10[%and3A_123] : memref<2x!tpu.dma_semaphore, #tpu.memory_space<semaphore_mem>> -> memref<1x!tpu.dma_semaphore, #tpu.memory_space<semaphore_mem>>
      %dma_start3A_148 = tpu.memref_squeeze %dma_start3A_147 : memref<1x!tpu.dma_semaphore, #tpu.memory_space<semaphore_mem>> -> memref<!tpu.dma_semaphore, #tpu.memory_space<semaphore_mem>>
      tpu.enqueue_indirect_dma source(%arg7 : memref<128x16xf32, #tpu.memory_space<vmem>>) target(%dma_start3A_146 : memref<100352x16xf32, #tpu.memory_space<vmem_shared>>) offsets(%dma_start3A_143 : memref<128xi32, #tpu.memory_space<vmem>>) semaphore(%dma_start3A_148 : memref<!tpu.dma_semaphore, #tpu.memory_space<semaphore_mem>>) {add = true}
      %dma_start3A_149 = arith.constant 1 : i32
      %dma_start3A_150 = arith.constant 0 : i32
      %dma_start3A_151 = arith.constant 0 : i32
      %dma_start3A_152 = tpu.memref_slice %arg6[%and3A_123, %dma_start3A_150, %dma_start3A_151] : memref<2x6x128xi32, #tpu.memory_space<vmem>> -> memref<1x6x128xi32, #tpu.memory_space<vmem>>
      %dma_start3A_153 = tpu.memref_squeeze %dma_start3A_152 : memref<1x6x128xi32, #tpu.memory_space<vmem>> -> memref<6x128xi32, #tpu.memory_space<vmem>>
      %dma_start3A_154 = arith.constant 0 : i32
      %dma_start3A_155 = tpu.memref_slice %dma_start3A_153[%dma_start3A_149, %dma_start3A_154] : memref<6x128xi32, #tpu.memory_space<vmem>> -> memref<1x128xi32, #tpu.memory_space<vmem>>
      %dma_start3A_156 = tpu.memref_squeeze %dma_start3A_155 : memref<1x128xi32, #tpu.memory_space<vmem>> -> memref<128xi32, #tpu.memory_space<vmem>>
      %dma_start3A_157 = arith.constant 0 : i32
      %dma_start3A_158 = arith.constant 0 : i32
      %dma_start3A_159 = tpu.memref_slice %arg8[%dma_start3A_157, %dma_start3A_158] : memref<100352x16xf32, #tpu.memory_space<vmem_shared>> -> memref<100352x16xf32, #tpu.memory_space<vmem_shared>>
      %dma_start3A_160 = tpu.memref_slice %arg10[%and3A_123] : memref<2x!tpu.dma_semaphore, #tpu.memory_space<semaphore_mem>> -> memref<1x!tpu.dma_semaphore, #tpu.memory_space<semaphore_mem>>
      %dma_start3A_161 = tpu.memref_squeeze %dma_start3A_160 : memref<1x!tpu.dma_semaphore, #tpu.memory_space<semaphore_mem>> -> memref<!tpu.dma_semaphore, #tpu.memory_space<semaphore_mem>>
      tpu.enqueue_indirect_dma source(%arg7 : memref<128x16xf32, #tpu.memory_space<vmem>>) target(%dma_start3A_159 : memref<100352x16xf32, #tpu.memory_space<vmem_shared>>) offsets(%dma_start3A_156 : memref<128xi32, #tpu.memory_space<vmem>>) semaphore(%dma_start3A_161 : memref<!tpu.dma_semaphore, #tpu.memory_space<semaphore_mem>>) {add = true}
      %dma_start3A_162 = arith.constant 2 : i32
      %dma_start3A_163 = arith.constant 0 : i32
      %dma_start3A_164 = arith.constant 0 : i32
      %dma_start3A_165 = tpu.memref_slice %arg6[%and3A_123, %dma_start3A_163, %dma_start3A_164] : memref<2x6x128xi32, #tpu.memory_space<vmem>> -> memref<1x6x128xi32, #tpu.memory_space<vmem>>
      %dma_start3A_166 = tpu.memref_squeeze %dma_start3A_165 : memref<1x6x128xi32, #tpu.memory_space<vmem>> -> memref<6x128xi32, #tpu.memory_space<vmem>>
      %dma_start3A_167 = arith.constant 0 : i32
      %dma_start3A_168 = tpu.memref_slice %dma_start3A_166[%dma_start3A_162, %dma_start3A_167] : memref<6x128xi32, #tpu.memory_space<vmem>> -> memref<1x128xi32, #tpu.memory_space<vmem>>
      %dma_start3A_169 = tpu.memref_squeeze %dma_start3A_168 : memref<1x128xi32, #tpu.memory_space<vmem>> -> memref<128xi32, #tpu.memory_space<vmem>>
      %dma_start3A_170 = arith.constant 0 : i32
      %dma_start3A_171 = arith.constant 0 : i32
      %dma_start3A_172 = tpu.memref_slice %arg8[%dma_start3A_170, %dma_start3A_171] : memref<100352x16xf32, #tpu.memory_space<vmem_shared>> -> memref<100352x16xf32, #tpu.memory_space<vmem_shared>>
      %dma_start3A_173 = tpu.memref_slice %arg10[%and3A_123] : memref<2x!tpu.dma_semaphore, #tpu.memory_space<semaphore_mem>> -> memref<1x!tpu.dma_semaphore, #tpu.memory_space<semaphore_mem>>
      %dma_start3A_174 = tpu.memref_squeeze %dma_start3A_173 : memref<1x!tpu.dma_semaphore, #tpu.memory_space<semaphore_mem>> -> memref<!tpu.dma_semaphore, #tpu.memory_space<semaphore_mem>>
      tpu.enqueue_indirect_dma source(%arg7 : memref<128x16xf32, #tpu.memory_space<vmem>>) target(%dma_start3A_172 : memref<100352x16xf32, #tpu.memory_space<vmem_shared>>) offsets(%dma_start3A_169 : memref<128xi32, #tpu.memory_space<vmem>>) semaphore(%dma_start3A_174 : memref<!tpu.dma_semaphore, #tpu.memory_space<semaphore_mem>>) {add = true}
      %dma_start3A_175 = arith.constant 3 : i32
      %dma_start3A_176 = arith.constant 0 : i32
      %dma_start3A_177 = arith.constant 0 : i32
      %dma_start3A_178 = tpu.memref_slice %arg6[%and3A_123, %dma_start3A_176, %dma_start3A_177] : memref<2x6x128xi32, #tpu.memory_space<vmem>> -> memref<1x6x128xi32, #tpu.memory_space<vmem>>
      %dma_start3A_179 = tpu.memref_squeeze %dma_start3A_178 : memref<1x6x128xi32, #tpu.memory_space<vmem>> -> memref<6x128xi32, #tpu.memory_space<vmem>>
      %dma_start3A_180 = arith.constant 0 : i32
      %dma_start3A_181 = tpu.memref_slice %dma_start3A_179[%dma_start3A_175, %dma_start3A_180] : memref<6x128xi32, #tpu.memory_space<vmem>> -> memref<1x128xi32, #tpu.memory_space<vmem>>
      %dma_start3A_182 = tpu.memref_squeeze %dma_start3A_181 : memref<1x128xi32, #tpu.memory_space<vmem>> -> memref<128xi32, #tpu.memory_space<vmem>>
      %dma_start3A_183 = arith.constant 0 : i32
      %dma_start3A_184 = arith.constant 0 : i32
      %dma_start3A_185 = tpu.memref_slice %arg8[%dma_start3A_183, %dma_start3A_184] : memref<100352x16xf32, #tpu.memory_space<vmem_shared>> -> memref<100352x16xf32, #tpu.memory_space<vmem_shared>>
      %dma_start3A_186 = tpu.memref_slice %arg10[%and3A_123] : memref<2x!tpu.dma_semaphore, #tpu.memory_space<semaphore_mem>> -> memref<1x!tpu.dma_semaphore, #tpu.memory_space<semaphore_mem>>
      %dma_start3A_187 = tpu.memref_squeeze %dma_start3A_186 : memref<1x!tpu.dma_semaphore, #tpu.memory_space<semaphore_mem>> -> memref<!tpu.dma_semaphore, #tpu.memory_space<semaphore_mem>>
      tpu.enqueue_indirect_dma source(%arg7 : memref<128x16xf32, #tpu.memory_space<vmem>>) target(%dma_start3A_185 : memref<100352x16xf32, #tpu.memory_space<vmem_shared>>) offsets(%dma_start3A_182 : memref<128xi32, #tpu.memory_space<vmem>>) semaphore(%dma_start3A_187 : memref<!tpu.dma_semaphore, #tpu.memory_space<semaphore_mem>>) {add = true}
      %dma_start3A_188 = arith.constant 4 : i32
      %dma_start3A_189 = arith.constant 0 : i32
      %dma_start3A_190 = arith.constant 0 : i32
      %dma_start3A_191 = tpu.memref_slice %arg6[%and3A_123, %dma_start3A_189, %dma_start3A_190] : memref<2x6x128xi32, #tpu.memory_space<vmem>> -> memref<1x6x128xi32, #tpu.memory_space<vmem>>
      %dma_start3A_192 = tpu.memref_squeeze %dma_start3A_191 : memref<1x6x128xi32, #tpu.memory_space<vmem>> -> memref<6x128xi32, #tpu.memory_space<vmem>>
      %dma_start3A_193 = arith.constant 0 : i32
      %dma_start3A_194 = tpu.memref_slice %dma_start3A_192[%dma_start3A_188, %dma_start3A_193] : memref<6x128xi32, #tpu.memory_space<vmem>> -> memref<1x128xi32, #tpu.memory_space<vmem>>
      %dma_start3A_195 = tpu.memref_squeeze %dma_start3A_194 : memref<1x128xi32, #tpu.memory_space<vmem>> -> memref<128xi32, #tpu.memory_space<vmem>>
      %dma_start3A_196 = arith.constant 0 : i32
      %dma_start3A_197 = arith.constant 0 : i32
      %dma_start3A_198 = tpu.memref_slice %arg8[%dma_start3A_196, %dma_start3A_197] : memref<100352x16xf32, #tpu.memory_space<vmem_shared>> -> memref<100352x16xf32, #tpu.memory_space<vmem_shared>>
      %dma_start3A_199 = tpu.memref_slice %arg10[%and3A_123] : memref<2x!tpu.dma_semaphore, #tpu.memory_space<semaphore_mem>> -> memref<1x!tpu.dma_semaphore, #tpu.memory_space<semaphore_mem>>
      %dma_start3A_200 = tpu.memref_squeeze %dma_start3A_199 : memref<1x!tpu.dma_semaphore, #tpu.memory_space<semaphore_mem>> -> memref<!tpu.dma_semaphore, #tpu.memory_space<semaphore_mem>>
      tpu.enqueue_indirect_dma source(%arg7 : memref<128x16xf32, #tpu.memory_space<vmem>>) target(%dma_start3A_198 : memref<100352x16xf32, #tpu.memory_space<vmem_shared>>) offsets(%dma_start3A_195 : memref<128xi32, #tpu.memory_space<vmem>>) semaphore(%dma_start3A_200 : memref<!tpu.dma_semaphore, #tpu.memory_space<semaphore_mem>>) {add = true}
      %dma_start3A_201 = arith.constant 5 : i32
      %dma_start3A_202 = arith.constant 0 : i32
      %dma_start3A_203 = arith.constant 0 : i32
      %dma_start3A_204 = tpu.memref_slice %arg6[%and3A_123, %dma_start3A_202, %dma_start3A_203] : memref<2x6x128xi32, #tpu.memory_space<vmem>> -> memref<1x6x128xi32, #tpu.memory_space<vmem>>
      %dma_start3A_205 = tpu.memref_squeeze %dma_start3A_204 : memref<1x6x128xi32, #tpu.memory_space<vmem>> -> memref<6x128xi32, #tpu.memory_space<vmem>>
      %dma_start3A_206 = arith.constant 0 : i32
      %dma_start3A_207 = tpu.memref_slice %dma_start3A_205[%dma_start3A_201, %dma_start3A_206] : memref<6x128xi32, #tpu.memory_space<vmem>> -> memref<1x128xi32, #tpu.memory_space<vmem>>
      %dma_start3A_208 = tpu.memref_squeeze %dma_start3A_207 : memref<1x128xi32, #tpu.memory_space<vmem>> -> memref<128xi32, #tpu.memory_space<vmem>>
      %dma_start3A_209 = arith.constant 0 : i32
      %dma_start3A_210 = arith.constant 0 : i32
      %dma_start3A_211 = tpu.memref_slice %arg8[%dma_start3A_209, %dma_start3A_210] : memref<100352x16xf32, #tpu.memory_space<vmem_shared>> -> memref<100352x16xf32, #tpu.memory_space<vmem_shared>>
      %dma_start3A_212 = tpu.memref_slice %arg10[%and3A_123] : memref<2x!tpu.dma_semaphore, #tpu.memory_space<semaphore_mem>> -> memref<1x!tpu.dma_semaphore, #tpu.memory_space<semaphore_mem>>
      %dma_start3A_213 = tpu.memref_squeeze %dma_start3A_212 : memref<1x!tpu.dma_semaphore, #tpu.memory_space<semaphore_mem>> -> memref<!tpu.dma_semaphore, #tpu.memory_space<semaphore_mem>>
      tpu.enqueue_indirect_dma source(%arg7 : memref<128x16xf32, #tpu.memory_space<vmem>>) target(%dma_start3A_211 : memref<100352x16xf32, #tpu.memory_space<vmem_shared>>) offsets(%dma_start3A_208 : memref<128xi32, #tpu.memory_space<vmem>>) semaphore(%dma_start3A_213 : memref<!tpu.dma_semaphore, #tpu.memory_space<semaphore_mem>>) {add = true}
      %gt3A = arith.constant 0 : i32
      %gt3A_214 = arith.cmpi sgt, %add3A_122, %gt3A : i32
      %convert_element_type3A = arith.extui %gt3A_214 : i1 to i32
      %cond3A = arith.constant 0 : i32
      %cond3A_215 = arith.cmpi ne, %convert_element_type3A, %cond3A : i32
      scf.if %cond3A_215 {
        %sub3A = arith.constant 1 : i32
        %sub3A_222 = arith.subi %sub3A, %and3A_123 : i32
        %sub3A_223 = arith.constant 1 : i32
        %sub3A_224 = arith.subi %sub3A_223, %and3A_123 : i32
        %dma_wait3A_225 = arith.constant 0 : i32
        %dma_wait3A_226 = arith.constant 0 : i32
        %dma_wait3A_227 = arith.constant 0 : i32
        %dma_wait3A_228 = tpu.memref_slice %arg6[%sub3A_222, %dma_wait3A_226, %dma_wait3A_227] : memref<2x6x128xi32, #tpu.memory_space<vmem>> -> memref<1x6x128xi32, #tpu.memory_space<vmem>>
        %dma_wait3A_229 = tpu.memref_squeeze %dma_wait3A_228 : memref<1x6x128xi32, #tpu.memory_space<vmem>> -> memref<6x128xi32, #tpu.memory_space<vmem>>
        %dma_wait3A_230 = arith.constant 0 : i32
        %dma_wait3A_231 = tpu.memref_slice %dma_wait3A_229[%dma_wait3A_225, %dma_wait3A_230] : memref<6x128xi32, #tpu.memory_space<vmem>> -> memref<1x128xi32, #tpu.memory_space<vmem>>
        %dma_wait3A_232 = tpu.memref_squeeze %dma_wait3A_231 : memref<1x128xi32, #tpu.memory_space<vmem>> -> memref<128xi32, #tpu.memory_space<vmem>>
        %dma_wait3A_233 = arith.constant 0 : i32
        %dma_wait3A_234 = arith.constant 0 : i32
        %dma_wait3A_235 = tpu.memref_slice %arg8[%dma_wait3A_233, %dma_wait3A_234] : memref<100352x16xf32, #tpu.memory_space<vmem_shared>> -> memref<100352x16xf32, #tpu.memory_space<vmem_shared>>
        %dma_wait3A_236 = tpu.memref_slice %arg10[%sub3A_224] : memref<2x!tpu.dma_semaphore, #tpu.memory_space<semaphore_mem>> -> memref<1x!tpu.dma_semaphore, #tpu.memory_space<semaphore_mem>>
        %dma_wait3A_237 = tpu.memref_squeeze %dma_wait3A_236 : memref<1x!tpu.dma_semaphore, #tpu.memory_space<semaphore_mem>> -> memref<!tpu.dma_semaphore, #tpu.memory_space<semaphore_mem>>
        tpu.wait_indirect_dma semaphore(%dma_wait3A_237 : memref<!tpu.dma_semaphore, #tpu.memory_space<semaphore_mem>>) src(%arg7 : memref<128x16xf32, #tpu.memory_space<vmem>>) dst(%dma_wait3A_235 : memref<100352x16xf32, #tpu.memory_space<vmem_shared>>)
        %sub3A_238 = arith.constant 1 : i32
        %sub3A_239 = arith.subi %sub3A_238, %and3A_123 : i32
        %sub3A_240 = arith.constant 1 : i32
        %sub3A_241 = arith.subi %sub3A_240, %and3A_123 : i32
        %dma_wait3A_242 = arith.constant 1 : i32
        %dma_wait3A_243 = arith.constant 0 : i32
        %dma_wait3A_244 = arith.constant 0 : i32
        %dma_wait3A_245 = tpu.memref_slice %arg6[%sub3A_239, %dma_wait3A_243, %dma_wait3A_244] : memref<2x6x128xi32, #tpu.memory_space<vmem>> -> memref<1x6x128xi32, #tpu.memory_space<vmem>>
        %dma_wait3A_246 = tpu.memref_squeeze %dma_wait3A_245 : memref<1x6x128xi32, #tpu.memory_space<vmem>> -> memref<6x128xi32, #tpu.memory_space<vmem>>
        %dma_wait3A_247 = arith.constant 0 : i32
        %dma_wait3A_248 = tpu.memref_slice %dma_wait3A_246[%dma_wait3A_242, %dma_wait3A_247] : memref<6x128xi32, #tpu.memory_space<vmem>> -> memref<1x128xi32, #tpu.memory_space<vmem>>
        %dma_wait3A_249 = tpu.memref_squeeze %dma_wait3A_248 : memref<1x128xi32, #tpu.memory_space<vmem>> -> memref<128xi32, #tpu.memory_space<vmem>>
        %dma_wait3A_250 = arith.constant 0 : i32
        %dma_wait3A_251 = arith.constant 0 : i32
        %dma_wait3A_252 = tpu.memref_slice %arg8[%dma_wait3A_250, %dma_wait3A_251] : memref<100352x16xf32, #tpu.memory_space<vmem_shared>> -> memref<100352x16xf32, #tpu.memory_space<vmem_shared>>
        %dma_wait3A_253 = tpu.memref_slice %arg10[%sub3A_241] : memref<2x!tpu.dma_semaphore, #tpu.memory_space<semaphore_mem>> -> memref<1x!tpu.dma_semaphore, #tpu.memory_space<semaphore_mem>>
        %dma_wait3A_254 = tpu.memref_squeeze %dma_wait3A_253 : memref<1x!tpu.dma_semaphore, #tpu.memory_space<semaphore_mem>> -> memref<!tpu.dma_semaphore, #tpu.memory_space<semaphore_mem>>
        tpu.wait_indirect_dma semaphore(%dma_wait3A_254 : memref<!tpu.dma_semaphore, #tpu.memory_space<semaphore_mem>>) src(%arg7 : memref<128x16xf32, #tpu.memory_space<vmem>>) dst(%dma_wait3A_252 : memref<100352x16xf32, #tpu.memory_space<vmem_shared>>)
        %sub3A_255 = arith.constant 1 : i32
        %sub3A_256 = arith.subi %sub3A_255, %and3A_123 : i32
        %sub3A_257 = arith.constant 1 : i32
        %sub3A_258 = arith.subi %sub3A_257, %and3A_123 : i32
        %dma_wait3A_259 = arith.constant 2 : i32
        %dma_wait3A_260 = arith.constant 0 : i32
        %dma_wait3A_261 = arith.constant 0 : i32
        %dma_wait3A_262 = tpu.memref_slice %arg6[%sub3A_256, %dma_wait3A_260, %dma_wait3A_261] : memref<2x6x128xi32, #tpu.memory_space<vmem>> -> memref<1x6x128xi32, #tpu.memory_space<vmem>>
        %dma_wait3A_263 = tpu.memref_squeeze %dma_wait3A_262 : memref<1x6x128xi32, #tpu.memory_space<vmem>> -> memref<6x128xi32, #tpu.memory_space<vmem>>
        %dma_wait3A_264 = arith.constant 0 : i32
        %dma_wait3A_265 = tpu.memref_slice %dma_wait3A_263[%dma_wait3A_259, %dma_wait3A_264] : memref<6x128xi32, #tpu.memory_space<vmem>> -> memref<1x128xi32, #tpu.memory_space<vmem>>
        %dma_wait3A_266 = tpu.memref_squeeze %dma_wait3A_265 : memref<1x128xi32, #tpu.memory_space<vmem>> -> memref<128xi32, #tpu.memory_space<vmem>>
        %dma_wait3A_267 = arith.constant 0 : i32
        %dma_wait3A_268 = arith.constant 0 : i32
        %dma_wait3A_269 = tpu.memref_slice %arg8[%dma_wait3A_267, %dma_wait3A_268] : memref<100352x16xf32, #tpu.memory_space<vmem_shared>> -> memref<100352x16xf32, #tpu.memory_space<vmem_shared>>
        %dma_wait3A_270 = tpu.memref_slice %arg10[%sub3A_258] : memref<2x!tpu.dma_semaphore, #tpu.memory_space<semaphore_mem>> -> memref<1x!tpu.dma_semaphore, #tpu.memory_space<semaphore_mem>>
        %dma_wait3A_271 = tpu.memref_squeeze %dma_wait3A_270 : memref<1x!tpu.dma_semaphore, #tpu.memory_space<semaphore_mem>> -> memref<!tpu.dma_semaphore, #tpu.memory_space<semaphore_mem>>
        tpu.wait_indirect_dma semaphore(%dma_wait3A_271 : memref<!tpu.dma_semaphore, #tpu.memory_space<semaphore_mem>>) src(%arg7 : memref<128x16xf32, #tpu.memory_space<vmem>>) dst(%dma_wait3A_269 : memref<100352x16xf32, #tpu.memory_space<vmem_shared>>)
        %sub3A_272 = arith.constant 1 : i32
        %sub3A_273 = arith.subi %sub3A_272, %and3A_123 : i32
        %sub3A_274 = arith.constant 1 : i32
        %sub3A_275 = arith.subi %sub3A_274, %and3A_123 : i32
        %dma_wait3A_276 = arith.constant 3 : i32
        %dma_wait3A_277 = arith.constant 0 : i32
        %dma_wait3A_278 = arith.constant 0 : i32
        %dma_wait3A_279 = tpu.memref_slice %arg6[%sub3A_273, %dma_wait3A_277, %dma_wait3A_278] : memref<2x6x128xi32, #tpu.memory_space<vmem>> -> memref<1x6x128xi32, #tpu.memory_space<vmem>>
        %dma_wait3A_280 = tpu.memref_squeeze %dma_wait3A_279 : memref<1x6x128xi32, #tpu.memory_space<vmem>> -> memref<6x128xi32, #tpu.memory_space<vmem>>
        %dma_wait3A_281 = arith.constant 0 : i32
        %dma_wait3A_282 = tpu.memref_slice %dma_wait3A_280[%dma_wait3A_276, %dma_wait3A_281] : memref<6x128xi32, #tpu.memory_space<vmem>> -> memref<1x128xi32, #tpu.memory_space<vmem>>
        %dma_wait3A_283 = tpu.memref_squeeze %dma_wait3A_282 : memref<1x128xi32, #tpu.memory_space<vmem>> -> memref<128xi32, #tpu.memory_space<vmem>>
        %dma_wait3A_284 = arith.constant 0 : i32
        %dma_wait3A_285 = arith.constant 0 : i32
        %dma_wait3A_286 = tpu.memref_slice %arg8[%dma_wait3A_284, %dma_wait3A_285] : memref<100352x16xf32, #tpu.memory_space<vmem_shared>> -> memref<100352x16xf32, #tpu.memory_space<vmem_shared>>
        %dma_wait3A_287 = tpu.memref_slice %arg10[%sub3A_275] : memref<2x!tpu.dma_semaphore, #tpu.memory_space<semaphore_mem>> -> memref<1x!tpu.dma_semaphore, #tpu.memory_space<semaphore_mem>>
        %dma_wait3A_288 = tpu.memref_squeeze %dma_wait3A_287 : memref<1x!tpu.dma_semaphore, #tpu.memory_space<semaphore_mem>> -> memref<!tpu.dma_semaphore, #tpu.memory_space<semaphore_mem>>
        tpu.wait_indirect_dma semaphore(%dma_wait3A_288 : memref<!tpu.dma_semaphore, #tpu.memory_space<semaphore_mem>>) src(%arg7 : memref<128x16xf32, #tpu.memory_space<vmem>>) dst(%dma_wait3A_286 : memref<100352x16xf32, #tpu.memory_space<vmem_shared>>)
        %sub3A_289 = arith.constant 1 : i32
        %sub3A_290 = arith.subi %sub3A_289, %and3A_123 : i32
        %sub3A_291 = arith.constant 1 : i32
        %sub3A_292 = arith.subi %sub3A_291, %and3A_123 : i32
        %dma_wait3A_293 = arith.constant 4 : i32
        %dma_wait3A_294 = arith.constant 0 : i32
        %dma_wait3A_295 = arith.constant 0 : i32
        %dma_wait3A_296 = tpu.memref_slice %arg6[%sub3A_290, %dma_wait3A_294, %dma_wait3A_295] : memref<2x6x128xi32, #tpu.memory_space<vmem>> -> memref<1x6x128xi32, #tpu.memory_space<vmem>>
        %dma_wait3A_297 = tpu.memref_squeeze %dma_wait3A_296 : memref<1x6x128xi32, #tpu.memory_space<vmem>> -> memref<6x128xi32, #tpu.memory_space<vmem>>
        %dma_wait3A_298 = arith.constant 0 : i32
        %dma_wait3A_299 = tpu.memref_slice %dma_wait3A_297[%dma_wait3A_293, %dma_wait3A_298] : memref<6x128xi32, #tpu.memory_space<vmem>> -> memref<1x128xi32, #tpu.memory_space<vmem>>
        %dma_wait3A_300 = tpu.memref_squeeze %dma_wait3A_299 : memref<1x128xi32, #tpu.memory_space<vmem>> -> memref<128xi32, #tpu.memory_space<vmem>>
        %dma_wait3A_301 = arith.constant 0 : i32
        %dma_wait3A_302 = arith.constant 0 : i32
        %dma_wait3A_303 = tpu.memref_slice %arg8[%dma_wait3A_301, %dma_wait3A_302] : memref<100352x16xf32, #tpu.memory_space<vmem_shared>> -> memref<100352x16xf32, #tpu.memory_space<vmem_shared>>
        %dma_wait3A_304 = tpu.memref_slice %arg10[%sub3A_292] : memref<2x!tpu.dma_semaphore, #tpu.memory_space<semaphore_mem>> -> memref<1x!tpu.dma_semaphore, #tpu.memory_space<semaphore_mem>>
        %dma_wait3A_305 = tpu.memref_squeeze %dma_wait3A_304 : memref<1x!tpu.dma_semaphore, #tpu.memory_space<semaphore_mem>> -> memref<!tpu.dma_semaphore, #tpu.memory_space<semaphore_mem>>
        tpu.wait_indirect_dma semaphore(%dma_wait3A_305 : memref<!tpu.dma_semaphore, #tpu.memory_space<semaphore_mem>>) src(%arg7 : memref<128x16xf32, #tpu.memory_space<vmem>>) dst(%dma_wait3A_303 : memref<100352x16xf32, #tpu.memory_space<vmem_shared>>)
        %sub3A_306 = arith.constant 1 : i32
        %sub3A_307 = arith.subi %sub3A_306, %and3A_123 : i32
        %sub3A_308 = arith.constant 1 : i32
        %sub3A_309 = arith.subi %sub3A_308, %and3A_123 : i32
        %dma_wait3A_310 = arith.constant 5 : i32
        %dma_wait3A_311 = arith.constant 0 : i32
        %dma_wait3A_312 = arith.constant 0 : i32
        %dma_wait3A_313 = tpu.memref_slice %arg6[%sub3A_307, %dma_wait3A_311, %dma_wait3A_312] : memref<2x6x128xi32, #tpu.memory_space<vmem>> -> memref<1x6x128xi32, #tpu.memory_space<vmem>>
        %dma_wait3A_314 = tpu.memref_squeeze %dma_wait3A_313 : memref<1x6x128xi32, #tpu.memory_space<vmem>> -> memref<6x128xi32, #tpu.memory_space<vmem>>
        %dma_wait3A_315 = arith.constant 0 : i32
        %dma_wait3A_316 = tpu.memref_slice %dma_wait3A_314[%dma_wait3A_310, %dma_wait3A_315] : memref<6x128xi32, #tpu.memory_space<vmem>> -> memref<1x128xi32, #tpu.memory_space<vmem>>
        %dma_wait3A_317 = tpu.memref_squeeze %dma_wait3A_316 : memref<1x128xi32, #tpu.memory_space<vmem>> -> memref<128xi32, #tpu.memory_space<vmem>>
        %dma_wait3A_318 = arith.constant 0 : i32
        %dma_wait3A_319 = arith.constant 0 : i32
        %dma_wait3A_320 = tpu.memref_slice %arg8[%dma_wait3A_318, %dma_wait3A_319] : memref<100352x16xf32, #tpu.memory_space<vmem_shared>> -> memref<100352x16xf32, #tpu.memory_space<vmem_shared>>
        %dma_wait3A_321 = tpu.memref_slice %arg10[%sub3A_309] : memref<2x!tpu.dma_semaphore, #tpu.memory_space<semaphore_mem>> -> memref<1x!tpu.dma_semaphore, #tpu.memory_space<semaphore_mem>>
        %dma_wait3A_322 = tpu.memref_squeeze %dma_wait3A_321 : memref<1x!tpu.dma_semaphore, #tpu.memory_space<semaphore_mem>> -> memref<!tpu.dma_semaphore, #tpu.memory_space<semaphore_mem>>
        tpu.wait_indirect_dma semaphore(%dma_wait3A_322 : memref<!tpu.dma_semaphore, #tpu.memory_space<semaphore_mem>>) src(%arg7 : memref<128x16xf32, #tpu.memory_space<vmem>>) dst(%dma_wait3A_320 : memref<100352x16xf32, #tpu.memory_space<vmem_shared>>)
      } else {
      }
      %add3A_216 = arith.constant 1 : i32
      %add3A_217 = arith.addi %add3A_122, %add3A_216 : i32
      %lt3A = arith.constant 66 : i32
      %lt3A_218 = arith.cmpi slt, %add3A_217, %lt3A : i32
      %convert_element_type3A_219 = arith.extui %lt3A_218 : i1 to i32
      %cond3A_220 = arith.constant 0 : i32
      %cond3A_221 = arith.cmpi ne, %convert_element_type3A_219, %cond3A_220 : i32
      scf.if %cond3A_221 {
        %add3A_222 = arith.constant 1 : i32
        %add3A_223 = arith.addi %add3A_122, %add3A_222 : i32
        %mul3A_224 = arith.constant 6 : i32
        %mul3A_225 = arith.muli %add3A_223, %mul3A_224 : i32
        %add3A_226 = arith.addi %mul3A_4, %mul3A_225 : i32
        %sub3A = arith.constant 1 : i32
        %sub3A_227 = arith.subi %sub3A, %and3A_123 : i32
        %dma_start3A_228 = arith.constant 0 : i32
        %dma_start3A_229 = arith.constant 0 : i32
        %dma_start3A_230 = tpu.memref_slice %arg6[%sub3A_227, %dma_start3A_228, %dma_start3A_229] : memref<2x6x128xi32, #tpu.memory_space<vmem>> -> memref<1x6x128xi32, #tpu.memory_space<vmem>>
        %dma_start3A_231 = tpu.memref_squeeze %dma_start3A_230 : memref<1x6x128xi32, #tpu.memory_space<vmem>> -> memref<6x128xi32, #tpu.memory_space<vmem>>
        %dma_start3A_232 = arith.constant 0 : i32
        %dma_start3A_233 = tpu.memref_slice %arg2[%add3A_226, %dma_start3A_232] : memref<12672x128xi32, #tpu.memory_space<hbm>> -> memref<6x128xi32, #tpu.memory_space<hbm>>
        %dma_start3A_234 = arith.constant 0 : i32
        %dma_start3A_235 = arith.constant 0 : i32
        %dma_start3A_236 = tpu.memref_slice %arg6[%sub3A_227, %dma_start3A_234, %dma_start3A_235] : memref<2x6x128xi32, #tpu.memory_space<vmem>> -> memref<1x6x128xi32, #tpu.memory_space<vmem>>
        %dma_start3A_237 = tpu.memref_squeeze %dma_start3A_236 : memref<1x6x128xi32, #tpu.memory_space<vmem>> -> memref<6x128xi32, #tpu.memory_space<vmem>>
        %dma_start3A_238 = arith.constant 0 : i32
        %dma_start3A_239 = tpu.memref_slice %arg2[%add3A_226, %dma_start3A_238] : memref<12672x128xi32, #tpu.memory_space<hbm>> -> memref<6x128xi32, #tpu.memory_space<hbm>>
        tpu.enqueue_dma source(%dma_start3A_239 : memref<6x128xi32, #tpu.memory_space<hbm>>) target(%dma_start3A_237 : memref<6x128xi32, #tpu.memory_space<vmem>>) target_semaphore(%arg9 : memref<!tpu.dma_semaphore, #tpu.memory_space<semaphore_mem>>)
      } else {
      }
    }
    %scan3A_20 = arith.constant 66 : i32
    %dma_wait3A = arith.constant 1 : i32
    %dma_wait3A_21 = arith.constant 0 : i32
    %dma_wait3A_22 = arith.constant 1 : i32
    %dma_wait3A_23 = arith.constant 0 : i32
    %dma_wait3A_24 = arith.constant 0 : i32
    %dma_wait3A_25 = tpu.memref_slice %arg6[%dma_wait3A, %dma_wait3A_23, %dma_wait3A_24] : memref<2x6x128xi32, #tpu.memory_space<vmem>> -> memref<1x6x128xi32, #tpu.memory_space<vmem>>
    %dma_wait3A_26 = tpu.memref_squeeze %dma_wait3A_25 : memref<1x6x128xi32, #tpu.memory_space<vmem>> -> memref<6x128xi32, #tpu.memory_space<vmem>>
    %dma_wait3A_27 = arith.constant 0 : i32
    %dma_wait3A_28 = tpu.memref_slice %dma_wait3A_26[%dma_wait3A_21, %dma_wait3A_27] : memref<6x128xi32, #tpu.memory_space<vmem>> -> memref<1x128xi32, #tpu.memory_space<vmem>>
    %dma_wait3A_29 = tpu.memref_squeeze %dma_wait3A_28 : memref<1x128xi32, #tpu.memory_space<vmem>> -> memref<128xi32, #tpu.memory_space<vmem>>
    %dma_wait3A_30 = arith.constant 0 : i32
    %dma_wait3A_31 = arith.constant 0 : i32
    %dma_wait3A_32 = tpu.memref_slice %arg8[%dma_wait3A_30, %dma_wait3A_31] : memref<100352x16xf32, #tpu.memory_space<vmem_shared>> -> memref<100352x16xf32, #tpu.memory_space<vmem_shared>>
    %dma_wait3A_33 = tpu.memref_slice %arg10[%dma_wait3A_22] : memref<2x!tpu.dma_semaphore, #tpu.memory_space<semaphore_mem>> -> memref<1x!tpu.dma_semaphore, #tpu.memory_space<semaphore_mem>>
    %dma_wait3A_34 = tpu.memref_squeeze %dma_wait3A_33 : memref<1x!tpu.dma_semaphore, #tpu.memory_space<semaphore_mem>> -> memref<!tpu.dma_semaphore, #tpu.memory_space<semaphore_mem>>
    tpu.wait_indirect_dma semaphore(%dma_wait3A_34 : memref<!tpu.dma_semaphore, #tpu.memory_space<semaphore_mem>>) src(%arg7 : memref<128x16xf32, #tpu.memory_space<vmem>>) dst(%dma_wait3A_32 : memref<100352x16xf32, #tpu.memory_space<vmem_shared>>)
    %dma_wait3A_35 = arith.constant 1 : i32
    %dma_wait3A_36 = arith.constant 1 : i32
    %dma_wait3A_37 = arith.constant 1 : i32
    %dma_wait3A_38 = arith.constant 0 : i32
    %dma_wait3A_39 = arith.constant 0 : i32
    %dma_wait3A_40 = tpu.memref_slice %arg6[%dma_wait3A_35, %dma_wait3A_38, %dma_wait3A_39] : memref<2x6x128xi32, #tpu.memory_space<vmem>> -> memref<1x6x128xi32, #tpu.memory_space<vmem>>
    %dma_wait3A_41 = tpu.memref_squeeze %dma_wait3A_40 : memref<1x6x128xi32, #tpu.memory_space<vmem>> -> memref<6x128xi32, #tpu.memory_space<vmem>>
    %dma_wait3A_42 = arith.constant 0 : i32
    %dma_wait3A_43 = tpu.memref_slice %dma_wait3A_41[%dma_wait3A_36, %dma_wait3A_42] : memref<6x128xi32, #tpu.memory_space<vmem>> -> memref<1x128xi32, #tpu.memory_space<vmem>>
    %dma_wait3A_44 = tpu.memref_squeeze %dma_wait3A_43 : memref<1x128xi32, #tpu.memory_space<vmem>> -> memref<128xi32, #tpu.memory_space<vmem>>
    %dma_wait3A_45 = arith.constant 0 : i32
    %dma_wait3A_46 = arith.constant 0 : i32
    %dma_wait3A_47 = tpu.memref_slice %arg8[%dma_wait3A_45, %dma_wait3A_46] : memref<100352x16xf32, #tpu.memory_space<vmem_shared>> -> memref<100352x16xf32, #tpu.memory_space<vmem_shared>>
    %dma_wait3A_48 = tpu.memref_slice %arg10[%dma_wait3A_37] : memref<2x!tpu.dma_semaphore, #tpu.memory_space<semaphore_mem>> -> memref<1x!tpu.dma_semaphore, #tpu.memory_space<semaphore_mem>>
    %dma_wait3A_49 = tpu.memref_squeeze %dma_wait3A_48 : memref<1x!tpu.dma_semaphore, #tpu.memory_space<semaphore_mem>> -> memref<!tpu.dma_semaphore, #tpu.memory_space<semaphore_mem>>
    tpu.wait_indirect_dma semaphore(%dma_wait3A_49 : memref<!tpu.dma_semaphore, #tpu.memory_space<semaphore_mem>>) src(%arg7 : memref<128x16xf32, #tpu.memory_space<vmem>>) dst(%dma_wait3A_47 : memref<100352x16xf32, #tpu.memory_space<vmem_shared>>)
    %dma_wait3A_50 = arith.constant 1 : i32
    %dma_wait3A_51 = arith.constant 2 : i32
    %dma_wait3A_52 = arith.constant 1 : i32
    %dma_wait3A_53 = arith.constant 0 : i32
    %dma_wait3A_54 = arith.constant 0 : i32
    %dma_wait3A_55 = tpu.memref_slice %arg6[%dma_wait3A_50, %dma_wait3A_53, %dma_wait3A_54] : memref<2x6x128xi32, #tpu.memory_space<vmem>> -> memref<1x6x128xi32, #tpu.memory_space<vmem>>
    %dma_wait3A_56 = tpu.memref_squeeze %dma_wait3A_55 : memref<1x6x128xi32, #tpu.memory_space<vmem>> -> memref<6x128xi32, #tpu.memory_space<vmem>>
    %dma_wait3A_57 = arith.constant 0 : i32
    %dma_wait3A_58 = tpu.memref_slice %dma_wait3A_56[%dma_wait3A_51, %dma_wait3A_57] : memref<6x128xi32, #tpu.memory_space<vmem>> -> memref<1x128xi32, #tpu.memory_space<vmem>>
    %dma_wait3A_59 = tpu.memref_squeeze %dma_wait3A_58 : memref<1x128xi32, #tpu.memory_space<vmem>> -> memref<128xi32, #tpu.memory_space<vmem>>
    %dma_wait3A_60 = arith.constant 0 : i32
    %dma_wait3A_61 = arith.constant 0 : i32
    %dma_wait3A_62 = tpu.memref_slice %arg8[%dma_wait3A_60, %dma_wait3A_61] : memref<100352x16xf32, #tpu.memory_space<vmem_shared>> -> memref<100352x16xf32, #tpu.memory_space<vmem_shared>>
    %dma_wait3A_63 = tpu.memref_slice %arg10[%dma_wait3A_52] : memref<2x!tpu.dma_semaphore, #tpu.memory_space<semaphore_mem>> -> memref<1x!tpu.dma_semaphore, #tpu.memory_space<semaphore_mem>>
    %dma_wait3A_64 = tpu.memref_squeeze %dma_wait3A_63 : memref<1x!tpu.dma_semaphore, #tpu.memory_space<semaphore_mem>> -> memref<!tpu.dma_semaphore, #tpu.memory_space<semaphore_mem>>
    tpu.wait_indirect_dma semaphore(%dma_wait3A_64 : memref<!tpu.dma_semaphore, #tpu.memory_space<semaphore_mem>>) src(%arg7 : memref<128x16xf32, #tpu.memory_space<vmem>>) dst(%dma_wait3A_62 : memref<100352x16xf32, #tpu.memory_space<vmem_shared>>)
    %dma_wait3A_65 = arith.constant 1 : i32
    %dma_wait3A_66 = arith.constant 3 : i32
    %dma_wait3A_67 = arith.constant 1 : i32
    %dma_wait3A_68 = arith.constant 0 : i32
    %dma_wait3A_69 = arith.constant 0 : i32
    %dma_wait3A_70 = tpu.memref_slice %arg6[%dma_wait3A_65, %dma_wait3A_68, %dma_wait3A_69] : memref<2x6x128xi32, #tpu.memory_space<vmem>> -> memref<1x6x128xi32, #tpu.memory_space<vmem>>
    %dma_wait3A_71 = tpu.memref_squeeze %dma_wait3A_70 : memref<1x6x128xi32, #tpu.memory_space<vmem>> -> memref<6x128xi32, #tpu.memory_space<vmem>>
    %dma_wait3A_72 = arith.constant 0 : i32
    %dma_wait3A_73 = tpu.memref_slice %dma_wait3A_71[%dma_wait3A_66, %dma_wait3A_72] : memref<6x128xi32, #tpu.memory_space<vmem>> -> memref<1x128xi32, #tpu.memory_space<vmem>>
    %dma_wait3A_74 = tpu.memref_squeeze %dma_wait3A_73 : memref<1x128xi32, #tpu.memory_space<vmem>> -> memref<128xi32, #tpu.memory_space<vmem>>
    %dma_wait3A_75 = arith.constant 0 : i32
    %dma_wait3A_76 = arith.constant 0 : i32
    %dma_wait3A_77 = tpu.memref_slice %arg8[%dma_wait3A_75, %dma_wait3A_76] : memref<100352x16xf32, #tpu.memory_space<vmem_shared>> -> memref<100352x16xf32, #tpu.memory_space<vmem_shared>>
    %dma_wait3A_78 = tpu.memref_slice %arg10[%dma_wait3A_67] : memref<2x!tpu.dma_semaphore, #tpu.memory_space<semaphore_mem>> -> memref<1x!tpu.dma_semaphore, #tpu.memory_space<semaphore_mem>>
    %dma_wait3A_79 = tpu.memref_squeeze %dma_wait3A_78 : memref<1x!tpu.dma_semaphore, #tpu.memory_space<semaphore_mem>> -> memref<!tpu.dma_semaphore, #tpu.memory_space<semaphore_mem>>
    tpu.wait_indirect_dma semaphore(%dma_wait3A_79 : memref<!tpu.dma_semaphore, #tpu.memory_space<semaphore_mem>>) src(%arg7 : memref<128x16xf32, #tpu.memory_space<vmem>>) dst(%dma_wait3A_77 : memref<100352x16xf32, #tpu.memory_space<vmem_shared>>)
    %dma_wait3A_80 = arith.constant 1 : i32
    %dma_wait3A_81 = arith.constant 4 : i32
    %dma_wait3A_82 = arith.constant 1 : i32
    %dma_wait3A_83 = arith.constant 0 : i32
    %dma_wait3A_84 = arith.constant 0 : i32
    %dma_wait3A_85 = tpu.memref_slice %arg6[%dma_wait3A_80, %dma_wait3A_83, %dma_wait3A_84] : memref<2x6x128xi32, #tpu.memory_space<vmem>> -> memref<1x6x128xi32, #tpu.memory_space<vmem>>
    %dma_wait3A_86 = tpu.memref_squeeze %dma_wait3A_85 : memref<1x6x128xi32, #tpu.memory_space<vmem>> -> memref<6x128xi32, #tpu.memory_space<vmem>>
    %dma_wait3A_87 = arith.constant 0 : i32
    %dma_wait3A_88 = tpu.memref_slice %dma_wait3A_86[%dma_wait3A_81, %dma_wait3A_87] : memref<6x128xi32, #tpu.memory_space<vmem>> -> memref<1x128xi32, #tpu.memory_space<vmem>>
    %dma_wait3A_89 = tpu.memref_squeeze %dma_wait3A_88 : memref<1x128xi32, #tpu.memory_space<vmem>> -> memref<128xi32, #tpu.memory_space<vmem>>
    %dma_wait3A_90 = arith.constant 0 : i32
    %dma_wait3A_91 = arith.constant 0 : i32
    %dma_wait3A_92 = tpu.memref_slice %arg8[%dma_wait3A_90, %dma_wait3A_91] : memref<100352x16xf32, #tpu.memory_space<vmem_shared>> -> memref<100352x16xf32, #tpu.memory_space<vmem_shared>>
    %dma_wait3A_93 = tpu.memref_slice %arg10[%dma_wait3A_82] : memref<2x!tpu.dma_semaphore, #tpu.memory_space<semaphore_mem>> -> memref<1x!tpu.dma_semaphore, #tpu.memory_space<semaphore_mem>>
    %dma_wait3A_94 = tpu.memref_squeeze %dma_wait3A_93 : memref<1x!tpu.dma_semaphore, #tpu.memory_space<semaphore_mem>> -> memref<!tpu.dma_semaphore, #tpu.memory_space<semaphore_mem>>
    tpu.wait_indirect_dma semaphore(%dma_wait3A_94 : memref<!tpu.dma_semaphore, #tpu.memory_space<semaphore_mem>>) src(%arg7 : memref<128x16xf32, #tpu.memory_space<vmem>>) dst(%dma_wait3A_92 : memref<100352x16xf32, #tpu.memory_space<vmem_shared>>)
    %dma_wait3A_95 = arith.constant 1 : i32
    %dma_wait3A_96 = arith.constant 5 : i32
    %dma_wait3A_97 = arith.constant 1 : i32
    %dma_wait3A_98 = arith.constant 0 : i32
    %dma_wait3A_99 = arith.constant 0 : i32
    %dma_wait3A_100 = tpu.memref_slice %arg6[%dma_wait3A_95, %dma_wait3A_98, %dma_wait3A_99] : memref<2x6x128xi32, #tpu.memory_space<vmem>> -> memref<1x6x128xi32, #tpu.memory_space<vmem>>
    %dma_wait3A_101 = tpu.memref_squeeze %dma_wait3A_100 : memref<1x6x128xi32, #tpu.memory_space<vmem>> -> memref<6x128xi32, #tpu.memory_space<vmem>>
    %dma_wait3A_102 = arith.constant 0 : i32
    %dma_wait3A_103 = tpu.memref_slice %dma_wait3A_101[%dma_wait3A_96, %dma_wait3A_102] : memref<6x128xi32, #tpu.memory_space<vmem>> -> memref<1x128xi32, #tpu.memory_space<vmem>>
    %dma_wait3A_104 = tpu.memref_squeeze %dma_wait3A_103 : memref<1x128xi32, #tpu.memory_space<vmem>> -> memref<128xi32, #tpu.memory_space<vmem>>
    %dma_wait3A_105 = arith.constant 0 : i32
    %dma_wait3A_106 = arith.constant 0 : i32
    %dma_wait3A_107 = tpu.memref_slice %arg8[%dma_wait3A_105, %dma_wait3A_106] : memref<100352x16xf32, #tpu.memory_space<vmem_shared>> -> memref<100352x16xf32, #tpu.memory_space<vmem_shared>>
    %dma_wait3A_108 = tpu.memref_slice %arg10[%dma_wait3A_97] : memref<2x!tpu.dma_semaphore, #tpu.memory_space<semaphore_mem>> -> memref<1x!tpu.dma_semaphore, #tpu.memory_space<semaphore_mem>>
    %dma_wait3A_109 = tpu.memref_squeeze %dma_wait3A_108 : memref<1x!tpu.dma_semaphore, #tpu.memory_space<semaphore_mem>> -> memref<!tpu.dma_semaphore, #tpu.memory_space<semaphore_mem>>
    tpu.wait_indirect_dma semaphore(%dma_wait3A_109 : memref<!tpu.dma_semaphore, #tpu.memory_space<semaphore_mem>>) src(%arg7 : memref<128x16xf32, #tpu.memory_space<vmem>>) dst(%dma_wait3A_107 : memref<100352x16xf32, #tpu.memory_space<vmem_shared>>)
    %barrier3A_110 = arith.constant 0 : index
    tpu.barrier barrier_id(%barrier3A_110)
    %mul3A_111 = arith.constant 6272 : i32
    %mul3A_112 = arith.muli %arg1, %mul3A_111 : i32
    %mul3A_113 = arith.constant 100352 : i32
    %mul3A_114 = arith.muli %arg0, %mul3A_113 : i32
    %mul3A_115 = arith.constant 6272 : i32
    %mul3A_116 = arith.muli %arg1, %mul3A_115 : i32
    %add3A_117 = arith.addi %mul3A_114, %mul3A_116 : i32
    "tpu.region"() ({
      %run_scoped3A = tpu.sem_alloc : memref<!tpu.dma_semaphore, #tpu.memory_space<semaphore_mem>>
      %dma_start3A_118 = arith.constant 0 : i32
      %dma_start3A_119 = tpu.memref_slice %arg5[%add3A_117, %dma_start3A_118] : memref<200704x16xf32, #tpu.memory_space<hbm>> -> memref<6272x16xf32, #tpu.memory_space<hbm>>
      %dma_start3A_120 = arith.constant 0 : i32
      %dma_start3A_121 = tpu.memref_slice %arg8[%mul3A_112, %dma_start3A_120] : memref<100352x16xf32, #tpu.memory_space<vmem_shared>> -> memref<6272x16xf32, #tpu.memory_space<vmem_shared>>
      tpu.enqueue_dma source(%dma_start3A_121 : memref<6272x16xf32, #tpu.memory_space<vmem_shared>>) target(%dma_start3A_119 : memref<6272x16xf32, #tpu.memory_space<hbm>>) target_semaphore(%run_scoped3A : memref<!tpu.dma_semaphore, #tpu.memory_space<semaphore_mem>>)
      %dma_wait3A_122 = arith.constant 0 : i32
      %dma_wait3A_123 = tpu.memref_slice %arg5[%add3A_117, %dma_wait3A_122] : memref<200704x16xf32, #tpu.memory_space<hbm>> -> memref<6272x16xf32, #tpu.memory_space<hbm>>
      %dma_wait3A_124 = arith.constant 0 : i32
      %dma_wait3A_125 = tpu.memref_slice %arg8[%mul3A_112, %dma_wait3A_124] : memref<100352x16xf32, #tpu.memory_space<vmem_shared>> -> memref<6272x16xf32, #tpu.memory_space<vmem_shared>>
      tpu.wait_dma2 semaphore(%run_scoped3A : memref<!tpu.dma_semaphore, #tpu.memory_space<semaphore_mem>>) src(%dma_wait3A_125 : memref<6272x16xf32, #tpu.memory_space<vmem_shared>>) dst(%dma_wait3A_123 : memref<6272x16xf32, #tpu.memory_space<hbm>>)
      tpu.yield
    }) : () -> ()
    return
  }
}

#map = affine_map<(d0, d1) -> (0, 0)>
module attributes {stable_mosaic.version = 14 : i64} {
  func.func @k(%arg0: i32, %arg1: i32, %arg2: memref<12672x128xi32, #tpu.memory_space<hbm>>, %arg3: memref<12672x128xi32, #tpu.memory_space<hbm>>, %arg4: memref<100352x16xf32, #tpu.memory_space<hbm>>, %arg5: memref<100352x16xf32, #tpu.memory_space<hbm>>, %arg6: memref<6272x16xf32, #tpu.memory_space<hbm>>, %arg7: memref<200704x16xf32, #tpu.memory_space<hbm>>, %arg8: memref<2x6x128xi32, #tpu.memory_space<vmem>>, %arg9: memref<2x6x128xi32, #tpu.memory_space<vmem>>, %arg10: memref<2x6x128x16xf32, #tpu.memory_space<vmem>>, %arg11: memref<100352x16xf32, #tpu.memory_space<vmem_shared>>, %arg12: memref<!tpu.dma_semaphore, #tpu.memory_space<semaphore_mem>>, %arg13: memref<6x!tpu.dma_semaphore, #tpu.memory_space<semaphore_mem>>, %arg14: memref<2x!tpu.dma_semaphore, #tpu.memory_space<semaphore_mem>>) attributes {dimension_semantics = [#tpu.dimension_semantics<core_parallel>, #tpu.dimension_semantics<subcore_parallel>], iteration_bounds = array<i64: 2, 16>, scalar_prefetch = 0 : i64, scratch_operands = 7 : i64, tpu.core_type = #tpu.core_type<sc_vector_subcore>, window_params = [{transform_indices = #map}, {transform_indices = #map}, {transform_indices = #map}, {transform_indices = #map}, {transform_indices = #map}, {transform_indices = #map}]} {
    %mul3A = arith.constant 6272 : i32
    %mul3A_0 = arith.muli %arg1, %mul3A : i32
    "tpu.region"() ({
      %run_scoped3A = tpu.sem_alloc : memref<!tpu.dma_semaphore, #tpu.memory_space<semaphore_mem>>
      %dma_start3A = arith.constant 0 : i32
      %dma_start3A_17 = tpu.memref_slice %arg11[%mul3A_0, %dma_start3A] : memref<100352x16xf32, #tpu.memory_space<vmem_shared>> -> memref<6272x16xf32, #tpu.memory_space<vmem_shared>>
      tpu.enqueue_dma source(%arg6 : memref<6272x16xf32, #tpu.memory_space<hbm>>) target(%dma_start3A_17 : memref<6272x16xf32, #tpu.memory_space<vmem_shared>>) target_semaphore(%run_scoped3A : memref<!tpu.dma_semaphore, #tpu.memory_space<semaphore_mem>>)
      %dma_wait3A = arith.constant 0 : i32
      %dma_wait3A_18 = tpu.memref_slice %arg11[%mul3A_0, %dma_wait3A] : memref<100352x16xf32, #tpu.memory_space<vmem_shared>> -> memref<6272x16xf32, #tpu.memory_space<vmem_shared>>
      tpu.wait_dma2 semaphore(%run_scoped3A : memref<!tpu.dma_semaphore, #tpu.memory_space<semaphore_mem>>) src(%arg6 : memref<6272x16xf32, #tpu.memory_space<hbm>>) dst(%dma_wait3A_18 : memref<6272x16xf32, #tpu.memory_space<vmem_shared>>)
      tpu.yield
    }) : () -> ()
    %barrier3A = arith.constant 0 : index
    tpu.barrier barrier_id(%barrier3A)
    %mul3A_1 = arith.constant 792 : i32
    %mul3A_2 = arith.muli %arg1, %mul3A_1 : i32
    %eq3A = arith.constant 0 : i32
    %eq3A_3 = arith.cmpi eq, %arg0, %eq3A : i32
    %convert_element_type3A = arith.extui %eq3A_3 : i1 to i32
    %cond3A = arith.constant 0 : i32
    %cond3A_4 = arith.cmpi ne, %convert_element_type3A, %cond3A : i32
    scf.if %cond3A_4 {
      %dma_start3A = arith.constant 0 : i32
      %dma_start3A_17 = arith.constant 0 : i32
      %dma_start3A_18 = arith.constant 0 : i32
      %dma_start3A_19 = tpu.memref_slice %arg8[%dma_start3A, %dma_start3A_17, %dma_start3A_18] : memref<2x6x128xi32, #tpu.memory_space<vmem>> -> memref<1x6x128xi32, #tpu.memory_space<vmem>>
      %dma_start3A_20 = tpu.memref_squeeze %dma_start3A_19 : memref<1x6x128xi32, #tpu.memory_space<vmem>> -> memref<6x128xi32, #tpu.memory_space<vmem>>
      %dma_start3A_21 = arith.constant 0 : i32
      %dma_start3A_22 = tpu.memref_slice %arg2[%mul3A_2, %dma_start3A_21] : memref<12672x128xi32, #tpu.memory_space<hbm>> -> memref<6x128xi32, #tpu.memory_space<hbm>>
      %dma_start3A_23 = arith.constant 0 : i32
      %dma_start3A_24 = arith.constant 0 : i32
      %dma_start3A_25 = tpu.memref_slice %arg8[%dma_start3A, %dma_start3A_23, %dma_start3A_24] : memref<2x6x128xi32, #tpu.memory_space<vmem>> -> memref<1x6x128xi32, #tpu.memory_space<vmem>>
      %dma_start3A_26 = tpu.memref_squeeze %dma_start3A_25 : memref<1x6x128xi32, #tpu.memory_space<vmem>> -> memref<6x128xi32, #tpu.memory_space<vmem>>
      %dma_start3A_27 = arith.constant 0 : i32
      %dma_start3A_28 = tpu.memref_slice %arg2[%mul3A_2, %dma_start3A_27] : memref<12672x128xi32, #tpu.memory_space<hbm>> -> memref<6x128xi32, #tpu.memory_space<hbm>>
      tpu.enqueue_dma source(%dma_start3A_28 : memref<6x128xi32, #tpu.memory_space<hbm>>) target(%dma_start3A_26 : memref<6x128xi32, #tpu.memory_space<vmem>>) target_semaphore(%arg12 : memref<!tpu.dma_semaphore, #tpu.memory_space<semaphore_mem>>)
      %dma_start3A_29 = arith.constant 0 : i32
      %dma_start3A_30 = arith.constant 0 : i32
      %dma_start3A_31 = arith.constant 0 : i32
      %dma_start3A_32 = tpu.memref_slice %arg9[%dma_start3A_29, %dma_start3A_30, %dma_start3A_31] : memref<2x6x128xi32, #tpu.memory_space<vmem>> -> memref<1x6x128xi32, #tpu.memory_space<vmem>>
      %dma_start3A_33 = tpu.memref_squeeze %dma_start3A_32 : memref<1x6x128xi32, #tpu.memory_space<vmem>> -> memref<6x128xi32, #tpu.memory_space<vmem>>
      %dma_start3A_34 = arith.constant 0 : i32
      %dma_start3A_35 = tpu.memref_slice %arg3[%mul3A_2, %dma_start3A_34] : memref<12672x128xi32, #tpu.memory_space<hbm>> -> memref<6x128xi32, #tpu.memory_space<hbm>>
      %dma_start3A_36 = arith.constant 0 : i32
      %dma_start3A_37 = arith.constant 0 : i32
      %dma_start3A_38 = tpu.memref_slice %arg9[%dma_start3A_29, %dma_start3A_36, %dma_start3A_37] : memref<2x6x128xi32, #tpu.memory_space<vmem>> -> memref<1x6x128xi32, #tpu.memory_space<vmem>>
      %dma_start3A_39 = tpu.memref_squeeze %dma_start3A_38 : memref<1x6x128xi32, #tpu.memory_space<vmem>> -> memref<6x128xi32, #tpu.memory_space<vmem>>
      %dma_start3A_40 = arith.constant 0 : i32
      %dma_start3A_41 = tpu.memref_slice %arg3[%mul3A_2, %dma_start3A_40] : memref<12672x128xi32, #tpu.memory_space<hbm>> -> memref<6x128xi32, #tpu.memory_space<hbm>>
      tpu.enqueue_dma source(%dma_start3A_41 : memref<6x128xi32, #tpu.memory_space<hbm>>) target(%dma_start3A_39 : memref<6x128xi32, #tpu.memory_space<vmem>>) target_semaphore(%arg12 : memref<!tpu.dma_semaphore, #tpu.memory_space<semaphore_mem>>)
      %scan3A = arith.constant 0 : i32
      %scan3A_42 = arith.constant 132 : i32
      %scan3A_43 = arith.addi %scan3A, %scan3A_42 : i32
      %scan3A_44 = arith.constant 1 : i32
      scf.for %scan3A_201 = %scan3A to %scan3A_43 step %scan3A_44  : i32 {
        %mul3A_202 = arith.constant 1 : i32
        %mul3A_203 = arith.muli %scan3A_201, %mul3A_202 : i32
        %add3A_204 = arith.constant 0 : i32
        %add3A_205 = arith.addi %add3A_204, %mul3A_203 : i32
        %and3A = arith.constant 1 : i32
        %and3A_206 = arith.andi %add3A_205, %and3A : i32
        %dma_wait3A_207 = arith.constant 0 : i32
        %dma_wait3A_208 = arith.constant 0 : i32
        %dma_wait3A_209 = tpu.memref_slice %arg8[%and3A_206, %dma_wait3A_207, %dma_wait3A_208] : memref<2x6x128xi32, #tpu.memory_space<vmem>> -> memref<1x6x128xi32, #tpu.memory_space<vmem>>
        %dma_wait3A_210 = tpu.memref_squeeze %dma_wait3A_209 : memref<1x6x128xi32, #tpu.memory_space<vmem>> -> memref<6x128xi32, #tpu.memory_space<vmem>>
        %dma_wait3A_211 = arith.constant 0 : i32
        %dma_wait3A_212 = tpu.memref_slice %arg2[%mul3A_2, %dma_wait3A_211] : memref<12672x128xi32, #tpu.memory_space<hbm>> -> memref<6x128xi32, #tpu.memory_space<hbm>>
        %dma_wait3A_213 = arith.constant 0 : i32
        %dma_wait3A_214 = arith.constant 0 : i32
        %dma_wait3A_215 = tpu.memref_slice %arg8[%and3A_206, %dma_wait3A_213, %dma_wait3A_214] : memref<2x6x128xi32, #tpu.memory_space<vmem>> -> memref<1x6x128xi32, #tpu.memory_space<vmem>>
        %dma_wait3A_216 = tpu.memref_squeeze %dma_wait3A_215 : memref<1x6x128xi32, #tpu.memory_space<vmem>> -> memref<6x128xi32, #tpu.memory_space<vmem>>
        %dma_wait3A_217 = arith.constant 0 : i32
        %dma_wait3A_218 = tpu.memref_slice %arg2[%mul3A_2, %dma_wait3A_217] : memref<12672x128xi32, #tpu.memory_space<hbm>> -> memref<6x128xi32, #tpu.memory_space<hbm>>
        tpu.wait_dma2 semaphore(%arg12 : memref<!tpu.dma_semaphore, #tpu.memory_space<semaphore_mem>>) src(%dma_wait3A_218 : memref<6x128xi32, #tpu.memory_space<hbm>>) dst(%dma_wait3A_216 : memref<6x128xi32, #tpu.memory_space<vmem>>)
        %dma_wait3A_219 = arith.constant 0 : i32
        %dma_wait3A_220 = arith.constant 0 : i32
        %dma_wait3A_221 = tpu.memref_slice %arg9[%and3A_206, %dma_wait3A_219, %dma_wait3A_220] : memref<2x6x128xi32, #tpu.memory_space<vmem>> -> memref<1x6x128xi32, #tpu.memory_space<vmem>>
        %dma_wait3A_222 = tpu.memref_squeeze %dma_wait3A_221 : memref<1x6x128xi32, #tpu.memory_space<vmem>> -> memref<6x128xi32, #tpu.memory_space<vmem>>
        %dma_wait3A_223 = arith.constant 0 : i32
        %dma_wait3A_224 = tpu.memref_slice %arg3[%mul3A_2, %dma_wait3A_223] : memref<12672x128xi32, #tpu.memory_space<hbm>> -> memref<6x128xi32, #tpu.memory_space<hbm>>
        %dma_wait3A_225 = arith.constant 0 : i32
        %dma_wait3A_226 = arith.constant 0 : i32
        %dma_wait3A_227 = tpu.memref_slice %arg9[%and3A_206, %dma_wait3A_225, %dma_wait3A_226] : memref<2x6x128xi32, #tpu.memory_space<vmem>> -> memref<1x6x128xi32, #tpu.memory_space<vmem>>
        %dma_wait3A_228 = tpu.memref_squeeze %dma_wait3A_227 : memref<1x6x128xi32, #tpu.memory_space<vmem>> -> memref<6x128xi32, #tpu.memory_space<vmem>>
        %dma_wait3A_229 = arith.constant 0 : i32
        %dma_wait3A_230 = tpu.memref_slice %arg3[%mul3A_2, %dma_wait3A_229] : memref<12672x128xi32, #tpu.memory_space<hbm>> -> memref<6x128xi32, #tpu.memory_space<hbm>>
        tpu.wait_dma2 semaphore(%arg12 : memref<!tpu.dma_semaphore, #tpu.memory_space<semaphore_mem>>) src(%dma_wait3A_230 : memref<6x128xi32, #tpu.memory_space<hbm>>) dst(%dma_wait3A_228 : memref<6x128xi32, #tpu.memory_space<vmem>>)
        %dma_start3A_231 = arith.constant 0 : i32
        %dma_start3A_232 = arith.constant 0 : i32
        %dma_start3A_233 = arith.constant 0 : i32
        %dma_start3A_234 = arith.constant 0 : i32
        %dma_start3A_235 = arith.constant 0 : i32
        %dma_start3A_236 = arith.constant 0 : i32
        %dma_start3A_237 = tpu.memref_slice %arg10[%and3A_206, %dma_start3A_234, %dma_start3A_235, %dma_start3A_236] : memref<2x6x128x16xf32, #tpu.memory_space<vmem>> -> memref<1x6x128x16xf32, #tpu.memory_space<vmem>>
        %dma_start3A_238 = tpu.memref_squeeze %dma_start3A_237 : memref<1x6x128x16xf32, #tpu.memory_space<vmem>> -> memref<6x128x16xf32, #tpu.memory_space<vmem>>
        %dma_start3A_239 = arith.constant 0 : i32
        %dma_start3A_240 = arith.constant 0 : i32
        %dma_start3A_241 = tpu.memref_slice %dma_start3A_238[%dma_start3A_232, %dma_start3A_239, %dma_start3A_240] : memref<6x128x16xf32, #tpu.memory_space<vmem>> -> memref<1x128x16xf32, #tpu.memory_space<vmem>>
        %dma_start3A_242 = tpu.memref_squeeze %dma_start3A_241 : memref<1x128x16xf32, #tpu.memory_space<vmem>> -> memref<128x16xf32, #tpu.memory_space<vmem>>
        %dma_start3A_243 = arith.constant 0 : i32
        %dma_start3A_244 = arith.constant 0 : i32
        %dma_start3A_245 = tpu.memref_slice %arg8[%and3A_206, %dma_start3A_243, %dma_start3A_244] : memref<2x6x128xi32, #tpu.memory_space<vmem>> -> memref<1x6x128xi32, #tpu.memory_space<vmem>>
        %dma_start3A_246 = tpu.memref_squeeze %dma_start3A_245 : memref<1x6x128xi32, #tpu.memory_space<vmem>> -> memref<6x128xi32, #tpu.memory_space<vmem>>
        %dma_start3A_247 = arith.constant 0 : i32
        %dma_start3A_248 = tpu.memref_slice %dma_start3A_246[%dma_start3A_231, %dma_start3A_247] : memref<6x128xi32, #tpu.memory_space<vmem>> -> memref<1x128xi32, #tpu.memory_space<vmem>>
        %dma_start3A_249 = tpu.memref_squeeze %dma_start3A_248 : memref<1x128xi32, #tpu.memory_space<vmem>> -> memref<128xi32, #tpu.memory_space<vmem>>
        %dma_start3A_250 = arith.constant 0 : i32
        %dma_start3A_251 = arith.constant 0 : i32
        %dma_start3A_252 = tpu.memref_slice %arg4[%dma_start3A_250, %dma_start3A_251] : memref<100352x16xf32, #tpu.memory_space<hbm>> -> memref<100352x16xf32, #tpu.memory_space<hbm>>
        %dma_start3A_253 = tpu.memref_slice %arg13[%dma_start3A_233] : memref<6x!tpu.dma_semaphore, #tpu.memory_space<semaphore_mem>> -> memref<1x!tpu.dma_semaphore, #tpu.memory_space<semaphore_mem>>
        %dma_start3A_254 = tpu.memref_squeeze %dma_start3A_253 : memref<1x!tpu.dma_semaphore, #tpu.memory_space<semaphore_mem>> -> memref<!tpu.dma_semaphore, #tpu.memory_space<semaphore_mem>>
        tpu.enqueue_indirect_dma source(%dma_start3A_252 : memref<100352x16xf32, #tpu.memory_space<hbm>>) target(%dma_start3A_242 : memref<128x16xf32, #tpu.memory_space<vmem>>) offsets(%dma_start3A_249 : memref<128xi32, #tpu.memory_space<vmem>>) semaphore(%dma_start3A_254 : memref<!tpu.dma_semaphore, #tpu.memory_space<semaphore_mem>>)
        %dma_start3A_255 = arith.constant 1 : i32
        %dma_start3A_256 = arith.constant 1 : i32
        %dma_start3A_257 = arith.constant 1 : i32
        %dma_start3A_258 = arith.constant 0 : i32
        %dma_start3A_259 = arith.constant 0 : i32
        %dma_start3A_260 = arith.constant 0 : i32
        %dma_start3A_261 = tpu.memref_slice %arg10[%and3A_206, %dma_start3A_258, %dma_start3A_259, %dma_start3A_260] : memref<2x6x128x16xf32, #tpu.memory_space<vmem>> -> memref<1x6x128x16xf32, #tpu.memory_space<vmem>>
        %dma_start3A_262 = tpu.memref_squeeze %dma_start3A_261 : memref<1x6x128x16xf32, #tpu.memory_space<vmem>> -> memref<6x128x16xf32, #tpu.memory_space<vmem>>
        %dma_start3A_263 = arith.constant 0 : i32
        %dma_start3A_264 = arith.constant 0 : i32
        %dma_start3A_265 = tpu.memref_slice %dma_start3A_262[%dma_start3A_256, %dma_start3A_263, %dma_start3A_264] : memref<6x128x16xf32, #tpu.memory_space<vmem>> -> memref<1x128x16xf32, #tpu.memory_space<vmem>>
        %dma_start3A_266 = tpu.memref_squeeze %dma_start3A_265 : memref<1x128x16xf32, #tpu.memory_space<vmem>> -> memref<128x16xf32, #tpu.memory_space<vmem>>
        %dma_start3A_267 = arith.constant 0 : i32
        %dma_start3A_268 = arith.constant 0 : i32
        %dma_start3A_269 = tpu.memref_slice %arg8[%and3A_206, %dma_start3A_267, %dma_start3A_268] : memref<2x6x128xi32, #tpu.memory_space<vmem>> -> memref<1x6x128xi32, #tpu.memory_space<vmem>>
        %dma_start3A_270 = tpu.memref_squeeze %dma_start3A_269 : memref<1x6x128xi32, #tpu.memory_space<vmem>> -> memref<6x128xi32, #tpu.memory_space<vmem>>
        %dma_start3A_271 = arith.constant 0 : i32
        %dma_start3A_272 = tpu.memref_slice %dma_start3A_270[%dma_start3A_255, %dma_start3A_271] : memref<6x128xi32, #tpu.memory_space<vmem>> -> memref<1x128xi32, #tpu.memory_space<vmem>>
        %dma_start3A_273 = tpu.memref_squeeze %dma_start3A_272 : memref<1x128xi32, #tpu.memory_space<vmem>> -> memref<128xi32, #tpu.memory_space<vmem>>
        %dma_start3A_274 = arith.constant 0 : i32
        %dma_start3A_275 = arith.constant 0 : i32
        %dma_start3A_276 = tpu.memref_slice %arg4[%dma_start3A_274, %dma_start3A_275] : memref<100352x16xf32, #tpu.memory_space<hbm>> -> memref<100352x16xf32, #tpu.memory_space<hbm>>
        %dma_start3A_277 = tpu.memref_slice %arg13[%dma_start3A_257] : memref<6x!tpu.dma_semaphore, #tpu.memory_space<semaphore_mem>> -> memref<1x!tpu.dma_semaphore, #tpu.memory_space<semaphore_mem>>
        %dma_start3A_278 = tpu.memref_squeeze %dma_start3A_277 : memref<1x!tpu.dma_semaphore, #tpu.memory_space<semaphore_mem>> -> memref<!tpu.dma_semaphore, #tpu.memory_space<semaphore_mem>>
        tpu.enqueue_indirect_dma source(%dma_start3A_276 : memref<100352x16xf32, #tpu.memory_space<hbm>>) target(%dma_start3A_266 : memref<128x16xf32, #tpu.memory_space<vmem>>) offsets(%dma_start3A_273 : memref<128xi32, #tpu.memory_space<vmem>>) semaphore(%dma_start3A_278 : memref<!tpu.dma_semaphore, #tpu.memory_space<semaphore_mem>>)
        %dma_start3A_279 = arith.constant 2 : i32
        %dma_start3A_280 = arith.constant 2 : i32
        %dma_start3A_281 = arith.constant 2 : i32
        %dma_start3A_282 = arith.constant 0 : i32
        %dma_start3A_283 = arith.constant 0 : i32
        %dma_start3A_284 = arith.constant 0 : i32
        %dma_start3A_285 = tpu.memref_slice %arg10[%and3A_206, %dma_start3A_282, %dma_start3A_283, %dma_start3A_284] : memref<2x6x128x16xf32, #tpu.memory_space<vmem>> -> memref<1x6x128x16xf32, #tpu.memory_space<vmem>>
        %dma_start3A_286 = tpu.memref_squeeze %dma_start3A_285 : memref<1x6x128x16xf32, #tpu.memory_space<vmem>> -> memref<6x128x16xf32, #tpu.memory_space<vmem>>
        %dma_start3A_287 = arith.constant 0 : i32
        %dma_start3A_288 = arith.constant 0 : i32
        %dma_start3A_289 = tpu.memref_slice %dma_start3A_286[%dma_start3A_280, %dma_start3A_287, %dma_start3A_288] : memref<6x128x16xf32, #tpu.memory_space<vmem>> -> memref<1x128x16xf32, #tpu.memory_space<vmem>>
        %dma_start3A_290 = tpu.memref_squeeze %dma_start3A_289 : memref<1x128x16xf32, #tpu.memory_space<vmem>> -> memref<128x16xf32, #tpu.memory_space<vmem>>
        %dma_start3A_291 = arith.constant 0 : i32
        %dma_start3A_292 = arith.constant 0 : i32
        %dma_start3A_293 = tpu.memref_slice %arg8[%and3A_206, %dma_start3A_291, %dma_start3A_292] : memref<2x6x128xi32, #tpu.memory_space<vmem>> -> memref<1x6x128xi32, #tpu.memory_space<vmem>>
        %dma_start3A_294 = tpu.memref_squeeze %dma_start3A_293 : memref<1x6x128xi32, #tpu.memory_space<vmem>> -> memref<6x128xi32, #tpu.memory_space<vmem>>
        %dma_start3A_295 = arith.constant 0 : i32
        %dma_start3A_296 = tpu.memref_slice %dma_start3A_294[%dma_start3A_279, %dma_start3A_295] : memref<6x128xi32, #tpu.memory_space<vmem>> -> memref<1x128xi32, #tpu.memory_space<vmem>>
        %dma_start3A_297 = tpu.memref_squeeze %dma_start3A_296 : memref<1x128xi32, #tpu.memory_space<vmem>> -> memref<128xi32, #tpu.memory_space<vmem>>
        %dma_start3A_298 = arith.constant 0 : i32
        %dma_start3A_299 = arith.constant 0 : i32
        %dma_start3A_300 = tpu.memref_slice %arg4[%dma_start3A_298, %dma_start3A_299] : memref<100352x16xf32, #tpu.memory_space<hbm>> -> memref<100352x16xf32, #tpu.memory_space<hbm>>
        %dma_start3A_301 = tpu.memref_slice %arg13[%dma_start3A_281] : memref<6x!tpu.dma_semaphore, #tpu.memory_space<semaphore_mem>> -> memref<1x!tpu.dma_semaphore, #tpu.memory_space<semaphore_mem>>
        %dma_start3A_302 = tpu.memref_squeeze %dma_start3A_301 : memref<1x!tpu.dma_semaphore, #tpu.memory_space<semaphore_mem>> -> memref<!tpu.dma_semaphore, #tpu.memory_space<semaphore_mem>>
        tpu.enqueue_indirect_dma source(%dma_start3A_300 : memref<100352x16xf32, #tpu.memory_space<hbm>>) target(%dma_start3A_290 : memref<128x16xf32, #tpu.memory_space<vmem>>) offsets(%dma_start3A_297 : memref<128xi32, #tpu.memory_space<vmem>>) semaphore(%dma_start3A_302 : memref<!tpu.dma_semaphore, #tpu.memory_space<semaphore_mem>>)
        %dma_start3A_303 = arith.constant 3 : i32
        %dma_start3A_304 = arith.constant 3 : i32
        %dma_start3A_305 = arith.constant 3 : i32
        %dma_start3A_306 = arith.constant 0 : i32
        %dma_start3A_307 = arith.constant 0 : i32
        %dma_start3A_308 = arith.constant 0 : i32
        %dma_start3A_309 = tpu.memref_slice %arg10[%and3A_206, %dma_start3A_306, %dma_start3A_307, %dma_start3A_308] : memref<2x6x128x16xf32, #tpu.memory_space<vmem>> -> memref<1x6x128x16xf32, #tpu.memory_space<vmem>>
        %dma_start3A_310 = tpu.memref_squeeze %dma_start3A_309 : memref<1x6x128x16xf32, #tpu.memory_space<vmem>> -> memref<6x128x16xf32, #tpu.memory_space<vmem>>
        %dma_start3A_311 = arith.constant 0 : i32
        %dma_start3A_312 = arith.constant 0 : i32
        %dma_start3A_313 = tpu.memref_slice %dma_start3A_310[%dma_start3A_304, %dma_start3A_311, %dma_start3A_312] : memref<6x128x16xf32, #tpu.memory_space<vmem>> -> memref<1x128x16xf32, #tpu.memory_space<vmem>>
        %dma_start3A_314 = tpu.memref_squeeze %dma_start3A_313 : memref<1x128x16xf32, #tpu.memory_space<vmem>> -> memref<128x16xf32, #tpu.memory_space<vmem>>
        %dma_start3A_315 = arith.constant 0 : i32
        %dma_start3A_316 = arith.constant 0 : i32
        %dma_start3A_317 = tpu.memref_slice %arg8[%and3A_206, %dma_start3A_315, %dma_start3A_316] : memref<2x6x128xi32, #tpu.memory_space<vmem>> -> memref<1x6x128xi32, #tpu.memory_space<vmem>>
        %dma_start3A_318 = tpu.memref_squeeze %dma_start3A_317 : memref<1x6x128xi32, #tpu.memory_space<vmem>> -> memref<6x128xi32, #tpu.memory_space<vmem>>
        %dma_start3A_319 = arith.constant 0 : i32
        %dma_start3A_320 = tpu.memref_slice %dma_start3A_318[%dma_start3A_303, %dma_start3A_319] : memref<6x128xi32, #tpu.memory_space<vmem>> -> memref<1x128xi32, #tpu.memory_space<vmem>>
        %dma_start3A_321 = tpu.memref_squeeze %dma_start3A_320 : memref<1x128xi32, #tpu.memory_space<vmem>> -> memref<128xi32, #tpu.memory_space<vmem>>
        %dma_start3A_322 = arith.constant 0 : i32
        %dma_start3A_323 = arith.constant 0 : i32
        %dma_start3A_324 = tpu.memref_slice %arg4[%dma_start3A_322, %dma_start3A_323] : memref<100352x16xf32, #tpu.memory_space<hbm>> -> memref<100352x16xf32, #tpu.memory_space<hbm>>
        %dma_start3A_325 = tpu.memref_slice %arg13[%dma_start3A_305] : memref<6x!tpu.dma_semaphore, #tpu.memory_space<semaphore_mem>> -> memref<1x!tpu.dma_semaphore, #tpu.memory_space<semaphore_mem>>
        %dma_start3A_326 = tpu.memref_squeeze %dma_start3A_325 : memref<1x!tpu.dma_semaphore, #tpu.memory_space<semaphore_mem>> -> memref<!tpu.dma_semaphore, #tpu.memory_space<semaphore_mem>>
        tpu.enqueue_indirect_dma source(%dma_start3A_324 : memref<100352x16xf32, #tpu.memory_space<hbm>>) target(%dma_start3A_314 : memref<128x16xf32, #tpu.memory_space<vmem>>) offsets(%dma_start3A_321 : memref<128xi32, #tpu.memory_space<vmem>>) semaphore(%dma_start3A_326 : memref<!tpu.dma_semaphore, #tpu.memory_space<semaphore_mem>>)
        %dma_start3A_327 = arith.constant 4 : i32
        %dma_start3A_328 = arith.constant 4 : i32
        %dma_start3A_329 = arith.constant 4 : i32
        %dma_start3A_330 = arith.constant 0 : i32
        %dma_start3A_331 = arith.constant 0 : i32
        %dma_start3A_332 = arith.constant 0 : i32
        %dma_start3A_333 = tpu.memref_slice %arg10[%and3A_206, %dma_start3A_330, %dma_start3A_331, %dma_start3A_332] : memref<2x6x128x16xf32, #tpu.memory_space<vmem>> -> memref<1x6x128x16xf32, #tpu.memory_space<vmem>>
        %dma_start3A_334 = tpu.memref_squeeze %dma_start3A_333 : memref<1x6x128x16xf32, #tpu.memory_space<vmem>> -> memref<6x128x16xf32, #tpu.memory_space<vmem>>
        %dma_start3A_335 = arith.constant 0 : i32
        %dma_start3A_336 = arith.constant 0 : i32
        %dma_start3A_337 = tpu.memref_slice %dma_start3A_334[%dma_start3A_328, %dma_start3A_335, %dma_start3A_336] : memref<6x128x16xf32, #tpu.memory_space<vmem>> -> memref<1x128x16xf32, #tpu.memory_space<vmem>>
        %dma_start3A_338 = tpu.memref_squeeze %dma_start3A_337 : memref<1x128x16xf32, #tpu.memory_space<vmem>> -> memref<128x16xf32, #tpu.memory_space<vmem>>
        %dma_start3A_339 = arith.constant 0 : i32
        %dma_start3A_340 = arith.constant 0 : i32
        %dma_start3A_341 = tpu.memref_slice %arg8[%and3A_206, %dma_start3A_339, %dma_start3A_340] : memref<2x6x128xi32, #tpu.memory_space<vmem>> -> memref<1x6x128xi32, #tpu.memory_space<vmem>>
        %dma_start3A_342 = tpu.memref_squeeze %dma_start3A_341 : memref<1x6x128xi32, #tpu.memory_space<vmem>> -> memref<6x128xi32, #tpu.memory_space<vmem>>
        %dma_start3A_343 = arith.constant 0 : i32
        %dma_start3A_344 = tpu.memref_slice %dma_start3A_342[%dma_start3A_327, %dma_start3A_343] : memref<6x128xi32, #tpu.memory_space<vmem>> -> memref<1x128xi32, #tpu.memory_space<vmem>>
        %dma_start3A_345 = tpu.memref_squeeze %dma_start3A_344 : memref<1x128xi32, #tpu.memory_space<vmem>> -> memref<128xi32, #tpu.memory_space<vmem>>
        %dma_start3A_346 = arith.constant 0 : i32
        %dma_start3A_347 = arith.constant 0 : i32
        %dma_start3A_348 = tpu.memref_slice %arg4[%dma_start3A_346, %dma_start3A_347] : memref<100352x16xf32, #tpu.memory_space<hbm>> -> memref<100352x16xf32, #tpu.memory_space<hbm>>
        %dma_start3A_349 = tpu.memref_slice %arg13[%dma_start3A_329] : memref<6x!tpu.dma_semaphore, #tpu.memory_space<semaphore_mem>> -> memref<1x!tpu.dma_semaphore, #tpu.memory_space<semaphore_mem>>
        %dma_start3A_350 = tpu.memref_squeeze %dma_start3A_349 : memref<1x!tpu.dma_semaphore, #tpu.memory_space<semaphore_mem>> -> memref<!tpu.dma_semaphore, #tpu.memory_space<semaphore_mem>>
        tpu.enqueue_indirect_dma source(%dma_start3A_348 : memref<100352x16xf32, #tpu.memory_space<hbm>>) target(%dma_start3A_338 : memref<128x16xf32, #tpu.memory_space<vmem>>) offsets(%dma_start3A_345 : memref<128xi32, #tpu.memory_space<vmem>>) semaphore(%dma_start3A_350 : memref<!tpu.dma_semaphore, #tpu.memory_space<semaphore_mem>>)
        %dma_start3A_351 = arith.constant 5 : i32
        %dma_start3A_352 = arith.constant 5 : i32
        %dma_start3A_353 = arith.constant 5 : i32
        %dma_start3A_354 = arith.constant 0 : i32
        %dma_start3A_355 = arith.constant 0 : i32
        %dma_start3A_356 = arith.constant 0 : i32
        %dma_start3A_357 = tpu.memref_slice %arg10[%and3A_206, %dma_start3A_354, %dma_start3A_355, %dma_start3A_356] : memref<2x6x128x16xf32, #tpu.memory_space<vmem>> -> memref<1x6x128x16xf32, #tpu.memory_space<vmem>>
        %dma_start3A_358 = tpu.memref_squeeze %dma_start3A_357 : memref<1x6x128x16xf32, #tpu.memory_space<vmem>> -> memref<6x128x16xf32, #tpu.memory_space<vmem>>
        %dma_start3A_359 = arith.constant 0 : i32
        %dma_start3A_360 = arith.constant 0 : i32
        %dma_start3A_361 = tpu.memref_slice %dma_start3A_358[%dma_start3A_352, %dma_start3A_359, %dma_start3A_360] : memref<6x128x16xf32, #tpu.memory_space<vmem>> -> memref<1x128x16xf32, #tpu.memory_space<vmem>>
        %dma_start3A_362 = tpu.memref_squeeze %dma_start3A_361 : memref<1x128x16xf32, #tpu.memory_space<vmem>> -> memref<128x16xf32, #tpu.memory_space<vmem>>
        %dma_start3A_363 = arith.constant 0 : i32
        %dma_start3A_364 = arith.constant 0 : i32
        %dma_start3A_365 = tpu.memref_slice %arg8[%and3A_206, %dma_start3A_363, %dma_start3A_364] : memref<2x6x128xi32, #tpu.memory_space<vmem>> -> memref<1x6x128xi32, #tpu.memory_space<vmem>>
        %dma_start3A_366 = tpu.memref_squeeze %dma_start3A_365 : memref<1x6x128xi32, #tpu.memory_space<vmem>> -> memref<6x128xi32, #tpu.memory_space<vmem>>
        %dma_start3A_367 = arith.constant 0 : i32
        %dma_start3A_368 = tpu.memref_slice %dma_start3A_366[%dma_start3A_351, %dma_start3A_367] : memref<6x128xi32, #tpu.memory_space<vmem>> -> memref<1x128xi32, #tpu.memory_space<vmem>>
        %dma_start3A_369 = tpu.memref_squeeze %dma_start3A_368 : memref<1x128xi32, #tpu.memory_space<vmem>> -> memref<128xi32, #tpu.memory_space<vmem>>
        %dma_start3A_370 = arith.constant 0 : i32
        %dma_start3A_371 = arith.constant 0 : i32
        %dma_start3A_372 = tpu.memref_slice %arg4[%dma_start3A_370, %dma_start3A_371] : memref<100352x16xf32, #tpu.memory_space<hbm>> -> memref<100352x16xf32, #tpu.memory_space<hbm>>
        %dma_start3A_373 = tpu.memref_slice %arg13[%dma_start3A_353] : memref<6x!tpu.dma_semaphore, #tpu.memory_space<semaphore_mem>> -> memref<1x!tpu.dma_semaphore, #tpu.memory_space<semaphore_mem>>
        %dma_start3A_374 = tpu.memref_squeeze %dma_start3A_373 : memref<1x!tpu.dma_semaphore, #tpu.memory_space<semaphore_mem>> -> memref<!tpu.dma_semaphore, #tpu.memory_space<semaphore_mem>>
        tpu.enqueue_indirect_dma source(%dma_start3A_372 : memref<100352x16xf32, #tpu.memory_space<hbm>>) target(%dma_start3A_362 : memref<128x16xf32, #tpu.memory_space<vmem>>) offsets(%dma_start3A_369 : memref<128xi32, #tpu.memory_space<vmem>>) semaphore(%dma_start3A_374 : memref<!tpu.dma_semaphore, #tpu.memory_space<semaphore_mem>>)
        %gt3A = arith.constant 0 : i32
        %gt3A_375 = arith.cmpi sgt, %add3A_205, %gt3A : i32
        %convert_element_type3A_376 = arith.extui %gt3A_375 : i1 to i32
        %cond3A_377 = arith.constant 0 : i32
        %cond3A_378 = arith.cmpi ne, %convert_element_type3A_376, %cond3A_377 : i32
        scf.if %cond3A_378 {
          %sub3A = arith.constant 1 : i32
          %sub3A_667 = arith.subi %sub3A, %and3A_206 : i32
          %sub3A_668 = arith.constant 1 : i32
          %sub3A_669 = arith.subi %sub3A_668, %and3A_206 : i32
          %sub3A_670 = arith.constant 1 : i32
          %sub3A_671 = arith.subi %sub3A_670, %and3A_206 : i32
          %dma_wait3A_672 = arith.constant 0 : i32
          %dma_wait3A_673 = arith.constant 0 : i32
          %dma_wait3A_674 = arith.constant 0 : i32
          %dma_wait3A_675 = arith.constant 0 : i32
          %dma_wait3A_676 = arith.constant 0 : i32
          %dma_wait3A_677 = tpu.memref_slice %arg10[%sub3A_667, %dma_wait3A_674, %dma_wait3A_675, %dma_wait3A_676] : memref<2x6x128x16xf32, #tpu.memory_space<vmem>> -> memref<1x6x128x16xf32, #tpu.memory_space<vmem>>
          %dma_wait3A_678 = tpu.memref_squeeze %dma_wait3A_677 : memref<1x6x128x16xf32, #tpu.memory_space<vmem>> -> memref<6x128x16xf32, #tpu.memory_space<vmem>>
          %dma_wait3A_679 = arith.constant 0 : i32
          %dma_wait3A_680 = arith.constant 0 : i32
          %dma_wait3A_681 = tpu.memref_slice %dma_wait3A_678[%dma_wait3A_672, %dma_wait3A_679, %dma_wait3A_680] : memref<6x128x16xf32, #tpu.memory_space<vmem>> -> memref<1x128x16xf32, #tpu.memory_space<vmem>>
          %dma_wait3A_682 = tpu.memref_squeeze %dma_wait3A_681 : memref<1x128x16xf32, #tpu.memory_space<vmem>> -> memref<128x16xf32, #tpu.memory_space<vmem>>
          %dma_wait3A_683 = arith.constant 0 : i32
          %dma_wait3A_684 = arith.constant 0 : i32
          %dma_wait3A_685 = tpu.memref_slice %arg9[%sub3A_669, %dma_wait3A_683, %dma_wait3A_684] : memref<2x6x128xi32, #tpu.memory_space<vmem>> -> memref<1x6x128xi32, #tpu.memory_space<vmem>>
          %dma_wait3A_686 = tpu.memref_squeeze %dma_wait3A_685 : memref<1x6x128xi32, #tpu.memory_space<vmem>> -> memref<6x128xi32, #tpu.memory_space<vmem>>
          %dma_wait3A_687 = arith.constant 0 : i32
          %dma_wait3A_688 = tpu.memref_slice %dma_wait3A_686[%dma_wait3A_673, %dma_wait3A_687] : memref<6x128xi32, #tpu.memory_space<vmem>> -> memref<1x128xi32, #tpu.memory_space<vmem>>
          %dma_wait3A_689 = tpu.memref_squeeze %dma_wait3A_688 : memref<1x128xi32, #tpu.memory_space<vmem>> -> memref<128xi32, #tpu.memory_space<vmem>>
          %dma_wait3A_690 = arith.constant 0 : i32
          %dma_wait3A_691 = arith.constant 0 : i32
          %dma_wait3A_692 = tpu.memref_slice %arg11[%dma_wait3A_690, %dma_wait3A_691] : memref<100352x16xf32, #tpu.memory_space<vmem_shared>> -> memref<100352x16xf32, #tpu.memory_space<vmem_shared>>
          %dma_wait3A_693 = tpu.memref_slice %arg14[%sub3A_671] : memref<2x!tpu.dma_semaphore, #tpu.memory_space<semaphore_mem>> -> memref<1x!tpu.dma_semaphore, #tpu.memory_space<semaphore_mem>>
          %dma_wait3A_694 = tpu.memref_squeeze %dma_wait3A_693 : memref<1x!tpu.dma_semaphore, #tpu.memory_space<semaphore_mem>> -> memref<!tpu.dma_semaphore, #tpu.memory_space<semaphore_mem>>
          tpu.wait_indirect_dma semaphore(%dma_wait3A_694 : memref<!tpu.dma_semaphore, #tpu.memory_space<semaphore_mem>>) src(%dma_wait3A_682 : memref<128x16xf32, #tpu.memory_space<vmem>>) dst(%dma_wait3A_692 : memref<100352x16xf32, #tpu.memory_space<vmem_shared>>)
          %sub3A_695 = arith.constant 1 : i32
          %sub3A_696 = arith.subi %sub3A_695, %and3A_206 : i32
          %sub3A_697 = arith.constant 1 : i32
          %sub3A_698 = arith.subi %sub3A_697, %and3A_206 : i32
          %sub3A_699 = arith.constant 1 : i32
          %sub3A_700 = arith.subi %sub3A_699, %and3A_206 : i32
          %dma_wait3A_701 = arith.constant 1 : i32
          %dma_wait3A_702 = arith.constant 1 : i32
          %dma_wait3A_703 = arith.constant 0 : i32
          %dma_wait3A_704 = arith.constant 0 : i32
          %dma_wait3A_705 = arith.constant 0 : i32
          %dma_wait3A_706 = tpu.memref_slice %arg10[%sub3A_696, %dma_wait3A_703, %dma_wait3A_704, %dma_wait3A_705] : memref<2x6x128x16xf32, #tpu.memory_space<vmem>> -> memref<1x6x128x16xf32, #tpu.memory_space<vmem>>
          %dma_wait3A_707 = tpu.memref_squeeze %dma_wait3A_706 : memref<1x6x128x16xf32, #tpu.memory_space<vmem>> -> memref<6x128x16xf32, #tpu.memory_space<vmem>>
          %dma_wait3A_708 = arith.constant 0 : i32
          %dma_wait3A_709 = arith.constant 0 : i32
          %dma_wait3A_710 = tpu.memref_slice %dma_wait3A_707[%dma_wait3A_701, %dma_wait3A_708, %dma_wait3A_709] : memref<6x128x16xf32, #tpu.memory_space<vmem>> -> memref<1x128x16xf32, #tpu.memory_space<vmem>>
          %dma_wait3A_711 = tpu.memref_squeeze %dma_wait3A_710 : memref<1x128x16xf32, #tpu.memory_space<vmem>> -> memref<128x16xf32, #tpu.memory_space<vmem>>
          %dma_wait3A_712 = arith.constant 0 : i32
          %dma_wait3A_713 = arith.constant 0 : i32
          %dma_wait3A_714 = tpu.memref_slice %arg9[%sub3A_698, %dma_wait3A_712, %dma_wait3A_713] : memref<2x6x128xi32, #tpu.memory_space<vmem>> -> memref<1x6x128xi32, #tpu.memory_space<vmem>>
          %dma_wait3A_715 = tpu.memref_squeeze %dma_wait3A_714 : memref<1x6x128xi32, #tpu.memory_space<vmem>> -> memref<6x128xi32, #tpu.memory_space<vmem>>
          %dma_wait3A_716 = arith.constant 0 : i32
          %dma_wait3A_717 = tpu.memref_slice %dma_wait3A_715[%dma_wait3A_702, %dma_wait3A_716] : memref<6x128xi32, #tpu.memory_space<vmem>> -> memref<1x128xi32, #tpu.memory_space<vmem>>
          %dma_wait3A_718 = tpu.memref_squeeze %dma_wait3A_717 : memref<1x128xi32, #tpu.memory_space<vmem>> -> memref<128xi32, #tpu.memory_space<vmem>>
          %dma_wait3A_719 = arith.constant 0 : i32
          %dma_wait3A_720 = arith.constant 0 : i32
          %dma_wait3A_721 = tpu.memref_slice %arg11[%dma_wait3A_719, %dma_wait3A_720] : memref<100352x16xf32, #tpu.memory_space<vmem_shared>> -> memref<100352x16xf32, #tpu.memory_space<vmem_shared>>
          %dma_wait3A_722 = tpu.memref_slice %arg14[%sub3A_700] : memref<2x!tpu.dma_semaphore, #tpu.memory_space<semaphore_mem>> -> memref<1x!tpu.dma_semaphore, #tpu.memory_space<semaphore_mem>>
          %dma_wait3A_723 = tpu.memref_squeeze %dma_wait3A_722 : memref<1x!tpu.dma_semaphore, #tpu.memory_space<semaphore_mem>> -> memref<!tpu.dma_semaphore, #tpu.memory_space<semaphore_mem>>
          tpu.wait_indirect_dma semaphore(%dma_wait3A_723 : memref<!tpu.dma_semaphore, #tpu.memory_space<semaphore_mem>>) src(%dma_wait3A_711 : memref<128x16xf32, #tpu.memory_space<vmem>>) dst(%dma_wait3A_721 : memref<100352x16xf32, #tpu.memory_space<vmem_shared>>)
          %sub3A_724 = arith.constant 1 : i32
          %sub3A_725 = arith.subi %sub3A_724, %and3A_206 : i32
          %sub3A_726 = arith.constant 1 : i32
          %sub3A_727 = arith.subi %sub3A_726, %and3A_206 : i32
          %sub3A_728 = arith.constant 1 : i32
          %sub3A_729 = arith.subi %sub3A_728, %and3A_206 : i32
          %dma_wait3A_730 = arith.constant 2 : i32
          %dma_wait3A_731 = arith.constant 2 : i32
          %dma_wait3A_732 = arith.constant 0 : i32
          %dma_wait3A_733 = arith.constant 0 : i32
          %dma_wait3A_734 = arith.constant 0 : i32
          %dma_wait3A_735 = tpu.memref_slice %arg10[%sub3A_725, %dma_wait3A_732, %dma_wait3A_733, %dma_wait3A_734] : memref<2x6x128x16xf32, #tpu.memory_space<vmem>> -> memref<1x6x128x16xf32, #tpu.memory_space<vmem>>
          %dma_wait3A_736 = tpu.memref_squeeze %dma_wait3A_735 : memref<1x6x128x16xf32, #tpu.memory_space<vmem>> -> memref<6x128x16xf32, #tpu.memory_space<vmem>>
          %dma_wait3A_737 = arith.constant 0 : i32
          %dma_wait3A_738 = arith.constant 0 : i32
          %dma_wait3A_739 = tpu.memref_slice %dma_wait3A_736[%dma_wait3A_730, %dma_wait3A_737, %dma_wait3A_738] : memref<6x128x16xf32, #tpu.memory_space<vmem>> -> memref<1x128x16xf32, #tpu.memory_space<vmem>>
          %dma_wait3A_740 = tpu.memref_squeeze %dma_wait3A_739 : memref<1x128x16xf32, #tpu.memory_space<vmem>> -> memref<128x16xf32, #tpu.memory_space<vmem>>
          %dma_wait3A_741 = arith.constant 0 : i32
          %dma_wait3A_742 = arith.constant 0 : i32
          %dma_wait3A_743 = tpu.memref_slice %arg9[%sub3A_727, %dma_wait3A_741, %dma_wait3A_742] : memref<2x6x128xi32, #tpu.memory_space<vmem>> -> memref<1x6x128xi32, #tpu.memory_space<vmem>>
          %dma_wait3A_744 = tpu.memref_squeeze %dma_wait3A_743 : memref<1x6x128xi32, #tpu.memory_space<vmem>> -> memref<6x128xi32, #tpu.memory_space<vmem>>
          %dma_wait3A_745 = arith.constant 0 : i32
          %dma_wait3A_746 = tpu.memref_slice %dma_wait3A_744[%dma_wait3A_731, %dma_wait3A_745] : memref<6x128xi32, #tpu.memory_space<vmem>> -> memref<1x128xi32, #tpu.memory_space<vmem>>
          %dma_wait3A_747 = tpu.memref_squeeze %dma_wait3A_746 : memref<1x128xi32, #tpu.memory_space<vmem>> -> memref<128xi32, #tpu.memory_space<vmem>>
          %dma_wait3A_748 = arith.constant 0 : i32
          %dma_wait3A_749 = arith.constant 0 : i32
          %dma_wait3A_750 = tpu.memref_slice %arg11[%dma_wait3A_748, %dma_wait3A_749] : memref<100352x16xf32, #tpu.memory_space<vmem_shared>> -> memref<100352x16xf32, #tpu.memory_space<vmem_shared>>
          %dma_wait3A_751 = tpu.memref_slice %arg14[%sub3A_729] : memref<2x!tpu.dma_semaphore, #tpu.memory_space<semaphore_mem>> -> memref<1x!tpu.dma_semaphore, #tpu.memory_space<semaphore_mem>>
          %dma_wait3A_752 = tpu.memref_squeeze %dma_wait3A_751 : memref<1x!tpu.dma_semaphore, #tpu.memory_space<semaphore_mem>> -> memref<!tpu.dma_semaphore, #tpu.memory_space<semaphore_mem>>
          tpu.wait_indirect_dma semaphore(%dma_wait3A_752 : memref<!tpu.dma_semaphore, #tpu.memory_space<semaphore_mem>>) src(%dma_wait3A_740 : memref<128x16xf32, #tpu.memory_space<vmem>>) dst(%dma_wait3A_750 : memref<100352x16xf32, #tpu.memory_space<vmem_shared>>)
          %sub3A_753 = arith.constant 1 : i32
          %sub3A_754 = arith.subi %sub3A_753, %and3A_206 : i32
          %sub3A_755 = arith.constant 1 : i32
          %sub3A_756 = arith.subi %sub3A_755, %and3A_206 : i32
          %sub3A_757 = arith.constant 1 : i32
          %sub3A_758 = arith.subi %sub3A_757, %and3A_206 : i32
          %dma_wait3A_759 = arith.constant 3 : i32
          %dma_wait3A_760 = arith.constant 3 : i32
          %dma_wait3A_761 = arith.constant 0 : i32
          %dma_wait3A_762 = arith.constant 0 : i32
          %dma_wait3A_763 = arith.constant 0 : i32
          %dma_wait3A_764 = tpu.memref_slice %arg10[%sub3A_754, %dma_wait3A_761, %dma_wait3A_762, %dma_wait3A_763] : memref<2x6x128x16xf32, #tpu.memory_space<vmem>> -> memref<1x6x128x16xf32, #tpu.memory_space<vmem>>
          %dma_wait3A_765 = tpu.memref_squeeze %dma_wait3A_764 : memref<1x6x128x16xf32, #tpu.memory_space<vmem>> -> memref<6x128x16xf32, #tpu.memory_space<vmem>>
          %dma_wait3A_766 = arith.constant 0 : i32
          %dma_wait3A_767 = arith.constant 0 : i32
          %dma_wait3A_768 = tpu.memref_slice %dma_wait3A_765[%dma_wait3A_759, %dma_wait3A_766, %dma_wait3A_767] : memref<6x128x16xf32, #tpu.memory_space<vmem>> -> memref<1x128x16xf32, #tpu.memory_space<vmem>>
          %dma_wait3A_769 = tpu.memref_squeeze %dma_wait3A_768 : memref<1x128x16xf32, #tpu.memory_space<vmem>> -> memref<128x16xf32, #tpu.memory_space<vmem>>
          %dma_wait3A_770 = arith.constant 0 : i32
          %dma_wait3A_771 = arith.constant 0 : i32
          %dma_wait3A_772 = tpu.memref_slice %arg9[%sub3A_756, %dma_wait3A_770, %dma_wait3A_771] : memref<2x6x128xi32, #tpu.memory_space<vmem>> -> memref<1x6x128xi32, #tpu.memory_space<vmem>>
          %dma_wait3A_773 = tpu.memref_squeeze %dma_wait3A_772 : memref<1x6x128xi32, #tpu.memory_space<vmem>> -> memref<6x128xi32, #tpu.memory_space<vmem>>
          %dma_wait3A_774 = arith.constant 0 : i32
          %dma_wait3A_775 = tpu.memref_slice %dma_wait3A_773[%dma_wait3A_760, %dma_wait3A_774] : memref<6x128xi32, #tpu.memory_space<vmem>> -> memref<1x128xi32, #tpu.memory_space<vmem>>
          %dma_wait3A_776 = tpu.memref_squeeze %dma_wait3A_775 : memref<1x128xi32, #tpu.memory_space<vmem>> -> memref<128xi32, #tpu.memory_space<vmem>>
          %dma_wait3A_777 = arith.constant 0 : i32
          %dma_wait3A_778 = arith.constant 0 : i32
          %dma_wait3A_779 = tpu.memref_slice %arg11[%dma_wait3A_777, %dma_wait3A_778] : memref<100352x16xf32, #tpu.memory_space<vmem_shared>> -> memref<100352x16xf32, #tpu.memory_space<vmem_shared>>
          %dma_wait3A_780 = tpu.memref_slice %arg14[%sub3A_758] : memref<2x!tpu.dma_semaphore, #tpu.memory_space<semaphore_mem>> -> memref<1x!tpu.dma_semaphore, #tpu.memory_space<semaphore_mem>>
          %dma_wait3A_781 = tpu.memref_squeeze %dma_wait3A_780 : memref<1x!tpu.dma_semaphore, #tpu.memory_space<semaphore_mem>> -> memref<!tpu.dma_semaphore, #tpu.memory_space<semaphore_mem>>
          tpu.wait_indirect_dma semaphore(%dma_wait3A_781 : memref<!tpu.dma_semaphore, #tpu.memory_space<semaphore_mem>>) src(%dma_wait3A_769 : memref<128x16xf32, #tpu.memory_space<vmem>>) dst(%dma_wait3A_779 : memref<100352x16xf32, #tpu.memory_space<vmem_shared>>)
          %sub3A_782 = arith.constant 1 : i32
          %sub3A_783 = arith.subi %sub3A_782, %and3A_206 : i32
          %sub3A_784 = arith.constant 1 : i32
          %sub3A_785 = arith.subi %sub3A_784, %and3A_206 : i32
          %sub3A_786 = arith.constant 1 : i32
          %sub3A_787 = arith.subi %sub3A_786, %and3A_206 : i32
          %dma_wait3A_788 = arith.constant 4 : i32
          %dma_wait3A_789 = arith.constant 4 : i32
          %dma_wait3A_790 = arith.constant 0 : i32
          %dma_wait3A_791 = arith.constant 0 : i32
          %dma_wait3A_792 = arith.constant 0 : i32
          %dma_wait3A_793 = tpu.memref_slice %arg10[%sub3A_783, %dma_wait3A_790, %dma_wait3A_791, %dma_wait3A_792] : memref<2x6x128x16xf32, #tpu.memory_space<vmem>> -> memref<1x6x128x16xf32, #tpu.memory_space<vmem>>
          %dma_wait3A_794 = tpu.memref_squeeze %dma_wait3A_793 : memref<1x6x128x16xf32, #tpu.memory_space<vmem>> -> memref<6x128x16xf32, #tpu.memory_space<vmem>>
          %dma_wait3A_795 = arith.constant 0 : i32
          %dma_wait3A_796 = arith.constant 0 : i32
          %dma_wait3A_797 = tpu.memref_slice %dma_wait3A_794[%dma_wait3A_788, %dma_wait3A_795, %dma_wait3A_796] : memref<6x128x16xf32, #tpu.memory_space<vmem>> -> memref<1x128x16xf32, #tpu.memory_space<vmem>>
          %dma_wait3A_798 = tpu.memref_squeeze %dma_wait3A_797 : memref<1x128x16xf32, #tpu.memory_space<vmem>> -> memref<128x16xf32, #tpu.memory_space<vmem>>
          %dma_wait3A_799 = arith.constant 0 : i32
          %dma_wait3A_800 = arith.constant 0 : i32
          %dma_wait3A_801 = tpu.memref_slice %arg9[%sub3A_785, %dma_wait3A_799, %dma_wait3A_800] : memref<2x6x128xi32, #tpu.memory_space<vmem>> -> memref<1x6x128xi32, #tpu.memory_space<vmem>>
          %dma_wait3A_802 = tpu.memref_squeeze %dma_wait3A_801 : memref<1x6x128xi32, #tpu.memory_space<vmem>> -> memref<6x128xi32, #tpu.memory_space<vmem>>
          %dma_wait3A_803 = arith.constant 0 : i32
          %dma_wait3A_804 = tpu.memref_slice %dma_wait3A_802[%dma_wait3A_789, %dma_wait3A_803] : memref<6x128xi32, #tpu.memory_space<vmem>> -> memref<1x128xi32, #tpu.memory_space<vmem>>
          %dma_wait3A_805 = tpu.memref_squeeze %dma_wait3A_804 : memref<1x128xi32, #tpu.memory_space<vmem>> -> memref<128xi32, #tpu.memory_space<vmem>>
          %dma_wait3A_806 = arith.constant 0 : i32
          %dma_wait3A_807 = arith.constant 0 : i32
          %dma_wait3A_808 = tpu.memref_slice %arg11[%dma_wait3A_806, %dma_wait3A_807] : memref<100352x16xf32, #tpu.memory_space<vmem_shared>> -> memref<100352x16xf32, #tpu.memory_space<vmem_shared>>
          %dma_wait3A_809 = tpu.memref_slice %arg14[%sub3A_787] : memref<2x!tpu.dma_semaphore, #tpu.memory_space<semaphore_mem>> -> memref<1x!tpu.dma_semaphore, #tpu.memory_space<semaphore_mem>>
          %dma_wait3A_810 = tpu.memref_squeeze %dma_wait3A_809 : memref<1x!tpu.dma_semaphore, #tpu.memory_space<semaphore_mem>> -> memref<!tpu.dma_semaphore, #tpu.memory_space<semaphore_mem>>
          tpu.wait_indirect_dma semaphore(%dma_wait3A_810 : memref<!tpu.dma_semaphore, #tpu.memory_space<semaphore_mem>>) src(%dma_wait3A_798 : memref<128x16xf32, #tpu.memory_space<vmem>>) dst(%dma_wait3A_808 : memref<100352x16xf32, #tpu.memory_space<vmem_shared>>)
          %sub3A_811 = arith.constant 1 : i32
          %sub3A_812 = arith.subi %sub3A_811, %and3A_206 : i32
          %sub3A_813 = arith.constant 1 : i32
          %sub3A_814 = arith.subi %sub3A_813, %and3A_206 : i32
          %sub3A_815 = arith.constant 1 : i32
          %sub3A_816 = arith.subi %sub3A_815, %and3A_206 : i32
          %dma_wait3A_817 = arith.constant 5 : i32
          %dma_wait3A_818 = arith.constant 5 : i32
          %dma_wait3A_819 = arith.constant 0 : i32
          %dma_wait3A_820 = arith.constant 0 : i32
          %dma_wait3A_821 = arith.constant 0 : i32
          %dma_wait3A_822 = tpu.memref_slice %arg10[%sub3A_812, %dma_wait3A_819, %dma_wait3A_820, %dma_wait3A_821] : memref<2x6x128x16xf32, #tpu.memory_space<vmem>> -> memref<1x6x128x16xf32, #tpu.memory_space<vmem>>
          %dma_wait3A_823 = tpu.memref_squeeze %dma_wait3A_822 : memref<1x6x128x16xf32, #tpu.memory_space<vmem>> -> memref<6x128x16xf32, #tpu.memory_space<vmem>>
          %dma_wait3A_824 = arith.constant 0 : i32
          %dma_wait3A_825 = arith.constant 0 : i32
          %dma_wait3A_826 = tpu.memref_slice %dma_wait3A_823[%dma_wait3A_817, %dma_wait3A_824, %dma_wait3A_825] : memref<6x128x16xf32, #tpu.memory_space<vmem>> -> memref<1x128x16xf32, #tpu.memory_space<vmem>>
          %dma_wait3A_827 = tpu.memref_squeeze %dma_wait3A_826 : memref<1x128x16xf32, #tpu.memory_space<vmem>> -> memref<128x16xf32, #tpu.memory_space<vmem>>
          %dma_wait3A_828 = arith.constant 0 : i32
          %dma_wait3A_829 = arith.constant 0 : i32
          %dma_wait3A_830 = tpu.memref_slice %arg9[%sub3A_814, %dma_wait3A_828, %dma_wait3A_829] : memref<2x6x128xi32, #tpu.memory_space<vmem>> -> memref<1x6x128xi32, #tpu.memory_space<vmem>>
          %dma_wait3A_831 = tpu.memref_squeeze %dma_wait3A_830 : memref<1x6x128xi32, #tpu.memory_space<vmem>> -> memref<6x128xi32, #tpu.memory_space<vmem>>
          %dma_wait3A_832 = arith.constant 0 : i32
          %dma_wait3A_833 = tpu.memref_slice %dma_wait3A_831[%dma_wait3A_818, %dma_wait3A_832] : memref<6x128xi32, #tpu.memory_space<vmem>> -> memref<1x128xi32, #tpu.memory_space<vmem>>
          %dma_wait3A_834 = tpu.memref_squeeze %dma_wait3A_833 : memref<1x128xi32, #tpu.memory_space<vmem>> -> memref<128xi32, #tpu.memory_space<vmem>>
          %dma_wait3A_835 = arith.constant 0 : i32
          %dma_wait3A_836 = arith.constant 0 : i32
          %dma_wait3A_837 = tpu.memref_slice %arg11[%dma_wait3A_835, %dma_wait3A_836] : memref<100352x16xf32, #tpu.memory_space<vmem_shared>> -> memref<100352x16xf32, #tpu.memory_space<vmem_shared>>
          %dma_wait3A_838 = tpu.memref_slice %arg14[%sub3A_816] : memref<2x!tpu.dma_semaphore, #tpu.memory_space<semaphore_mem>> -> memref<1x!tpu.dma_semaphore, #tpu.memory_space<semaphore_mem>>
          %dma_wait3A_839 = tpu.memref_squeeze %dma_wait3A_838 : memref<1x!tpu.dma_semaphore, #tpu.memory_space<semaphore_mem>> -> memref<!tpu.dma_semaphore, #tpu.memory_space<semaphore_mem>>
          tpu.wait_indirect_dma semaphore(%dma_wait3A_839 : memref<!tpu.dma_semaphore, #tpu.memory_space<semaphore_mem>>) src(%dma_wait3A_827 : memref<128x16xf32, #tpu.memory_space<vmem>>) dst(%dma_wait3A_837 : memref<100352x16xf32, #tpu.memory_space<vmem_shared>>)
        } else {
        }
        %add3A_379 = arith.constant 1 : i32
        %add3A_380 = arith.addi %add3A_205, %add3A_379 : i32
        %lt3A = arith.constant 132 : i32
        %lt3A_381 = arith.cmpi slt, %add3A_380, %lt3A : i32
        %convert_element_type3A_382 = arith.extui %lt3A_381 : i1 to i32
        %cond3A_383 = arith.constant 0 : i32
        %cond3A_384 = arith.cmpi ne, %convert_element_type3A_382, %cond3A_383 : i32
        scf.if %cond3A_384 {
          %add3A_667 = arith.constant 1 : i32
          %add3A_668 = arith.addi %add3A_205, %add3A_667 : i32
          %mul3A_669 = arith.constant 6 : i32
          %mul3A_670 = arith.muli %add3A_668, %mul3A_669 : i32
          %add3A_671 = arith.addi %mul3A_2, %mul3A_670 : i32
          %sub3A = arith.constant 1 : i32
          %sub3A_672 = arith.subi %sub3A, %and3A_206 : i32
          %dma_start3A_673 = arith.constant 0 : i32
          %dma_start3A_674 = arith.constant 0 : i32
          %dma_start3A_675 = tpu.memref_slice %arg8[%sub3A_672, %dma_start3A_673, %dma_start3A_674] : memref<2x6x128xi32, #tpu.memory_space<vmem>> -> memref<1x6x128xi32, #tpu.memory_space<vmem>>
          %dma_start3A_676 = tpu.memref_squeeze %dma_start3A_675 : memref<1x6x128xi32, #tpu.memory_space<vmem>> -> memref<6x128xi32, #tpu.memory_space<vmem>>
          %dma_start3A_677 = arith.constant 0 : i32
          %dma_start3A_678 = tpu.memref_slice %arg2[%add3A_671, %dma_start3A_677] : memref<12672x128xi32, #tpu.memory_space<hbm>> -> memref<6x128xi32, #tpu.memory_space<hbm>>
          %dma_start3A_679 = arith.constant 0 : i32
          %dma_start3A_680 = arith.constant 0 : i32
          %dma_start3A_681 = tpu.memref_slice %arg8[%sub3A_672, %dma_start3A_679, %dma_start3A_680] : memref<2x6x128xi32, #tpu.memory_space<vmem>> -> memref<1x6x128xi32, #tpu.memory_space<vmem>>
          %dma_start3A_682 = tpu.memref_squeeze %dma_start3A_681 : memref<1x6x128xi32, #tpu.memory_space<vmem>> -> memref<6x128xi32, #tpu.memory_space<vmem>>
          %dma_start3A_683 = arith.constant 0 : i32
          %dma_start3A_684 = tpu.memref_slice %arg2[%add3A_671, %dma_start3A_683] : memref<12672x128xi32, #tpu.memory_space<hbm>> -> memref<6x128xi32, #tpu.memory_space<hbm>>
          tpu.enqueue_dma source(%dma_start3A_684 : memref<6x128xi32, #tpu.memory_space<hbm>>) target(%dma_start3A_682 : memref<6x128xi32, #tpu.memory_space<vmem>>) target_semaphore(%arg12 : memref<!tpu.dma_semaphore, #tpu.memory_space<semaphore_mem>>)
          %add3A_685 = arith.constant 1 : i32
          %add3A_686 = arith.addi %add3A_205, %add3A_685 : i32
          %mul3A_687 = arith.constant 6 : i32
          %mul3A_688 = arith.muli %add3A_686, %mul3A_687 : i32
          %add3A_689 = arith.addi %mul3A_2, %mul3A_688 : i32
          %sub3A_690 = arith.constant 1 : i32
          %sub3A_691 = arith.subi %sub3A_690, %and3A_206 : i32
          %dma_start3A_692 = arith.constant 0 : i32
          %dma_start3A_693 = arith.constant 0 : i32
          %dma_start3A_694 = tpu.memref_slice %arg9[%sub3A_691, %dma_start3A_692, %dma_start3A_693] : memref<2x6x128xi32, #tpu.memory_space<vmem>> -> memref<1x6x128xi32, #tpu.memory_space<vmem>>
          %dma_start3A_695 = tpu.memref_squeeze %dma_start3A_694 : memref<1x6x128xi32, #tpu.memory_space<vmem>> -> memref<6x128xi32, #tpu.memory_space<vmem>>
          %dma_start3A_696 = arith.constant 0 : i32
          %dma_start3A_697 = tpu.memref_slice %arg3[%add3A_689, %dma_start3A_696] : memref<12672x128xi32, #tpu.memory_space<hbm>> -> memref<6x128xi32, #tpu.memory_space<hbm>>
          %dma_start3A_698 = arith.constant 0 : i32
          %dma_start3A_699 = arith.constant 0 : i32
          %dma_start3A_700 = tpu.memref_slice %arg9[%sub3A_691, %dma_start3A_698, %dma_start3A_699] : memref<2x6x128xi32, #tpu.memory_space<vmem>> -> memref<1x6x128xi32, #tpu.memory_space<vmem>>
          %dma_start3A_701 = tpu.memref_squeeze %dma_start3A_700 : memref<1x6x128xi32, #tpu.memory_space<vmem>> -> memref<6x128xi32, #tpu.memory_space<vmem>>
          %dma_start3A_702 = arith.constant 0 : i32
          %dma_start3A_703 = tpu.memref_slice %arg3[%add3A_689, %dma_start3A_702] : memref<12672x128xi32, #tpu.memory_space<hbm>> -> memref<6x128xi32, #tpu.memory_space<hbm>>
          tpu.enqueue_dma source(%dma_start3A_703 : memref<6x128xi32, #tpu.memory_space<hbm>>) target(%dma_start3A_701 : memref<6x128xi32, #tpu.memory_space<vmem>>) target_semaphore(%arg12 : memref<!tpu.dma_semaphore, #tpu.memory_space<semaphore_mem>>)
        } else {
        }
        %dma_wait3A_385 = arith.constant 0 : i32
        %dma_wait3A_386 = arith.constant 0 : i32
        %dma_wait3A_387 = arith.constant 0 : i32
        %dma_wait3A_388 = arith.constant 0 : i32
        %dma_wait3A_389 = arith.constant 0 : i32
        %dma_wait3A_390 = arith.constant 0 : i32
        %dma_wait3A_391 = tpu.memref_slice %arg10[%and3A_206, %dma_wait3A_388, %dma_wait3A_389, %dma_wait3A_390] : memref<2x6x128x16xf32, #tpu.memory_space<vmem>> -> memref<1x6x128x16xf32, #tpu.memory_space<vmem>>
        %dma_wait3A_392 = tpu.memref_squeeze %dma_wait3A_391 : memref<1x6x128x16xf32, #tpu.memory_space<vmem>> -> memref<6x128x16xf32, #tpu.memory_space<vmem>>
        %dma_wait3A_393 = arith.constant 0 : i32
        %dma_wait3A_394 = arith.constant 0 : i32
        %dma_wait3A_395 = tpu.memref_slice %dma_wait3A_392[%dma_wait3A_386, %dma_wait3A_393, %dma_wait3A_394] : memref<6x128x16xf32, #tpu.memory_space<vmem>> -> memref<1x128x16xf32, #tpu.memory_space<vmem>>
        %dma_wait3A_396 = tpu.memref_squeeze %dma_wait3A_395 : memref<1x128x16xf32, #tpu.memory_space<vmem>> -> memref<128x16xf32, #tpu.memory_space<vmem>>
        %dma_wait3A_397 = arith.constant 0 : i32
        %dma_wait3A_398 = arith.constant 0 : i32
        %dma_wait3A_399 = tpu.memref_slice %arg8[%and3A_206, %dma_wait3A_397, %dma_wait3A_398] : memref<2x6x128xi32, #tpu.memory_space<vmem>> -> memref<1x6x128xi32, #tpu.memory_space<vmem>>
        %dma_wait3A_400 = tpu.memref_squeeze %dma_wait3A_399 : memref<1x6x128xi32, #tpu.memory_space<vmem>> -> memref<6x128xi32, #tpu.memory_space<vmem>>
        %dma_wait3A_401 = arith.constant 0 : i32
        %dma_wait3A_402 = tpu.memref_slice %dma_wait3A_400[%dma_wait3A_385, %dma_wait3A_401] : memref<6x128xi32, #tpu.memory_space<vmem>> -> memref<1x128xi32, #tpu.memory_space<vmem>>
        %dma_wait3A_403 = tpu.memref_squeeze %dma_wait3A_402 : memref<1x128xi32, #tpu.memory_space<vmem>> -> memref<128xi32, #tpu.memory_space<vmem>>
        %dma_wait3A_404 = arith.constant 0 : i32
        %dma_wait3A_405 = arith.constant 0 : i32
        %dma_wait3A_406 = tpu.memref_slice %arg4[%dma_wait3A_404, %dma_wait3A_405] : memref<100352x16xf32, #tpu.memory_space<hbm>> -> memref<100352x16xf32, #tpu.memory_space<hbm>>
        %dma_wait3A_407 = tpu.memref_slice %arg13[%dma_wait3A_387] : memref<6x!tpu.dma_semaphore, #tpu.memory_space<semaphore_mem>> -> memref<1x!tpu.dma_semaphore, #tpu.memory_space<semaphore_mem>>
        %dma_wait3A_408 = tpu.memref_squeeze %dma_wait3A_407 : memref<1x!tpu.dma_semaphore, #tpu.memory_space<semaphore_mem>> -> memref<!tpu.dma_semaphore, #tpu.memory_space<semaphore_mem>>
        tpu.wait_indirect_dma semaphore(%dma_wait3A_408 : memref<!tpu.dma_semaphore, #tpu.memory_space<semaphore_mem>>) src(%dma_wait3A_406 : memref<100352x16xf32, #tpu.memory_space<hbm>>) dst(%dma_wait3A_396 : memref<128x16xf32, #tpu.memory_space<vmem>>)
        %dma_start3A_409 = arith.constant 0 : i32
        %dma_start3A_410 = arith.constant 0 : i32
        %dma_start3A_411 = arith.constant 0 : i32
        %dma_start3A_412 = arith.constant 0 : i32
        %dma_start3A_413 = arith.constant 0 : i32
        %dma_start3A_414 = tpu.memref_slice %arg10[%and3A_206, %dma_start3A_411, %dma_start3A_412, %dma_start3A_413] : memref<2x6x128x16xf32, #tpu.memory_space<vmem>> -> memref<1x6x128x16xf32, #tpu.memory_space<vmem>>
        %dma_start3A_415 = tpu.memref_squeeze %dma_start3A_414 : memref<1x6x128x16xf32, #tpu.memory_space<vmem>> -> memref<6x128x16xf32, #tpu.memory_space<vmem>>
        %dma_start3A_416 = arith.constant 0 : i32
        %dma_start3A_417 = arith.constant 0 : i32
        %dma_start3A_418 = tpu.memref_slice %dma_start3A_415[%dma_start3A_409, %dma_start3A_416, %dma_start3A_417] : memref<6x128x16xf32, #tpu.memory_space<vmem>> -> memref<1x128x16xf32, #tpu.memory_space<vmem>>
        %dma_start3A_419 = tpu.memref_squeeze %dma_start3A_418 : memref<1x128x16xf32, #tpu.memory_space<vmem>> -> memref<128x16xf32, #tpu.memory_space<vmem>>
        %dma_start3A_420 = arith.constant 0 : i32
        %dma_start3A_421 = arith.constant 0 : i32
        %dma_start3A_422 = tpu.memref_slice %arg9[%and3A_206, %dma_start3A_420, %dma_start3A_421] : memref<2x6x128xi32, #tpu.memory_space<vmem>> -> memref<1x6x128xi32, #tpu.memory_space<vmem>>
        %dma_start3A_423 = tpu.memref_squeeze %dma_start3A_422 : memref<1x6x128xi32, #tpu.memory_space<vmem>> -> memref<6x128xi32, #tpu.memory_space<vmem>>
        %dma_start3A_424 = arith.constant 0 : i32
        %dma_start3A_425 = tpu.memref_slice %dma_start3A_423[%dma_start3A_410, %dma_start3A_424] : memref<6x128xi32, #tpu.memory_space<vmem>> -> memref<1x128xi32, #tpu.memory_space<vmem>>
        %dma_start3A_426 = tpu.memref_squeeze %dma_start3A_425 : memref<1x128xi32, #tpu.memory_space<vmem>> -> memref<128xi32, #tpu.memory_space<vmem>>
        %dma_start3A_427 = arith.constant 0 : i32
        %dma_start3A_428 = arith.constant 0 : i32
        %dma_start3A_429 = tpu.memref_slice %arg11[%dma_start3A_427, %dma_start3A_428] : memref<100352x16xf32, #tpu.memory_space<vmem_shared>> -> memref<100352x16xf32, #tpu.memory_space<vmem_shared>>
        %dma_start3A_430 = tpu.memref_slice %arg14[%and3A_206] : memref<2x!tpu.dma_semaphore, #tpu.memory_space<semaphore_mem>> -> memref<1x!tpu.dma_semaphore, #tpu.memory_space<semaphore_mem>>
        %dma_start3A_431 = tpu.memref_squeeze %dma_start3A_430 : memref<1x!tpu.dma_semaphore, #tpu.memory_space<semaphore_mem>> -> memref<!tpu.dma_semaphore, #tpu.memory_space<semaphore_mem>>
        tpu.enqueue_indirect_dma source(%dma_start3A_419 : memref<128x16xf32, #tpu.memory_space<vmem>>) target(%dma_start3A_429 : memref<100352x16xf32, #tpu.memory_space<vmem_shared>>) offsets(%dma_start3A_426 : memref<128xi32, #tpu.memory_space<vmem>>) semaphore(%dma_start3A_431 : memref<!tpu.dma_semaphore, #tpu.memory_space<semaphore_mem>>) {add = true}
        %dma_wait3A_432 = arith.constant 1 : i32
        %dma_wait3A_433 = arith.constant 1 : i32
        %dma_wait3A_434 = arith.constant 1 : i32
        %dma_wait3A_435 = arith.constant 0 : i32
        %dma_wait3A_436 = arith.constant 0 : i32
        %dma_wait3A_437 = arith.constant 0 : i32
        %dma_wait3A_438 = tpu.memref_slice %arg10[%and3A_206, %dma_wait3A_435, %dma_wait3A_436, %dma_wait3A_437] : memref<2x6x128x16xf32, #tpu.memory_space<vmem>> -> memref<1x6x128x16xf32, #tpu.memory_space<vmem>>
        %dma_wait3A_439 = tpu.memref_squeeze %dma_wait3A_438 : memref<1x6x128x16xf32, #tpu.memory_space<vmem>> -> memref<6x128x16xf32, #tpu.memory_space<vmem>>
        %dma_wait3A_440 = arith.constant 0 : i32
        %dma_wait3A_441 = arith.constant 0 : i32
        %dma_wait3A_442 = tpu.memref_slice %dma_wait3A_439[%dma_wait3A_433, %dma_wait3A_440, %dma_wait3A_441] : memref<6x128x16xf32, #tpu.memory_space<vmem>> -> memref<1x128x16xf32, #tpu.memory_space<vmem>>
        %dma_wait3A_443 = tpu.memref_squeeze %dma_wait3A_442 : memref<1x128x16xf32, #tpu.memory_space<vmem>> -> memref<128x16xf32, #tpu.memory_space<vmem>>
        %dma_wait3A_444 = arith.constant 0 : i32
        %dma_wait3A_445 = arith.constant 0 : i32
        %dma_wait3A_446 = tpu.memref_slice %arg8[%and3A_206, %dma_wait3A_444, %dma_wait3A_445] : memref<2x6x128xi32, #tpu.memory_space<vmem>> -> memref<1x6x128xi32, #tpu.memory_space<vmem>>
        %dma_wait3A_447 = tpu.memref_squeeze %dma_wait3A_446 : memref<1x6x128xi32, #tpu.memory_space<vmem>> -> memref<6x128xi32, #tpu.memory_space<vmem>>
        %dma_wait3A_448 = arith.constant 0 : i32
        %dma_wait3A_449 = tpu.memref_slice %dma_wait3A_447[%dma_wait3A_432, %dma_wait3A_448] : memref<6x128xi32, #tpu.memory_space<vmem>> -> memref<1x128xi32, #tpu.memory_space<vmem>>
        %dma_wait3A_450 = tpu.memref_squeeze %dma_wait3A_449 : memref<1x128xi32, #tpu.memory_space<vmem>> -> memref<128xi32, #tpu.memory_space<vmem>>
        %dma_wait3A_451 = arith.constant 0 : i32
        %dma_wait3A_452 = arith.constant 0 : i32
        %dma_wait3A_453 = tpu.memref_slice %arg4[%dma_wait3A_451, %dma_wait3A_452] : memref<100352x16xf32, #tpu.memory_space<hbm>> -> memref<100352x16xf32, #tpu.memory_space<hbm>>
        %dma_wait3A_454 = tpu.memref_slice %arg13[%dma_wait3A_434] : memref<6x!tpu.dma_semaphore, #tpu.memory_space<semaphore_mem>> -> memref<1x!tpu.dma_semaphore, #tpu.memory_space<semaphore_mem>>
        %dma_wait3A_455 = tpu.memref_squeeze %dma_wait3A_454 : memref<1x!tpu.dma_semaphore, #tpu.memory_space<semaphore_mem>> -> memref<!tpu.dma_semaphore, #tpu.memory_space<semaphore_mem>>
        tpu.wait_indirect_dma semaphore(%dma_wait3A_455 : memref<!tpu.dma_semaphore, #tpu.memory_space<semaphore_mem>>) src(%dma_wait3A_453 : memref<100352x16xf32, #tpu.memory_space<hbm>>) dst(%dma_wait3A_443 : memref<128x16xf32, #tpu.memory_space<vmem>>)
        %dma_start3A_456 = arith.constant 1 : i32
        %dma_start3A_457 = arith.constant 1 : i32
        %dma_start3A_458 = arith.constant 0 : i32
        %dma_start3A_459 = arith.constant 0 : i32
        %dma_start3A_460 = arith.constant 0 : i32
        %dma_start3A_461 = tpu.memref_slice %arg10[%and3A_206, %dma_start3A_458, %dma_start3A_459, %dma_start3A_460] : memref<2x6x128x16xf32, #tpu.memory_space<vmem>> -> memref<1x6x128x16xf32, #tpu.memory_space<vmem>>
        %dma_start3A_462 = tpu.memref_squeeze %dma_start3A_461 : memref<1x6x128x16xf32, #tpu.memory_space<vmem>> -> memref<6x128x16xf32, #tpu.memory_space<vmem>>
        %dma_start3A_463 = arith.constant 0 : i32
        %dma_start3A_464 = arith.constant 0 : i32
        %dma_start3A_465 = tpu.memref_slice %dma_start3A_462[%dma_start3A_456, %dma_start3A_463, %dma_start3A_464] : memref<6x128x16xf32, #tpu.memory_space<vmem>> -> memref<1x128x16xf32, #tpu.memory_space<vmem>>
        %dma_start3A_466 = tpu.memref_squeeze %dma_start3A_465 : memref<1x128x16xf32, #tpu.memory_space<vmem>> -> memref<128x16xf32, #tpu.memory_space<vmem>>
        %dma_start3A_467 = arith.constant 0 : i32
        %dma_start3A_468 = arith.constant 0 : i32
        %dma_start3A_469 = tpu.memref_slice %arg9[%and3A_206, %dma_start3A_467, %dma_start3A_468] : memref<2x6x128xi32, #tpu.memory_space<vmem>> -> memref<1x6x128xi32, #tpu.memory_space<vmem>>
        %dma_start3A_470 = tpu.memref_squeeze %dma_start3A_469 : memref<1x6x128xi32, #tpu.memory_space<vmem>> -> memref<6x128xi32, #tpu.memory_space<vmem>>
        %dma_start3A_471 = arith.constant 0 : i32
        %dma_start3A_472 = tpu.memref_slice %dma_start3A_470[%dma_start3A_457, %dma_start3A_471] : memref<6x128xi32, #tpu.memory_space<vmem>> -> memref<1x128xi32, #tpu.memory_space<vmem>>
        %dma_start3A_473 = tpu.memref_squeeze %dma_start3A_472 : memref<1x128xi32, #tpu.memory_space<vmem>> -> memref<128xi32, #tpu.memory_space<vmem>>
        %dma_start3A_474 = arith.constant 0 : i32
        %dma_start3A_475 = arith.constant 0 : i32
        %dma_start3A_476 = tpu.memref_slice %arg11[%dma_start3A_474, %dma_start3A_475] : memref<100352x16xf32, #tpu.memory_space<vmem_shared>> -> memref<100352x16xf32, #tpu.memory_space<vmem_shared>>
        %dma_start3A_477 = tpu.memref_slice %arg14[%and3A_206] : memref<2x!tpu.dma_semaphore, #tpu.memory_space<semaphore_mem>> -> memref<1x!tpu.dma_semaphore, #tpu.memory_space<semaphore_mem>>
        %dma_start3A_478 = tpu.memref_squeeze %dma_start3A_477 : memref<1x!tpu.dma_semaphore, #tpu.memory_space<semaphore_mem>> -> memref<!tpu.dma_semaphore, #tpu.memory_space<semaphore_mem>>
        tpu.enqueue_indirect_dma source(%dma_start3A_466 : memref<128x16xf32, #tpu.memory_space<vmem>>) target(%dma_start3A_476 : memref<100352x16xf32, #tpu.memory_space<vmem_shared>>) offsets(%dma_start3A_473 : memref<128xi32, #tpu.memory_space<vmem>>) semaphore(%dma_start3A_478 : memref<!tpu.dma_semaphore, #tpu.memory_space<semaphore_mem>>) {add = true}
        %dma_wait3A_479 = arith.constant 2 : i32
        %dma_wait3A_480 = arith.constant 2 : i32
        %dma_wait3A_481 = arith.constant 2 : i32
        %dma_wait3A_482 = arith.constant 0 : i32
        %dma_wait3A_483 = arith.constant 0 : i32
        %dma_wait3A_484 = arith.constant 0 : i32
        %dma_wait3A_485 = tpu.memref_slice %arg10[%and3A_206, %dma_wait3A_482, %dma_wait3A_483, %dma_wait3A_484] : memref<2x6x128x16xf32, #tpu.memory_space<vmem>> -> memref<1x6x128x16xf32, #tpu.memory_space<vmem>>
        %dma_wait3A_486 = tpu.memref_squeeze %dma_wait3A_485 : memref<1x6x128x16xf32, #tpu.memory_space<vmem>> -> memref<6x128x16xf32, #tpu.memory_space<vmem>>
        %dma_wait3A_487 = arith.constant 0 : i32
        %dma_wait3A_488 = arith.constant 0 : i32
        %dma_wait3A_489 = tpu.memref_slice %dma_wait3A_486[%dma_wait3A_480, %dma_wait3A_487, %dma_wait3A_488] : memref<6x128x16xf32, #tpu.memory_space<vmem>> -> memref<1x128x16xf32, #tpu.memory_space<vmem>>
        %dma_wait3A_490 = tpu.memref_squeeze %dma_wait3A_489 : memref<1x128x16xf32, #tpu.memory_space<vmem>> -> memref<128x16xf32, #tpu.memory_space<vmem>>
        %dma_wait3A_491 = arith.constant 0 : i32
        %dma_wait3A_492 = arith.constant 0 : i32
        %dma_wait3A_493 = tpu.memref_slice %arg8[%and3A_206, %dma_wait3A_491, %dma_wait3A_492] : memref<2x6x128xi32, #tpu.memory_space<vmem>> -> memref<1x6x128xi32, #tpu.memory_space<vmem>>
        %dma_wait3A_494 = tpu.memref_squeeze %dma_wait3A_493 : memref<1x6x128xi32, #tpu.memory_space<vmem>> -> memref<6x128xi32, #tpu.memory_space<vmem>>
        %dma_wait3A_495 = arith.constant 0 : i32
        %dma_wait3A_496 = tpu.memref_slice %dma_wait3A_494[%dma_wait3A_479, %dma_wait3A_495] : memref<6x128xi32, #tpu.memory_space<vmem>> -> memref<1x128xi32, #tpu.memory_space<vmem>>
        %dma_wait3A_497 = tpu.memref_squeeze %dma_wait3A_496 : memref<1x128xi32, #tpu.memory_space<vmem>> -> memref<128xi32, #tpu.memory_space<vmem>>
        %dma_wait3A_498 = arith.constant 0 : i32
        %dma_wait3A_499 = arith.constant 0 : i32
        %dma_wait3A_500 = tpu.memref_slice %arg4[%dma_wait3A_498, %dma_wait3A_499] : memref<100352x16xf32, #tpu.memory_space<hbm>> -> memref<100352x16xf32, #tpu.memory_space<hbm>>
        %dma_wait3A_501 = tpu.memref_slice %arg13[%dma_wait3A_481] : memref<6x!tpu.dma_semaphore, #tpu.memory_space<semaphore_mem>> -> memref<1x!tpu.dma_semaphore, #tpu.memory_space<semaphore_mem>>
        %dma_wait3A_502 = tpu.memref_squeeze %dma_wait3A_501 : memref<1x!tpu.dma_semaphore, #tpu.memory_space<semaphore_mem>> -> memref<!tpu.dma_semaphore, #tpu.memory_space<semaphore_mem>>
        tpu.wait_indirect_dma semaphore(%dma_wait3A_502 : memref<!tpu.dma_semaphore, #tpu.memory_space<semaphore_mem>>) src(%dma_wait3A_500 : memref<100352x16xf32, #tpu.memory_space<hbm>>) dst(%dma_wait3A_490 : memref<128x16xf32, #tpu.memory_space<vmem>>)
        %dma_start3A_503 = arith.constant 2 : i32
        %dma_start3A_504 = arith.constant 2 : i32
        %dma_start3A_505 = arith.constant 0 : i32
        %dma_start3A_506 = arith.constant 0 : i32
        %dma_start3A_507 = arith.constant 0 : i32
        %dma_start3A_508 = tpu.memref_slice %arg10[%and3A_206, %dma_start3A_505, %dma_start3A_506, %dma_start3A_507] : memref<2x6x128x16xf32, #tpu.memory_space<vmem>> -> memref<1x6x128x16xf32, #tpu.memory_space<vmem>>
        %dma_start3A_509 = tpu.memref_squeeze %dma_start3A_508 : memref<1x6x128x16xf32, #tpu.memory_space<vmem>> -> memref<6x128x16xf32, #tpu.memory_space<vmem>>
        %dma_start3A_510 = arith.constant 0 : i32
        %dma_start3A_511 = arith.constant 0 : i32
        %dma_start3A_512 = tpu.memref_slice %dma_start3A_509[%dma_start3A_503, %dma_start3A_510, %dma_start3A_511] : memref<6x128x16xf32, #tpu.memory_space<vmem>> -> memref<1x128x16xf32, #tpu.memory_space<vmem>>
        %dma_start3A_513 = tpu.memref_squeeze %dma_start3A_512 : memref<1x128x16xf32, #tpu.memory_space<vmem>> -> memref<128x16xf32, #tpu.memory_space<vmem>>
        %dma_start3A_514 = arith.constant 0 : i32
        %dma_start3A_515 = arith.constant 0 : i32
        %dma_start3A_516 = tpu.memref_slice %arg9[%and3A_206, %dma_start3A_514, %dma_start3A_515] : memref<2x6x128xi32, #tpu.memory_space<vmem>> -> memref<1x6x128xi32, #tpu.memory_space<vmem>>
        %dma_start3A_517 = tpu.memref_squeeze %dma_start3A_516 : memref<1x6x128xi32, #tpu.memory_space<vmem>> -> memref<6x128xi32, #tpu.memory_space<vmem>>
        %dma_start3A_518 = arith.constant 0 : i32
        %dma_start3A_519 = tpu.memref_slice %dma_start3A_517[%dma_start3A_504, %dma_start3A_518] : memref<6x128xi32, #tpu.memory_space<vmem>> -> memref<1x128xi32, #tpu.memory_space<vmem>>
        %dma_start3A_520 = tpu.memref_squeeze %dma_start3A_519 : memref<1x128xi32, #tpu.memory_space<vmem>> -> memref<128xi32, #tpu.memory_space<vmem>>
        %dma_start3A_521 = arith.constant 0 : i32
        %dma_start3A_522 = arith.constant 0 : i32
        %dma_start3A_523 = tpu.memref_slice %arg11[%dma_start3A_521, %dma_start3A_522] : memref<100352x16xf32, #tpu.memory_space<vmem_shared>> -> memref<100352x16xf32, #tpu.memory_space<vmem_shared>>
        %dma_start3A_524 = tpu.memref_slice %arg14[%and3A_206] : memref<2x!tpu.dma_semaphore, #tpu.memory_space<semaphore_mem>> -> memref<1x!tpu.dma_semaphore, #tpu.memory_space<semaphore_mem>>
        %dma_start3A_525 = tpu.memref_squeeze %dma_start3A_524 : memref<1x!tpu.dma_semaphore, #tpu.memory_space<semaphore_mem>> -> memref<!tpu.dma_semaphore, #tpu.memory_space<semaphore_mem>>
        tpu.enqueue_indirect_dma source(%dma_start3A_513 : memref<128x16xf32, #tpu.memory_space<vmem>>) target(%dma_start3A_523 : memref<100352x16xf32, #tpu.memory_space<vmem_shared>>) offsets(%dma_start3A_520 : memref<128xi32, #tpu.memory_space<vmem>>) semaphore(%dma_start3A_525 : memref<!tpu.dma_semaphore, #tpu.memory_space<semaphore_mem>>) {add = true}
        %dma_wait3A_526 = arith.constant 3 : i32
        %dma_wait3A_527 = arith.constant 3 : i32
        %dma_wait3A_528 = arith.constant 3 : i32
        %dma_wait3A_529 = arith.constant 0 : i32
        %dma_wait3A_530 = arith.constant 0 : i32
        %dma_wait3A_531 = arith.constant 0 : i32
        %dma_wait3A_532 = tpu.memref_slice %arg10[%and3A_206, %dma_wait3A_529, %dma_wait3A_530, %dma_wait3A_531] : memref<2x6x128x16xf32, #tpu.memory_space<vmem>> -> memref<1x6x128x16xf32, #tpu.memory_space<vmem>>
        %dma_wait3A_533 = tpu.memref_squeeze %dma_wait3A_532 : memref<1x6x128x16xf32, #tpu.memory_space<vmem>> -> memref<6x128x16xf32, #tpu.memory_space<vmem>>
        %dma_wait3A_534 = arith.constant 0 : i32
        %dma_wait3A_535 = arith.constant 0 : i32
        %dma_wait3A_536 = tpu.memref_slice %dma_wait3A_533[%dma_wait3A_527, %dma_wait3A_534, %dma_wait3A_535] : memref<6x128x16xf32, #tpu.memory_space<vmem>> -> memref<1x128x16xf32, #tpu.memory_space<vmem>>
        %dma_wait3A_537 = tpu.memref_squeeze %dma_wait3A_536 : memref<1x128x16xf32, #tpu.memory_space<vmem>> -> memref<128x16xf32, #tpu.memory_space<vmem>>
        %dma_wait3A_538 = arith.constant 0 : i32
        %dma_wait3A_539 = arith.constant 0 : i32
        %dma_wait3A_540 = tpu.memref_slice %arg8[%and3A_206, %dma_wait3A_538, %dma_wait3A_539] : memref<2x6x128xi32, #tpu.memory_space<vmem>> -> memref<1x6x128xi32, #tpu.memory_space<vmem>>
        %dma_wait3A_541 = tpu.memref_squeeze %dma_wait3A_540 : memref<1x6x128xi32, #tpu.memory_space<vmem>> -> memref<6x128xi32, #tpu.memory_space<vmem>>
        %dma_wait3A_542 = arith.constant 0 : i32
        %dma_wait3A_543 = tpu.memref_slice %dma_wait3A_541[%dma_wait3A_526, %dma_wait3A_542] : memref<6x128xi32, #tpu.memory_space<vmem>> -> memref<1x128xi32, #tpu.memory_space<vmem>>
        %dma_wait3A_544 = tpu.memref_squeeze %dma_wait3A_543 : memref<1x128xi32, #tpu.memory_space<vmem>> -> memref<128xi32, #tpu.memory_space<vmem>>
        %dma_wait3A_545 = arith.constant 0 : i32
        %dma_wait3A_546 = arith.constant 0 : i32
        %dma_wait3A_547 = tpu.memref_slice %arg4[%dma_wait3A_545, %dma_wait3A_546] : memref<100352x16xf32, #tpu.memory_space<hbm>> -> memref<100352x16xf32, #tpu.memory_space<hbm>>
        %dma_wait3A_548 = tpu.memref_slice %arg13[%dma_wait3A_528] : memref<6x!tpu.dma_semaphore, #tpu.memory_space<semaphore_mem>> -> memref<1x!tpu.dma_semaphore, #tpu.memory_space<semaphore_mem>>
        %dma_wait3A_549 = tpu.memref_squeeze %dma_wait3A_548 : memref<1x!tpu.dma_semaphore, #tpu.memory_space<semaphore_mem>> -> memref<!tpu.dma_semaphore, #tpu.memory_space<semaphore_mem>>
        tpu.wait_indirect_dma semaphore(%dma_wait3A_549 : memref<!tpu.dma_semaphore, #tpu.memory_space<semaphore_mem>>) src(%dma_wait3A_547 : memref<100352x16xf32, #tpu.memory_space<hbm>>) dst(%dma_wait3A_537 : memref<128x16xf32, #tpu.memory_space<vmem>>)
        %dma_start3A_550 = arith.constant 3 : i32
        %dma_start3A_551 = arith.constant 3 : i32
        %dma_start3A_552 = arith.constant 0 : i32
        %dma_start3A_553 = arith.constant 0 : i32
        %dma_start3A_554 = arith.constant 0 : i32
        %dma_start3A_555 = tpu.memref_slice %arg10[%and3A_206, %dma_start3A_552, %dma_start3A_553, %dma_start3A_554] : memref<2x6x128x16xf32, #tpu.memory_space<vmem>> -> memref<1x6x128x16xf32, #tpu.memory_space<vmem>>
        %dma_start3A_556 = tpu.memref_squeeze %dma_start3A_555 : memref<1x6x128x16xf32, #tpu.memory_space<vmem>> -> memref<6x128x16xf32, #tpu.memory_space<vmem>>
        %dma_start3A_557 = arith.constant 0 : i32
        %dma_start3A_558 = arith.constant 0 : i32
        %dma_start3A_559 = tpu.memref_slice %dma_start3A_556[%dma_start3A_550, %dma_start3A_557, %dma_start3A_558] : memref<6x128x16xf32, #tpu.memory_space<vmem>> -> memref<1x128x16xf32, #tpu.memory_space<vmem>>
        %dma_start3A_560 = tpu.memref_squeeze %dma_start3A_559 : memref<1x128x16xf32, #tpu.memory_space<vmem>> -> memref<128x16xf32, #tpu.memory_space<vmem>>
        %dma_start3A_561 = arith.constant 0 : i32
        %dma_start3A_562 = arith.constant 0 : i32
        %dma_start3A_563 = tpu.memref_slice %arg9[%and3A_206, %dma_start3A_561, %dma_start3A_562] : memref<2x6x128xi32, #tpu.memory_space<vmem>> -> memref<1x6x128xi32, #tpu.memory_space<vmem>>
        %dma_start3A_564 = tpu.memref_squeeze %dma_start3A_563 : memref<1x6x128xi32, #tpu.memory_space<vmem>> -> memref<6x128xi32, #tpu.memory_space<vmem>>
        %dma_start3A_565 = arith.constant 0 : i32
        %dma_start3A_566 = tpu.memref_slice %dma_start3A_564[%dma_start3A_551, %dma_start3A_565] : memref<6x128xi32, #tpu.memory_space<vmem>> -> memref<1x128xi32, #tpu.memory_space<vmem>>
        %dma_start3A_567 = tpu.memref_squeeze %dma_start3A_566 : memref<1x128xi32, #tpu.memory_space<vmem>> -> memref<128xi32, #tpu.memory_space<vmem>>
        %dma_start3A_568 = arith.constant 0 : i32
        %dma_start3A_569 = arith.constant 0 : i32
        %dma_start3A_570 = tpu.memref_slice %arg11[%dma_start3A_568, %dma_start3A_569] : memref<100352x16xf32, #tpu.memory_space<vmem_shared>> -> memref<100352x16xf32, #tpu.memory_space<vmem_shared>>
        %dma_start3A_571 = tpu.memref_slice %arg14[%and3A_206] : memref<2x!tpu.dma_semaphore, #tpu.memory_space<semaphore_mem>> -> memref<1x!tpu.dma_semaphore, #tpu.memory_space<semaphore_mem>>
        %dma_start3A_572 = tpu.memref_squeeze %dma_start3A_571 : memref<1x!tpu.dma_semaphore, #tpu.memory_space<semaphore_mem>> -> memref<!tpu.dma_semaphore, #tpu.memory_space<semaphore_mem>>
        tpu.enqueue_indirect_dma source(%dma_start3A_560 : memref<128x16xf32, #tpu.memory_space<vmem>>) target(%dma_start3A_570 : memref<100352x16xf32, #tpu.memory_space<vmem_shared>>) offsets(%dma_start3A_567 : memref<128xi32, #tpu.memory_space<vmem>>) semaphore(%dma_start3A_572 : memref<!tpu.dma_semaphore, #tpu.memory_space<semaphore_mem>>) {add = true}
        %dma_wait3A_573 = arith.constant 4 : i32
        %dma_wait3A_574 = arith.constant 4 : i32
        %dma_wait3A_575 = arith.constant 4 : i32
        %dma_wait3A_576 = arith.constant 0 : i32
        %dma_wait3A_577 = arith.constant 0 : i32
        %dma_wait3A_578 = arith.constant 0 : i32
        %dma_wait3A_579 = tpu.memref_slice %arg10[%and3A_206, %dma_wait3A_576, %dma_wait3A_577, %dma_wait3A_578] : memref<2x6x128x16xf32, #tpu.memory_space<vmem>> -> memref<1x6x128x16xf32, #tpu.memory_space<vmem>>
        %dma_wait3A_580 = tpu.memref_squeeze %dma_wait3A_579 : memref<1x6x128x16xf32, #tpu.memory_space<vmem>> -> memref<6x128x16xf32, #tpu.memory_space<vmem>>
        %dma_wait3A_581 = arith.constant 0 : i32
        %dma_wait3A_582 = arith.constant 0 : i32
        %dma_wait3A_583 = tpu.memref_slice %dma_wait3A_580[%dma_wait3A_574, %dma_wait3A_581, %dma_wait3A_582] : memref<6x128x16xf32, #tpu.memory_space<vmem>> -> memref<1x128x16xf32, #tpu.memory_space<vmem>>
        %dma_wait3A_584 = tpu.memref_squeeze %dma_wait3A_583 : memref<1x128x16xf32, #tpu.memory_space<vmem>> -> memref<128x16xf32, #tpu.memory_space<vmem>>
        %dma_wait3A_585 = arith.constant 0 : i32
        %dma_wait3A_586 = arith.constant 0 : i32
        %dma_wait3A_587 = tpu.memref_slice %arg8[%and3A_206, %dma_wait3A_585, %dma_wait3A_586] : memref<2x6x128xi32, #tpu.memory_space<vmem>> -> memref<1x6x128xi32, #tpu.memory_space<vmem>>
        %dma_wait3A_588 = tpu.memref_squeeze %dma_wait3A_587 : memref<1x6x128xi32, #tpu.memory_space<vmem>> -> memref<6x128xi32, #tpu.memory_space<vmem>>
        %dma_wait3A_589 = arith.constant 0 : i32
        %dma_wait3A_590 = tpu.memref_slice %dma_wait3A_588[%dma_wait3A_573, %dma_wait3A_589] : memref<6x128xi32, #tpu.memory_space<vmem>> -> memref<1x128xi32, #tpu.memory_space<vmem>>
        %dma_wait3A_591 = tpu.memref_squeeze %dma_wait3A_590 : memref<1x128xi32, #tpu.memory_space<vmem>> -> memref<128xi32, #tpu.memory_space<vmem>>
        %dma_wait3A_592 = arith.constant 0 : i32
        %dma_wait3A_593 = arith.constant 0 : i32
        %dma_wait3A_594 = tpu.memref_slice %arg4[%dma_wait3A_592, %dma_wait3A_593] : memref<100352x16xf32, #tpu.memory_space<hbm>> -> memref<100352x16xf32, #tpu.memory_space<hbm>>
        %dma_wait3A_595 = tpu.memref_slice %arg13[%dma_wait3A_575] : memref<6x!tpu.dma_semaphore, #tpu.memory_space<semaphore_mem>> -> memref<1x!tpu.dma_semaphore, #tpu.memory_space<semaphore_mem>>
        %dma_wait3A_596 = tpu.memref_squeeze %dma_wait3A_595 : memref<1x!tpu.dma_semaphore, #tpu.memory_space<semaphore_mem>> -> memref<!tpu.dma_semaphore, #tpu.memory_space<semaphore_mem>>
        tpu.wait_indirect_dma semaphore(%dma_wait3A_596 : memref<!tpu.dma_semaphore, #tpu.memory_space<semaphore_mem>>) src(%dma_wait3A_594 : memref<100352x16xf32, #tpu.memory_space<hbm>>) dst(%dma_wait3A_584 : memref<128x16xf32, #tpu.memory_space<vmem>>)
        %dma_start3A_597 = arith.constant 4 : i32
        %dma_start3A_598 = arith.constant 4 : i32
        %dma_start3A_599 = arith.constant 0 : i32
        %dma_start3A_600 = arith.constant 0 : i32
        %dma_start3A_601 = arith.constant 0 : i32
        %dma_start3A_602 = tpu.memref_slice %arg10[%and3A_206, %dma_start3A_599, %dma_start3A_600, %dma_start3A_601] : memref<2x6x128x16xf32, #tpu.memory_space<vmem>> -> memref<1x6x128x16xf32, #tpu.memory_space<vmem>>
        %dma_start3A_603 = tpu.memref_squeeze %dma_start3A_602 : memref<1x6x128x16xf32, #tpu.memory_space<vmem>> -> memref<6x128x16xf32, #tpu.memory_space<vmem>>
        %dma_start3A_604 = arith.constant 0 : i32
        %dma_start3A_605 = arith.constant 0 : i32
        %dma_start3A_606 = tpu.memref_slice %dma_start3A_603[%dma_start3A_597, %dma_start3A_604, %dma_start3A_605] : memref<6x128x16xf32, #tpu.memory_space<vmem>> -> memref<1x128x16xf32, #tpu.memory_space<vmem>>
        %dma_start3A_607 = tpu.memref_squeeze %dma_start3A_606 : memref<1x128x16xf32, #tpu.memory_space<vmem>> -> memref<128x16xf32, #tpu.memory_space<vmem>>
        %dma_start3A_608 = arith.constant 0 : i32
        %dma_start3A_609 = arith.constant 0 : i32
        %dma_start3A_610 = tpu.memref_slice %arg9[%and3A_206, %dma_start3A_608, %dma_start3A_609] : memref<2x6x128xi32, #tpu.memory_space<vmem>> -> memref<1x6x128xi32, #tpu.memory_space<vmem>>
        %dma_start3A_611 = tpu.memref_squeeze %dma_start3A_610 : memref<1x6x128xi32, #tpu.memory_space<vmem>> -> memref<6x128xi32, #tpu.memory_space<vmem>>
        %dma_start3A_612 = arith.constant 0 : i32
        %dma_start3A_613 = tpu.memref_slice %dma_start3A_611[%dma_start3A_598, %dma_start3A_612] : memref<6x128xi32, #tpu.memory_space<vmem>> -> memref<1x128xi32, #tpu.memory_space<vmem>>
        %dma_start3A_614 = tpu.memref_squeeze %dma_start3A_613 : memref<1x128xi32, #tpu.memory_space<vmem>> -> memref<128xi32, #tpu.memory_space<vmem>>
        %dma_start3A_615 = arith.constant 0 : i32
        %dma_start3A_616 = arith.constant 0 : i32
        %dma_start3A_617 = tpu.memref_slice %arg11[%dma_start3A_615, %dma_start3A_616] : memref<100352x16xf32, #tpu.memory_space<vmem_shared>> -> memref<100352x16xf32, #tpu.memory_space<vmem_shared>>
        %dma_start3A_618 = tpu.memref_slice %arg14[%and3A_206] : memref<2x!tpu.dma_semaphore, #tpu.memory_space<semaphore_mem>> -> memref<1x!tpu.dma_semaphore, #tpu.memory_space<semaphore_mem>>
        %dma_start3A_619 = tpu.memref_squeeze %dma_start3A_618 : memref<1x!tpu.dma_semaphore, #tpu.memory_space<semaphore_mem>> -> memref<!tpu.dma_semaphore, #tpu.memory_space<semaphore_mem>>
        tpu.enqueue_indirect_dma source(%dma_start3A_607 : memref<128x16xf32, #tpu.memory_space<vmem>>) target(%dma_start3A_617 : memref<100352x16xf32, #tpu.memory_space<vmem_shared>>) offsets(%dma_start3A_614 : memref<128xi32, #tpu.memory_space<vmem>>) semaphore(%dma_start3A_619 : memref<!tpu.dma_semaphore, #tpu.memory_space<semaphore_mem>>) {add = true}
        %dma_wait3A_620 = arith.constant 5 : i32
        %dma_wait3A_621 = arith.constant 5 : i32
        %dma_wait3A_622 = arith.constant 5 : i32
        %dma_wait3A_623 = arith.constant 0 : i32
        %dma_wait3A_624 = arith.constant 0 : i32
        %dma_wait3A_625 = arith.constant 0 : i32
        %dma_wait3A_626 = tpu.memref_slice %arg10[%and3A_206, %dma_wait3A_623, %dma_wait3A_624, %dma_wait3A_625] : memref<2x6x128x16xf32, #tpu.memory_space<vmem>> -> memref<1x6x128x16xf32, #tpu.memory_space<vmem>>
        %dma_wait3A_627 = tpu.memref_squeeze %dma_wait3A_626 : memref<1x6x128x16xf32, #tpu.memory_space<vmem>> -> memref<6x128x16xf32, #tpu.memory_space<vmem>>
        %dma_wait3A_628 = arith.constant 0 : i32
        %dma_wait3A_629 = arith.constant 0 : i32
        %dma_wait3A_630 = tpu.memref_slice %dma_wait3A_627[%dma_wait3A_621, %dma_wait3A_628, %dma_wait3A_629] : memref<6x128x16xf32, #tpu.memory_space<vmem>> -> memref<1x128x16xf32, #tpu.memory_space<vmem>>
        %dma_wait3A_631 = tpu.memref_squeeze %dma_wait3A_630 : memref<1x128x16xf32, #tpu.memory_space<vmem>> -> memref<128x16xf32, #tpu.memory_space<vmem>>
        %dma_wait3A_632 = arith.constant 0 : i32
        %dma_wait3A_633 = arith.constant 0 : i32
        %dma_wait3A_634 = tpu.memref_slice %arg8[%and3A_206, %dma_wait3A_632, %dma_wait3A_633] : memref<2x6x128xi32, #tpu.memory_space<vmem>> -> memref<1x6x128xi32, #tpu.memory_space<vmem>>
        %dma_wait3A_635 = tpu.memref_squeeze %dma_wait3A_634 : memref<1x6x128xi32, #tpu.memory_space<vmem>> -> memref<6x128xi32, #tpu.memory_space<vmem>>
        %dma_wait3A_636 = arith.constant 0 : i32
        %dma_wait3A_637 = tpu.memref_slice %dma_wait3A_635[%dma_wait3A_620, %dma_wait3A_636] : memref<6x128xi32, #tpu.memory_space<vmem>> -> memref<1x128xi32, #tpu.memory_space<vmem>>
        %dma_wait3A_638 = tpu.memref_squeeze %dma_wait3A_637 : memref<1x128xi32, #tpu.memory_space<vmem>> -> memref<128xi32, #tpu.memory_space<vmem>>
        %dma_wait3A_639 = arith.constant 0 : i32
        %dma_wait3A_640 = arith.constant 0 : i32
        %dma_wait3A_641 = tpu.memref_slice %arg4[%dma_wait3A_639, %dma_wait3A_640] : memref<100352x16xf32, #tpu.memory_space<hbm>> -> memref<100352x16xf32, #tpu.memory_space<hbm>>
        %dma_wait3A_642 = tpu.memref_slice %arg13[%dma_wait3A_622] : memref<6x!tpu.dma_semaphore, #tpu.memory_space<semaphore_mem>> -> memref<1x!tpu.dma_semaphore, #tpu.memory_space<semaphore_mem>>
        %dma_wait3A_643 = tpu.memref_squeeze %dma_wait3A_642 : memref<1x!tpu.dma_semaphore, #tpu.memory_space<semaphore_mem>> -> memref<!tpu.dma_semaphore, #tpu.memory_space<semaphore_mem>>
        tpu.wait_indirect_dma semaphore(%dma_wait3A_643 : memref<!tpu.dma_semaphore, #tpu.memory_space<semaphore_mem>>) src(%dma_wait3A_641 : memref<100352x16xf32, #tpu.memory_space<hbm>>) dst(%dma_wait3A_631 : memref<128x16xf32, #tpu.memory_space<vmem>>)
        %dma_start3A_644 = arith.constant 5 : i32
        %dma_start3A_645 = arith.constant 5 : i32
        %dma_start3A_646 = arith.constant 0 : i32
        %dma_start3A_647 = arith.constant 0 : i32
        %dma_start3A_648 = arith.constant 0 : i32
        %dma_start3A_649 = tpu.memref_slice %arg10[%and3A_206, %dma_start3A_646, %dma_start3A_647, %dma_start3A_648] : memref<2x6x128x16xf32, #tpu.memory_space<vmem>> -> memref<1x6x128x16xf32, #tpu.memory_space<vmem>>
        %dma_start3A_650 = tpu.memref_squeeze %dma_start3A_649 : memref<1x6x128x16xf32, #tpu.memory_space<vmem>> -> memref<6x128x16xf32, #tpu.memory_space<vmem>>
        %dma_start3A_651 = arith.constant 0 : i32
        %dma_start3A_652 = arith.constant 0 : i32
        %dma_start3A_653 = tpu.memref_slice %dma_start3A_650[%dma_start3A_644, %dma_start3A_651, %dma_start3A_652] : memref<6x128x16xf32, #tpu.memory_space<vmem>> -> memref<1x128x16xf32, #tpu.memory_space<vmem>>
        %dma_start3A_654 = tpu.memref_squeeze %dma_start3A_653 : memref<1x128x16xf32, #tpu.memory_space<vmem>> -> memref<128x16xf32, #tpu.memory_space<vmem>>
        %dma_start3A_655 = arith.constant 0 : i32
        %dma_start3A_656 = arith.constant 0 : i32
        %dma_start3A_657 = tpu.memref_slice %arg9[%and3A_206, %dma_start3A_655, %dma_start3A_656] : memref<2x6x128xi32, #tpu.memory_space<vmem>> -> memref<1x6x128xi32, #tpu.memory_space<vmem>>
        %dma_start3A_658 = tpu.memref_squeeze %dma_start3A_657 : memref<1x6x128xi32, #tpu.memory_space<vmem>> -> memref<6x128xi32, #tpu.memory_space<vmem>>
        %dma_start3A_659 = arith.constant 0 : i32
        %dma_start3A_660 = tpu.memref_slice %dma_start3A_658[%dma_start3A_645, %dma_start3A_659] : memref<6x128xi32, #tpu.memory_space<vmem>> -> memref<1x128xi32, #tpu.memory_space<vmem>>
        %dma_start3A_661 = tpu.memref_squeeze %dma_start3A_660 : memref<1x128xi32, #tpu.memory_space<vmem>> -> memref<128xi32, #tpu.memory_space<vmem>>
        %dma_start3A_662 = arith.constant 0 : i32
        %dma_start3A_663 = arith.constant 0 : i32
        %dma_start3A_664 = tpu.memref_slice %arg11[%dma_start3A_662, %dma_start3A_663] : memref<100352x16xf32, #tpu.memory_space<vmem_shared>> -> memref<100352x16xf32, #tpu.memory_space<vmem_shared>>
        %dma_start3A_665 = tpu.memref_slice %arg14[%and3A_206] : memref<2x!tpu.dma_semaphore, #tpu.memory_space<semaphore_mem>> -> memref<1x!tpu.dma_semaphore, #tpu.memory_space<semaphore_mem>>
        %dma_start3A_666 = tpu.memref_squeeze %dma_start3A_665 : memref<1x!tpu.dma_semaphore, #tpu.memory_space<semaphore_mem>> -> memref<!tpu.dma_semaphore, #tpu.memory_space<semaphore_mem>>
        tpu.enqueue_indirect_dma source(%dma_start3A_654 : memref<128x16xf32, #tpu.memory_space<vmem>>) target(%dma_start3A_664 : memref<100352x16xf32, #tpu.memory_space<vmem_shared>>) offsets(%dma_start3A_661 : memref<128xi32, #tpu.memory_space<vmem>>) semaphore(%dma_start3A_666 : memref<!tpu.dma_semaphore, #tpu.memory_space<semaphore_mem>>) {add = true}
      }
      %scan3A_45 = arith.constant 132 : i32
      %dma_wait3A = arith.constant 1 : i32
      %dma_wait3A_46 = arith.constant 0 : i32
      %dma_wait3A_47 = arith.constant 1 : i32
      %dma_wait3A_48 = arith.constant 0 : i32
      %dma_wait3A_49 = arith.constant 1 : i32
      %dma_wait3A_50 = arith.constant 0 : i32
      %dma_wait3A_51 = arith.constant 0 : i32
      %dma_wait3A_52 = arith.constant 0 : i32
      %dma_wait3A_53 = tpu.memref_slice %arg10[%dma_wait3A, %dma_wait3A_50, %dma_wait3A_51, %dma_wait3A_52] : memref<2x6x128x16xf32, #tpu.memory_space<vmem>> -> memref<1x6x128x16xf32, #tpu.memory_space<vmem>>
      %dma_wait3A_54 = tpu.memref_squeeze %dma_wait3A_53 : memref<1x6x128x16xf32, #tpu.memory_space<vmem>> -> memref<6x128x16xf32, #tpu.memory_space<vmem>>
      %dma_wait3A_55 = arith.constant 0 : i32
      %dma_wait3A_56 = arith.constant 0 : i32
      %dma_wait3A_57 = tpu.memref_slice %dma_wait3A_54[%dma_wait3A_46, %dma_wait3A_55, %dma_wait3A_56] : memref<6x128x16xf32, #tpu.memory_space<vmem>> -> memref<1x128x16xf32, #tpu.memory_space<vmem>>
      %dma_wait3A_58 = tpu.memref_squeeze %dma_wait3A_57 : memref<1x128x16xf32, #tpu.memory_space<vmem>> -> memref<128x16xf32, #tpu.memory_space<vmem>>
      %dma_wait3A_59 = arith.constant 0 : i32
      %dma_wait3A_60 = arith.constant 0 : i32
      %dma_wait3A_61 = tpu.memref_slice %arg9[%dma_wait3A_47, %dma_wait3A_59, %dma_wait3A_60] : memref<2x6x128xi32, #tpu.memory_space<vmem>> -> memref<1x6x128xi32, #tpu.memory_space<vmem>>
      %dma_wait3A_62 = tpu.memref_squeeze %dma_wait3A_61 : memref<1x6x128xi32, #tpu.memory_space<vmem>> -> memref<6x128xi32, #tpu.memory_space<vmem>>
      %dma_wait3A_63 = arith.constant 0 : i32
      %dma_wait3A_64 = tpu.memref_slice %dma_wait3A_62[%dma_wait3A_48, %dma_wait3A_63] : memref<6x128xi32, #tpu.memory_space<vmem>> -> memref<1x128xi32, #tpu.memory_space<vmem>>
      %dma_wait3A_65 = tpu.memref_squeeze %dma_wait3A_64 : memref<1x128xi32, #tpu.memory_space<vmem>> -> memref<128xi32, #tpu.memory_space<vmem>>
      %dma_wait3A_66 = arith.constant 0 : i32
      %dma_wait3A_67 = arith.constant 0 : i32
      %dma_wait3A_68 = tpu.memref_slice %arg11[%dma_wait3A_66, %dma_wait3A_67] : memref<100352x16xf32, #tpu.memory_space<vmem_shared>> -> memref<100352x16xf32, #tpu.memory_space<vmem_shared>>
      %dma_wait3A_69 = tpu.memref_slice %arg14[%dma_wait3A_49] : memref<2x!tpu.dma_semaphore, #tpu.memory_space<semaphore_mem>> -> memref<1x!tpu.dma_semaphore, #tpu.memory_space<semaphore_mem>>
      %dma_wait3A_70 = tpu.memref_squeeze %dma_wait3A_69 : memref<1x!tpu.dma_semaphore, #tpu.memory_space<semaphore_mem>> -> memref<!tpu.dma_semaphore, #tpu.memory_space<semaphore_mem>>
      tpu.wait_indirect_dma semaphore(%dma_wait3A_70 : memref<!tpu.dma_semaphore, #tpu.memory_space<semaphore_mem>>) src(%dma_wait3A_58 : memref<128x16xf32, #tpu.memory_space<vmem>>) dst(%dma_wait3A_68 : memref<100352x16xf32, #tpu.memory_space<vmem_shared>>)
      %dma_wait3A_71 = arith.constant 1 : i32
      %dma_wait3A_72 = arith.constant 1 : i32
      %dma_wait3A_73 = arith.constant 1 : i32
      %dma_wait3A_74 = arith.constant 1 : i32
      %dma_wait3A_75 = arith.constant 1 : i32
      %dma_wait3A_76 = arith.constant 0 : i32
      %dma_wait3A_77 = arith.constant 0 : i32
      %dma_wait3A_78 = arith.constant 0 : i32
      %dma_wait3A_79 = tpu.memref_slice %arg10[%dma_wait3A_71, %dma_wait3A_76, %dma_wait3A_77, %dma_wait3A_78] : memref<2x6x128x16xf32, #tpu.memory_space<vmem>> -> memref<1x6x128x16xf32, #tpu.memory_space<vmem>>
      %dma_wait3A_80 = tpu.memref_squeeze %dma_wait3A_79 : memref<1x6x128x16xf32, #tpu.memory_space<vmem>> -> memref<6x128x16xf32, #tpu.memory_space<vmem>>
      %dma_wait3A_81 = arith.constant 0 : i32
      %dma_wait3A_82 = arith.constant 0 : i32
      %dma_wait3A_83 = tpu.memref_slice %dma_wait3A_80[%dma_wait3A_72, %dma_wait3A_81, %dma_wait3A_82] : memref<6x128x16xf32, #tpu.memory_space<vmem>> -> memref<1x128x16xf32, #tpu.memory_space<vmem>>
      %dma_wait3A_84 = tpu.memref_squeeze %dma_wait3A_83 : memref<1x128x16xf32, #tpu.memory_space<vmem>> -> memref<128x16xf32, #tpu.memory_space<vmem>>
      %dma_wait3A_85 = arith.constant 0 : i32
      %dma_wait3A_86 = arith.constant 0 : i32
      %dma_wait3A_87 = tpu.memref_slice %arg9[%dma_wait3A_73, %dma_wait3A_85, %dma_wait3A_86] : memref<2x6x128xi32, #tpu.memory_space<vmem>> -> memref<1x6x128xi32, #tpu.memory_space<vmem>>
      %dma_wait3A_88 = tpu.memref_squeeze %dma_wait3A_87 : memref<1x6x128xi32, #tpu.memory_space<vmem>> -> memref<6x128xi32, #tpu.memory_space<vmem>>
      %dma_wait3A_89 = arith.constant 0 : i32
      %dma_wait3A_90 = tpu.memref_slice %dma_wait3A_88[%dma_wait3A_74, %dma_wait3A_89] : memref<6x128xi32, #tpu.memory_space<vmem>> -> memref<1x128xi32, #tpu.memory_space<vmem>>
      %dma_wait3A_91 = tpu.memref_squeeze %dma_wait3A_90 : memref<1x128xi32, #tpu.memory_space<vmem>> -> memref<128xi32, #tpu.memory_space<vmem>>
      %dma_wait3A_92 = arith.constant 0 : i32
      %dma_wait3A_93 = arith.constant 0 : i32
      %dma_wait3A_94 = tpu.memref_slice %arg11[%dma_wait3A_92, %dma_wait3A_93] : memref<100352x16xf32, #tpu.memory_space<vmem_shared>> -> memref<100352x16xf32, #tpu.memory_space<vmem_shared>>
      %dma_wait3A_95 = tpu.memref_slice %arg14[%dma_wait3A_75] : memref<2x!tpu.dma_semaphore, #tpu.memory_space<semaphore_mem>> -> memref<1x!tpu.dma_semaphore, #tpu.memory_space<semaphore_mem>>
      %dma_wait3A_96 = tpu.memref_squeeze %dma_wait3A_95 : memref<1x!tpu.dma_semaphore, #tpu.memory_space<semaphore_mem>> -> memref<!tpu.dma_semaphore, #tpu.memory_space<semaphore_mem>>
      tpu.wait_indirect_dma semaphore(%dma_wait3A_96 : memref<!tpu.dma_semaphore, #tpu.memory_space<semaphore_mem>>) src(%dma_wait3A_84 : memref<128x16xf32, #tpu.memory_space<vmem>>) dst(%dma_wait3A_94 : memref<100352x16xf32, #tpu.memory_space<vmem_shared>>)
      %dma_wait3A_97 = arith.constant 1 : i32
      %dma_wait3A_98 = arith.constant 2 : i32
      %dma_wait3A_99 = arith.constant 1 : i32
      %dma_wait3A_100 = arith.constant 2 : i32
      %dma_wait3A_101 = arith.constant 1 : i32
      %dma_wait3A_102 = arith.constant 0 : i32
      %dma_wait3A_103 = arith.constant 0 : i32
      %dma_wait3A_104 = arith.constant 0 : i32
      %dma_wait3A_105 = tpu.memref_slice %arg10[%dma_wait3A_97, %dma_wait3A_102, %dma_wait3A_103, %dma_wait3A_104] : memref<2x6x128x16xf32, #tpu.memory_space<vmem>> -> memref<1x6x128x16xf32, #tpu.memory_space<vmem>>
      %dma_wait3A_106 = tpu.memref_squeeze %dma_wait3A_105 : memref<1x6x128x16xf32, #tpu.memory_space<vmem>> -> memref<6x128x16xf32, #tpu.memory_space<vmem>>
      %dma_wait3A_107 = arith.constant 0 : i32
      %dma_wait3A_108 = arith.constant 0 : i32
      %dma_wait3A_109 = tpu.memref_slice %dma_wait3A_106[%dma_wait3A_98, %dma_wait3A_107, %dma_wait3A_108] : memref<6x128x16xf32, #tpu.memory_space<vmem>> -> memref<1x128x16xf32, #tpu.memory_space<vmem>>
      %dma_wait3A_110 = tpu.memref_squeeze %dma_wait3A_109 : memref<1x128x16xf32, #tpu.memory_space<vmem>> -> memref<128x16xf32, #tpu.memory_space<vmem>>
      %dma_wait3A_111 = arith.constant 0 : i32
      %dma_wait3A_112 = arith.constant 0 : i32
      %dma_wait3A_113 = tpu.memref_slice %arg9[%dma_wait3A_99, %dma_wait3A_111, %dma_wait3A_112] : memref<2x6x128xi32, #tpu.memory_space<vmem>> -> memref<1x6x128xi32, #tpu.memory_space<vmem>>
      %dma_wait3A_114 = tpu.memref_squeeze %dma_wait3A_113 : memref<1x6x128xi32, #tpu.memory_space<vmem>> -> memref<6x128xi32, #tpu.memory_space<vmem>>
      %dma_wait3A_115 = arith.constant 0 : i32
      %dma_wait3A_116 = tpu.memref_slice %dma_wait3A_114[%dma_wait3A_100, %dma_wait3A_115] : memref<6x128xi32, #tpu.memory_space<vmem>> -> memref<1x128xi32, #tpu.memory_space<vmem>>
      %dma_wait3A_117 = tpu.memref_squeeze %dma_wait3A_116 : memref<1x128xi32, #tpu.memory_space<vmem>> -> memref<128xi32, #tpu.memory_space<vmem>>
      %dma_wait3A_118 = arith.constant 0 : i32
      %dma_wait3A_119 = arith.constant 0 : i32
      %dma_wait3A_120 = tpu.memref_slice %arg11[%dma_wait3A_118, %dma_wait3A_119] : memref<100352x16xf32, #tpu.memory_space<vmem_shared>> -> memref<100352x16xf32, #tpu.memory_space<vmem_shared>>
      %dma_wait3A_121 = tpu.memref_slice %arg14[%dma_wait3A_101] : memref<2x!tpu.dma_semaphore, #tpu.memory_space<semaphore_mem>> -> memref<1x!tpu.dma_semaphore, #tpu.memory_space<semaphore_mem>>
      %dma_wait3A_122 = tpu.memref_squeeze %dma_wait3A_121 : memref<1x!tpu.dma_semaphore, #tpu.memory_space<semaphore_mem>> -> memref<!tpu.dma_semaphore, #tpu.memory_space<semaphore_mem>>
      tpu.wait_indirect_dma semaphore(%dma_wait3A_122 : memref<!tpu.dma_semaphore, #tpu.memory_space<semaphore_mem>>) src(%dma_wait3A_110 : memref<128x16xf32, #tpu.memory_space<vmem>>) dst(%dma_wait3A_120 : memref<100352x16xf32, #tpu.memory_space<vmem_shared>>)
      %dma_wait3A_123 = arith.constant 1 : i32
      %dma_wait3A_124 = arith.constant 3 : i32
      %dma_wait3A_125 = arith.constant 1 : i32
      %dma_wait3A_126 = arith.constant 3 : i32
      %dma_wait3A_127 = arith.constant 1 : i32
      %dma_wait3A_128 = arith.constant 0 : i32
      %dma_wait3A_129 = arith.constant 0 : i32
      %dma_wait3A_130 = arith.constant 0 : i32
      %dma_wait3A_131 = tpu.memref_slice %arg10[%dma_wait3A_123, %dma_wait3A_128, %dma_wait3A_129, %dma_wait3A_130] : memref<2x6x128x16xf32, #tpu.memory_space<vmem>> -> memref<1x6x128x16xf32, #tpu.memory_space<vmem>>
      %dma_wait3A_132 = tpu.memref_squeeze %dma_wait3A_131 : memref<1x6x128x16xf32, #tpu.memory_space<vmem>> -> memref<6x128x16xf32, #tpu.memory_space<vmem>>
      %dma_wait3A_133 = arith.constant 0 : i32
      %dma_wait3A_134 = arith.constant 0 : i32
      %dma_wait3A_135 = tpu.memref_slice %dma_wait3A_132[%dma_wait3A_124, %dma_wait3A_133, %dma_wait3A_134] : memref<6x128x16xf32, #tpu.memory_space<vmem>> -> memref<1x128x16xf32, #tpu.memory_space<vmem>>
      %dma_wait3A_136 = tpu.memref_squeeze %dma_wait3A_135 : memref<1x128x16xf32, #tpu.memory_space<vmem>> -> memref<128x16xf32, #tpu.memory_space<vmem>>
      %dma_wait3A_137 = arith.constant 0 : i32
      %dma_wait3A_138 = arith.constant 0 : i32
      %dma_wait3A_139 = tpu.memref_slice %arg9[%dma_wait3A_125, %dma_wait3A_137, %dma_wait3A_138] : memref<2x6x128xi32, #tpu.memory_space<vmem>> -> memref<1x6x128xi32, #tpu.memory_space<vmem>>
      %dma_wait3A_140 = tpu.memref_squeeze %dma_wait3A_139 : memref<1x6x128xi32, #tpu.memory_space<vmem>> -> memref<6x128xi32, #tpu.memory_space<vmem>>
      %dma_wait3A_141 = arith.constant 0 : i32
      %dma_wait3A_142 = tpu.memref_slice %dma_wait3A_140[%dma_wait3A_126, %dma_wait3A_141] : memref<6x128xi32, #tpu.memory_space<vmem>> -> memref<1x128xi32, #tpu.memory_space<vmem>>
      %dma_wait3A_143 = tpu.memref_squeeze %dma_wait3A_142 : memref<1x128xi32, #tpu.memory_space<vmem>> -> memref<128xi32, #tpu.memory_space<vmem>>
      %dma_wait3A_144 = arith.constant 0 : i32
      %dma_wait3A_145 = arith.constant 0 : i32
      %dma_wait3A_146 = tpu.memref_slice %arg11[%dma_wait3A_144, %dma_wait3A_145] : memref<100352x16xf32, #tpu.memory_space<vmem_shared>> -> memref<100352x16xf32, #tpu.memory_space<vmem_shared>>
      %dma_wait3A_147 = tpu.memref_slice %arg14[%dma_wait3A_127] : memref<2x!tpu.dma_semaphore, #tpu.memory_space<semaphore_mem>> -> memref<1x!tpu.dma_semaphore, #tpu.memory_space<semaphore_mem>>
      %dma_wait3A_148 = tpu.memref_squeeze %dma_wait3A_147 : memref<1x!tpu.dma_semaphore, #tpu.memory_space<semaphore_mem>> -> memref<!tpu.dma_semaphore, #tpu.memory_space<semaphore_mem>>
      tpu.wait_indirect_dma semaphore(%dma_wait3A_148 : memref<!tpu.dma_semaphore, #tpu.memory_space<semaphore_mem>>) src(%dma_wait3A_136 : memref<128x16xf32, #tpu.memory_space<vmem>>) dst(%dma_wait3A_146 : memref<100352x16xf32, #tpu.memory_space<vmem_shared>>)
      %dma_wait3A_149 = arith.constant 1 : i32
      %dma_wait3A_150 = arith.constant 4 : i32
      %dma_wait3A_151 = arith.constant 1 : i32
      %dma_wait3A_152 = arith.constant 4 : i32
      %dma_wait3A_153 = arith.constant 1 : i32
      %dma_wait3A_154 = arith.constant 0 : i32
      %dma_wait3A_155 = arith.constant 0 : i32
      %dma_wait3A_156 = arith.constant 0 : i32
      %dma_wait3A_157 = tpu.memref_slice %arg10[%dma_wait3A_149, %dma_wait3A_154, %dma_wait3A_155, %dma_wait3A_156] : memref<2x6x128x16xf32, #tpu.memory_space<vmem>> -> memref<1x6x128x16xf32, #tpu.memory_space<vmem>>
      %dma_wait3A_158 = tpu.memref_squeeze %dma_wait3A_157 : memref<1x6x128x16xf32, #tpu.memory_space<vmem>> -> memref<6x128x16xf32, #tpu.memory_space<vmem>>
      %dma_wait3A_159 = arith.constant 0 : i32
      %dma_wait3A_160 = arith.constant 0 : i32
      %dma_wait3A_161 = tpu.memref_slice %dma_wait3A_158[%dma_wait3A_150, %dma_wait3A_159, %dma_wait3A_160] : memref<6x128x16xf32, #tpu.memory_space<vmem>> -> memref<1x128x16xf32, #tpu.memory_space<vmem>>
      %dma_wait3A_162 = tpu.memref_squeeze %dma_wait3A_161 : memref<1x128x16xf32, #tpu.memory_space<vmem>> -> memref<128x16xf32, #tpu.memory_space<vmem>>
      %dma_wait3A_163 = arith.constant 0 : i32
      %dma_wait3A_164 = arith.constant 0 : i32
      %dma_wait3A_165 = tpu.memref_slice %arg9[%dma_wait3A_151, %dma_wait3A_163, %dma_wait3A_164] : memref<2x6x128xi32, #tpu.memory_space<vmem>> -> memref<1x6x128xi32, #tpu.memory_space<vmem>>
      %dma_wait3A_166 = tpu.memref_squeeze %dma_wait3A_165 : memref<1x6x128xi32, #tpu.memory_space<vmem>> -> memref<6x128xi32, #tpu.memory_space<vmem>>
      %dma_wait3A_167 = arith.constant 0 : i32
      %dma_wait3A_168 = tpu.memref_slice %dma_wait3A_166[%dma_wait3A_152, %dma_wait3A_167] : memref<6x128xi32, #tpu.memory_space<vmem>> -> memref<1x128xi32, #tpu.memory_space<vmem>>
      %dma_wait3A_169 = tpu.memref_squeeze %dma_wait3A_168 : memref<1x128xi32, #tpu.memory_space<vmem>> -> memref<128xi32, #tpu.memory_space<vmem>>
      %dma_wait3A_170 = arith.constant 0 : i32
      %dma_wait3A_171 = arith.constant 0 : i32
      %dma_wait3A_172 = tpu.memref_slice %arg11[%dma_wait3A_170, %dma_wait3A_171] : memref<100352x16xf32, #tpu.memory_space<vmem_shared>> -> memref<100352x16xf32, #tpu.memory_space<vmem_shared>>
      %dma_wait3A_173 = tpu.memref_slice %arg14[%dma_wait3A_153] : memref<2x!tpu.dma_semaphore, #tpu.memory_space<semaphore_mem>> -> memref<1x!tpu.dma_semaphore, #tpu.memory_space<semaphore_mem>>
      %dma_wait3A_174 = tpu.memref_squeeze %dma_wait3A_173 : memref<1x!tpu.dma_semaphore, #tpu.memory_space<semaphore_mem>> -> memref<!tpu.dma_semaphore, #tpu.memory_space<semaphore_mem>>
      tpu.wait_indirect_dma semaphore(%dma_wait3A_174 : memref<!tpu.dma_semaphore, #tpu.memory_space<semaphore_mem>>) src(%dma_wait3A_162 : memref<128x16xf32, #tpu.memory_space<vmem>>) dst(%dma_wait3A_172 : memref<100352x16xf32, #tpu.memory_space<vmem_shared>>)
      %dma_wait3A_175 = arith.constant 1 : i32
      %dma_wait3A_176 = arith.constant 5 : i32
      %dma_wait3A_177 = arith.constant 1 : i32
      %dma_wait3A_178 = arith.constant 5 : i32
      %dma_wait3A_179 = arith.constant 1 : i32
      %dma_wait3A_180 = arith.constant 0 : i32
      %dma_wait3A_181 = arith.constant 0 : i32
      %dma_wait3A_182 = arith.constant 0 : i32
      %dma_wait3A_183 = tpu.memref_slice %arg10[%dma_wait3A_175, %dma_wait3A_180, %dma_wait3A_181, %dma_wait3A_182] : memref<2x6x128x16xf32, #tpu.memory_space<vmem>> -> memref<1x6x128x16xf32, #tpu.memory_space<vmem>>
      %dma_wait3A_184 = tpu.memref_squeeze %dma_wait3A_183 : memref<1x6x128x16xf32, #tpu.memory_space<vmem>> -> memref<6x128x16xf32, #tpu.memory_space<vmem>>
      %dma_wait3A_185 = arith.constant 0 : i32
      %dma_wait3A_186 = arith.constant 0 : i32
      %dma_wait3A_187 = tpu.memref_slice %dma_wait3A_184[%dma_wait3A_176, %dma_wait3A_185, %dma_wait3A_186] : memref<6x128x16xf32, #tpu.memory_space<vmem>> -> memref<1x128x16xf32, #tpu.memory_space<vmem>>
      %dma_wait3A_188 = tpu.memref_squeeze %dma_wait3A_187 : memref<1x128x16xf32, #tpu.memory_space<vmem>> -> memref<128x16xf32, #tpu.memory_space<vmem>>
      %dma_wait3A_189 = arith.constant 0 : i32
      %dma_wait3A_190 = arith.constant 0 : i32
      %dma_wait3A_191 = tpu.memref_slice %arg9[%dma_wait3A_177, %dma_wait3A_189, %dma_wait3A_190] : memref<2x6x128xi32, #tpu.memory_space<vmem>> -> memref<1x6x128xi32, #tpu.memory_space<vmem>>
      %dma_wait3A_192 = tpu.memref_squeeze %dma_wait3A_191 : memref<1x6x128xi32, #tpu.memory_space<vmem>> -> memref<6x128xi32, #tpu.memory_space<vmem>>
      %dma_wait3A_193 = arith.constant 0 : i32
      %dma_wait3A_194 = tpu.memref_slice %dma_wait3A_192[%dma_wait3A_178, %dma_wait3A_193] : memref<6x128xi32, #tpu.memory_space<vmem>> -> memref<1x128xi32, #tpu.memory_space<vmem>>
      %dma_wait3A_195 = tpu.memref_squeeze %dma_wait3A_194 : memref<1x128xi32, #tpu.memory_space<vmem>> -> memref<128xi32, #tpu.memory_space<vmem>>
      %dma_wait3A_196 = arith.constant 0 : i32
      %dma_wait3A_197 = arith.constant 0 : i32
      %dma_wait3A_198 = tpu.memref_slice %arg11[%dma_wait3A_196, %dma_wait3A_197] : memref<100352x16xf32, #tpu.memory_space<vmem_shared>> -> memref<100352x16xf32, #tpu.memory_space<vmem_shared>>
      %dma_wait3A_199 = tpu.memref_slice %arg14[%dma_wait3A_179] : memref<2x!tpu.dma_semaphore, #tpu.memory_space<semaphore_mem>> -> memref<1x!tpu.dma_semaphore, #tpu.memory_space<semaphore_mem>>
      %dma_wait3A_200 = tpu.memref_squeeze %dma_wait3A_199 : memref<1x!tpu.dma_semaphore, #tpu.memory_space<semaphore_mem>> -> memref<!tpu.dma_semaphore, #tpu.memory_space<semaphore_mem>>
      tpu.wait_indirect_dma semaphore(%dma_wait3A_200 : memref<!tpu.dma_semaphore, #tpu.memory_space<semaphore_mem>>) src(%dma_wait3A_188 : memref<128x16xf32, #tpu.memory_space<vmem>>) dst(%dma_wait3A_198 : memref<100352x16xf32, #tpu.memory_space<vmem_shared>>)
    } else {
    }
    %eq3A_5 = arith.constant 1 : i32
    %eq3A_6 = arith.cmpi eq, %arg0, %eq3A_5 : i32
    %convert_element_type3A_7 = arith.extui %eq3A_6 : i1 to i32
    %cond3A_8 = arith.constant 0 : i32
    %cond3A_9 = arith.cmpi ne, %convert_element_type3A_7, %cond3A_8 : i32
    scf.if %cond3A_9 {
      %dma_start3A = arith.constant 0 : i32
      %dma_start3A_17 = arith.constant 0 : i32
      %dma_start3A_18 = arith.constant 0 : i32
      %dma_start3A_19 = tpu.memref_slice %arg8[%dma_start3A, %dma_start3A_17, %dma_start3A_18] : memref<2x6x128xi32, #tpu.memory_space<vmem>> -> memref<1x6x128xi32, #tpu.memory_space<vmem>>
      %dma_start3A_20 = tpu.memref_squeeze %dma_start3A_19 : memref<1x6x128xi32, #tpu.memory_space<vmem>> -> memref<6x128xi32, #tpu.memory_space<vmem>>
      %dma_start3A_21 = arith.constant 0 : i32
      %dma_start3A_22 = tpu.memref_slice %arg2[%mul3A_2, %dma_start3A_21] : memref<12672x128xi32, #tpu.memory_space<hbm>> -> memref<6x128xi32, #tpu.memory_space<hbm>>
      %dma_start3A_23 = arith.constant 0 : i32
      %dma_start3A_24 = arith.constant 0 : i32
      %dma_start3A_25 = tpu.memref_slice %arg8[%dma_start3A, %dma_start3A_23, %dma_start3A_24] : memref<2x6x128xi32, #tpu.memory_space<vmem>> -> memref<1x6x128xi32, #tpu.memory_space<vmem>>
      %dma_start3A_26 = tpu.memref_squeeze %dma_start3A_25 : memref<1x6x128xi32, #tpu.memory_space<vmem>> -> memref<6x128xi32, #tpu.memory_space<vmem>>
      %dma_start3A_27 = arith.constant 0 : i32
      %dma_start3A_28 = tpu.memref_slice %arg2[%mul3A_2, %dma_start3A_27] : memref<12672x128xi32, #tpu.memory_space<hbm>> -> memref<6x128xi32, #tpu.memory_space<hbm>>
      tpu.enqueue_dma source(%dma_start3A_28 : memref<6x128xi32, #tpu.memory_space<hbm>>) target(%dma_start3A_26 : memref<6x128xi32, #tpu.memory_space<vmem>>) target_semaphore(%arg12 : memref<!tpu.dma_semaphore, #tpu.memory_space<semaphore_mem>>)
      %dma_start3A_29 = arith.constant 0 : i32
      %dma_start3A_30 = arith.constant 0 : i32
      %dma_start3A_31 = arith.constant 0 : i32
      %dma_start3A_32 = tpu.memref_slice %arg9[%dma_start3A_29, %dma_start3A_30, %dma_start3A_31] : memref<2x6x128xi32, #tpu.memory_space<vmem>> -> memref<1x6x128xi32, #tpu.memory_space<vmem>>
      %dma_start3A_33 = tpu.memref_squeeze %dma_start3A_32 : memref<1x6x128xi32, #tpu.memory_space<vmem>> -> memref<6x128xi32, #tpu.memory_space<vmem>>
      %dma_start3A_34 = arith.constant 0 : i32
      %dma_start3A_35 = tpu.memref_slice %arg3[%mul3A_2, %dma_start3A_34] : memref<12672x128xi32, #tpu.memory_space<hbm>> -> memref<6x128xi32, #tpu.memory_space<hbm>>
      %dma_start3A_36 = arith.constant 0 : i32
      %dma_start3A_37 = arith.constant 0 : i32
      %dma_start3A_38 = tpu.memref_slice %arg9[%dma_start3A_29, %dma_start3A_36, %dma_start3A_37] : memref<2x6x128xi32, #tpu.memory_space<vmem>> -> memref<1x6x128xi32, #tpu.memory_space<vmem>>
      %dma_start3A_39 = tpu.memref_squeeze %dma_start3A_38 : memref<1x6x128xi32, #tpu.memory_space<vmem>> -> memref<6x128xi32, #tpu.memory_space<vmem>>
      %dma_start3A_40 = arith.constant 0 : i32
      %dma_start3A_41 = tpu.memref_slice %arg3[%mul3A_2, %dma_start3A_40] : memref<12672x128xi32, #tpu.memory_space<hbm>> -> memref<6x128xi32, #tpu.memory_space<hbm>>
      tpu.enqueue_dma source(%dma_start3A_41 : memref<6x128xi32, #tpu.memory_space<hbm>>) target(%dma_start3A_39 : memref<6x128xi32, #tpu.memory_space<vmem>>) target_semaphore(%arg12 : memref<!tpu.dma_semaphore, #tpu.memory_space<semaphore_mem>>)
      %scan3A = arith.constant 0 : i32
      %scan3A_42 = arith.constant 132 : i32
      %scan3A_43 = arith.addi %scan3A, %scan3A_42 : i32
      %scan3A_44 = arith.constant 1 : i32
      scf.for %scan3A_201 = %scan3A to %scan3A_43 step %scan3A_44  : i32 {
        %mul3A_202 = arith.constant 1 : i32
        %mul3A_203 = arith.muli %scan3A_201, %mul3A_202 : i32
        %add3A_204 = arith.constant 0 : i32
        %add3A_205 = arith.addi %add3A_204, %mul3A_203 : i32
        %and3A = arith.constant 1 : i32
        %and3A_206 = arith.andi %add3A_205, %and3A : i32
        %dma_wait3A_207 = arith.constant 0 : i32
        %dma_wait3A_208 = arith.constant 0 : i32
        %dma_wait3A_209 = tpu.memref_slice %arg8[%and3A_206, %dma_wait3A_207, %dma_wait3A_208] : memref<2x6x128xi32, #tpu.memory_space<vmem>> -> memref<1x6x128xi32, #tpu.memory_space<vmem>>
        %dma_wait3A_210 = tpu.memref_squeeze %dma_wait3A_209 : memref<1x6x128xi32, #tpu.memory_space<vmem>> -> memref<6x128xi32, #tpu.memory_space<vmem>>
        %dma_wait3A_211 = arith.constant 0 : i32
        %dma_wait3A_212 = tpu.memref_slice %arg2[%mul3A_2, %dma_wait3A_211] : memref<12672x128xi32, #tpu.memory_space<hbm>> -> memref<6x128xi32, #tpu.memory_space<hbm>>
        %dma_wait3A_213 = arith.constant 0 : i32
        %dma_wait3A_214 = arith.constant 0 : i32
        %dma_wait3A_215 = tpu.memref_slice %arg8[%and3A_206, %dma_wait3A_213, %dma_wait3A_214] : memref<2x6x128xi32, #tpu.memory_space<vmem>> -> memref<1x6x128xi32, #tpu.memory_space<vmem>>
        %dma_wait3A_216 = tpu.memref_squeeze %dma_wait3A_215 : memref<1x6x128xi32, #tpu.memory_space<vmem>> -> memref<6x128xi32, #tpu.memory_space<vmem>>
        %dma_wait3A_217 = arith.constant 0 : i32
        %dma_wait3A_218 = tpu.memref_slice %arg2[%mul3A_2, %dma_wait3A_217] : memref<12672x128xi32, #tpu.memory_space<hbm>> -> memref<6x128xi32, #tpu.memory_space<hbm>>
        tpu.wait_dma2 semaphore(%arg12 : memref<!tpu.dma_semaphore, #tpu.memory_space<semaphore_mem>>) src(%dma_wait3A_218 : memref<6x128xi32, #tpu.memory_space<hbm>>) dst(%dma_wait3A_216 : memref<6x128xi32, #tpu.memory_space<vmem>>)
        %dma_wait3A_219 = arith.constant 0 : i32
        %dma_wait3A_220 = arith.constant 0 : i32
        %dma_wait3A_221 = tpu.memref_slice %arg9[%and3A_206, %dma_wait3A_219, %dma_wait3A_220] : memref<2x6x128xi32, #tpu.memory_space<vmem>> -> memref<1x6x128xi32, #tpu.memory_space<vmem>>
        %dma_wait3A_222 = tpu.memref_squeeze %dma_wait3A_221 : memref<1x6x128xi32, #tpu.memory_space<vmem>> -> memref<6x128xi32, #tpu.memory_space<vmem>>
        %dma_wait3A_223 = arith.constant 0 : i32
        %dma_wait3A_224 = tpu.memref_slice %arg3[%mul3A_2, %dma_wait3A_223] : memref<12672x128xi32, #tpu.memory_space<hbm>> -> memref<6x128xi32, #tpu.memory_space<hbm>>
        %dma_wait3A_225 = arith.constant 0 : i32
        %dma_wait3A_226 = arith.constant 0 : i32
        %dma_wait3A_227 = tpu.memref_slice %arg9[%and3A_206, %dma_wait3A_225, %dma_wait3A_226] : memref<2x6x128xi32, #tpu.memory_space<vmem>> -> memref<1x6x128xi32, #tpu.memory_space<vmem>>
        %dma_wait3A_228 = tpu.memref_squeeze %dma_wait3A_227 : memref<1x6x128xi32, #tpu.memory_space<vmem>> -> memref<6x128xi32, #tpu.memory_space<vmem>>
        %dma_wait3A_229 = arith.constant 0 : i32
        %dma_wait3A_230 = tpu.memref_slice %arg3[%mul3A_2, %dma_wait3A_229] : memref<12672x128xi32, #tpu.memory_space<hbm>> -> memref<6x128xi32, #tpu.memory_space<hbm>>
        tpu.wait_dma2 semaphore(%arg12 : memref<!tpu.dma_semaphore, #tpu.memory_space<semaphore_mem>>) src(%dma_wait3A_230 : memref<6x128xi32, #tpu.memory_space<hbm>>) dst(%dma_wait3A_228 : memref<6x128xi32, #tpu.memory_space<vmem>>)
        %dma_start3A_231 = arith.constant 0 : i32
        %dma_start3A_232 = arith.constant 0 : i32
        %dma_start3A_233 = arith.constant 0 : i32
        %dma_start3A_234 = arith.constant 0 : i32
        %dma_start3A_235 = arith.constant 0 : i32
        %dma_start3A_236 = arith.constant 0 : i32
        %dma_start3A_237 = tpu.memref_slice %arg10[%and3A_206, %dma_start3A_234, %dma_start3A_235, %dma_start3A_236] : memref<2x6x128x16xf32, #tpu.memory_space<vmem>> -> memref<1x6x128x16xf32, #tpu.memory_space<vmem>>
        %dma_start3A_238 = tpu.memref_squeeze %dma_start3A_237 : memref<1x6x128x16xf32, #tpu.memory_space<vmem>> -> memref<6x128x16xf32, #tpu.memory_space<vmem>>
        %dma_start3A_239 = arith.constant 0 : i32
        %dma_start3A_240 = arith.constant 0 : i32
        %dma_start3A_241 = tpu.memref_slice %dma_start3A_238[%dma_start3A_232, %dma_start3A_239, %dma_start3A_240] : memref<6x128x16xf32, #tpu.memory_space<vmem>> -> memref<1x128x16xf32, #tpu.memory_space<vmem>>
        %dma_start3A_242 = tpu.memref_squeeze %dma_start3A_241 : memref<1x128x16xf32, #tpu.memory_space<vmem>> -> memref<128x16xf32, #tpu.memory_space<vmem>>
        %dma_start3A_243 = arith.constant 0 : i32
        %dma_start3A_244 = arith.constant 0 : i32
        %dma_start3A_245 = tpu.memref_slice %arg8[%and3A_206, %dma_start3A_243, %dma_start3A_244] : memref<2x6x128xi32, #tpu.memory_space<vmem>> -> memref<1x6x128xi32, #tpu.memory_space<vmem>>
        %dma_start3A_246 = tpu.memref_squeeze %dma_start3A_245 : memref<1x6x128xi32, #tpu.memory_space<vmem>> -> memref<6x128xi32, #tpu.memory_space<vmem>>
        %dma_start3A_247 = arith.constant 0 : i32
        %dma_start3A_248 = tpu.memref_slice %dma_start3A_246[%dma_start3A_231, %dma_start3A_247] : memref<6x128xi32, #tpu.memory_space<vmem>> -> memref<1x128xi32, #tpu.memory_space<vmem>>
        %dma_start3A_249 = tpu.memref_squeeze %dma_start3A_248 : memref<1x128xi32, #tpu.memory_space<vmem>> -> memref<128xi32, #tpu.memory_space<vmem>>
        %dma_start3A_250 = arith.constant 0 : i32
        %dma_start3A_251 = arith.constant 0 : i32
        %dma_start3A_252 = tpu.memref_slice %arg5[%dma_start3A_250, %dma_start3A_251] : memref<100352x16xf32, #tpu.memory_space<hbm>> -> memref<100352x16xf32, #tpu.memory_space<hbm>>
        %dma_start3A_253 = tpu.memref_slice %arg13[%dma_start3A_233] : memref<6x!tpu.dma_semaphore, #tpu.memory_space<semaphore_mem>> -> memref<1x!tpu.dma_semaphore, #tpu.memory_space<semaphore_mem>>
        %dma_start3A_254 = tpu.memref_squeeze %dma_start3A_253 : memref<1x!tpu.dma_semaphore, #tpu.memory_space<semaphore_mem>> -> memref<!tpu.dma_semaphore, #tpu.memory_space<semaphore_mem>>
        tpu.enqueue_indirect_dma source(%dma_start3A_252 : memref<100352x16xf32, #tpu.memory_space<hbm>>) target(%dma_start3A_242 : memref<128x16xf32, #tpu.memory_space<vmem>>) offsets(%dma_start3A_249 : memref<128xi32, #tpu.memory_space<vmem>>) semaphore(%dma_start3A_254 : memref<!tpu.dma_semaphore, #tpu.memory_space<semaphore_mem>>)
        %dma_start3A_255 = arith.constant 1 : i32
        %dma_start3A_256 = arith.constant 1 : i32
        %dma_start3A_257 = arith.constant 1 : i32
        %dma_start3A_258 = arith.constant 0 : i32
        %dma_start3A_259 = arith.constant 0 : i32
        %dma_start3A_260 = arith.constant 0 : i32
        %dma_start3A_261 = tpu.memref_slice %arg10[%and3A_206, %dma_start3A_258, %dma_start3A_259, %dma_start3A_260] : memref<2x6x128x16xf32, #tpu.memory_space<vmem>> -> memref<1x6x128x16xf32, #tpu.memory_space<vmem>>
        %dma_start3A_262 = tpu.memref_squeeze %dma_start3A_261 : memref<1x6x128x16xf32, #tpu.memory_space<vmem>> -> memref<6x128x16xf32, #tpu.memory_space<vmem>>
        %dma_start3A_263 = arith.constant 0 : i32
        %dma_start3A_264 = arith.constant 0 : i32
        %dma_start3A_265 = tpu.memref_slice %dma_start3A_262[%dma_start3A_256, %dma_start3A_263, %dma_start3A_264] : memref<6x128x16xf32, #tpu.memory_space<vmem>> -> memref<1x128x16xf32, #tpu.memory_space<vmem>>
        %dma_start3A_266 = tpu.memref_squeeze %dma_start3A_265 : memref<1x128x16xf32, #tpu.memory_space<vmem>> -> memref<128x16xf32, #tpu.memory_space<vmem>>
        %dma_start3A_267 = arith.constant 0 : i32
        %dma_start3A_268 = arith.constant 0 : i32
        %dma_start3A_269 = tpu.memref_slice %arg8[%and3A_206, %dma_start3A_267, %dma_start3A_268] : memref<2x6x128xi32, #tpu.memory_space<vmem>> -> memref<1x6x128xi32, #tpu.memory_space<vmem>>
        %dma_start3A_270 = tpu.memref_squeeze %dma_start3A_269 : memref<1x6x128xi32, #tpu.memory_space<vmem>> -> memref<6x128xi32, #tpu.memory_space<vmem>>
        %dma_start3A_271 = arith.constant 0 : i32
        %dma_start3A_272 = tpu.memref_slice %dma_start3A_270[%dma_start3A_255, %dma_start3A_271] : memref<6x128xi32, #tpu.memory_space<vmem>> -> memref<1x128xi32, #tpu.memory_space<vmem>>
        %dma_start3A_273 = tpu.memref_squeeze %dma_start3A_272 : memref<1x128xi32, #tpu.memory_space<vmem>> -> memref<128xi32, #tpu.memory_space<vmem>>
        %dma_start3A_274 = arith.constant 0 : i32
        %dma_start3A_275 = arith.constant 0 : i32
        %dma_start3A_276 = tpu.memref_slice %arg5[%dma_start3A_274, %dma_start3A_275] : memref<100352x16xf32, #tpu.memory_space<hbm>> -> memref<100352x16xf32, #tpu.memory_space<hbm>>
        %dma_start3A_277 = tpu.memref_slice %arg13[%dma_start3A_257] : memref<6x!tpu.dma_semaphore, #tpu.memory_space<semaphore_mem>> -> memref<1x!tpu.dma_semaphore, #tpu.memory_space<semaphore_mem>>
        %dma_start3A_278 = tpu.memref_squeeze %dma_start3A_277 : memref<1x!tpu.dma_semaphore, #tpu.memory_space<semaphore_mem>> -> memref<!tpu.dma_semaphore, #tpu.memory_space<semaphore_mem>>
        tpu.enqueue_indirect_dma source(%dma_start3A_276 : memref<100352x16xf32, #tpu.memory_space<hbm>>) target(%dma_start3A_266 : memref<128x16xf32, #tpu.memory_space<vmem>>) offsets(%dma_start3A_273 : memref<128xi32, #tpu.memory_space<vmem>>) semaphore(%dma_start3A_278 : memref<!tpu.dma_semaphore, #tpu.memory_space<semaphore_mem>>)
        %dma_start3A_279 = arith.constant 2 : i32
        %dma_start3A_280 = arith.constant 2 : i32
        %dma_start3A_281 = arith.constant 2 : i32
        %dma_start3A_282 = arith.constant 0 : i32
        %dma_start3A_283 = arith.constant 0 : i32
        %dma_start3A_284 = arith.constant 0 : i32
        %dma_start3A_285 = tpu.memref_slice %arg10[%and3A_206, %dma_start3A_282, %dma_start3A_283, %dma_start3A_284] : memref<2x6x128x16xf32, #tpu.memory_space<vmem>> -> memref<1x6x128x16xf32, #tpu.memory_space<vmem>>
        %dma_start3A_286 = tpu.memref_squeeze %dma_start3A_285 : memref<1x6x128x16xf32, #tpu.memory_space<vmem>> -> memref<6x128x16xf32, #tpu.memory_space<vmem>>
        %dma_start3A_287 = arith.constant 0 : i32
        %dma_start3A_288 = arith.constant 0 : i32
        %dma_start3A_289 = tpu.memref_slice %dma_start3A_286[%dma_start3A_280, %dma_start3A_287, %dma_start3A_288] : memref<6x128x16xf32, #tpu.memory_space<vmem>> -> memref<1x128x16xf32, #tpu.memory_space<vmem>>
        %dma_start3A_290 = tpu.memref_squeeze %dma_start3A_289 : memref<1x128x16xf32, #tpu.memory_space<vmem>> -> memref<128x16xf32, #tpu.memory_space<vmem>>
        %dma_start3A_291 = arith.constant 0 : i32
        %dma_start3A_292 = arith.constant 0 : i32
        %dma_start3A_293 = tpu.memref_slice %arg8[%and3A_206, %dma_start3A_291, %dma_start3A_292] : memref<2x6x128xi32, #tpu.memory_space<vmem>> -> memref<1x6x128xi32, #tpu.memory_space<vmem>>
        %dma_start3A_294 = tpu.memref_squeeze %dma_start3A_293 : memref<1x6x128xi32, #tpu.memory_space<vmem>> -> memref<6x128xi32, #tpu.memory_space<vmem>>
        %dma_start3A_295 = arith.constant 0 : i32
        %dma_start3A_296 = tpu.memref_slice %dma_start3A_294[%dma_start3A_279, %dma_start3A_295] : memref<6x128xi32, #tpu.memory_space<vmem>> -> memref<1x128xi32, #tpu.memory_space<vmem>>
        %dma_start3A_297 = tpu.memref_squeeze %dma_start3A_296 : memref<1x128xi32, #tpu.memory_space<vmem>> -> memref<128xi32, #tpu.memory_space<vmem>>
        %dma_start3A_298 = arith.constant 0 : i32
        %dma_start3A_299 = arith.constant 0 : i32
        %dma_start3A_300 = tpu.memref_slice %arg5[%dma_start3A_298, %dma_start3A_299] : memref<100352x16xf32, #tpu.memory_space<hbm>> -> memref<100352x16xf32, #tpu.memory_space<hbm>>
        %dma_start3A_301 = tpu.memref_slice %arg13[%dma_start3A_281] : memref<6x!tpu.dma_semaphore, #tpu.memory_space<semaphore_mem>> -> memref<1x!tpu.dma_semaphore, #tpu.memory_space<semaphore_mem>>
        %dma_start3A_302 = tpu.memref_squeeze %dma_start3A_301 : memref<1x!tpu.dma_semaphore, #tpu.memory_space<semaphore_mem>> -> memref<!tpu.dma_semaphore, #tpu.memory_space<semaphore_mem>>
        tpu.enqueue_indirect_dma source(%dma_start3A_300 : memref<100352x16xf32, #tpu.memory_space<hbm>>) target(%dma_start3A_290 : memref<128x16xf32, #tpu.memory_space<vmem>>) offsets(%dma_start3A_297 : memref<128xi32, #tpu.memory_space<vmem>>) semaphore(%dma_start3A_302 : memref<!tpu.dma_semaphore, #tpu.memory_space<semaphore_mem>>)
        %dma_start3A_303 = arith.constant 3 : i32
        %dma_start3A_304 = arith.constant 3 : i32
        %dma_start3A_305 = arith.constant 3 : i32
        %dma_start3A_306 = arith.constant 0 : i32
        %dma_start3A_307 = arith.constant 0 : i32
        %dma_start3A_308 = arith.constant 0 : i32
        %dma_start3A_309 = tpu.memref_slice %arg10[%and3A_206, %dma_start3A_306, %dma_start3A_307, %dma_start3A_308] : memref<2x6x128x16xf32, #tpu.memory_space<vmem>> -> memref<1x6x128x16xf32, #tpu.memory_space<vmem>>
        %dma_start3A_310 = tpu.memref_squeeze %dma_start3A_309 : memref<1x6x128x16xf32, #tpu.memory_space<vmem>> -> memref<6x128x16xf32, #tpu.memory_space<vmem>>
        %dma_start3A_311 = arith.constant 0 : i32
        %dma_start3A_312 = arith.constant 0 : i32
        %dma_start3A_313 = tpu.memref_slice %dma_start3A_310[%dma_start3A_304, %dma_start3A_311, %dma_start3A_312] : memref<6x128x16xf32, #tpu.memory_space<vmem>> -> memref<1x128x16xf32, #tpu.memory_space<vmem>>
        %dma_start3A_314 = tpu.memref_squeeze %dma_start3A_313 : memref<1x128x16xf32, #tpu.memory_space<vmem>> -> memref<128x16xf32, #tpu.memory_space<vmem>>
        %dma_start3A_315 = arith.constant 0 : i32
        %dma_start3A_316 = arith.constant 0 : i32
        %dma_start3A_317 = tpu.memref_slice %arg8[%and3A_206, %dma_start3A_315, %dma_start3A_316] : memref<2x6x128xi32, #tpu.memory_space<vmem>> -> memref<1x6x128xi32, #tpu.memory_space<vmem>>
        %dma_start3A_318 = tpu.memref_squeeze %dma_start3A_317 : memref<1x6x128xi32, #tpu.memory_space<vmem>> -> memref<6x128xi32, #tpu.memory_space<vmem>>
        %dma_start3A_319 = arith.constant 0 : i32
        %dma_start3A_320 = tpu.memref_slice %dma_start3A_318[%dma_start3A_303, %dma_start3A_319] : memref<6x128xi32, #tpu.memory_space<vmem>> -> memref<1x128xi32, #tpu.memory_space<vmem>>
        %dma_start3A_321 = tpu.memref_squeeze %dma_start3A_320 : memref<1x128xi32, #tpu.memory_space<vmem>> -> memref<128xi32, #tpu.memory_space<vmem>>
        %dma_start3A_322 = arith.constant 0 : i32
        %dma_start3A_323 = arith.constant 0 : i32
        %dma_start3A_324 = tpu.memref_slice %arg5[%dma_start3A_322, %dma_start3A_323] : memref<100352x16xf32, #tpu.memory_space<hbm>> -> memref<100352x16xf32, #tpu.memory_space<hbm>>
        %dma_start3A_325 = tpu.memref_slice %arg13[%dma_start3A_305] : memref<6x!tpu.dma_semaphore, #tpu.memory_space<semaphore_mem>> -> memref<1x!tpu.dma_semaphore, #tpu.memory_space<semaphore_mem>>
        %dma_start3A_326 = tpu.memref_squeeze %dma_start3A_325 : memref<1x!tpu.dma_semaphore, #tpu.memory_space<semaphore_mem>> -> memref<!tpu.dma_semaphore, #tpu.memory_space<semaphore_mem>>
        tpu.enqueue_indirect_dma source(%dma_start3A_324 : memref<100352x16xf32, #tpu.memory_space<hbm>>) target(%dma_start3A_314 : memref<128x16xf32, #tpu.memory_space<vmem>>) offsets(%dma_start3A_321 : memref<128xi32, #tpu.memory_space<vmem>>) semaphore(%dma_start3A_326 : memref<!tpu.dma_semaphore, #tpu.memory_space<semaphore_mem>>)
        %dma_start3A_327 = arith.constant 4 : i32
        %dma_start3A_328 = arith.constant 4 : i32
        %dma_start3A_329 = arith.constant 4 : i32
        %dma_start3A_330 = arith.constant 0 : i32
        %dma_start3A_331 = arith.constant 0 : i32
        %dma_start3A_332 = arith.constant 0 : i32
        %dma_start3A_333 = tpu.memref_slice %arg10[%and3A_206, %dma_start3A_330, %dma_start3A_331, %dma_start3A_332] : memref<2x6x128x16xf32, #tpu.memory_space<vmem>> -> memref<1x6x128x16xf32, #tpu.memory_space<vmem>>
        %dma_start3A_334 = tpu.memref_squeeze %dma_start3A_333 : memref<1x6x128x16xf32, #tpu.memory_space<vmem>> -> memref<6x128x16xf32, #tpu.memory_space<vmem>>
        %dma_start3A_335 = arith.constant 0 : i32
        %dma_start3A_336 = arith.constant 0 : i32
        %dma_start3A_337 = tpu.memref_slice %dma_start3A_334[%dma_start3A_328, %dma_start3A_335, %dma_start3A_336] : memref<6x128x16xf32, #tpu.memory_space<vmem>> -> memref<1x128x16xf32, #tpu.memory_space<vmem>>
        %dma_start3A_338 = tpu.memref_squeeze %dma_start3A_337 : memref<1x128x16xf32, #tpu.memory_space<vmem>> -> memref<128x16xf32, #tpu.memory_space<vmem>>
        %dma_start3A_339 = arith.constant 0 : i32
        %dma_start3A_340 = arith.constant 0 : i32
        %dma_start3A_341 = tpu.memref_slice %arg8[%and3A_206, %dma_start3A_339, %dma_start3A_340] : memref<2x6x128xi32, #tpu.memory_space<vmem>> -> memref<1x6x128xi32, #tpu.memory_space<vmem>>
        %dma_start3A_342 = tpu.memref_squeeze %dma_start3A_341 : memref<1x6x128xi32, #tpu.memory_space<vmem>> -> memref<6x128xi32, #tpu.memory_space<vmem>>
        %dma_start3A_343 = arith.constant 0 : i32
        %dma_start3A_344 = tpu.memref_slice %dma_start3A_342[%dma_start3A_327, %dma_start3A_343] : memref<6x128xi32, #tpu.memory_space<vmem>> -> memref<1x128xi32, #tpu.memory_space<vmem>>
        %dma_start3A_345 = tpu.memref_squeeze %dma_start3A_344 : memref<1x128xi32, #tpu.memory_space<vmem>> -> memref<128xi32, #tpu.memory_space<vmem>>
        %dma_start3A_346 = arith.constant 0 : i32
        %dma_start3A_347 = arith.constant 0 : i32
        %dma_start3A_348 = tpu.memref_slice %arg5[%dma_start3A_346, %dma_start3A_347] : memref<100352x16xf32, #tpu.memory_space<hbm>> -> memref<100352x16xf32, #tpu.memory_space<hbm>>
        %dma_start3A_349 = tpu.memref_slice %arg13[%dma_start3A_329] : memref<6x!tpu.dma_semaphore, #tpu.memory_space<semaphore_mem>> -> memref<1x!tpu.dma_semaphore, #tpu.memory_space<semaphore_mem>>
        %dma_start3A_350 = tpu.memref_squeeze %dma_start3A_349 : memref<1x!tpu.dma_semaphore, #tpu.memory_space<semaphore_mem>> -> memref<!tpu.dma_semaphore, #tpu.memory_space<semaphore_mem>>
        tpu.enqueue_indirect_dma source(%dma_start3A_348 : memref<100352x16xf32, #tpu.memory_space<hbm>>) target(%dma_start3A_338 : memref<128x16xf32, #tpu.memory_space<vmem>>) offsets(%dma_start3A_345 : memref<128xi32, #tpu.memory_space<vmem>>) semaphore(%dma_start3A_350 : memref<!tpu.dma_semaphore, #tpu.memory_space<semaphore_mem>>)
        %dma_start3A_351 = arith.constant 5 : i32
        %dma_start3A_352 = arith.constant 5 : i32
        %dma_start3A_353 = arith.constant 5 : i32
        %dma_start3A_354 = arith.constant 0 : i32
        %dma_start3A_355 = arith.constant 0 : i32
        %dma_start3A_356 = arith.constant 0 : i32
        %dma_start3A_357 = tpu.memref_slice %arg10[%and3A_206, %dma_start3A_354, %dma_start3A_355, %dma_start3A_356] : memref<2x6x128x16xf32, #tpu.memory_space<vmem>> -> memref<1x6x128x16xf32, #tpu.memory_space<vmem>>
        %dma_start3A_358 = tpu.memref_squeeze %dma_start3A_357 : memref<1x6x128x16xf32, #tpu.memory_space<vmem>> -> memref<6x128x16xf32, #tpu.memory_space<vmem>>
        %dma_start3A_359 = arith.constant 0 : i32
        %dma_start3A_360 = arith.constant 0 : i32
        %dma_start3A_361 = tpu.memref_slice %dma_start3A_358[%dma_start3A_352, %dma_start3A_359, %dma_start3A_360] : memref<6x128x16xf32, #tpu.memory_space<vmem>> -> memref<1x128x16xf32, #tpu.memory_space<vmem>>
        %dma_start3A_362 = tpu.memref_squeeze %dma_start3A_361 : memref<1x128x16xf32, #tpu.memory_space<vmem>> -> memref<128x16xf32, #tpu.memory_space<vmem>>
        %dma_start3A_363 = arith.constant 0 : i32
        %dma_start3A_364 = arith.constant 0 : i32
        %dma_start3A_365 = tpu.memref_slice %arg8[%and3A_206, %dma_start3A_363, %dma_start3A_364] : memref<2x6x128xi32, #tpu.memory_space<vmem>> -> memref<1x6x128xi32, #tpu.memory_space<vmem>>
        %dma_start3A_366 = tpu.memref_squeeze %dma_start3A_365 : memref<1x6x128xi32, #tpu.memory_space<vmem>> -> memref<6x128xi32, #tpu.memory_space<vmem>>
        %dma_start3A_367 = arith.constant 0 : i32
        %dma_start3A_368 = tpu.memref_slice %dma_start3A_366[%dma_start3A_351, %dma_start3A_367] : memref<6x128xi32, #tpu.memory_space<vmem>> -> memref<1x128xi32, #tpu.memory_space<vmem>>
        %dma_start3A_369 = tpu.memref_squeeze %dma_start3A_368 : memref<1x128xi32, #tpu.memory_space<vmem>> -> memref<128xi32, #tpu.memory_space<vmem>>
        %dma_start3A_370 = arith.constant 0 : i32
        %dma_start3A_371 = arith.constant 0 : i32
        %dma_start3A_372 = tpu.memref_slice %arg5[%dma_start3A_370, %dma_start3A_371] : memref<100352x16xf32, #tpu.memory_space<hbm>> -> memref<100352x16xf32, #tpu.memory_space<hbm>>
        %dma_start3A_373 = tpu.memref_slice %arg13[%dma_start3A_353] : memref<6x!tpu.dma_semaphore, #tpu.memory_space<semaphore_mem>> -> memref<1x!tpu.dma_semaphore, #tpu.memory_space<semaphore_mem>>
        %dma_start3A_374 = tpu.memref_squeeze %dma_start3A_373 : memref<1x!tpu.dma_semaphore, #tpu.memory_space<semaphore_mem>> -> memref<!tpu.dma_semaphore, #tpu.memory_space<semaphore_mem>>
        tpu.enqueue_indirect_dma source(%dma_start3A_372 : memref<100352x16xf32, #tpu.memory_space<hbm>>) target(%dma_start3A_362 : memref<128x16xf32, #tpu.memory_space<vmem>>) offsets(%dma_start3A_369 : memref<128xi32, #tpu.memory_space<vmem>>) semaphore(%dma_start3A_374 : memref<!tpu.dma_semaphore, #tpu.memory_space<semaphore_mem>>)
        %gt3A = arith.constant 0 : i32
        %gt3A_375 = arith.cmpi sgt, %add3A_205, %gt3A : i32
        %convert_element_type3A_376 = arith.extui %gt3A_375 : i1 to i32
        %cond3A_377 = arith.constant 0 : i32
        %cond3A_378 = arith.cmpi ne, %convert_element_type3A_376, %cond3A_377 : i32
        scf.if %cond3A_378 {
          %sub3A = arith.constant 1 : i32
          %sub3A_667 = arith.subi %sub3A, %and3A_206 : i32
          %sub3A_668 = arith.constant 1 : i32
          %sub3A_669 = arith.subi %sub3A_668, %and3A_206 : i32
          %sub3A_670 = arith.constant 1 : i32
          %sub3A_671 = arith.subi %sub3A_670, %and3A_206 : i32
          %dma_wait3A_672 = arith.constant 0 : i32
          %dma_wait3A_673 = arith.constant 0 : i32
          %dma_wait3A_674 = arith.constant 0 : i32
          %dma_wait3A_675 = arith.constant 0 : i32
          %dma_wait3A_676 = arith.constant 0 : i32
          %dma_wait3A_677 = tpu.memref_slice %arg10[%sub3A_667, %dma_wait3A_674, %dma_wait3A_675, %dma_wait3A_676] : memref<2x6x128x16xf32, #tpu.memory_space<vmem>> -> memref<1x6x128x16xf32, #tpu.memory_space<vmem>>
          %dma_wait3A_678 = tpu.memref_squeeze %dma_wait3A_677 : memref<1x6x128x16xf32, #tpu.memory_space<vmem>> -> memref<6x128x16xf32, #tpu.memory_space<vmem>>
          %dma_wait3A_679 = arith.constant 0 : i32
          %dma_wait3A_680 = arith.constant 0 : i32
          %dma_wait3A_681 = tpu.memref_slice %dma_wait3A_678[%dma_wait3A_672, %dma_wait3A_679, %dma_wait3A_680] : memref<6x128x16xf32, #tpu.memory_space<vmem>> -> memref<1x128x16xf32, #tpu.memory_space<vmem>>
          %dma_wait3A_682 = tpu.memref_squeeze %dma_wait3A_681 : memref<1x128x16xf32, #tpu.memory_space<vmem>> -> memref<128x16xf32, #tpu.memory_space<vmem>>
          %dma_wait3A_683 = arith.constant 0 : i32
          %dma_wait3A_684 = arith.constant 0 : i32
          %dma_wait3A_685 = tpu.memref_slice %arg9[%sub3A_669, %dma_wait3A_683, %dma_wait3A_684] : memref<2x6x128xi32, #tpu.memory_space<vmem>> -> memref<1x6x128xi32, #tpu.memory_space<vmem>>
          %dma_wait3A_686 = tpu.memref_squeeze %dma_wait3A_685 : memref<1x6x128xi32, #tpu.memory_space<vmem>> -> memref<6x128xi32, #tpu.memory_space<vmem>>
          %dma_wait3A_687 = arith.constant 0 : i32
          %dma_wait3A_688 = tpu.memref_slice %dma_wait3A_686[%dma_wait3A_673, %dma_wait3A_687] : memref<6x128xi32, #tpu.memory_space<vmem>> -> memref<1x128xi32, #tpu.memory_space<vmem>>
          %dma_wait3A_689 = tpu.memref_squeeze %dma_wait3A_688 : memref<1x128xi32, #tpu.memory_space<vmem>> -> memref<128xi32, #tpu.memory_space<vmem>>
          %dma_wait3A_690 = arith.constant 0 : i32
          %dma_wait3A_691 = arith.constant 0 : i32
          %dma_wait3A_692 = tpu.memref_slice %arg11[%dma_wait3A_690, %dma_wait3A_691] : memref<100352x16xf32, #tpu.memory_space<vmem_shared>> -> memref<100352x16xf32, #tpu.memory_space<vmem_shared>>
          %dma_wait3A_693 = tpu.memref_slice %arg14[%sub3A_671] : memref<2x!tpu.dma_semaphore, #tpu.memory_space<semaphore_mem>> -> memref<1x!tpu.dma_semaphore, #tpu.memory_space<semaphore_mem>>
          %dma_wait3A_694 = tpu.memref_squeeze %dma_wait3A_693 : memref<1x!tpu.dma_semaphore, #tpu.memory_space<semaphore_mem>> -> memref<!tpu.dma_semaphore, #tpu.memory_space<semaphore_mem>>
          tpu.wait_indirect_dma semaphore(%dma_wait3A_694 : memref<!tpu.dma_semaphore, #tpu.memory_space<semaphore_mem>>) src(%dma_wait3A_682 : memref<128x16xf32, #tpu.memory_space<vmem>>) dst(%dma_wait3A_692 : memref<100352x16xf32, #tpu.memory_space<vmem_shared>>)
          %sub3A_695 = arith.constant 1 : i32
          %sub3A_696 = arith.subi %sub3A_695, %and3A_206 : i32
          %sub3A_697 = arith.constant 1 : i32
          %sub3A_698 = arith.subi %sub3A_697, %and3A_206 : i32
          %sub3A_699 = arith.constant 1 : i32
          %sub3A_700 = arith.subi %sub3A_699, %and3A_206 : i32
          %dma_wait3A_701 = arith.constant 1 : i32
          %dma_wait3A_702 = arith.constant 1 : i32
          %dma_wait3A_703 = arith.constant 0 : i32
          %dma_wait3A_704 = arith.constant 0 : i32
          %dma_wait3A_705 = arith.constant 0 : i32
          %dma_wait3A_706 = tpu.memref_slice %arg10[%sub3A_696, %dma_wait3A_703, %dma_wait3A_704, %dma_wait3A_705] : memref<2x6x128x16xf32, #tpu.memory_space<vmem>> -> memref<1x6x128x16xf32, #tpu.memory_space<vmem>>
          %dma_wait3A_707 = tpu.memref_squeeze %dma_wait3A_706 : memref<1x6x128x16xf32, #tpu.memory_space<vmem>> -> memref<6x128x16xf32, #tpu.memory_space<vmem>>
          %dma_wait3A_708 = arith.constant 0 : i32
          %dma_wait3A_709 = arith.constant 0 : i32
          %dma_wait3A_710 = tpu.memref_slice %dma_wait3A_707[%dma_wait3A_701, %dma_wait3A_708, %dma_wait3A_709] : memref<6x128x16xf32, #tpu.memory_space<vmem>> -> memref<1x128x16xf32, #tpu.memory_space<vmem>>
          %dma_wait3A_711 = tpu.memref_squeeze %dma_wait3A_710 : memref<1x128x16xf32, #tpu.memory_space<vmem>> -> memref<128x16xf32, #tpu.memory_space<vmem>>
          %dma_wait3A_712 = arith.constant 0 : i32
          %dma_wait3A_713 = arith.constant 0 : i32
          %dma_wait3A_714 = tpu.memref_slice %arg9[%sub3A_698, %dma_wait3A_712, %dma_wait3A_713] : memref<2x6x128xi32, #tpu.memory_space<vmem>> -> memref<1x6x128xi32, #tpu.memory_space<vmem>>
          %dma_wait3A_715 = tpu.memref_squeeze %dma_wait3A_714 : memref<1x6x128xi32, #tpu.memory_space<vmem>> -> memref<6x128xi32, #tpu.memory_space<vmem>>
          %dma_wait3A_716 = arith.constant 0 : i32
          %dma_wait3A_717 = tpu.memref_slice %dma_wait3A_715[%dma_wait3A_702, %dma_wait3A_716] : memref<6x128xi32, #tpu.memory_space<vmem>> -> memref<1x128xi32, #tpu.memory_space<vmem>>
          %dma_wait3A_718 = tpu.memref_squeeze %dma_wait3A_717 : memref<1x128xi32, #tpu.memory_space<vmem>> -> memref<128xi32, #tpu.memory_space<vmem>>
          %dma_wait3A_719 = arith.constant 0 : i32
          %dma_wait3A_720 = arith.constant 0 : i32
          %dma_wait3A_721 = tpu.memref_slice %arg11[%dma_wait3A_719, %dma_wait3A_720] : memref<100352x16xf32, #tpu.memory_space<vmem_shared>> -> memref<100352x16xf32, #tpu.memory_space<vmem_shared>>
          %dma_wait3A_722 = tpu.memref_slice %arg14[%sub3A_700] : memref<2x!tpu.dma_semaphore, #tpu.memory_space<semaphore_mem>> -> memref<1x!tpu.dma_semaphore, #tpu.memory_space<semaphore_mem>>
          %dma_wait3A_723 = tpu.memref_squeeze %dma_wait3A_722 : memref<1x!tpu.dma_semaphore, #tpu.memory_space<semaphore_mem>> -> memref<!tpu.dma_semaphore, #tpu.memory_space<semaphore_mem>>
          tpu.wait_indirect_dma semaphore(%dma_wait3A_723 : memref<!tpu.dma_semaphore, #tpu.memory_space<semaphore_mem>>) src(%dma_wait3A_711 : memref<128x16xf32, #tpu.memory_space<vmem>>) dst(%dma_wait3A_721 : memref<100352x16xf32, #tpu.memory_space<vmem_shared>>)
          %sub3A_724 = arith.constant 1 : i32
          %sub3A_725 = arith.subi %sub3A_724, %and3A_206 : i32
          %sub3A_726 = arith.constant 1 : i32
          %sub3A_727 = arith.subi %sub3A_726, %and3A_206 : i32
          %sub3A_728 = arith.constant 1 : i32
          %sub3A_729 = arith.subi %sub3A_728, %and3A_206 : i32
          %dma_wait3A_730 = arith.constant 2 : i32
          %dma_wait3A_731 = arith.constant 2 : i32
          %dma_wait3A_732 = arith.constant 0 : i32
          %dma_wait3A_733 = arith.constant 0 : i32
          %dma_wait3A_734 = arith.constant 0 : i32
          %dma_wait3A_735 = tpu.memref_slice %arg10[%sub3A_725, %dma_wait3A_732, %dma_wait3A_733, %dma_wait3A_734] : memref<2x6x128x16xf32, #tpu.memory_space<vmem>> -> memref<1x6x128x16xf32, #tpu.memory_space<vmem>>
          %dma_wait3A_736 = tpu.memref_squeeze %dma_wait3A_735 : memref<1x6x128x16xf32, #tpu.memory_space<vmem>> -> memref<6x128x16xf32, #tpu.memory_space<vmem>>
          %dma_wait3A_737 = arith.constant 0 : i32
          %dma_wait3A_738 = arith.constant 0 : i32
          %dma_wait3A_739 = tpu.memref_slice %dma_wait3A_736[%dma_wait3A_730, %dma_wait3A_737, %dma_wait3A_738] : memref<6x128x16xf32, #tpu.memory_space<vmem>> -> memref<1x128x16xf32, #tpu.memory_space<vmem>>
          %dma_wait3A_740 = tpu.memref_squeeze %dma_wait3A_739 : memref<1x128x16xf32, #tpu.memory_space<vmem>> -> memref<128x16xf32, #tpu.memory_space<vmem>>
          %dma_wait3A_741 = arith.constant 0 : i32
          %dma_wait3A_742 = arith.constant 0 : i32
          %dma_wait3A_743 = tpu.memref_slice %arg9[%sub3A_727, %dma_wait3A_741, %dma_wait3A_742] : memref<2x6x128xi32, #tpu.memory_space<vmem>> -> memref<1x6x128xi32, #tpu.memory_space<vmem>>
          %dma_wait3A_744 = tpu.memref_squeeze %dma_wait3A_743 : memref<1x6x128xi32, #tpu.memory_space<vmem>> -> memref<6x128xi32, #tpu.memory_space<vmem>>
          %dma_wait3A_745 = arith.constant 0 : i32
          %dma_wait3A_746 = tpu.memref_slice %dma_wait3A_744[%dma_wait3A_731, %dma_wait3A_745] : memref<6x128xi32, #tpu.memory_space<vmem>> -> memref<1x128xi32, #tpu.memory_space<vmem>>
          %dma_wait3A_747 = tpu.memref_squeeze %dma_wait3A_746 : memref<1x128xi32, #tpu.memory_space<vmem>> -> memref<128xi32, #tpu.memory_space<vmem>>
          %dma_wait3A_748 = arith.constant 0 : i32
          %dma_wait3A_749 = arith.constant 0 : i32
          %dma_wait3A_750 = tpu.memref_slice %arg11[%dma_wait3A_748, %dma_wait3A_749] : memref<100352x16xf32, #tpu.memory_space<vmem_shared>> -> memref<100352x16xf32, #tpu.memory_space<vmem_shared>>
          %dma_wait3A_751 = tpu.memref_slice %arg14[%sub3A_729] : memref<2x!tpu.dma_semaphore, #tpu.memory_space<semaphore_mem>> -> memref<1x!tpu.dma_semaphore, #tpu.memory_space<semaphore_mem>>
          %dma_wait3A_752 = tpu.memref_squeeze %dma_wait3A_751 : memref<1x!tpu.dma_semaphore, #tpu.memory_space<semaphore_mem>> -> memref<!tpu.dma_semaphore, #tpu.memory_space<semaphore_mem>>
          tpu.wait_indirect_dma semaphore(%dma_wait3A_752 : memref<!tpu.dma_semaphore, #tpu.memory_space<semaphore_mem>>) src(%dma_wait3A_740 : memref<128x16xf32, #tpu.memory_space<vmem>>) dst(%dma_wait3A_750 : memref<100352x16xf32, #tpu.memory_space<vmem_shared>>)
          %sub3A_753 = arith.constant 1 : i32
          %sub3A_754 = arith.subi %sub3A_753, %and3A_206 : i32
          %sub3A_755 = arith.constant 1 : i32
          %sub3A_756 = arith.subi %sub3A_755, %and3A_206 : i32
          %sub3A_757 = arith.constant 1 : i32
          %sub3A_758 = arith.subi %sub3A_757, %and3A_206 : i32
          %dma_wait3A_759 = arith.constant 3 : i32
          %dma_wait3A_760 = arith.constant 3 : i32
          %dma_wait3A_761 = arith.constant 0 : i32
          %dma_wait3A_762 = arith.constant 0 : i32
          %dma_wait3A_763 = arith.constant 0 : i32
          %dma_wait3A_764 = tpu.memref_slice %arg10[%sub3A_754, %dma_wait3A_761, %dma_wait3A_762, %dma_wait3A_763] : memref<2x6x128x16xf32, #tpu.memory_space<vmem>> -> memref<1x6x128x16xf32, #tpu.memory_space<vmem>>
          %dma_wait3A_765 = tpu.memref_squeeze %dma_wait3A_764 : memref<1x6x128x16xf32, #tpu.memory_space<vmem>> -> memref<6x128x16xf32, #tpu.memory_space<vmem>>
          %dma_wait3A_766 = arith.constant 0 : i32
          %dma_wait3A_767 = arith.constant 0 : i32
          %dma_wait3A_768 = tpu.memref_slice %dma_wait3A_765[%dma_wait3A_759, %dma_wait3A_766, %dma_wait3A_767] : memref<6x128x16xf32, #tpu.memory_space<vmem>> -> memref<1x128x16xf32, #tpu.memory_space<vmem>>
          %dma_wait3A_769 = tpu.memref_squeeze %dma_wait3A_768 : memref<1x128x16xf32, #tpu.memory_space<vmem>> -> memref<128x16xf32, #tpu.memory_space<vmem>>
          %dma_wait3A_770 = arith.constant 0 : i32
          %dma_wait3A_771 = arith.constant 0 : i32
          %dma_wait3A_772 = tpu.memref_slice %arg9[%sub3A_756, %dma_wait3A_770, %dma_wait3A_771] : memref<2x6x128xi32, #tpu.memory_space<vmem>> -> memref<1x6x128xi32, #tpu.memory_space<vmem>>
          %dma_wait3A_773 = tpu.memref_squeeze %dma_wait3A_772 : memref<1x6x128xi32, #tpu.memory_space<vmem>> -> memref<6x128xi32, #tpu.memory_space<vmem>>
          %dma_wait3A_774 = arith.constant 0 : i32
          %dma_wait3A_775 = tpu.memref_slice %dma_wait3A_773[%dma_wait3A_760, %dma_wait3A_774] : memref<6x128xi32, #tpu.memory_space<vmem>> -> memref<1x128xi32, #tpu.memory_space<vmem>>
          %dma_wait3A_776 = tpu.memref_squeeze %dma_wait3A_775 : memref<1x128xi32, #tpu.memory_space<vmem>> -> memref<128xi32, #tpu.memory_space<vmem>>
          %dma_wait3A_777 = arith.constant 0 : i32
          %dma_wait3A_778 = arith.constant 0 : i32
          %dma_wait3A_779 = tpu.memref_slice %arg11[%dma_wait3A_777, %dma_wait3A_778] : memref<100352x16xf32, #tpu.memory_space<vmem_shared>> -> memref<100352x16xf32, #tpu.memory_space<vmem_shared>>
          %dma_wait3A_780 = tpu.memref_slice %arg14[%sub3A_758] : memref<2x!tpu.dma_semaphore, #tpu.memory_space<semaphore_mem>> -> memref<1x!tpu.dma_semaphore, #tpu.memory_space<semaphore_mem>>
          %dma_wait3A_781 = tpu.memref_squeeze %dma_wait3A_780 : memref<1x!tpu.dma_semaphore, #tpu.memory_space<semaphore_mem>> -> memref<!tpu.dma_semaphore, #tpu.memory_space<semaphore_mem>>
          tpu.wait_indirect_dma semaphore(%dma_wait3A_781 : memref<!tpu.dma_semaphore, #tpu.memory_space<semaphore_mem>>) src(%dma_wait3A_769 : memref<128x16xf32, #tpu.memory_space<vmem>>) dst(%dma_wait3A_779 : memref<100352x16xf32, #tpu.memory_space<vmem_shared>>)
          %sub3A_782 = arith.constant 1 : i32
          %sub3A_783 = arith.subi %sub3A_782, %and3A_206 : i32
          %sub3A_784 = arith.constant 1 : i32
          %sub3A_785 = arith.subi %sub3A_784, %and3A_206 : i32
          %sub3A_786 = arith.constant 1 : i32
          %sub3A_787 = arith.subi %sub3A_786, %and3A_206 : i32
          %dma_wait3A_788 = arith.constant 4 : i32
          %dma_wait3A_789 = arith.constant 4 : i32
          %dma_wait3A_790 = arith.constant 0 : i32
          %dma_wait3A_791 = arith.constant 0 : i32
          %dma_wait3A_792 = arith.constant 0 : i32
          %dma_wait3A_793 = tpu.memref_slice %arg10[%sub3A_783, %dma_wait3A_790, %dma_wait3A_791, %dma_wait3A_792] : memref<2x6x128x16xf32, #tpu.memory_space<vmem>> -> memref<1x6x128x16xf32, #tpu.memory_space<vmem>>
          %dma_wait3A_794 = tpu.memref_squeeze %dma_wait3A_793 : memref<1x6x128x16xf32, #tpu.memory_space<vmem>> -> memref<6x128x16xf32, #tpu.memory_space<vmem>>
          %dma_wait3A_795 = arith.constant 0 : i32
          %dma_wait3A_796 = arith.constant 0 : i32
          %dma_wait3A_797 = tpu.memref_slice %dma_wait3A_794[%dma_wait3A_788, %dma_wait3A_795, %dma_wait3A_796] : memref<6x128x16xf32, #tpu.memory_space<vmem>> -> memref<1x128x16xf32, #tpu.memory_space<vmem>>
          %dma_wait3A_798 = tpu.memref_squeeze %dma_wait3A_797 : memref<1x128x16xf32, #tpu.memory_space<vmem>> -> memref<128x16xf32, #tpu.memory_space<vmem>>
          %dma_wait3A_799 = arith.constant 0 : i32
          %dma_wait3A_800 = arith.constant 0 : i32
          %dma_wait3A_801 = tpu.memref_slice %arg9[%sub3A_785, %dma_wait3A_799, %dma_wait3A_800] : memref<2x6x128xi32, #tpu.memory_space<vmem>> -> memref<1x6x128xi32, #tpu.memory_space<vmem>>
          %dma_wait3A_802 = tpu.memref_squeeze %dma_wait3A_801 : memref<1x6x128xi32, #tpu.memory_space<vmem>> -> memref<6x128xi32, #tpu.memory_space<vmem>>
          %dma_wait3A_803 = arith.constant 0 : i32
          %dma_wait3A_804 = tpu.memref_slice %dma_wait3A_802[%dma_wait3A_789, %dma_wait3A_803] : memref<6x128xi32, #tpu.memory_space<vmem>> -> memref<1x128xi32, #tpu.memory_space<vmem>>
          %dma_wait3A_805 = tpu.memref_squeeze %dma_wait3A_804 : memref<1x128xi32, #tpu.memory_space<vmem>> -> memref<128xi32, #tpu.memory_space<vmem>>
          %dma_wait3A_806 = arith.constant 0 : i32
          %dma_wait3A_807 = arith.constant 0 : i32
          %dma_wait3A_808 = tpu.memref_slice %arg11[%dma_wait3A_806, %dma_wait3A_807] : memref<100352x16xf32, #tpu.memory_space<vmem_shared>> -> memref<100352x16xf32, #tpu.memory_space<vmem_shared>>
          %dma_wait3A_809 = tpu.memref_slice %arg14[%sub3A_787] : memref<2x!tpu.dma_semaphore, #tpu.memory_space<semaphore_mem>> -> memref<1x!tpu.dma_semaphore, #tpu.memory_space<semaphore_mem>>
          %dma_wait3A_810 = tpu.memref_squeeze %dma_wait3A_809 : memref<1x!tpu.dma_semaphore, #tpu.memory_space<semaphore_mem>> -> memref<!tpu.dma_semaphore, #tpu.memory_space<semaphore_mem>>
          tpu.wait_indirect_dma semaphore(%dma_wait3A_810 : memref<!tpu.dma_semaphore, #tpu.memory_space<semaphore_mem>>) src(%dma_wait3A_798 : memref<128x16xf32, #tpu.memory_space<vmem>>) dst(%dma_wait3A_808 : memref<100352x16xf32, #tpu.memory_space<vmem_shared>>)
          %sub3A_811 = arith.constant 1 : i32
          %sub3A_812 = arith.subi %sub3A_811, %and3A_206 : i32
          %sub3A_813 = arith.constant 1 : i32
          %sub3A_814 = arith.subi %sub3A_813, %and3A_206 : i32
          %sub3A_815 = arith.constant 1 : i32
          %sub3A_816 = arith.subi %sub3A_815, %and3A_206 : i32
          %dma_wait3A_817 = arith.constant 5 : i32
          %dma_wait3A_818 = arith.constant 5 : i32
          %dma_wait3A_819 = arith.constant 0 : i32
          %dma_wait3A_820 = arith.constant 0 : i32
          %dma_wait3A_821 = arith.constant 0 : i32
          %dma_wait3A_822 = tpu.memref_slice %arg10[%sub3A_812, %dma_wait3A_819, %dma_wait3A_820, %dma_wait3A_821] : memref<2x6x128x16xf32, #tpu.memory_space<vmem>> -> memref<1x6x128x16xf32, #tpu.memory_space<vmem>>
          %dma_wait3A_823 = tpu.memref_squeeze %dma_wait3A_822 : memref<1x6x128x16xf32, #tpu.memory_space<vmem>> -> memref<6x128x16xf32, #tpu.memory_space<vmem>>
          %dma_wait3A_824 = arith.constant 0 : i32
          %dma_wait3A_825 = arith.constant 0 : i32
          %dma_wait3A_826 = tpu.memref_slice %dma_wait3A_823[%dma_wait3A_817, %dma_wait3A_824, %dma_wait3A_825] : memref<6x128x16xf32, #tpu.memory_space<vmem>> -> memref<1x128x16xf32, #tpu.memory_space<vmem>>
          %dma_wait3A_827 = tpu.memref_squeeze %dma_wait3A_826 : memref<1x128x16xf32, #tpu.memory_space<vmem>> -> memref<128x16xf32, #tpu.memory_space<vmem>>
          %dma_wait3A_828 = arith.constant 0 : i32
          %dma_wait3A_829 = arith.constant 0 : i32
          %dma_wait3A_830 = tpu.memref_slice %arg9[%sub3A_814, %dma_wait3A_828, %dma_wait3A_829] : memref<2x6x128xi32, #tpu.memory_space<vmem>> -> memref<1x6x128xi32, #tpu.memory_space<vmem>>
          %dma_wait3A_831 = tpu.memref_squeeze %dma_wait3A_830 : memref<1x6x128xi32, #tpu.memory_space<vmem>> -> memref<6x128xi32, #tpu.memory_space<vmem>>
          %dma_wait3A_832 = arith.constant 0 : i32
          %dma_wait3A_833 = tpu.memref_slice %dma_wait3A_831[%dma_wait3A_818, %dma_wait3A_832] : memref<6x128xi32, #tpu.memory_space<vmem>> -> memref<1x128xi32, #tpu.memory_space<vmem>>
          %dma_wait3A_834 = tpu.memref_squeeze %dma_wait3A_833 : memref<1x128xi32, #tpu.memory_space<vmem>> -> memref<128xi32, #tpu.memory_space<vmem>>
          %dma_wait3A_835 = arith.constant 0 : i32
          %dma_wait3A_836 = arith.constant 0 : i32
          %dma_wait3A_837 = tpu.memref_slice %arg11[%dma_wait3A_835, %dma_wait3A_836] : memref<100352x16xf32, #tpu.memory_space<vmem_shared>> -> memref<100352x16xf32, #tpu.memory_space<vmem_shared>>
          %dma_wait3A_838 = tpu.memref_slice %arg14[%sub3A_816] : memref<2x!tpu.dma_semaphore, #tpu.memory_space<semaphore_mem>> -> memref<1x!tpu.dma_semaphore, #tpu.memory_space<semaphore_mem>>
          %dma_wait3A_839 = tpu.memref_squeeze %dma_wait3A_838 : memref<1x!tpu.dma_semaphore, #tpu.memory_space<semaphore_mem>> -> memref<!tpu.dma_semaphore, #tpu.memory_space<semaphore_mem>>
          tpu.wait_indirect_dma semaphore(%dma_wait3A_839 : memref<!tpu.dma_semaphore, #tpu.memory_space<semaphore_mem>>) src(%dma_wait3A_827 : memref<128x16xf32, #tpu.memory_space<vmem>>) dst(%dma_wait3A_837 : memref<100352x16xf32, #tpu.memory_space<vmem_shared>>)
        } else {
        }
        %add3A_379 = arith.constant 1 : i32
        %add3A_380 = arith.addi %add3A_205, %add3A_379 : i32
        %lt3A = arith.constant 132 : i32
        %lt3A_381 = arith.cmpi slt, %add3A_380, %lt3A : i32
        %convert_element_type3A_382 = arith.extui %lt3A_381 : i1 to i32
        %cond3A_383 = arith.constant 0 : i32
        %cond3A_384 = arith.cmpi ne, %convert_element_type3A_382, %cond3A_383 : i32
        scf.if %cond3A_384 {
          %add3A_667 = arith.constant 1 : i32
          %add3A_668 = arith.addi %add3A_205, %add3A_667 : i32
          %mul3A_669 = arith.constant 6 : i32
          %mul3A_670 = arith.muli %add3A_668, %mul3A_669 : i32
          %add3A_671 = arith.addi %mul3A_2, %mul3A_670 : i32
          %sub3A = arith.constant 1 : i32
          %sub3A_672 = arith.subi %sub3A, %and3A_206 : i32
          %dma_start3A_673 = arith.constant 0 : i32
          %dma_start3A_674 = arith.constant 0 : i32
          %dma_start3A_675 = tpu.memref_slice %arg8[%sub3A_672, %dma_start3A_673, %dma_start3A_674] : memref<2x6x128xi32, #tpu.memory_space<vmem>> -> memref<1x6x128xi32, #tpu.memory_space<vmem>>
          %dma_start3A_676 = tpu.memref_squeeze %dma_start3A_675 : memref<1x6x128xi32, #tpu.memory_space<vmem>> -> memref<6x128xi32, #tpu.memory_space<vmem>>
          %dma_start3A_677 = arith.constant 0 : i32
          %dma_start3A_678 = tpu.memref_slice %arg2[%add3A_671, %dma_start3A_677] : memref<12672x128xi32, #tpu.memory_space<hbm>> -> memref<6x128xi32, #tpu.memory_space<hbm>>
          %dma_start3A_679 = arith.constant 0 : i32
          %dma_start3A_680 = arith.constant 0 : i32
          %dma_start3A_681 = tpu.memref_slice %arg8[%sub3A_672, %dma_start3A_679, %dma_start3A_680] : memref<2x6x128xi32, #tpu.memory_space<vmem>> -> memref<1x6x128xi32, #tpu.memory_space<vmem>>
          %dma_start3A_682 = tpu.memref_squeeze %dma_start3A_681 : memref<1x6x128xi32, #tpu.memory_space<vmem>> -> memref<6x128xi32, #tpu.memory_space<vmem>>
          %dma_start3A_683 = arith.constant 0 : i32
          %dma_start3A_684 = tpu.memref_slice %arg2[%add3A_671, %dma_start3A_683] : memref<12672x128xi32, #tpu.memory_space<hbm>> -> memref<6x128xi32, #tpu.memory_space<hbm>>
          tpu.enqueue_dma source(%dma_start3A_684 : memref<6x128xi32, #tpu.memory_space<hbm>>) target(%dma_start3A_682 : memref<6x128xi32, #tpu.memory_space<vmem>>) target_semaphore(%arg12 : memref<!tpu.dma_semaphore, #tpu.memory_space<semaphore_mem>>)
          %add3A_685 = arith.constant 1 : i32
          %add3A_686 = arith.addi %add3A_205, %add3A_685 : i32
          %mul3A_687 = arith.constant 6 : i32
          %mul3A_688 = arith.muli %add3A_686, %mul3A_687 : i32
          %add3A_689 = arith.addi %mul3A_2, %mul3A_688 : i32
          %sub3A_690 = arith.constant 1 : i32
          %sub3A_691 = arith.subi %sub3A_690, %and3A_206 : i32
          %dma_start3A_692 = arith.constant 0 : i32
          %dma_start3A_693 = arith.constant 0 : i32
          %dma_start3A_694 = tpu.memref_slice %arg9[%sub3A_691, %dma_start3A_692, %dma_start3A_693] : memref<2x6x128xi32, #tpu.memory_space<vmem>> -> memref<1x6x128xi32, #tpu.memory_space<vmem>>
          %dma_start3A_695 = tpu.memref_squeeze %dma_start3A_694 : memref<1x6x128xi32, #tpu.memory_space<vmem>> -> memref<6x128xi32, #tpu.memory_space<vmem>>
          %dma_start3A_696 = arith.constant 0 : i32
          %dma_start3A_697 = tpu.memref_slice %arg3[%add3A_689, %dma_start3A_696] : memref<12672x128xi32, #tpu.memory_space<hbm>> -> memref<6x128xi32, #tpu.memory_space<hbm>>
          %dma_start3A_698 = arith.constant 0 : i32
          %dma_start3A_699 = arith.constant 0 : i32
          %dma_start3A_700 = tpu.memref_slice %arg9[%sub3A_691, %dma_start3A_698, %dma_start3A_699] : memref<2x6x128xi32, #tpu.memory_space<vmem>> -> memref<1x6x128xi32, #tpu.memory_space<vmem>>
          %dma_start3A_701 = tpu.memref_squeeze %dma_start3A_700 : memref<1x6x128xi32, #tpu.memory_space<vmem>> -> memref<6x128xi32, #tpu.memory_space<vmem>>
          %dma_start3A_702 = arith.constant 0 : i32
          %dma_start3A_703 = tpu.memref_slice %arg3[%add3A_689, %dma_start3A_702] : memref<12672x128xi32, #tpu.memory_space<hbm>> -> memref<6x128xi32, #tpu.memory_space<hbm>>
          tpu.enqueue_dma source(%dma_start3A_703 : memref<6x128xi32, #tpu.memory_space<hbm>>) target(%dma_start3A_701 : memref<6x128xi32, #tpu.memory_space<vmem>>) target_semaphore(%arg12 : memref<!tpu.dma_semaphore, #tpu.memory_space<semaphore_mem>>)
        } else {
        }
        %dma_wait3A_385 = arith.constant 0 : i32
        %dma_wait3A_386 = arith.constant 0 : i32
        %dma_wait3A_387 = arith.constant 0 : i32
        %dma_wait3A_388 = arith.constant 0 : i32
        %dma_wait3A_389 = arith.constant 0 : i32
        %dma_wait3A_390 = arith.constant 0 : i32
        %dma_wait3A_391 = tpu.memref_slice %arg10[%and3A_206, %dma_wait3A_388, %dma_wait3A_389, %dma_wait3A_390] : memref<2x6x128x16xf32, #tpu.memory_space<vmem>> -> memref<1x6x128x16xf32, #tpu.memory_space<vmem>>
        %dma_wait3A_392 = tpu.memref_squeeze %dma_wait3A_391 : memref<1x6x128x16xf32, #tpu.memory_space<vmem>> -> memref<6x128x16xf32, #tpu.memory_space<vmem>>
        %dma_wait3A_393 = arith.constant 0 : i32
        %dma_wait3A_394 = arith.constant 0 : i32
        %dma_wait3A_395 = tpu.memref_slice %dma_wait3A_392[%dma_wait3A_386, %dma_wait3A_393, %dma_wait3A_394] : memref<6x128x16xf32, #tpu.memory_space<vmem>> -> memref<1x128x16xf32, #tpu.memory_space<vmem>>
        %dma_wait3A_396 = tpu.memref_squeeze %dma_wait3A_395 : memref<1x128x16xf32, #tpu.memory_space<vmem>> -> memref<128x16xf32, #tpu.memory_space<vmem>>
        %dma_wait3A_397 = arith.constant 0 : i32
        %dma_wait3A_398 = arith.constant 0 : i32
        %dma_wait3A_399 = tpu.memref_slice %arg8[%and3A_206, %dma_wait3A_397, %dma_wait3A_398] : memref<2x6x128xi32, #tpu.memory_space<vmem>> -> memref<1x6x128xi32, #tpu.memory_space<vmem>>
        %dma_wait3A_400 = tpu.memref_squeeze %dma_wait3A_399 : memref<1x6x128xi32, #tpu.memory_space<vmem>> -> memref<6x128xi32, #tpu.memory_space<vmem>>
        %dma_wait3A_401 = arith.constant 0 : i32
        %dma_wait3A_402 = tpu.memref_slice %dma_wait3A_400[%dma_wait3A_385, %dma_wait3A_401] : memref<6x128xi32, #tpu.memory_space<vmem>> -> memref<1x128xi32, #tpu.memory_space<vmem>>
        %dma_wait3A_403 = tpu.memref_squeeze %dma_wait3A_402 : memref<1x128xi32, #tpu.memory_space<vmem>> -> memref<128xi32, #tpu.memory_space<vmem>>
        %dma_wait3A_404 = arith.constant 0 : i32
        %dma_wait3A_405 = arith.constant 0 : i32
        %dma_wait3A_406 = tpu.memref_slice %arg5[%dma_wait3A_404, %dma_wait3A_405] : memref<100352x16xf32, #tpu.memory_space<hbm>> -> memref<100352x16xf32, #tpu.memory_space<hbm>>
        %dma_wait3A_407 = tpu.memref_slice %arg13[%dma_wait3A_387] : memref<6x!tpu.dma_semaphore, #tpu.memory_space<semaphore_mem>> -> memref<1x!tpu.dma_semaphore, #tpu.memory_space<semaphore_mem>>
        %dma_wait3A_408 = tpu.memref_squeeze %dma_wait3A_407 : memref<1x!tpu.dma_semaphore, #tpu.memory_space<semaphore_mem>> -> memref<!tpu.dma_semaphore, #tpu.memory_space<semaphore_mem>>
        tpu.wait_indirect_dma semaphore(%dma_wait3A_408 : memref<!tpu.dma_semaphore, #tpu.memory_space<semaphore_mem>>) src(%dma_wait3A_406 : memref<100352x16xf32, #tpu.memory_space<hbm>>) dst(%dma_wait3A_396 : memref<128x16xf32, #tpu.memory_space<vmem>>)
        %dma_start3A_409 = arith.constant 0 : i32
        %dma_start3A_410 = arith.constant 0 : i32
        %dma_start3A_411 = arith.constant 0 : i32
        %dma_start3A_412 = arith.constant 0 : i32
        %dma_start3A_413 = arith.constant 0 : i32
        %dma_start3A_414 = tpu.memref_slice %arg10[%and3A_206, %dma_start3A_411, %dma_start3A_412, %dma_start3A_413] : memref<2x6x128x16xf32, #tpu.memory_space<vmem>> -> memref<1x6x128x16xf32, #tpu.memory_space<vmem>>
        %dma_start3A_415 = tpu.memref_squeeze %dma_start3A_414 : memref<1x6x128x16xf32, #tpu.memory_space<vmem>> -> memref<6x128x16xf32, #tpu.memory_space<vmem>>
        %dma_start3A_416 = arith.constant 0 : i32
        %dma_start3A_417 = arith.constant 0 : i32
        %dma_start3A_418 = tpu.memref_slice %dma_start3A_415[%dma_start3A_409, %dma_start3A_416, %dma_start3A_417] : memref<6x128x16xf32, #tpu.memory_space<vmem>> -> memref<1x128x16xf32, #tpu.memory_space<vmem>>
        %dma_start3A_419 = tpu.memref_squeeze %dma_start3A_418 : memref<1x128x16xf32, #tpu.memory_space<vmem>> -> memref<128x16xf32, #tpu.memory_space<vmem>>
        %dma_start3A_420 = arith.constant 0 : i32
        %dma_start3A_421 = arith.constant 0 : i32
        %dma_start3A_422 = tpu.memref_slice %arg9[%and3A_206, %dma_start3A_420, %dma_start3A_421] : memref<2x6x128xi32, #tpu.memory_space<vmem>> -> memref<1x6x128xi32, #tpu.memory_space<vmem>>
        %dma_start3A_423 = tpu.memref_squeeze %dma_start3A_422 : memref<1x6x128xi32, #tpu.memory_space<vmem>> -> memref<6x128xi32, #tpu.memory_space<vmem>>
        %dma_start3A_424 = arith.constant 0 : i32
        %dma_start3A_425 = tpu.memref_slice %dma_start3A_423[%dma_start3A_410, %dma_start3A_424] : memref<6x128xi32, #tpu.memory_space<vmem>> -> memref<1x128xi32, #tpu.memory_space<vmem>>
        %dma_start3A_426 = tpu.memref_squeeze %dma_start3A_425 : memref<1x128xi32, #tpu.memory_space<vmem>> -> memref<128xi32, #tpu.memory_space<vmem>>
        %dma_start3A_427 = arith.constant 0 : i32
        %dma_start3A_428 = arith.constant 0 : i32
        %dma_start3A_429 = tpu.memref_slice %arg11[%dma_start3A_427, %dma_start3A_428] : memref<100352x16xf32, #tpu.memory_space<vmem_shared>> -> memref<100352x16xf32, #tpu.memory_space<vmem_shared>>
        %dma_start3A_430 = tpu.memref_slice %arg14[%and3A_206] : memref<2x!tpu.dma_semaphore, #tpu.memory_space<semaphore_mem>> -> memref<1x!tpu.dma_semaphore, #tpu.memory_space<semaphore_mem>>
        %dma_start3A_431 = tpu.memref_squeeze %dma_start3A_430 : memref<1x!tpu.dma_semaphore, #tpu.memory_space<semaphore_mem>> -> memref<!tpu.dma_semaphore, #tpu.memory_space<semaphore_mem>>
        tpu.enqueue_indirect_dma source(%dma_start3A_419 : memref<128x16xf32, #tpu.memory_space<vmem>>) target(%dma_start3A_429 : memref<100352x16xf32, #tpu.memory_space<vmem_shared>>) offsets(%dma_start3A_426 : memref<128xi32, #tpu.memory_space<vmem>>) semaphore(%dma_start3A_431 : memref<!tpu.dma_semaphore, #tpu.memory_space<semaphore_mem>>) {add = true}
        %dma_wait3A_432 = arith.constant 1 : i32
        %dma_wait3A_433 = arith.constant 1 : i32
        %dma_wait3A_434 = arith.constant 1 : i32
        %dma_wait3A_435 = arith.constant 0 : i32
        %dma_wait3A_436 = arith.constant 0 : i32
        %dma_wait3A_437 = arith.constant 0 : i32
        %dma_wait3A_438 = tpu.memref_slice %arg10[%and3A_206, %dma_wait3A_435, %dma_wait3A_436, %dma_wait3A_437] : memref<2x6x128x16xf32, #tpu.memory_space<vmem>> -> memref<1x6x128x16xf32, #tpu.memory_space<vmem>>
        %dma_wait3A_439 = tpu.memref_squeeze %dma_wait3A_438 : memref<1x6x128x16xf32, #tpu.memory_space<vmem>> -> memref<6x128x16xf32, #tpu.memory_space<vmem>>
        %dma_wait3A_440 = arith.constant 0 : i32
        %dma_wait3A_441 = arith.constant 0 : i32
        %dma_wait3A_442 = tpu.memref_slice %dma_wait3A_439[%dma_wait3A_433, %dma_wait3A_440, %dma_wait3A_441] : memref<6x128x16xf32, #tpu.memory_space<vmem>> -> memref<1x128x16xf32, #tpu.memory_space<vmem>>
        %dma_wait3A_443 = tpu.memref_squeeze %dma_wait3A_442 : memref<1x128x16xf32, #tpu.memory_space<vmem>> -> memref<128x16xf32, #tpu.memory_space<vmem>>
        %dma_wait3A_444 = arith.constant 0 : i32
        %dma_wait3A_445 = arith.constant 0 : i32
        %dma_wait3A_446 = tpu.memref_slice %arg8[%and3A_206, %dma_wait3A_444, %dma_wait3A_445] : memref<2x6x128xi32, #tpu.memory_space<vmem>> -> memref<1x6x128xi32, #tpu.memory_space<vmem>>
        %dma_wait3A_447 = tpu.memref_squeeze %dma_wait3A_446 : memref<1x6x128xi32, #tpu.memory_space<vmem>> -> memref<6x128xi32, #tpu.memory_space<vmem>>
        %dma_wait3A_448 = arith.constant 0 : i32
        %dma_wait3A_449 = tpu.memref_slice %dma_wait3A_447[%dma_wait3A_432, %dma_wait3A_448] : memref<6x128xi32, #tpu.memory_space<vmem>> -> memref<1x128xi32, #tpu.memory_space<vmem>>
        %dma_wait3A_450 = tpu.memref_squeeze %dma_wait3A_449 : memref<1x128xi32, #tpu.memory_space<vmem>> -> memref<128xi32, #tpu.memory_space<vmem>>
        %dma_wait3A_451 = arith.constant 0 : i32
        %dma_wait3A_452 = arith.constant 0 : i32
        %dma_wait3A_453 = tpu.memref_slice %arg5[%dma_wait3A_451, %dma_wait3A_452] : memref<100352x16xf32, #tpu.memory_space<hbm>> -> memref<100352x16xf32, #tpu.memory_space<hbm>>
        %dma_wait3A_454 = tpu.memref_slice %arg13[%dma_wait3A_434] : memref<6x!tpu.dma_semaphore, #tpu.memory_space<semaphore_mem>> -> memref<1x!tpu.dma_semaphore, #tpu.memory_space<semaphore_mem>>
        %dma_wait3A_455 = tpu.memref_squeeze %dma_wait3A_454 : memref<1x!tpu.dma_semaphore, #tpu.memory_space<semaphore_mem>> -> memref<!tpu.dma_semaphore, #tpu.memory_space<semaphore_mem>>
        tpu.wait_indirect_dma semaphore(%dma_wait3A_455 : memref<!tpu.dma_semaphore, #tpu.memory_space<semaphore_mem>>) src(%dma_wait3A_453 : memref<100352x16xf32, #tpu.memory_space<hbm>>) dst(%dma_wait3A_443 : memref<128x16xf32, #tpu.memory_space<vmem>>)
        %dma_start3A_456 = arith.constant 1 : i32
        %dma_start3A_457 = arith.constant 1 : i32
        %dma_start3A_458 = arith.constant 0 : i32
        %dma_start3A_459 = arith.constant 0 : i32
        %dma_start3A_460 = arith.constant 0 : i32
        %dma_start3A_461 = tpu.memref_slice %arg10[%and3A_206, %dma_start3A_458, %dma_start3A_459, %dma_start3A_460] : memref<2x6x128x16xf32, #tpu.memory_space<vmem>> -> memref<1x6x128x16xf32, #tpu.memory_space<vmem>>
        %dma_start3A_462 = tpu.memref_squeeze %dma_start3A_461 : memref<1x6x128x16xf32, #tpu.memory_space<vmem>> -> memref<6x128x16xf32, #tpu.memory_space<vmem>>
        %dma_start3A_463 = arith.constant 0 : i32
        %dma_start3A_464 = arith.constant 0 : i32
        %dma_start3A_465 = tpu.memref_slice %dma_start3A_462[%dma_start3A_456, %dma_start3A_463, %dma_start3A_464] : memref<6x128x16xf32, #tpu.memory_space<vmem>> -> memref<1x128x16xf32, #tpu.memory_space<vmem>>
        %dma_start3A_466 = tpu.memref_squeeze %dma_start3A_465 : memref<1x128x16xf32, #tpu.memory_space<vmem>> -> memref<128x16xf32, #tpu.memory_space<vmem>>
        %dma_start3A_467 = arith.constant 0 : i32
        %dma_start3A_468 = arith.constant 0 : i32
        %dma_start3A_469 = tpu.memref_slice %arg9[%and3A_206, %dma_start3A_467, %dma_start3A_468] : memref<2x6x128xi32, #tpu.memory_space<vmem>> -> memref<1x6x128xi32, #tpu.memory_space<vmem>>
        %dma_start3A_470 = tpu.memref_squeeze %dma_start3A_469 : memref<1x6x128xi32, #tpu.memory_space<vmem>> -> memref<6x128xi32, #tpu.memory_space<vmem>>
        %dma_start3A_471 = arith.constant 0 : i32
        %dma_start3A_472 = tpu.memref_slice %dma_start3A_470[%dma_start3A_457, %dma_start3A_471] : memref<6x128xi32, #tpu.memory_space<vmem>> -> memref<1x128xi32, #tpu.memory_space<vmem>>
        %dma_start3A_473 = tpu.memref_squeeze %dma_start3A_472 : memref<1x128xi32, #tpu.memory_space<vmem>> -> memref<128xi32, #tpu.memory_space<vmem>>
        %dma_start3A_474 = arith.constant 0 : i32
        %dma_start3A_475 = arith.constant 0 : i32
        %dma_start3A_476 = tpu.memref_slice %arg11[%dma_start3A_474, %dma_start3A_475] : memref<100352x16xf32, #tpu.memory_space<vmem_shared>> -> memref<100352x16xf32, #tpu.memory_space<vmem_shared>>
        %dma_start3A_477 = tpu.memref_slice %arg14[%and3A_206] : memref<2x!tpu.dma_semaphore, #tpu.memory_space<semaphore_mem>> -> memref<1x!tpu.dma_semaphore, #tpu.memory_space<semaphore_mem>>
        %dma_start3A_478 = tpu.memref_squeeze %dma_start3A_477 : memref<1x!tpu.dma_semaphore, #tpu.memory_space<semaphore_mem>> -> memref<!tpu.dma_semaphore, #tpu.memory_space<semaphore_mem>>
        tpu.enqueue_indirect_dma source(%dma_start3A_466 : memref<128x16xf32, #tpu.memory_space<vmem>>) target(%dma_start3A_476 : memref<100352x16xf32, #tpu.memory_space<vmem_shared>>) offsets(%dma_start3A_473 : memref<128xi32, #tpu.memory_space<vmem>>) semaphore(%dma_start3A_478 : memref<!tpu.dma_semaphore, #tpu.memory_space<semaphore_mem>>) {add = true}
        %dma_wait3A_479 = arith.constant 2 : i32
        %dma_wait3A_480 = arith.constant 2 : i32
        %dma_wait3A_481 = arith.constant 2 : i32
        %dma_wait3A_482 = arith.constant 0 : i32
        %dma_wait3A_483 = arith.constant 0 : i32
        %dma_wait3A_484 = arith.constant 0 : i32
        %dma_wait3A_485 = tpu.memref_slice %arg10[%and3A_206, %dma_wait3A_482, %dma_wait3A_483, %dma_wait3A_484] : memref<2x6x128x16xf32, #tpu.memory_space<vmem>> -> memref<1x6x128x16xf32, #tpu.memory_space<vmem>>
        %dma_wait3A_486 = tpu.memref_squeeze %dma_wait3A_485 : memref<1x6x128x16xf32, #tpu.memory_space<vmem>> -> memref<6x128x16xf32, #tpu.memory_space<vmem>>
        %dma_wait3A_487 = arith.constant 0 : i32
        %dma_wait3A_488 = arith.constant 0 : i32
        %dma_wait3A_489 = tpu.memref_slice %dma_wait3A_486[%dma_wait3A_480, %dma_wait3A_487, %dma_wait3A_488] : memref<6x128x16xf32, #tpu.memory_space<vmem>> -> memref<1x128x16xf32, #tpu.memory_space<vmem>>
        %dma_wait3A_490 = tpu.memref_squeeze %dma_wait3A_489 : memref<1x128x16xf32, #tpu.memory_space<vmem>> -> memref<128x16xf32, #tpu.memory_space<vmem>>
        %dma_wait3A_491 = arith.constant 0 : i32
        %dma_wait3A_492 = arith.constant 0 : i32
        %dma_wait3A_493 = tpu.memref_slice %arg8[%and3A_206, %dma_wait3A_491, %dma_wait3A_492] : memref<2x6x128xi32, #tpu.memory_space<vmem>> -> memref<1x6x128xi32, #tpu.memory_space<vmem>>
        %dma_wait3A_494 = tpu.memref_squeeze %dma_wait3A_493 : memref<1x6x128xi32, #tpu.memory_space<vmem>> -> memref<6x128xi32, #tpu.memory_space<vmem>>
        %dma_wait3A_495 = arith.constant 0 : i32
        %dma_wait3A_496 = tpu.memref_slice %dma_wait3A_494[%dma_wait3A_479, %dma_wait3A_495] : memref<6x128xi32, #tpu.memory_space<vmem>> -> memref<1x128xi32, #tpu.memory_space<vmem>>
        %dma_wait3A_497 = tpu.memref_squeeze %dma_wait3A_496 : memref<1x128xi32, #tpu.memory_space<vmem>> -> memref<128xi32, #tpu.memory_space<vmem>>
        %dma_wait3A_498 = arith.constant 0 : i32
        %dma_wait3A_499 = arith.constant 0 : i32
        %dma_wait3A_500 = tpu.memref_slice %arg5[%dma_wait3A_498, %dma_wait3A_499] : memref<100352x16xf32, #tpu.memory_space<hbm>> -> memref<100352x16xf32, #tpu.memory_space<hbm>>
        %dma_wait3A_501 = tpu.memref_slice %arg13[%dma_wait3A_481] : memref<6x!tpu.dma_semaphore, #tpu.memory_space<semaphore_mem>> -> memref<1x!tpu.dma_semaphore, #tpu.memory_space<semaphore_mem>>
        %dma_wait3A_502 = tpu.memref_squeeze %dma_wait3A_501 : memref<1x!tpu.dma_semaphore, #tpu.memory_space<semaphore_mem>> -> memref<!tpu.dma_semaphore, #tpu.memory_space<semaphore_mem>>
        tpu.wait_indirect_dma semaphore(%dma_wait3A_502 : memref<!tpu.dma_semaphore, #tpu.memory_space<semaphore_mem>>) src(%dma_wait3A_500 : memref<100352x16xf32, #tpu.memory_space<hbm>>) dst(%dma_wait3A_490 : memref<128x16xf32, #tpu.memory_space<vmem>>)
        %dma_start3A_503 = arith.constant 2 : i32
        %dma_start3A_504 = arith.constant 2 : i32
        %dma_start3A_505 = arith.constant 0 : i32
        %dma_start3A_506 = arith.constant 0 : i32
        %dma_start3A_507 = arith.constant 0 : i32
        %dma_start3A_508 = tpu.memref_slice %arg10[%and3A_206, %dma_start3A_505, %dma_start3A_506, %dma_start3A_507] : memref<2x6x128x16xf32, #tpu.memory_space<vmem>> -> memref<1x6x128x16xf32, #tpu.memory_space<vmem>>
        %dma_start3A_509 = tpu.memref_squeeze %dma_start3A_508 : memref<1x6x128x16xf32, #tpu.memory_space<vmem>> -> memref<6x128x16xf32, #tpu.memory_space<vmem>>
        %dma_start3A_510 = arith.constant 0 : i32
        %dma_start3A_511 = arith.constant 0 : i32
        %dma_start3A_512 = tpu.memref_slice %dma_start3A_509[%dma_start3A_503, %dma_start3A_510, %dma_start3A_511] : memref<6x128x16xf32, #tpu.memory_space<vmem>> -> memref<1x128x16xf32, #tpu.memory_space<vmem>>
        %dma_start3A_513 = tpu.memref_squeeze %dma_start3A_512 : memref<1x128x16xf32, #tpu.memory_space<vmem>> -> memref<128x16xf32, #tpu.memory_space<vmem>>
        %dma_start3A_514 = arith.constant 0 : i32
        %dma_start3A_515 = arith.constant 0 : i32
        %dma_start3A_516 = tpu.memref_slice %arg9[%and3A_206, %dma_start3A_514, %dma_start3A_515] : memref<2x6x128xi32, #tpu.memory_space<vmem>> -> memref<1x6x128xi32, #tpu.memory_space<vmem>>
        %dma_start3A_517 = tpu.memref_squeeze %dma_start3A_516 : memref<1x6x128xi32, #tpu.memory_space<vmem>> -> memref<6x128xi32, #tpu.memory_space<vmem>>
        %dma_start3A_518 = arith.constant 0 : i32
        %dma_start3A_519 = tpu.memref_slice %dma_start3A_517[%dma_start3A_504, %dma_start3A_518] : memref<6x128xi32, #tpu.memory_space<vmem>> -> memref<1x128xi32, #tpu.memory_space<vmem>>
        %dma_start3A_520 = tpu.memref_squeeze %dma_start3A_519 : memref<1x128xi32, #tpu.memory_space<vmem>> -> memref<128xi32, #tpu.memory_space<vmem>>
        %dma_start3A_521 = arith.constant 0 : i32
        %dma_start3A_522 = arith.constant 0 : i32
        %dma_start3A_523 = tpu.memref_slice %arg11[%dma_start3A_521, %dma_start3A_522] : memref<100352x16xf32, #tpu.memory_space<vmem_shared>> -> memref<100352x16xf32, #tpu.memory_space<vmem_shared>>
        %dma_start3A_524 = tpu.memref_slice %arg14[%and3A_206] : memref<2x!tpu.dma_semaphore, #tpu.memory_space<semaphore_mem>> -> memref<1x!tpu.dma_semaphore, #tpu.memory_space<semaphore_mem>>
        %dma_start3A_525 = tpu.memref_squeeze %dma_start3A_524 : memref<1x!tpu.dma_semaphore, #tpu.memory_space<semaphore_mem>> -> memref<!tpu.dma_semaphore, #tpu.memory_space<semaphore_mem>>
        tpu.enqueue_indirect_dma source(%dma_start3A_513 : memref<128x16xf32, #tpu.memory_space<vmem>>) target(%dma_start3A_523 : memref<100352x16xf32, #tpu.memory_space<vmem_shared>>) offsets(%dma_start3A_520 : memref<128xi32, #tpu.memory_space<vmem>>) semaphore(%dma_start3A_525 : memref<!tpu.dma_semaphore, #tpu.memory_space<semaphore_mem>>) {add = true}
        %dma_wait3A_526 = arith.constant 3 : i32
        %dma_wait3A_527 = arith.constant 3 : i32
        %dma_wait3A_528 = arith.constant 3 : i32
        %dma_wait3A_529 = arith.constant 0 : i32
        %dma_wait3A_530 = arith.constant 0 : i32
        %dma_wait3A_531 = arith.constant 0 : i32
        %dma_wait3A_532 = tpu.memref_slice %arg10[%and3A_206, %dma_wait3A_529, %dma_wait3A_530, %dma_wait3A_531] : memref<2x6x128x16xf32, #tpu.memory_space<vmem>> -> memref<1x6x128x16xf32, #tpu.memory_space<vmem>>
        %dma_wait3A_533 = tpu.memref_squeeze %dma_wait3A_532 : memref<1x6x128x16xf32, #tpu.memory_space<vmem>> -> memref<6x128x16xf32, #tpu.memory_space<vmem>>
        %dma_wait3A_534 = arith.constant 0 : i32
        %dma_wait3A_535 = arith.constant 0 : i32
        %dma_wait3A_536 = tpu.memref_slice %dma_wait3A_533[%dma_wait3A_527, %dma_wait3A_534, %dma_wait3A_535] : memref<6x128x16xf32, #tpu.memory_space<vmem>> -> memref<1x128x16xf32, #tpu.memory_space<vmem>>
        %dma_wait3A_537 = tpu.memref_squeeze %dma_wait3A_536 : memref<1x128x16xf32, #tpu.memory_space<vmem>> -> memref<128x16xf32, #tpu.memory_space<vmem>>
        %dma_wait3A_538 = arith.constant 0 : i32
        %dma_wait3A_539 = arith.constant 0 : i32
        %dma_wait3A_540 = tpu.memref_slice %arg8[%and3A_206, %dma_wait3A_538, %dma_wait3A_539] : memref<2x6x128xi32, #tpu.memory_space<vmem>> -> memref<1x6x128xi32, #tpu.memory_space<vmem>>
        %dma_wait3A_541 = tpu.memref_squeeze %dma_wait3A_540 : memref<1x6x128xi32, #tpu.memory_space<vmem>> -> memref<6x128xi32, #tpu.memory_space<vmem>>
        %dma_wait3A_542 = arith.constant 0 : i32
        %dma_wait3A_543 = tpu.memref_slice %dma_wait3A_541[%dma_wait3A_526, %dma_wait3A_542] : memref<6x128xi32, #tpu.memory_space<vmem>> -> memref<1x128xi32, #tpu.memory_space<vmem>>
        %dma_wait3A_544 = tpu.memref_squeeze %dma_wait3A_543 : memref<1x128xi32, #tpu.memory_space<vmem>> -> memref<128xi32, #tpu.memory_space<vmem>>
        %dma_wait3A_545 = arith.constant 0 : i32
        %dma_wait3A_546 = arith.constant 0 : i32
        %dma_wait3A_547 = tpu.memref_slice %arg5[%dma_wait3A_545, %dma_wait3A_546] : memref<100352x16xf32, #tpu.memory_space<hbm>> -> memref<100352x16xf32, #tpu.memory_space<hbm>>
        %dma_wait3A_548 = tpu.memref_slice %arg13[%dma_wait3A_528] : memref<6x!tpu.dma_semaphore, #tpu.memory_space<semaphore_mem>> -> memref<1x!tpu.dma_semaphore, #tpu.memory_space<semaphore_mem>>
        %dma_wait3A_549 = tpu.memref_squeeze %dma_wait3A_548 : memref<1x!tpu.dma_semaphore, #tpu.memory_space<semaphore_mem>> -> memref<!tpu.dma_semaphore, #tpu.memory_space<semaphore_mem>>
        tpu.wait_indirect_dma semaphore(%dma_wait3A_549 : memref<!tpu.dma_semaphore, #tpu.memory_space<semaphore_mem>>) src(%dma_wait3A_547 : memref<100352x16xf32, #tpu.memory_space<hbm>>) dst(%dma_wait3A_537 : memref<128x16xf32, #tpu.memory_space<vmem>>)
        %dma_start3A_550 = arith.constant 3 : i32
        %dma_start3A_551 = arith.constant 3 : i32
        %dma_start3A_552 = arith.constant 0 : i32
        %dma_start3A_553 = arith.constant 0 : i32
        %dma_start3A_554 = arith.constant 0 : i32
        %dma_start3A_555 = tpu.memref_slice %arg10[%and3A_206, %dma_start3A_552, %dma_start3A_553, %dma_start3A_554] : memref<2x6x128x16xf32, #tpu.memory_space<vmem>> -> memref<1x6x128x16xf32, #tpu.memory_space<vmem>>
        %dma_start3A_556 = tpu.memref_squeeze %dma_start3A_555 : memref<1x6x128x16xf32, #tpu.memory_space<vmem>> -> memref<6x128x16xf32, #tpu.memory_space<vmem>>
        %dma_start3A_557 = arith.constant 0 : i32
        %dma_start3A_558 = arith.constant 0 : i32
        %dma_start3A_559 = tpu.memref_slice %dma_start3A_556[%dma_start3A_550, %dma_start3A_557, %dma_start3A_558] : memref<6x128x16xf32, #tpu.memory_space<vmem>> -> memref<1x128x16xf32, #tpu.memory_space<vmem>>
        %dma_start3A_560 = tpu.memref_squeeze %dma_start3A_559 : memref<1x128x16xf32, #tpu.memory_space<vmem>> -> memref<128x16xf32, #tpu.memory_space<vmem>>
        %dma_start3A_561 = arith.constant 0 : i32
        %dma_start3A_562 = arith.constant 0 : i32
        %dma_start3A_563 = tpu.memref_slice %arg9[%and3A_206, %dma_start3A_561, %dma_start3A_562] : memref<2x6x128xi32, #tpu.memory_space<vmem>> -> memref<1x6x128xi32, #tpu.memory_space<vmem>>
        %dma_start3A_564 = tpu.memref_squeeze %dma_start3A_563 : memref<1x6x128xi32, #tpu.memory_space<vmem>> -> memref<6x128xi32, #tpu.memory_space<vmem>>
        %dma_start3A_565 = arith.constant 0 : i32
        %dma_start3A_566 = tpu.memref_slice %dma_start3A_564[%dma_start3A_551, %dma_start3A_565] : memref<6x128xi32, #tpu.memory_space<vmem>> -> memref<1x128xi32, #tpu.memory_space<vmem>>
        %dma_start3A_567 = tpu.memref_squeeze %dma_start3A_566 : memref<1x128xi32, #tpu.memory_space<vmem>> -> memref<128xi32, #tpu.memory_space<vmem>>
        %dma_start3A_568 = arith.constant 0 : i32
        %dma_start3A_569 = arith.constant 0 : i32
        %dma_start3A_570 = tpu.memref_slice %arg11[%dma_start3A_568, %dma_start3A_569] : memref<100352x16xf32, #tpu.memory_space<vmem_shared>> -> memref<100352x16xf32, #tpu.memory_space<vmem_shared>>
        %dma_start3A_571 = tpu.memref_slice %arg14[%and3A_206] : memref<2x!tpu.dma_semaphore, #tpu.memory_space<semaphore_mem>> -> memref<1x!tpu.dma_semaphore, #tpu.memory_space<semaphore_mem>>
        %dma_start3A_572 = tpu.memref_squeeze %dma_start3A_571 : memref<1x!tpu.dma_semaphore, #tpu.memory_space<semaphore_mem>> -> memref<!tpu.dma_semaphore, #tpu.memory_space<semaphore_mem>>
        tpu.enqueue_indirect_dma source(%dma_start3A_560 : memref<128x16xf32, #tpu.memory_space<vmem>>) target(%dma_start3A_570 : memref<100352x16xf32, #tpu.memory_space<vmem_shared>>) offsets(%dma_start3A_567 : memref<128xi32, #tpu.memory_space<vmem>>) semaphore(%dma_start3A_572 : memref<!tpu.dma_semaphore, #tpu.memory_space<semaphore_mem>>) {add = true}
        %dma_wait3A_573 = arith.constant 4 : i32
        %dma_wait3A_574 = arith.constant 4 : i32
        %dma_wait3A_575 = arith.constant 4 : i32
        %dma_wait3A_576 = arith.constant 0 : i32
        %dma_wait3A_577 = arith.constant 0 : i32
        %dma_wait3A_578 = arith.constant 0 : i32
        %dma_wait3A_579 = tpu.memref_slice %arg10[%and3A_206, %dma_wait3A_576, %dma_wait3A_577, %dma_wait3A_578] : memref<2x6x128x16xf32, #tpu.memory_space<vmem>> -> memref<1x6x128x16xf32, #tpu.memory_space<vmem>>
        %dma_wait3A_580 = tpu.memref_squeeze %dma_wait3A_579 : memref<1x6x128x16xf32, #tpu.memory_space<vmem>> -> memref<6x128x16xf32, #tpu.memory_space<vmem>>
        %dma_wait3A_581 = arith.constant 0 : i32
        %dma_wait3A_582 = arith.constant 0 : i32
        %dma_wait3A_583 = tpu.memref_slice %dma_wait3A_580[%dma_wait3A_574, %dma_wait3A_581, %dma_wait3A_582] : memref<6x128x16xf32, #tpu.memory_space<vmem>> -> memref<1x128x16xf32, #tpu.memory_space<vmem>>
        %dma_wait3A_584 = tpu.memref_squeeze %dma_wait3A_583 : memref<1x128x16xf32, #tpu.memory_space<vmem>> -> memref<128x16xf32, #tpu.memory_space<vmem>>
        %dma_wait3A_585 = arith.constant 0 : i32
        %dma_wait3A_586 = arith.constant 0 : i32
        %dma_wait3A_587 = tpu.memref_slice %arg8[%and3A_206, %dma_wait3A_585, %dma_wait3A_586] : memref<2x6x128xi32, #tpu.memory_space<vmem>> -> memref<1x6x128xi32, #tpu.memory_space<vmem>>
        %dma_wait3A_588 = tpu.memref_squeeze %dma_wait3A_587 : memref<1x6x128xi32, #tpu.memory_space<vmem>> -> memref<6x128xi32, #tpu.memory_space<vmem>>
        %dma_wait3A_589 = arith.constant 0 : i32
        %dma_wait3A_590 = tpu.memref_slice %dma_wait3A_588[%dma_wait3A_573, %dma_wait3A_589] : memref<6x128xi32, #tpu.memory_space<vmem>> -> memref<1x128xi32, #tpu.memory_space<vmem>>
        %dma_wait3A_591 = tpu.memref_squeeze %dma_wait3A_590 : memref<1x128xi32, #tpu.memory_space<vmem>> -> memref<128xi32, #tpu.memory_space<vmem>>
        %dma_wait3A_592 = arith.constant 0 : i32
        %dma_wait3A_593 = arith.constant 0 : i32
        %dma_wait3A_594 = tpu.memref_slice %arg5[%dma_wait3A_592, %dma_wait3A_593] : memref<100352x16xf32, #tpu.memory_space<hbm>> -> memref<100352x16xf32, #tpu.memory_space<hbm>>
        %dma_wait3A_595 = tpu.memref_slice %arg13[%dma_wait3A_575] : memref<6x!tpu.dma_semaphore, #tpu.memory_space<semaphore_mem>> -> memref<1x!tpu.dma_semaphore, #tpu.memory_space<semaphore_mem>>
        %dma_wait3A_596 = tpu.memref_squeeze %dma_wait3A_595 : memref<1x!tpu.dma_semaphore, #tpu.memory_space<semaphore_mem>> -> memref<!tpu.dma_semaphore, #tpu.memory_space<semaphore_mem>>
        tpu.wait_indirect_dma semaphore(%dma_wait3A_596 : memref<!tpu.dma_semaphore, #tpu.memory_space<semaphore_mem>>) src(%dma_wait3A_594 : memref<100352x16xf32, #tpu.memory_space<hbm>>) dst(%dma_wait3A_584 : memref<128x16xf32, #tpu.memory_space<vmem>>)
        %dma_start3A_597 = arith.constant 4 : i32
        %dma_start3A_598 = arith.constant 4 : i32
        %dma_start3A_599 = arith.constant 0 : i32
        %dma_start3A_600 = arith.constant 0 : i32
        %dma_start3A_601 = arith.constant 0 : i32
        %dma_start3A_602 = tpu.memref_slice %arg10[%and3A_206, %dma_start3A_599, %dma_start3A_600, %dma_start3A_601] : memref<2x6x128x16xf32, #tpu.memory_space<vmem>> -> memref<1x6x128x16xf32, #tpu.memory_space<vmem>>
        %dma_start3A_603 = tpu.memref_squeeze %dma_start3A_602 : memref<1x6x128x16xf32, #tpu.memory_space<vmem>> -> memref<6x128x16xf32, #tpu.memory_space<vmem>>
        %dma_start3A_604 = arith.constant 0 : i32
        %dma_start3A_605 = arith.constant 0 : i32
        %dma_start3A_606 = tpu.memref_slice %dma_start3A_603[%dma_start3A_597, %dma_start3A_604, %dma_start3A_605] : memref<6x128x16xf32, #tpu.memory_space<vmem>> -> memref<1x128x16xf32, #tpu.memory_space<vmem>>
        %dma_start3A_607 = tpu.memref_squeeze %dma_start3A_606 : memref<1x128x16xf32, #tpu.memory_space<vmem>> -> memref<128x16xf32, #tpu.memory_space<vmem>>
        %dma_start3A_608 = arith.constant 0 : i32
        %dma_start3A_609 = arith.constant 0 : i32
        %dma_start3A_610 = tpu.memref_slice %arg9[%and3A_206, %dma_start3A_608, %dma_start3A_609] : memref<2x6x128xi32, #tpu.memory_space<vmem>> -> memref<1x6x128xi32, #tpu.memory_space<vmem>>
        %dma_start3A_611 = tpu.memref_squeeze %dma_start3A_610 : memref<1x6x128xi32, #tpu.memory_space<vmem>> -> memref<6x128xi32, #tpu.memory_space<vmem>>
        %dma_start3A_612 = arith.constant 0 : i32
        %dma_start3A_613 = tpu.memref_slice %dma_start3A_611[%dma_start3A_598, %dma_start3A_612] : memref<6x128xi32, #tpu.memory_space<vmem>> -> memref<1x128xi32, #tpu.memory_space<vmem>>
        %dma_start3A_614 = tpu.memref_squeeze %dma_start3A_613 : memref<1x128xi32, #tpu.memory_space<vmem>> -> memref<128xi32, #tpu.memory_space<vmem>>
        %dma_start3A_615 = arith.constant 0 : i32
        %dma_start3A_616 = arith.constant 0 : i32
        %dma_start3A_617 = tpu.memref_slice %arg11[%dma_start3A_615, %dma_start3A_616] : memref<100352x16xf32, #tpu.memory_space<vmem_shared>> -> memref<100352x16xf32, #tpu.memory_space<vmem_shared>>
        %dma_start3A_618 = tpu.memref_slice %arg14[%and3A_206] : memref<2x!tpu.dma_semaphore, #tpu.memory_space<semaphore_mem>> -> memref<1x!tpu.dma_semaphore, #tpu.memory_space<semaphore_mem>>
        %dma_start3A_619 = tpu.memref_squeeze %dma_start3A_618 : memref<1x!tpu.dma_semaphore, #tpu.memory_space<semaphore_mem>> -> memref<!tpu.dma_semaphore, #tpu.memory_space<semaphore_mem>>
        tpu.enqueue_indirect_dma source(%dma_start3A_607 : memref<128x16xf32, #tpu.memory_space<vmem>>) target(%dma_start3A_617 : memref<100352x16xf32, #tpu.memory_space<vmem_shared>>) offsets(%dma_start3A_614 : memref<128xi32, #tpu.memory_space<vmem>>) semaphore(%dma_start3A_619 : memref<!tpu.dma_semaphore, #tpu.memory_space<semaphore_mem>>) {add = true}
        %dma_wait3A_620 = arith.constant 5 : i32
        %dma_wait3A_621 = arith.constant 5 : i32
        %dma_wait3A_622 = arith.constant 5 : i32
        %dma_wait3A_623 = arith.constant 0 : i32
        %dma_wait3A_624 = arith.constant 0 : i32
        %dma_wait3A_625 = arith.constant 0 : i32
        %dma_wait3A_626 = tpu.memref_slice %arg10[%and3A_206, %dma_wait3A_623, %dma_wait3A_624, %dma_wait3A_625] : memref<2x6x128x16xf32, #tpu.memory_space<vmem>> -> memref<1x6x128x16xf32, #tpu.memory_space<vmem>>
        %dma_wait3A_627 = tpu.memref_squeeze %dma_wait3A_626 : memref<1x6x128x16xf32, #tpu.memory_space<vmem>> -> memref<6x128x16xf32, #tpu.memory_space<vmem>>
        %dma_wait3A_628 = arith.constant 0 : i32
        %dma_wait3A_629 = arith.constant 0 : i32
        %dma_wait3A_630 = tpu.memref_slice %dma_wait3A_627[%dma_wait3A_621, %dma_wait3A_628, %dma_wait3A_629] : memref<6x128x16xf32, #tpu.memory_space<vmem>> -> memref<1x128x16xf32, #tpu.memory_space<vmem>>
        %dma_wait3A_631 = tpu.memref_squeeze %dma_wait3A_630 : memref<1x128x16xf32, #tpu.memory_space<vmem>> -> memref<128x16xf32, #tpu.memory_space<vmem>>
        %dma_wait3A_632 = arith.constant 0 : i32
        %dma_wait3A_633 = arith.constant 0 : i32
        %dma_wait3A_634 = tpu.memref_slice %arg8[%and3A_206, %dma_wait3A_632, %dma_wait3A_633] : memref<2x6x128xi32, #tpu.memory_space<vmem>> -> memref<1x6x128xi32, #tpu.memory_space<vmem>>
        %dma_wait3A_635 = tpu.memref_squeeze %dma_wait3A_634 : memref<1x6x128xi32, #tpu.memory_space<vmem>> -> memref<6x128xi32, #tpu.memory_space<vmem>>
        %dma_wait3A_636 = arith.constant 0 : i32
        %dma_wait3A_637 = tpu.memref_slice %dma_wait3A_635[%dma_wait3A_620, %dma_wait3A_636] : memref<6x128xi32, #tpu.memory_space<vmem>> -> memref<1x128xi32, #tpu.memory_space<vmem>>
        %dma_wait3A_638 = tpu.memref_squeeze %dma_wait3A_637 : memref<1x128xi32, #tpu.memory_space<vmem>> -> memref<128xi32, #tpu.memory_space<vmem>>
        %dma_wait3A_639 = arith.constant 0 : i32
        %dma_wait3A_640 = arith.constant 0 : i32
        %dma_wait3A_641 = tpu.memref_slice %arg5[%dma_wait3A_639, %dma_wait3A_640] : memref<100352x16xf32, #tpu.memory_space<hbm>> -> memref<100352x16xf32, #tpu.memory_space<hbm>>
        %dma_wait3A_642 = tpu.memref_slice %arg13[%dma_wait3A_622] : memref<6x!tpu.dma_semaphore, #tpu.memory_space<semaphore_mem>> -> memref<1x!tpu.dma_semaphore, #tpu.memory_space<semaphore_mem>>
        %dma_wait3A_643 = tpu.memref_squeeze %dma_wait3A_642 : memref<1x!tpu.dma_semaphore, #tpu.memory_space<semaphore_mem>> -> memref<!tpu.dma_semaphore, #tpu.memory_space<semaphore_mem>>
        tpu.wait_indirect_dma semaphore(%dma_wait3A_643 : memref<!tpu.dma_semaphore, #tpu.memory_space<semaphore_mem>>) src(%dma_wait3A_641 : memref<100352x16xf32, #tpu.memory_space<hbm>>) dst(%dma_wait3A_631 : memref<128x16xf32, #tpu.memory_space<vmem>>)
        %dma_start3A_644 = arith.constant 5 : i32
        %dma_start3A_645 = arith.constant 5 : i32
        %dma_start3A_646 = arith.constant 0 : i32
        %dma_start3A_647 = arith.constant 0 : i32
        %dma_start3A_648 = arith.constant 0 : i32
        %dma_start3A_649 = tpu.memref_slice %arg10[%and3A_206, %dma_start3A_646, %dma_start3A_647, %dma_start3A_648] : memref<2x6x128x16xf32, #tpu.memory_space<vmem>> -> memref<1x6x128x16xf32, #tpu.memory_space<vmem>>
        %dma_start3A_650 = tpu.memref_squeeze %dma_start3A_649 : memref<1x6x128x16xf32, #tpu.memory_space<vmem>> -> memref<6x128x16xf32, #tpu.memory_space<vmem>>
        %dma_start3A_651 = arith.constant 0 : i32
        %dma_start3A_652 = arith.constant 0 : i32
        %dma_start3A_653 = tpu.memref_slice %dma_start3A_650[%dma_start3A_644, %dma_start3A_651, %dma_start3A_652] : memref<6x128x16xf32, #tpu.memory_space<vmem>> -> memref<1x128x16xf32, #tpu.memory_space<vmem>>
        %dma_start3A_654 = tpu.memref_squeeze %dma_start3A_653 : memref<1x128x16xf32, #tpu.memory_space<vmem>> -> memref<128x16xf32, #tpu.memory_space<vmem>>
        %dma_start3A_655 = arith.constant 0 : i32
        %dma_start3A_656 = arith.constant 0 : i32
        %dma_start3A_657 = tpu.memref_slice %arg9[%and3A_206, %dma_start3A_655, %dma_start3A_656] : memref<2x6x128xi32, #tpu.memory_space<vmem>> -> memref<1x6x128xi32, #tpu.memory_space<vmem>>
        %dma_start3A_658 = tpu.memref_squeeze %dma_start3A_657 : memref<1x6x128xi32, #tpu.memory_space<vmem>> -> memref<6x128xi32, #tpu.memory_space<vmem>>
        %dma_start3A_659 = arith.constant 0 : i32
        %dma_start3A_660 = tpu.memref_slice %dma_start3A_658[%dma_start3A_645, %dma_start3A_659] : memref<6x128xi32, #tpu.memory_space<vmem>> -> memref<1x128xi32, #tpu.memory_space<vmem>>
        %dma_start3A_661 = tpu.memref_squeeze %dma_start3A_660 : memref<1x128xi32, #tpu.memory_space<vmem>> -> memref<128xi32, #tpu.memory_space<vmem>>
        %dma_start3A_662 = arith.constant 0 : i32
        %dma_start3A_663 = arith.constant 0 : i32
        %dma_start3A_664 = tpu.memref_slice %arg11[%dma_start3A_662, %dma_start3A_663] : memref<100352x16xf32, #tpu.memory_space<vmem_shared>> -> memref<100352x16xf32, #tpu.memory_space<vmem_shared>>
        %dma_start3A_665 = tpu.memref_slice %arg14[%and3A_206] : memref<2x!tpu.dma_semaphore, #tpu.memory_space<semaphore_mem>> -> memref<1x!tpu.dma_semaphore, #tpu.memory_space<semaphore_mem>>
        %dma_start3A_666 = tpu.memref_squeeze %dma_start3A_665 : memref<1x!tpu.dma_semaphore, #tpu.memory_space<semaphore_mem>> -> memref<!tpu.dma_semaphore, #tpu.memory_space<semaphore_mem>>
        tpu.enqueue_indirect_dma source(%dma_start3A_654 : memref<128x16xf32, #tpu.memory_space<vmem>>) target(%dma_start3A_664 : memref<100352x16xf32, #tpu.memory_space<vmem_shared>>) offsets(%dma_start3A_661 : memref<128xi32, #tpu.memory_space<vmem>>) semaphore(%dma_start3A_666 : memref<!tpu.dma_semaphore, #tpu.memory_space<semaphore_mem>>) {add = true}
      }
      %scan3A_45 = arith.constant 132 : i32
      %dma_wait3A = arith.constant 1 : i32
      %dma_wait3A_46 = arith.constant 0 : i32
      %dma_wait3A_47 = arith.constant 1 : i32
      %dma_wait3A_48 = arith.constant 0 : i32
      %dma_wait3A_49 = arith.constant 1 : i32
      %dma_wait3A_50 = arith.constant 0 : i32
      %dma_wait3A_51 = arith.constant 0 : i32
      %dma_wait3A_52 = arith.constant 0 : i32
      %dma_wait3A_53 = tpu.memref_slice %arg10[%dma_wait3A, %dma_wait3A_50, %dma_wait3A_51, %dma_wait3A_52] : memref<2x6x128x16xf32, #tpu.memory_space<vmem>> -> memref<1x6x128x16xf32, #tpu.memory_space<vmem>>
      %dma_wait3A_54 = tpu.memref_squeeze %dma_wait3A_53 : memref<1x6x128x16xf32, #tpu.memory_space<vmem>> -> memref<6x128x16xf32, #tpu.memory_space<vmem>>
      %dma_wait3A_55 = arith.constant 0 : i32
      %dma_wait3A_56 = arith.constant 0 : i32
      %dma_wait3A_57 = tpu.memref_slice %dma_wait3A_54[%dma_wait3A_46, %dma_wait3A_55, %dma_wait3A_56] : memref<6x128x16xf32, #tpu.memory_space<vmem>> -> memref<1x128x16xf32, #tpu.memory_space<vmem>>
      %dma_wait3A_58 = tpu.memref_squeeze %dma_wait3A_57 : memref<1x128x16xf32, #tpu.memory_space<vmem>> -> memref<128x16xf32, #tpu.memory_space<vmem>>
      %dma_wait3A_59 = arith.constant 0 : i32
      %dma_wait3A_60 = arith.constant 0 : i32
      %dma_wait3A_61 = tpu.memref_slice %arg9[%dma_wait3A_47, %dma_wait3A_59, %dma_wait3A_60] : memref<2x6x128xi32, #tpu.memory_space<vmem>> -> memref<1x6x128xi32, #tpu.memory_space<vmem>>
      %dma_wait3A_62 = tpu.memref_squeeze %dma_wait3A_61 : memref<1x6x128xi32, #tpu.memory_space<vmem>> -> memref<6x128xi32, #tpu.memory_space<vmem>>
      %dma_wait3A_63 = arith.constant 0 : i32
      %dma_wait3A_64 = tpu.memref_slice %dma_wait3A_62[%dma_wait3A_48, %dma_wait3A_63] : memref<6x128xi32, #tpu.memory_space<vmem>> -> memref<1x128xi32, #tpu.memory_space<vmem>>
      %dma_wait3A_65 = tpu.memref_squeeze %dma_wait3A_64 : memref<1x128xi32, #tpu.memory_space<vmem>> -> memref<128xi32, #tpu.memory_space<vmem>>
      %dma_wait3A_66 = arith.constant 0 : i32
      %dma_wait3A_67 = arith.constant 0 : i32
      %dma_wait3A_68 = tpu.memref_slice %arg11[%dma_wait3A_66, %dma_wait3A_67] : memref<100352x16xf32, #tpu.memory_space<vmem_shared>> -> memref<100352x16xf32, #tpu.memory_space<vmem_shared>>
      %dma_wait3A_69 = tpu.memref_slice %arg14[%dma_wait3A_49] : memref<2x!tpu.dma_semaphore, #tpu.memory_space<semaphore_mem>> -> memref<1x!tpu.dma_semaphore, #tpu.memory_space<semaphore_mem>>
      %dma_wait3A_70 = tpu.memref_squeeze %dma_wait3A_69 : memref<1x!tpu.dma_semaphore, #tpu.memory_space<semaphore_mem>> -> memref<!tpu.dma_semaphore, #tpu.memory_space<semaphore_mem>>
      tpu.wait_indirect_dma semaphore(%dma_wait3A_70 : memref<!tpu.dma_semaphore, #tpu.memory_space<semaphore_mem>>) src(%dma_wait3A_58 : memref<128x16xf32, #tpu.memory_space<vmem>>) dst(%dma_wait3A_68 : memref<100352x16xf32, #tpu.memory_space<vmem_shared>>)
      %dma_wait3A_71 = arith.constant 1 : i32
      %dma_wait3A_72 = arith.constant 1 : i32
      %dma_wait3A_73 = arith.constant 1 : i32
      %dma_wait3A_74 = arith.constant 1 : i32
      %dma_wait3A_75 = arith.constant 1 : i32
      %dma_wait3A_76 = arith.constant 0 : i32
      %dma_wait3A_77 = arith.constant 0 : i32
      %dma_wait3A_78 = arith.constant 0 : i32
      %dma_wait3A_79 = tpu.memref_slice %arg10[%dma_wait3A_71, %dma_wait3A_76, %dma_wait3A_77, %dma_wait3A_78] : memref<2x6x128x16xf32, #tpu.memory_space<vmem>> -> memref<1x6x128x16xf32, #tpu.memory_space<vmem>>
      %dma_wait3A_80 = tpu.memref_squeeze %dma_wait3A_79 : memref<1x6x128x16xf32, #tpu.memory_space<vmem>> -> memref<6x128x16xf32, #tpu.memory_space<vmem>>
      %dma_wait3A_81 = arith.constant 0 : i32
      %dma_wait3A_82 = arith.constant 0 : i32
      %dma_wait3A_83 = tpu.memref_slice %dma_wait3A_80[%dma_wait3A_72, %dma_wait3A_81, %dma_wait3A_82] : memref<6x128x16xf32, #tpu.memory_space<vmem>> -> memref<1x128x16xf32, #tpu.memory_space<vmem>>
      %dma_wait3A_84 = tpu.memref_squeeze %dma_wait3A_83 : memref<1x128x16xf32, #tpu.memory_space<vmem>> -> memref<128x16xf32, #tpu.memory_space<vmem>>
      %dma_wait3A_85 = arith.constant 0 : i32
      %dma_wait3A_86 = arith.constant 0 : i32
      %dma_wait3A_87 = tpu.memref_slice %arg9[%dma_wait3A_73, %dma_wait3A_85, %dma_wait3A_86] : memref<2x6x128xi32, #tpu.memory_space<vmem>> -> memref<1x6x128xi32, #tpu.memory_space<vmem>>
      %dma_wait3A_88 = tpu.memref_squeeze %dma_wait3A_87 : memref<1x6x128xi32, #tpu.memory_space<vmem>> -> memref<6x128xi32, #tpu.memory_space<vmem>>
      %dma_wait3A_89 = arith.constant 0 : i32
      %dma_wait3A_90 = tpu.memref_slice %dma_wait3A_88[%dma_wait3A_74, %dma_wait3A_89] : memref<6x128xi32, #tpu.memory_space<vmem>> -> memref<1x128xi32, #tpu.memory_space<vmem>>
      %dma_wait3A_91 = tpu.memref_squeeze %dma_wait3A_90 : memref<1x128xi32, #tpu.memory_space<vmem>> -> memref<128xi32, #tpu.memory_space<vmem>>
      %dma_wait3A_92 = arith.constant 0 : i32
      %dma_wait3A_93 = arith.constant 0 : i32
      %dma_wait3A_94 = tpu.memref_slice %arg11[%dma_wait3A_92, %dma_wait3A_93] : memref<100352x16xf32, #tpu.memory_space<vmem_shared>> -> memref<100352x16xf32, #tpu.memory_space<vmem_shared>>
      %dma_wait3A_95 = tpu.memref_slice %arg14[%dma_wait3A_75] : memref<2x!tpu.dma_semaphore, #tpu.memory_space<semaphore_mem>> -> memref<1x!tpu.dma_semaphore, #tpu.memory_space<semaphore_mem>>
      %dma_wait3A_96 = tpu.memref_squeeze %dma_wait3A_95 : memref<1x!tpu.dma_semaphore, #tpu.memory_space<semaphore_mem>> -> memref<!tpu.dma_semaphore, #tpu.memory_space<semaphore_mem>>
      tpu.wait_indirect_dma semaphore(%dma_wait3A_96 : memref<!tpu.dma_semaphore, #tpu.memory_space<semaphore_mem>>) src(%dma_wait3A_84 : memref<128x16xf32, #tpu.memory_space<vmem>>) dst(%dma_wait3A_94 : memref<100352x16xf32, #tpu.memory_space<vmem_shared>>)
      %dma_wait3A_97 = arith.constant 1 : i32
      %dma_wait3A_98 = arith.constant 2 : i32
      %dma_wait3A_99 = arith.constant 1 : i32
      %dma_wait3A_100 = arith.constant 2 : i32
      %dma_wait3A_101 = arith.constant 1 : i32
      %dma_wait3A_102 = arith.constant 0 : i32
      %dma_wait3A_103 = arith.constant 0 : i32
      %dma_wait3A_104 = arith.constant 0 : i32
      %dma_wait3A_105 = tpu.memref_slice %arg10[%dma_wait3A_97, %dma_wait3A_102, %dma_wait3A_103, %dma_wait3A_104] : memref<2x6x128x16xf32, #tpu.memory_space<vmem>> -> memref<1x6x128x16xf32, #tpu.memory_space<vmem>>
      %dma_wait3A_106 = tpu.memref_squeeze %dma_wait3A_105 : memref<1x6x128x16xf32, #tpu.memory_space<vmem>> -> memref<6x128x16xf32, #tpu.memory_space<vmem>>
      %dma_wait3A_107 = arith.constant 0 : i32
      %dma_wait3A_108 = arith.constant 0 : i32
      %dma_wait3A_109 = tpu.memref_slice %dma_wait3A_106[%dma_wait3A_98, %dma_wait3A_107, %dma_wait3A_108] : memref<6x128x16xf32, #tpu.memory_space<vmem>> -> memref<1x128x16xf32, #tpu.memory_space<vmem>>
      %dma_wait3A_110 = tpu.memref_squeeze %dma_wait3A_109 : memref<1x128x16xf32, #tpu.memory_space<vmem>> -> memref<128x16xf32, #tpu.memory_space<vmem>>
      %dma_wait3A_111 = arith.constant 0 : i32
      %dma_wait3A_112 = arith.constant 0 : i32
      %dma_wait3A_113 = tpu.memref_slice %arg9[%dma_wait3A_99, %dma_wait3A_111, %dma_wait3A_112] : memref<2x6x128xi32, #tpu.memory_space<vmem>> -> memref<1x6x128xi32, #tpu.memory_space<vmem>>
      %dma_wait3A_114 = tpu.memref_squeeze %dma_wait3A_113 : memref<1x6x128xi32, #tpu.memory_space<vmem>> -> memref<6x128xi32, #tpu.memory_space<vmem>>
      %dma_wait3A_115 = arith.constant 0 : i32
      %dma_wait3A_116 = tpu.memref_slice %dma_wait3A_114[%dma_wait3A_100, %dma_wait3A_115] : memref<6x128xi32, #tpu.memory_space<vmem>> -> memref<1x128xi32, #tpu.memory_space<vmem>>
      %dma_wait3A_117 = tpu.memref_squeeze %dma_wait3A_116 : memref<1x128xi32, #tpu.memory_space<vmem>> -> memref<128xi32, #tpu.memory_space<vmem>>
      %dma_wait3A_118 = arith.constant 0 : i32
      %dma_wait3A_119 = arith.constant 0 : i32
      %dma_wait3A_120 = tpu.memref_slice %arg11[%dma_wait3A_118, %dma_wait3A_119] : memref<100352x16xf32, #tpu.memory_space<vmem_shared>> -> memref<100352x16xf32, #tpu.memory_space<vmem_shared>>
      %dma_wait3A_121 = tpu.memref_slice %arg14[%dma_wait3A_101] : memref<2x!tpu.dma_semaphore, #tpu.memory_space<semaphore_mem>> -> memref<1x!tpu.dma_semaphore, #tpu.memory_space<semaphore_mem>>
      %dma_wait3A_122 = tpu.memref_squeeze %dma_wait3A_121 : memref<1x!tpu.dma_semaphore, #tpu.memory_space<semaphore_mem>> -> memref<!tpu.dma_semaphore, #tpu.memory_space<semaphore_mem>>
      tpu.wait_indirect_dma semaphore(%dma_wait3A_122 : memref<!tpu.dma_semaphore, #tpu.memory_space<semaphore_mem>>) src(%dma_wait3A_110 : memref<128x16xf32, #tpu.memory_space<vmem>>) dst(%dma_wait3A_120 : memref<100352x16xf32, #tpu.memory_space<vmem_shared>>)
      %dma_wait3A_123 = arith.constant 1 : i32
      %dma_wait3A_124 = arith.constant 3 : i32
      %dma_wait3A_125 = arith.constant 1 : i32
      %dma_wait3A_126 = arith.constant 3 : i32
      %dma_wait3A_127 = arith.constant 1 : i32
      %dma_wait3A_128 = arith.constant 0 : i32
      %dma_wait3A_129 = arith.constant 0 : i32
      %dma_wait3A_130 = arith.constant 0 : i32
      %dma_wait3A_131 = tpu.memref_slice %arg10[%dma_wait3A_123, %dma_wait3A_128, %dma_wait3A_129, %dma_wait3A_130] : memref<2x6x128x16xf32, #tpu.memory_space<vmem>> -> memref<1x6x128x16xf32, #tpu.memory_space<vmem>>
      %dma_wait3A_132 = tpu.memref_squeeze %dma_wait3A_131 : memref<1x6x128x16xf32, #tpu.memory_space<vmem>> -> memref<6x128x16xf32, #tpu.memory_space<vmem>>
      %dma_wait3A_133 = arith.constant 0 : i32
      %dma_wait3A_134 = arith.constant 0 : i32
      %dma_wait3A_135 = tpu.memref_slice %dma_wait3A_132[%dma_wait3A_124, %dma_wait3A_133, %dma_wait3A_134] : memref<6x128x16xf32, #tpu.memory_space<vmem>> -> memref<1x128x16xf32, #tpu.memory_space<vmem>>
      %dma_wait3A_136 = tpu.memref_squeeze %dma_wait3A_135 : memref<1x128x16xf32, #tpu.memory_space<vmem>> -> memref<128x16xf32, #tpu.memory_space<vmem>>
      %dma_wait3A_137 = arith.constant 0 : i32
      %dma_wait3A_138 = arith.constant 0 : i32
      %dma_wait3A_139 = tpu.memref_slice %arg9[%dma_wait3A_125, %dma_wait3A_137, %dma_wait3A_138] : memref<2x6x128xi32, #tpu.memory_space<vmem>> -> memref<1x6x128xi32, #tpu.memory_space<vmem>>
      %dma_wait3A_140 = tpu.memref_squeeze %dma_wait3A_139 : memref<1x6x128xi32, #tpu.memory_space<vmem>> -> memref<6x128xi32, #tpu.memory_space<vmem>>
      %dma_wait3A_141 = arith.constant 0 : i32
      %dma_wait3A_142 = tpu.memref_slice %dma_wait3A_140[%dma_wait3A_126, %dma_wait3A_141] : memref<6x128xi32, #tpu.memory_space<vmem>> -> memref<1x128xi32, #tpu.memory_space<vmem>>
      %dma_wait3A_143 = tpu.memref_squeeze %dma_wait3A_142 : memref<1x128xi32, #tpu.memory_space<vmem>> -> memref<128xi32, #tpu.memory_space<vmem>>
      %dma_wait3A_144 = arith.constant 0 : i32
      %dma_wait3A_145 = arith.constant 0 : i32
      %dma_wait3A_146 = tpu.memref_slice %arg11[%dma_wait3A_144, %dma_wait3A_145] : memref<100352x16xf32, #tpu.memory_space<vmem_shared>> -> memref<100352x16xf32, #tpu.memory_space<vmem_shared>>
      %dma_wait3A_147 = tpu.memref_slice %arg14[%dma_wait3A_127] : memref<2x!tpu.dma_semaphore, #tpu.memory_space<semaphore_mem>> -> memref<1x!tpu.dma_semaphore, #tpu.memory_space<semaphore_mem>>
      %dma_wait3A_148 = tpu.memref_squeeze %dma_wait3A_147 : memref<1x!tpu.dma_semaphore, #tpu.memory_space<semaphore_mem>> -> memref<!tpu.dma_semaphore, #tpu.memory_space<semaphore_mem>>
      tpu.wait_indirect_dma semaphore(%dma_wait3A_148 : memref<!tpu.dma_semaphore, #tpu.memory_space<semaphore_mem>>) src(%dma_wait3A_136 : memref<128x16xf32, #tpu.memory_space<vmem>>) dst(%dma_wait3A_146 : memref<100352x16xf32, #tpu.memory_space<vmem_shared>>)
      %dma_wait3A_149 = arith.constant 1 : i32
      %dma_wait3A_150 = arith.constant 4 : i32
      %dma_wait3A_151 = arith.constant 1 : i32
      %dma_wait3A_152 = arith.constant 4 : i32
      %dma_wait3A_153 = arith.constant 1 : i32
      %dma_wait3A_154 = arith.constant 0 : i32
      %dma_wait3A_155 = arith.constant 0 : i32
      %dma_wait3A_156 = arith.constant 0 : i32
      %dma_wait3A_157 = tpu.memref_slice %arg10[%dma_wait3A_149, %dma_wait3A_154, %dma_wait3A_155, %dma_wait3A_156] : memref<2x6x128x16xf32, #tpu.memory_space<vmem>> -> memref<1x6x128x16xf32, #tpu.memory_space<vmem>>
      %dma_wait3A_158 = tpu.memref_squeeze %dma_wait3A_157 : memref<1x6x128x16xf32, #tpu.memory_space<vmem>> -> memref<6x128x16xf32, #tpu.memory_space<vmem>>
      %dma_wait3A_159 = arith.constant 0 : i32
      %dma_wait3A_160 = arith.constant 0 : i32
      %dma_wait3A_161 = tpu.memref_slice %dma_wait3A_158[%dma_wait3A_150, %dma_wait3A_159, %dma_wait3A_160] : memref<6x128x16xf32, #tpu.memory_space<vmem>> -> memref<1x128x16xf32, #tpu.memory_space<vmem>>
      %dma_wait3A_162 = tpu.memref_squeeze %dma_wait3A_161 : memref<1x128x16xf32, #tpu.memory_space<vmem>> -> memref<128x16xf32, #tpu.memory_space<vmem>>
      %dma_wait3A_163 = arith.constant 0 : i32
      %dma_wait3A_164 = arith.constant 0 : i32
      %dma_wait3A_165 = tpu.memref_slice %arg9[%dma_wait3A_151, %dma_wait3A_163, %dma_wait3A_164] : memref<2x6x128xi32, #tpu.memory_space<vmem>> -> memref<1x6x128xi32, #tpu.memory_space<vmem>>
      %dma_wait3A_166 = tpu.memref_squeeze %dma_wait3A_165 : memref<1x6x128xi32, #tpu.memory_space<vmem>> -> memref<6x128xi32, #tpu.memory_space<vmem>>
      %dma_wait3A_167 = arith.constant 0 : i32
      %dma_wait3A_168 = tpu.memref_slice %dma_wait3A_166[%dma_wait3A_152, %dma_wait3A_167] : memref<6x128xi32, #tpu.memory_space<vmem>> -> memref<1x128xi32, #tpu.memory_space<vmem>>
      %dma_wait3A_169 = tpu.memref_squeeze %dma_wait3A_168 : memref<1x128xi32, #tpu.memory_space<vmem>> -> memref<128xi32, #tpu.memory_space<vmem>>
      %dma_wait3A_170 = arith.constant 0 : i32
      %dma_wait3A_171 = arith.constant 0 : i32
      %dma_wait3A_172 = tpu.memref_slice %arg11[%dma_wait3A_170, %dma_wait3A_171] : memref<100352x16xf32, #tpu.memory_space<vmem_shared>> -> memref<100352x16xf32, #tpu.memory_space<vmem_shared>>
      %dma_wait3A_173 = tpu.memref_slice %arg14[%dma_wait3A_153] : memref<2x!tpu.dma_semaphore, #tpu.memory_space<semaphore_mem>> -> memref<1x!tpu.dma_semaphore, #tpu.memory_space<semaphore_mem>>
      %dma_wait3A_174 = tpu.memref_squeeze %dma_wait3A_173 : memref<1x!tpu.dma_semaphore, #tpu.memory_space<semaphore_mem>> -> memref<!tpu.dma_semaphore, #tpu.memory_space<semaphore_mem>>
      tpu.wait_indirect_dma semaphore(%dma_wait3A_174 : memref<!tpu.dma_semaphore, #tpu.memory_space<semaphore_mem>>) src(%dma_wait3A_162 : memref<128x16xf32, #tpu.memory_space<vmem>>) dst(%dma_wait3A_172 : memref<100352x16xf32, #tpu.memory_space<vmem_shared>>)
      %dma_wait3A_175 = arith.constant 1 : i32
      %dma_wait3A_176 = arith.constant 5 : i32
      %dma_wait3A_177 = arith.constant 1 : i32
      %dma_wait3A_178 = arith.constant 5 : i32
      %dma_wait3A_179 = arith.constant 1 : i32
      %dma_wait3A_180 = arith.constant 0 : i32
      %dma_wait3A_181 = arith.constant 0 : i32
      %dma_wait3A_182 = arith.constant 0 : i32
      %dma_wait3A_183 = tpu.memref_slice %arg10[%dma_wait3A_175, %dma_wait3A_180, %dma_wait3A_181, %dma_wait3A_182] : memref<2x6x128x16xf32, #tpu.memory_space<vmem>> -> memref<1x6x128x16xf32, #tpu.memory_space<vmem>>
      %dma_wait3A_184 = tpu.memref_squeeze %dma_wait3A_183 : memref<1x6x128x16xf32, #tpu.memory_space<vmem>> -> memref<6x128x16xf32, #tpu.memory_space<vmem>>
      %dma_wait3A_185 = arith.constant 0 : i32
      %dma_wait3A_186 = arith.constant 0 : i32
      %dma_wait3A_187 = tpu.memref_slice %dma_wait3A_184[%dma_wait3A_176, %dma_wait3A_185, %dma_wait3A_186] : memref<6x128x16xf32, #tpu.memory_space<vmem>> -> memref<1x128x16xf32, #tpu.memory_space<vmem>>
      %dma_wait3A_188 = tpu.memref_squeeze %dma_wait3A_187 : memref<1x128x16xf32, #tpu.memory_space<vmem>> -> memref<128x16xf32, #tpu.memory_space<vmem>>
      %dma_wait3A_189 = arith.constant 0 : i32
      %dma_wait3A_190 = arith.constant 0 : i32
      %dma_wait3A_191 = tpu.memref_slice %arg9[%dma_wait3A_177, %dma_wait3A_189, %dma_wait3A_190] : memref<2x6x128xi32, #tpu.memory_space<vmem>> -> memref<1x6x128xi32, #tpu.memory_space<vmem>>
      %dma_wait3A_192 = tpu.memref_squeeze %dma_wait3A_191 : memref<1x6x128xi32, #tpu.memory_space<vmem>> -> memref<6x128xi32, #tpu.memory_space<vmem>>
      %dma_wait3A_193 = arith.constant 0 : i32
      %dma_wait3A_194 = tpu.memref_slice %dma_wait3A_192[%dma_wait3A_178, %dma_wait3A_193] : memref<6x128xi32, #tpu.memory_space<vmem>> -> memref<1x128xi32, #tpu.memory_space<vmem>>
      %dma_wait3A_195 = tpu.memref_squeeze %dma_wait3A_194 : memref<1x128xi32, #tpu.memory_space<vmem>> -> memref<128xi32, #tpu.memory_space<vmem>>
      %dma_wait3A_196 = arith.constant 0 : i32
      %dma_wait3A_197 = arith.constant 0 : i32
      %dma_wait3A_198 = tpu.memref_slice %arg11[%dma_wait3A_196, %dma_wait3A_197] : memref<100352x16xf32, #tpu.memory_space<vmem_shared>> -> memref<100352x16xf32, #tpu.memory_space<vmem_shared>>
      %dma_wait3A_199 = tpu.memref_slice %arg14[%dma_wait3A_179] : memref<2x!tpu.dma_semaphore, #tpu.memory_space<semaphore_mem>> -> memref<1x!tpu.dma_semaphore, #tpu.memory_space<semaphore_mem>>
      %dma_wait3A_200 = tpu.memref_squeeze %dma_wait3A_199 : memref<1x!tpu.dma_semaphore, #tpu.memory_space<semaphore_mem>> -> memref<!tpu.dma_semaphore, #tpu.memory_space<semaphore_mem>>
      tpu.wait_indirect_dma semaphore(%dma_wait3A_200 : memref<!tpu.dma_semaphore, #tpu.memory_space<semaphore_mem>>) src(%dma_wait3A_188 : memref<128x16xf32, #tpu.memory_space<vmem>>) dst(%dma_wait3A_198 : memref<100352x16xf32, #tpu.memory_space<vmem_shared>>)
    } else {
    }
    %barrier3A_10 = arith.constant 0 : index
    tpu.barrier barrier_id(%barrier3A_10)
    %mul3A_11 = arith.constant 6272 : i32
    %mul3A_12 = arith.muli %arg1, %mul3A_11 : i32
    %mul3A_13 = arith.constant 100352 : i32
    %mul3A_14 = arith.muli %arg0, %mul3A_13 : i32
    %mul3A_15 = arith.constant 6272 : i32
    %mul3A_16 = arith.muli %arg1, %mul3A_15 : i32
    %add3A = arith.addi %mul3A_14, %mul3A_16 : i32
    "tpu.region"() ({
      %run_scoped3A = tpu.sem_alloc : memref<!tpu.dma_semaphore, #tpu.memory_space<semaphore_mem>>
      %dma_start3A = arith.constant 0 : i32
      %dma_start3A_17 = tpu.memref_slice %arg7[%add3A, %dma_start3A] : memref<200704x16xf32, #tpu.memory_space<hbm>> -> memref<6272x16xf32, #tpu.memory_space<hbm>>
      %dma_start3A_18 = arith.constant 0 : i32
      %dma_start3A_19 = tpu.memref_slice %arg11[%mul3A_12, %dma_start3A_18] : memref<100352x16xf32, #tpu.memory_space<vmem_shared>> -> memref<6272x16xf32, #tpu.memory_space<vmem_shared>>
      tpu.enqueue_dma source(%dma_start3A_19 : memref<6272x16xf32, #tpu.memory_space<vmem_shared>>) target(%dma_start3A_17 : memref<6272x16xf32, #tpu.memory_space<hbm>>) target_semaphore(%run_scoped3A : memref<!tpu.dma_semaphore, #tpu.memory_space<semaphore_mem>>)
      %dma_wait3A = arith.constant 0 : i32
      %dma_wait3A_20 = tpu.memref_slice %arg7[%add3A, %dma_wait3A] : memref<200704x16xf32, #tpu.memory_space<hbm>> -> memref<6272x16xf32, #tpu.memory_space<hbm>>
      %dma_wait3A_21 = arith.constant 0 : i32
      %dma_wait3A_22 = tpu.memref_slice %arg11[%mul3A_12, %dma_wait3A_21] : memref<100352x16xf32, #tpu.memory_space<vmem_shared>> -> memref<6272x16xf32, #tpu.memory_space<vmem_shared>>
      tpu.wait_dma2 semaphore(%run_scoped3A : memref<!tpu.dma_semaphore, #tpu.memory_space<semaphore_mem>>) src(%dma_wait3A_22 : memref<6272x16xf32, #tpu.memory_space<vmem_shared>>) dst(%dma_wait3A_20 : memref<6272x16xf32, #tpu.memory_space<hbm>>)
      tpu.yield
    }) : () -> ()
    return
  }
}

module attributes {stable_mosaic.version = 14 : i64} {
  func.func @body(%arg0: i32, %arg1: memref<1024x16xf32, #tpu.memory_space<vmem>>, %arg2: memref<16x32xf32, #tpu.memory_space<vmem>>, %arg3: memref<1024x32xf32, #tpu.memory_space<vmem>>) attributes {dimension_semantics = [#tpu.dimension_semantics<arbitrary>], iteration_bounds = array<i64: 98>, scalar_prefetch = 0 : i64, scratch_operands = 0 : i64, tpu.core_type = #tpu.core_type<tc>, window_params = [{transform_indices = @transform_0, window_bounds = array<i64: 1024, 16>}, {pipeline_mode = #tpu.pipeline_mode<synchronous>, transform_indices = @transform_1, window_bounds = array<i64: 16, 32>}, {transform_indices = @transform_2, window_bounds = array<i64: 1024, 32>}]} {
    %get3A = arith.constant 0 : index
    %get3A_0 = arith.constant 0 : index
    %get3A_1 = vector.load %arg1[%get3A, %get3A_0] : memref<1024x16xf32, #tpu.memory_space<vmem>>, vector<1024x16xf32>
    %get3A_2 = arith.constant 0 : index
    %get3A_3 = arith.constant 0 : index
    %get3A_4 = vector.load %arg2[%get3A_2, %get3A_3] : memref<16x32xf32, #tpu.memory_space<vmem>>, vector<16x32xf32>
    %dot_general3A = arith.constant dense<0.000000e+00> : vector<1024x32xf32>
    %dot_general3A_5 = tpu.matmul %get3A_1, %get3A_4, %dot_general3A {dimension_numbers = #tpu.dot_dimension_numbers<[1], [0], [0], [1], [0, 0, 1, 1], [], []>, transpose_lhs_hint = false} : vector<1024x16xf32>, vector<16x32xf32>, vector<1024x32xf32> -> vector<1024x32xf32>
    %swap3A = arith.constant 0 : index
    %swap3A_6 = arith.constant 0 : index
    %swap3A_7 = vector.load %arg3[%swap3A, %swap3A_6] : memref<1024x32xf32, #tpu.memory_space<vmem>>, vector<1024x32xf32>
    tpu.vector_store %arg3[%swap3A, %swap3A_6], %dot_general3A_5 {strides = array<i32>} : memref<1024x32xf32, #tpu.memory_space<vmem>>, vector<1024x32xf32>,
    return
  }
  func.func @transform_0(%arg0: i32) -> (i32, i32) {
    %c0_i32 = arith.constant 0 : i32
    %c0_i32_0 = arith.constant 0 : i32
    return %arg0, %c0_i32 : i32, i32
  }
  func.func @transform_1(%arg0: i32) -> (i32, i32) {
    %c0_i32 = arith.constant 0 : i32
    %c0_i32_0 = arith.constant 0 : i32
    %c0_i32_1 = arith.constant 0 : i32
    return %c0_i32, %c0_i32_0 : i32, i32
  }
  func.func @transform_2(%arg0: i32) -> (i32, i32) {
    %c0_i32 = arith.constant 0 : i32
    %c0_i32_0 = arith.constant 0 : i32
    return %arg0, %c0_i32 : i32, i32
  }
}

module attributes {stable_mosaic.version = 14 : i64} {
  func.func @body(%arg0: i32, %arg1: memref<1024x32xf32, #tpu.memory_space<vmem>>, %arg2: memref<2x1024x16xf32, #tpu.memory_space<vmem>>, %arg3: memref<1024x1xf32, #tpu.memory_space<vmem>>, %arg4: memref<1024x16xf32, #tpu.memory_space<vmem>>, %arg5: memref<1024x16xf32, #tpu.memory_space<vmem>>) attributes {dimension_semantics = [#tpu.dimension_semantics<arbitrary>], iteration_bounds = array<i64: 98>, scalar_prefetch = 0 : i64, scratch_operands = 0 : i64, tpu.core_type = #tpu.core_type<tc>, window_params = [{transform_indices = @transform_0, window_bounds = array<i64: 1024, 32>}, {transform_indices = @transform_1, window_bounds = array<i64: 2, 1024, 16>}, {transform_indices = @transform_2, window_bounds = array<i64: 1024, 1>}, {transform_indices = @transform_3, window_bounds = array<i64: 1024, 16>}, {transform_indices = @transform_4, window_bounds = array<i64: 1024, 16>}]} {
    %get3A = arith.constant 0 : index
    %get3A_0 = arith.constant 0 : index
    %get3A_1 = arith.constant 0 : index
    %get3A_2 = vector.load %arg2[%get3A, %get3A_0, %get3A_1] : memref<2x1024x16xf32, #tpu.memory_space<vmem>>, vector<1x1024x16xf32>
    %get3A_3 = vector.shape_cast %get3A_2 : vector<1x1024x16xf32> to vector<1024x16xf32>
    %slice3A = vector.extract_strided_slice %get3A_3 {offsets = [0, 0], sizes = [1024, 1], strides = [1, 1]} : vector<1024x16xf32> to vector<1024x1xf32>
    %get3A_4 = arith.constant 1 : index
    %get3A_5 = arith.constant 0 : index
    %get3A_6 = arith.constant 0 : index
    %get3A_7 = vector.load %arg2[%get3A_4, %get3A_5, %get3A_6] : memref<2x1024x16xf32, #tpu.memory_space<vmem>>, vector<1x1024x16xf32>
    %get3A_8 = vector.shape_cast %get3A_7 : vector<1x1024x16xf32> to vector<1024x16xf32>
    %slice3A_9 = vector.extract_strided_slice %get3A_8 {offsets = [0, 0], sizes = [1024, 1], strides = [1, 1]} : vector<1024x16xf32> to vector<1024x1xf32>
    %add3A = arith.addf %slice3A, %slice3A_9 : vector<1024x1xf32>
    %add3A_10 = arith.constant 1.000000e+00 : f32
    %add3A_11 = vector.broadcast %add3A_10 : f32 to vector<1024x1xf32>
    %add3A_12 = arith.addf %add3A, %add3A_11 : vector<1024x1xf32>
    %rsqrt3A = math.rsqrt %add3A_12 : vector<1024x1xf32>
    %get3A_13 = arith.constant 0 : index
    %get3A_14 = arith.constant 0 : index
    %get3A_15 = vector.load %arg1[%get3A_13, %get3A_14] : memref<1024x32xf32, #tpu.memory_space<vmem>>, vector<1024x32xf32>
    %mul3A = vector.broadcast %rsqrt3A : vector<1024x1xf32> to vector<1024x32xf32>
    %mul3A_16 = arith.mulf %get3A_15, %mul3A : vector<1024x32xf32>
    %swap3A = arith.constant 0 : index
    %swap3A_17 = arith.constant 0 : index
    %swap3A_18 = vector.load %arg3[%swap3A, %swap3A_17] : memref<1024x1xf32, #tpu.memory_space<vmem>>, vector<1024x1xf32>
    tpu.vector_store %arg3[%swap3A, %swap3A_17], %rsqrt3A {strides = array<i32>} : memref<1024x1xf32, #tpu.memory_space<vmem>>, vector<1024x1xf32>,
    %slice3A_19 = vector.extract_strided_slice %mul3A_16 {offsets = [0, 0], sizes = [1024, 16], strides = [1, 1]} : vector<1024x32xf32> to vector<1024x16xf32>
    %swap3A_20 = arith.constant 0 : index
    %swap3A_21 = arith.constant 0 : index
    %swap3A_22 = vector.load %arg4[%swap3A_20, %swap3A_21] : memref<1024x16xf32, #tpu.memory_space<vmem>>, vector<1024x16xf32>
    tpu.vector_store %arg4[%swap3A_20, %swap3A_21], %slice3A_19 {strides = array<i32>} : memref<1024x16xf32, #tpu.memory_space<vmem>>, vector<1024x16xf32>,
    %slice3A_23 = vector.extract_strided_slice %mul3A_16 {offsets = [0, 16], sizes = [1024, 16], strides = [1, 1]} : vector<1024x32xf32> to vector<1024x16xf32>
    %swap3A_24 = arith.constant 0 : index
    %swap3A_25 = arith.constant 0 : index
    %swap3A_26 = vector.load %arg5[%swap3A_24, %swap3A_25] : memref<1024x16xf32, #tpu.memory_space<vmem>>, vector<1024x16xf32>
    tpu.vector_store %arg5[%swap3A_24, %swap3A_25], %slice3A_23 {strides = array<i32>} : memref<1024x16xf32, #tpu.memory_space<vmem>>, vector<1024x16xf32>,
    return
  }
  func.func @transform_0(%arg0: i32) -> (i32, i32) {
    %c0_i32 = arith.constant 0 : i32
    %c0_i32_0 = arith.constant 0 : i32
    return %arg0, %c0_i32 : i32, i32
  }
  func.func @transform_1(%arg0: i32) -> (i32, i32, i32) {
    %c0_i32 = arith.constant 0 : i32
    %c0_i32_0 = arith.constant 0 : i32
    %c0_i32_1 = arith.constant 0 : i32
    return %c0_i32, %arg0, %c0_i32_0 : i32, i32, i32
  }
  func.func @transform_2(%arg0: i32) -> (i32, i32) {
    %c0_i32 = arith.constant 0 : i32
    %c0_i32_0 = arith.constant 0 : i32
    return %arg0, %c0_i32 : i32, i32
  }
  func.func @transform_3(%arg0: i32) -> (i32, i32) {
    %c0_i32 = arith.constant 0 : i32
    %c0_i32_0 = arith.constant 0 : i32
    return %arg0, %c0_i32 : i32, i32
  }
  func.func @transform_4(%arg0: i32) -> (i32, i32) {
    %c0_i32 = arith.constant 0 : i32
    %c0_i32_0 = arith.constant 0 : i32
    return %arg0, %c0_i32 : i32, i32
  }
}

module attributes {stable_mosaic.version = 14 : i64} {
  func.func @body(%arg0: i32, %arg1: memref<2x1024x16xf32, #tpu.memory_space<vmem>>, %arg2: memref<1024x16xf32, #tpu.memory_space<vmem>>, %arg3: memref<1024x16xf32, #tpu.memory_space<vmem>>, %arg4: memref<1024x1xf32, #tpu.memory_space<vmem>>, %arg5: memref<1x32xf32, #tpu.memory_space<vmem>>, %arg6: memref<32x16xf32, #tpu.memory_space<vmem>>, %arg7: memref<1024x16xf32, #tpu.memory_space<vmem>>) attributes {dimension_semantics = [#tpu.dimension_semantics<arbitrary>], iteration_bounds = array<i64: 98>, scalar_prefetch = 0 : i64, scratch_operands = 0 : i64, tpu.core_type = #tpu.core_type<tc>, window_params = [{transform_indices = @transform_0, window_bounds = array<i64: 2, 1024, 16>}, {transform_indices = @transform_1, window_bounds = array<i64: 1024, 16>}, {transform_indices = @transform_2, window_bounds = array<i64: 1024, 16>}, {transform_indices = @transform_3, window_bounds = array<i64: 1024, 1>}, {pipeline_mode = #tpu.pipeline_mode<synchronous>, transform_indices = @transform_4, window_bounds = array<i64: 1, 32>}, {pipeline_mode = #tpu.pipeline_mode<synchronous>, transform_indices = @transform_5, window_bounds = array<i64: 32, 16>}, {transform_indices = @transform_6, window_bounds = array<i64: 1024, 16>}]} {
    %get3A = arith.constant 0 : index
    %get3A_0 = arith.constant 0 : index
    %get3A_1 = vector.load %arg4[%get3A, %get3A_0] : memref<1024x1xf32, #tpu.memory_space<vmem>>, vector<1024x1xf32>
    %get3A_2 = arith.constant 0 : index
    %get3A_3 = arith.constant 0 : index
    %get3A_4 = arith.constant 0 : index
    %get3A_5 = vector.load %arg1[%get3A_2, %get3A_3, %get3A_4] : memref<2x1024x16xf32, #tpu.memory_space<vmem>>, vector<1x1024x16xf32>
    %get3A_6 = vector.shape_cast %get3A_5 : vector<1x1024x16xf32> to vector<1024x16xf32>
    %get3A_7 = arith.constant 0 : index
    %get3A_8 = arith.constant 0 : index
    %get3A_9 = vector.load %arg2[%get3A_7, %get3A_8] : memref<1024x16xf32, #tpu.memory_space<vmem>>, vector<1024x16xf32>
    %add3A = arith.addf %get3A_6, %get3A_9 : vector<1024x16xf32>
    %mul3A = vector.broadcast %get3A_1 : vector<1024x1xf32> to vector<1024x16xf32>
    %mul3A_10 = arith.mulf %add3A, %mul3A : vector<1024x16xf32>
    %get3A_11 = arith.constant 1 : index
    %get3A_12 = arith.constant 0 : index
    %get3A_13 = arith.constant 0 : index
    %get3A_14 = vector.load %arg1[%get3A_11, %get3A_12, %get3A_13] : memref<2x1024x16xf32, #tpu.memory_space<vmem>>, vector<1x1024x16xf32>
    %get3A_15 = vector.shape_cast %get3A_14 : vector<1x1024x16xf32> to vector<1024x16xf32>
    %get3A_16 = arith.constant 0 : index
    %get3A_17 = arith.constant 0 : index
    %get3A_18 = vector.load %arg3[%get3A_16, %get3A_17] : memref<1024x16xf32, #tpu.memory_space<vmem>>, vector<1024x16xf32>
    %add3A_19 = arith.addf %get3A_15, %get3A_18 : vector<1024x16xf32>
    %mul3A_20 = vector.broadcast %get3A_1 : vector<1024x1xf32> to vector<1024x16xf32>
    %mul3A_21 = arith.mulf %add3A_19, %mul3A_20 : vector<1024x16xf32>
    %concatenate3A = tpu.concatenate %mul3A_10, %mul3A_21 in 1 : vector<1024x16xf32>, vector<1024x16xf32> -> vector<1024x32xf32>
    %get3A_22 = arith.constant 0 : index
    %get3A_23 = arith.constant 0 : index
    %get3A_24 = vector.load %arg5[%get3A_22, %get3A_23] : memref<1x32xf32, #tpu.memory_space<vmem>>, vector<1x32xf32>
    %add3A_25 = vector.broadcast %get3A_24 : vector<1x32xf32> to vector<1024x32xf32>
    %add3A_26 = arith.addf %concatenate3A, %add3A_25 : vector<1024x32xf32>
    %max3A = arith.constant 0.000000e+00 : f32
    %max3A_27 = vector.broadcast %max3A : f32 to vector<1024x32xf32>
    %max3A_28 = arith.maximumf %add3A_26, %max3A_27 : vector<1024x32xf32>
    %get3A_29 = arith.constant 0 : index
    %get3A_30 = arith.constant 0 : index
    %get3A_31 = vector.load %arg6[%get3A_29, %get3A_30] : memref<32x16xf32, #tpu.memory_space<vmem>>, vector<32x16xf32>
    %dot_general3A = arith.constant dense<0.000000e+00> : vector<1024x16xf32>
    %dot_general3A_32 = tpu.matmul %max3A_28, %get3A_31, %dot_general3A {dimension_numbers = #tpu.dot_dimension_numbers<[1], [0], [0], [1], [0, 0, 1, 1], [], []>, transpose_lhs_hint = false} : vector<1024x32xf32>, vector<32x16xf32>, vector<1024x16xf32> -> vector<1024x16xf32>
    %mul3A_33 = vector.broadcast %get3A_1 : vector<1024x1xf32> to vector<1024x16xf32>
    %mul3A_34 = arith.mulf %dot_general3A_32, %mul3A_33 : vector<1024x16xf32>
    %swap3A = arith.constant 0 : index
    %swap3A_35 = arith.constant 0 : index
    %swap3A_36 = vector.load %arg7[%swap3A, %swap3A_35] : memref<1024x16xf32, #tpu.memory_space<vmem>>, vector<1024x16xf32>
    tpu.vector_store %arg7[%swap3A, %swap3A_35], %mul3A_34 {strides = array<i32>} : memref<1024x16xf32, #tpu.memory_space<vmem>>, vector<1024x16xf32>,
    return
  }
  func.func @transform_0(%arg0: i32) -> (i32, i32, i32) {
    %c0_i32 = arith.constant 0 : i32
    %c0_i32_0 = arith.constant 0 : i32
    %c0_i32_1 = arith.constant 0 : i32
    return %c0_i32, %arg0, %c0_i32_0 : i32, i32, i32
  }
  func.func @transform_1(%arg0: i32) -> (i32, i32) {
    %c0_i32 = arith.constant 0 : i32
    %c0_i32_0 = arith.constant 0 : i32
    return %arg0, %c0_i32 : i32, i32
  }
  func.func @transform_2(%arg0: i32) -> (i32, i32) {
    %c0_i32 = arith.constant 0 : i32
    %c0_i32_0 = arith.constant 0 : i32
    return %arg0, %c0_i32 : i32, i32
  }
  func.func @transform_3(%arg0: i32) -> (i32, i32) {
    %c0_i32 = arith.constant 0 : i32
    %c0_i32_0 = arith.constant 0 : i32
    return %arg0, %c0_i32 : i32, i32
  }
  func.func @transform_4(%arg0: i32) -> (i32, i32) {
    %c0_i32 = arith.constant 0 : i32
    %c0_i32_0 = arith.constant 0 : i32
    %c0_i32_1 = arith.constant 0 : i32
    return %c0_i32, %c0_i32_0 : i32, i32
  }
  func.func @transform_5(%arg0: i32) -> (i32, i32) {
    %c0_i32 = arith.constant 0 : i32
    %c0_i32_0 = arith.constant 0 : i32
    %c0_i32_1 = arith.constant 0 : i32
    return %c0_i32, %c0_i32_0 : i32, i32
  }
  func.func @transform_6(%arg0: i32) -> (i32, i32) {
    %c0_i32 = arith.constant 0 : i32
    %c0_i32_0 = arith.constant 0 : i32
    return %arg0, %c0_i32 : i32, i32
  }
}

module attributes {stable_mosaic.version = 14 : i64} {
  func.func @body(%arg0: i32, %arg1: memref<2x1024x16xf32, #tpu.memory_space<vmem>>, %arg2: memref<1024x16xf32, #tpu.memory_space<vmem>>, %arg3: memref<1024x1xf32, #tpu.memory_space<vmem>>, %arg4: memref<1x16xf32, #tpu.memory_space<vmem>>, %arg5: memref<1024x16xf32, #tpu.memory_space<vmem>>) attributes {dimension_semantics = [#tpu.dimension_semantics<arbitrary>], iteration_bounds = array<i64: 98>, scalar_prefetch = 0 : i64, scratch_operands = 0 : i64, tpu.core_type = #tpu.core_type<tc>, window_params = [{transform_indices = @transform_0, window_bounds = array<i64: 2, 1024, 16>}, {transform_indices = @transform_1, window_bounds = array<i64: 1024, 16>}, {transform_indices = @transform_2, window_bounds = array<i64: 1024, 1>}, {pipeline_mode = #tpu.pipeline_mode<synchronous>, transform_indices = @transform_3, window_bounds = array<i64: 1, 16>}, {transform_indices = @transform_4, window_bounds = array<i64: 1024, 16>}]} {
    %get3A = arith.constant 0 : index
    %get3A_0 = arith.constant 0 : index
    %get3A_1 = arith.constant 0 : index
    %get3A_2 = vector.load %arg1[%get3A, %get3A_0, %get3A_1] : memref<2x1024x16xf32, #tpu.memory_space<vmem>>, vector<1x1024x16xf32>
    %get3A_3 = vector.shape_cast %get3A_2 : vector<1x1024x16xf32> to vector<1024x16xf32>
    %get3A_4 = arith.constant 1 : index
    %get3A_5 = arith.constant 0 : index
    %get3A_6 = arith.constant 0 : index
    %get3A_7 = vector.load %arg1[%get3A_4, %get3A_5, %get3A_6] : memref<2x1024x16xf32, #tpu.memory_space<vmem>>, vector<1x1024x16xf32>
    %get3A_8 = vector.shape_cast %get3A_7 : vector<1x1024x16xf32> to vector<1024x16xf32>
    %add3A = arith.addf %get3A_3, %get3A_8 : vector<1024x16xf32>
    %get3A_9 = arith.constant 0 : index
    %get3A_10 = arith.constant 0 : index
    %get3A_11 = vector.load %arg2[%get3A_9, %get3A_10] : memref<1024x16xf32, #tpu.memory_space<vmem>>, vector<1024x16xf32>
    %add3A_12 = arith.addf %add3A, %get3A_11 : vector<1024x16xf32>
    %get3A_13 = arith.constant 0 : index
    %get3A_14 = arith.constant 0 : index
    %get3A_15 = vector.load %arg3[%get3A_13, %get3A_14] : memref<1024x1xf32, #tpu.memory_space<vmem>>, vector<1024x1xf32>
    %mul3A = vector.broadcast %get3A_15 : vector<1024x1xf32> to vector<1024x16xf32>
    %mul3A_16 = arith.mulf %add3A_12, %mul3A : vector<1024x16xf32>
    %get3A_17 = arith.constant 0 : index
    %get3A_18 = arith.constant 0 : index
    %get3A_19 = vector.load %arg4[%get3A_17, %get3A_18] : memref<1x16xf32, #tpu.memory_space<vmem>>, vector<1x16xf32>
    %add3A_20 = vector.broadcast %get3A_19 : vector<1x16xf32> to vector<1024x16xf32>
    %add3A_21 = arith.addf %mul3A_16, %add3A_20 : vector<1024x16xf32>
    %swap3A = arith.constant 0 : index
    %swap3A_22 = arith.constant 0 : index
    %swap3A_23 = vector.load %arg5[%swap3A, %swap3A_22] : memref<1024x16xf32, #tpu.memory_space<vmem>>, vector<1024x16xf32>
    tpu.vector_store %arg5[%swap3A, %swap3A_22], %add3A_21 {strides = array<i32>} : memref<1024x16xf32, #tpu.memory_space<vmem>>, vector<1024x16xf32>,
    return
  }
  func.func @transform_0(%arg0: i32) -> (i32, i32, i32) {
    %c0_i32 = arith.constant 0 : i32
    %c0_i32_0 = arith.constant 0 : i32
    %c0_i32_1 = arith.constant 0 : i32
    return %c0_i32, %arg0, %c0_i32_0 : i32, i32, i32
  }
  func.func @transform_1(%arg0: i32) -> (i32, i32) {
    %c0_i32 = arith.constant 0 : i32
    %c0_i32_0 = arith.constant 0 : i32
    return %arg0, %c0_i32 : i32, i32
  }
  func.func @transform_2(%arg0: i32) -> (i32, i32) {
    %c0_i32 = arith.constant 0 : i32
    %c0_i32_0 = arith.constant 0 : i32
    return %arg0, %c0_i32 : i32, i32
  }
  func.func @transform_3(%arg0: i32) -> (i32, i32) {
    %c0_i32 = arith.constant 0 : i32
    %c0_i32_0 = arith.constant 0 : i32
    %c0_i32_1 = arith.constant 0 : i32
    return %c0_i32, %c0_i32_0 : i32, i32
  }
  func.func @transform_4(%arg0: i32) -> (i32, i32) {
    %c0_i32 = arith.constant 0 : i32
    %c0_i32_0 = arith.constant 0 : i32
    return %arg0, %c0_i32 : i32, i32
  }
}

</mosaic_0001>

<sc_bundles>
// kernel: kernel.12.cloned.1.call-start
scs
__scs_entry_jumppad:
0x0: {  	(pc) =	sbr.rel $0x88, $3  }
0x1: {  	(tag) =	ssettag $0x0;
	lr =	simm.s32 $0x1  }
0x2: {  	[smem:$0x3F9A] =	sst lr;
	_ =	strace $0xD0000000  }
0x3: {  	_ = 	snop  }
0x4: {  	_ = 	snop  }
0x5: {  	_ = 	snop  }
0x6: {  	_ = 	snop  }
0x7: {  	_ = 	snop  }
__scs_overlays_trampoline_lowered:
0x8: {  	[smem:$0x3FA9] =	sst s0  }
0x9: {  	[smem:$0x3FAA] =	sst s1  }
0xa: {  	[smem:$0x3FAB] =	sst s2  }
0xb: {  	[smem:$0x3FAC] =	sst s3  }
0xc: {  	[smem:$0x3FAD] =	sst s4  }
0xd: {  	[smem:$0x3FAE] =	sst s5  }
0xe: {  	[smem:$0x3FAF] =	sst s6  }
0xf: {  	[smem:$0x3FB0] =	sst s7  }
0x10: {  	[smem:$0x3FB1] =	sst s8  }
0x11: {  	[smem:$0x3FB2] =	sst s9;
	s0 =	simm.s32 @!p0 $0x0  }
0x12: {  	s1 =	sld [smem:$0x3F98];
	s0 =	simm.s32 @p0 $0x1  }
0x13: {  	[smem:$0x3FB3] =	sst s0;
	s0 =	simm.s32 @!p1 $0x0  }
0x14: {  	s2 =	sld [smem:$0x3F97];
	s0 =	simm.s32 @p1 $0x1  }
0x15: {  	[smem:$0x3FB4] =	sst s0;
	s0 =	simm.s32 @!p2 $0x0  }
0x16: {  	s3 =	sld [smem:$0x3FDB];
	s0 =	simm.s32 @p2 $0x1  }
0x17: {  	s4 =	simm.s32 $0x1BF5;
	[smem:$0x3FB6] =	sst s0  }
0x18: {  	s0 =	sld [smem:$0x3F99];
	_ =	swait.ge [sflag:s4], $0x0  }
0x19: {  	s7 =	sld [smem:$0x3F9A]  }
0x1a: {  	s8 =	sadd.s32 $0xFFFFE003, lr  }
0x1b: {  	s9 =	sadd.s32 $0xFFFFFEF7, lr;
	s5 =	simm.s32 $0xFFFFFFFF;
	p2 =	slt.u32 s8, $0xFFFFF086  }
0x1c: {  	p1 =	slt.u32 s9, $0xF7A;
	s5 =	simm.s32 @!p2 $0x0  }
0x1d: {  	s5 =	simm.s32 @p1 $0x1;
	p0 =	seq.s32 s7, s2  }
0x1e: {  	s7 =	smul.u32 @!p0 $0xF7A, s2;
	p2 =	seq.s32 @!p0 s5, $0x0  }
0x1f: {  	s9 =	smul.u32 $0xF7A, s1;
	s8 =	simm.s32 @!p0 $0x1BF5;
	p2 =	por !p2, p0  }
0x20: {  	[sflag:s8] =	ssyncset.s32 @!p0 $0xFFFFF086;
	s6 =	sadd.s32 @!p0 s3, s7;
	s7 =	simm.s32 @!p0 $0x108  }
0x21: {  	s3 =	sadd.s32 s3, s9;
	s6 =	sadd.s32 @!p0 $0x88, s6;
	s7 =	simm.s32 @p2 $0x1082  }
0x22: {  	[simem:s7], [sflag:s8] =	dma.local @!p0 [hbm:s6], $0xF7A  }
0x23: {  	s9 =	sor.u32 $0xD0000000, s2;
	s6 =	simm.s32 $0x108;
	_ =	swait.ge @!p0 [sflag:s8], $0x0  }
0x24: {  	s3 =	sadd.s32 $0x88, s3;
	s6 =	simm.s32 @!p1 $0x1082;
	[sflag:s4] =	ssyncset.s32 $0xFFFFF086  }
0x25: {  	[simem:s6], [sflag:s4] =	dma.local [hbm:s3], $0xF7A  }
0x26: {  	[smem:$0x3F9A] =	sst s1;
	(tag) =	ssettag s2;
	_ =	strace s9  }
0x27: {  	s1 =	sld [smem:$0x3FAA]  }
0x28: {  	s2 =	sld [smem:$0x3FAB]  }
0x29: {  	s4 =	sld [smem:$0x3FAD]  }
0x2a: {  	p0 =	seq.s32 s5, $0x0;
	s5 =	sld [smem:$0x3FAE]  }
0x2b: {  	s6 =	sld [smem:$0x3FAF]  }
0x2c: {  	s7 =	sld [smem:$0x3FB0]  }
0x2d: {  	s3 =	simm.s32 $0x108;
	s8 =	sld [smem:$0x3FB1]  }
0x2e: {  	s3 =	simm.s32 @!p0 $0x1082;
	s9 =	sld [smem:$0x3FB2]  }
0x2f: {  	lr =	sadd.s32 s0, s3;
	s0 =	sld [smem:$0x3FA9]  }
0x30: {  	s3 =	sld [smem:$0x3FAC]  }
0x31: {  	[smem:$0x3FB5] =	sst s10  }
0x32: {  	s10 =	sld [smem:$0x3FB3];
	_ =	sdelay $0x3  }
0x33: {  	p0 =	seq.s32 s10, $0x1;
	s10 =	sld [smem:$0x3FB5];
	_ =	sdelay $0x3  }
0x34: {  	[smem:$0x3FB5] =	sst s10  }
0x35: {  	s10 =	sld [smem:$0x3FB4];
	_ =	sdelay $0x3  }
0x36: {  	p1 =	seq.s32 s10, $0x1;
	s10 =	sld [smem:$0x3FB5];
	_ =	sdelay $0x3  }
0x37: {  	[smem:$0x3FB5] =	sst s10  }
0x38: {  	s10 =	sld [smem:$0x3FB6]  }
0x39: {  	_ = 	snop;
	(pc) =	sbr.ind lr, $3  }
0x3a: {  	_ = 	snop  }
0x3b: {  	_ = 	snop  }
0x3c: {  	p2 =	seq.s32 s10, $0x1;
	s10 =	sld [smem:$0x3FB5]  }
0x3d: {  	_ =	shalt  }
0x3e: {  	_ =	shalt  }
0x3f: {  	_ =	shalt  }
0x40: {  	_ =	shalt  }
0x41: {  	_ =	shalt  }
0x42: {  	_ =	shalt  }
0x43: {  	_ =	shalt  }
0x44: {  	_ =	shalt  }
0x45: {  	_ =	shalt  }
0x46: {  	_ =	shalt  }
0x47: {  	_ =	shalt  }
0x48: {  	_ =	shalt  }
0x49: {  	_ =	shalt  }
0x4a: {  	_ =	shalt  }
0x4b: {  	_ =	shalt  }
0x4c: {  	_ =	shalt  }
0x4d: {  	_ =	shalt  }
0x4e: {  	_ =	shalt  }
0x4f: {  	_ =	shalt  }
0x50: {  	_ =	shalt  }
0x51: {  	_ =	shalt  }
0x52: {  	_ =	shalt  }
0x53: {  	_ =	shalt  }
0x54: {  	_ =	shalt  }
0x55: {  	_ =	shalt  }
0x56: {  	_ =	shalt  }
0x57: {  	_ =	shalt  }
0x58: {  	_ =	shalt  }
0x59: {  	_ =	shalt  }
0x5a: {  	_ =	shalt  }
0x5b: {  	_ =	shalt  }
0x5c: {  	_ =	shalt  }
0x5d: {  	_ =	shalt  }
0x5e: {  	_ =	shalt  }
0x5f: {  	_ =	shalt  }
0x60: {  	_ =	shalt  }
0x61: {  	_ =	shalt  }
0x62: {  	_ =	shalt  }
0x63: {  	_ =	shalt  }
0x64: {  	_ =	shalt  }
0x65: {  	_ =	shalt  }
0x66: {  	_ =	shalt  }
0x67: {  	_ =	shalt  }
0x68: {  	_ =	shalt  }
0x69: {  	_ =	shalt  }
0x6a: {  	_ =	shalt  }
0x6b: {  	_ =	shalt  }
0x6c: {  	_ =	shalt  }
0x6d: {  	_ =	shalt  }
0x6e: {  	_ =	shalt  }
0x6f: {  	_ =	shalt  }
0x70: {  	_ =	shalt  }
0x71: {  	_ =	shalt  }
0x72: {  	_ =	shalt  }
0x73: {  	_ =	shalt  }
0x74: {  	_ =	shalt  }
0x75: {  	_ =	shalt  }
0x76: {  	_ =	shalt  }
0x77: {  	_ =	shalt  }
0x78: {  	_ =	shalt  }
0x79: {  	_ =	shalt  }
0x7a: {  	_ =	shalt  }
0x7b: {  	_ =	shalt  }
0x7c: {  	_ =	shalt  }
0x7d: {  	_ =	shalt  }
0x7e: {  	_ =	shalt  }
0x7f: {  	_ =	shalt  }
0x80: {  	_ =	shalt  }
0x81: {  	_ =	shalt  }
0x82: {  	_ =	shalt  }
0x83: {  	_ =	shalt  }
0x84: {  	_ =	shalt  }
0x85: {  	_ =	shalt  }
0x86: {  	_ =	shalt  }
0x87: {  	_ =	shalt  }
.Lfunc_end0:
.L_simem_size_0:
called_computation.1_lowered:
.L_overlay_start_0:
0x88: {  	s2 =	sld [smem:$0x3FD9]  }
0x89: {  	s3 =	sld [smem:$0x3FFE];
	_ =	sdelay $0x1  }
0x8a: {  	s1 =	srdreg.scid  }
0x8b: {  	s0 =	sand.u32 $0x1, s1  }
0x8c: {  	s14 =	sshll.u32 s0, $0xA;
	s2 =	sadd.s32 s3, s2  }
0x8d: {  	s2 =	sadd.s32 s2, s14  }
0x8e: {  	[smem:$0x3FC1] =	sst s2  }
0x8f: {  	_ = 	snop  }
0x90: {  	s2 =	sld [smem:$0x3FD0];
	_ =	sdelay $0x2  }
0x91: {  	s15 =	simm.s32 $0xA;
	s4 =	simm.s32 $0x10  }
0x92: {  	[smem:s4], [sflag:s15] =	dma.local [hbm:s2], $0x1  }
0x93: {  	_ =	swait.eq [sflag:s15], $0x1  }
0x94: {  	[sflag:s15] =	ssyncset.done $0x0  }
0x95: {  	[sflag:s15] =	ssyncadd.s32 $0xFFFFFFFF  }
0x96: {  	s16 =	sld [smem:$0x11];
	(tm) =	ssettm $0x1  }
0x97: {  	s17 =	sld [smem:$0x3FFB];
	_ =	sdelay $0x3  }
0x98: {  	_ =	strace s17  }
0x99: {  	s3 =	sld [smem:$0x3FFC];
	_ =	sdelay $0x3  }
0x9a: {  	_ =	strace s3  }
0x9b: {  	s3 =	sld [smem:$0x3FFD];
	_ =	sdelay $0x3  }
0x9c: {  	_ =	strace s3  }
0x9d: {  	_ =	strace $0x8FFFFFFF  }
0x9e: {  	s18 =	sld [smem:$0x3FDB];
	_ =	sdelay $0x1  }
0x9f: {  	s19 =	simm.s32 $_scs_section_size  }
0xa0: {  	s5 =	simm.s32 $_size__tile_overlayer_lowered;
	s6 =	simm.s32 $_tile_overlayer_lowered  }
0xa1: {  	s22 =	simm.s32 $0x1BFF;
	s21 =	sshll.u32 s6, $0x1;
	s3 =	sadd.s32 s19, s18  }
0xa2: {  	s7 =	simm.s32 $0x0;
	s20 =	sshll.u32 s5, $0x1;
	s5 =	sadd.s32 s21, s3  }
0xa3: {  	[timem:s7], [sflag:s22] =	dma.local [hbm:s5], s20  }
0xa4: {  	_ =	swait.ge [sflag:s22], s20  }
0xa5: {  	s4 =	ssub.s32 $0x0, s20;
	[sflag:s22] =	ssyncset.done $0x0  }
0xa6: {  	[sflag:s22] =	ssyncadd.s32 s4;
	_ =	sdelay $0x1  }
0xa7: {  	s23 =	simm.s32 $0x1B8B  }
0xa8: {  	_ =	swait.ge [sflag:s23], $0x1  }
0xa9: {  	[sflag:s23] =	ssyncset.done $0x0  }
0xaa: {  	s25 =	simm.s32 $0x1B8E;
	s24 =	sld [smem:$0x3FFE];
	[sflag:s23] =	ssyncadd.s32 $0xFFFFFFFF  }
0xab: {  	s26 =	simm.s32 $execute0_lowered;
	[smem:$0x3FD2] =	sst s25  }
0xac: {  	s5 =	sshll.u32 s26, $0x1;
	_ =	strace $0x80000049;
	[dreg:$0x1] =	wrdreg $0xFFFFFFFF  }
0xad: {  	s28 =	simm.s32 $_size_execute0_lowered;
	s3 =	sadd.s32 s3, s5;
	[dreg:$0x0] =	wrdreg $0x0  }
0xae: {  	s5 =	sshll.u32 s28, $0x1;
	[dreg:$0x2] =	wrdreg s3  }
0xaf: {  	[dreg:$0x3] =	wrdreg s5  }
0xb0: {  	[dreg:$0x4] =	wrdreg $0xC0  }
0xb1: {  	_ =	task [dreg:s7], $0x5FFFF  }
0xb2: {  	[dreg:$0x1] =	wrdreg $0xFFFFFFFF  }
0xb3: {  	[dreg:$0x0] =	wrdreg $0x60  }
0xb4: {  	[dreg:$0x2] =	wrdreg s24  }
0xb5: {  	[dreg:$0x3] =	wrdreg s16  }
0xb6: {  	[dreg:$0x4] =	wrdreg $0x6C000  }
0xb7: {  	[dreg:$0x5] =	wrdreg $0x9  }
0xb8: {  	_ =	task.clear_ibuf [dreg:s7], $0x6FFFF;
	_ =	strace $0x90000049  }
0xb9: {  	s29 =	simm.s32 $0x9;
	_ =	strace $0x8000004B  }
0xba: {  	_ =	swait.ge [sflag:s29], $0x1  }
0xbb: {  	[sflag:s29] =	ssyncadd.s32 $0xFFFFFFFF  }
0xbc: {  	_ =	strace $0x9000004B  }
0xbd: {  	_ =	sfence  }
0xbe: {  	s30 =	sld [smem:$0x0];
	_ =	sdelay $0x2  }
0xbf: {  	s31 =	sshll.u32 s1, $0xD;
	s1 =	sshrl.u32 s1, $0x2  }
0xc0: {  	s3 =	sand.u32 $0x4000, s31;
	s1 =	sadd.s32 s1, s30  }
0xc1: {  	s0 =	sor.u32 s3, s0;
	s1 =	sshll.u32 s1, $0x11  }
0xc2: {  	s0 =	sor.u32 s1, s0  }
0xc3: {  	s0 =	sadd.s32 $0x8F2B, s0  }
0xc4: {  	[sflag:s0] =	ssyncadd.remote.s32 $0x1  }
0xc5: {  	_ =	sfence.sel $0xFFFF  }
0xc6: {  	[dreg:$0x0] =	wrdreg $0xFFFFFFFF;
	(pc) =	sbr.abs _section_cstart, $3  }
0xc7: {  	[dreg:$0x1] =	wrdreg $0xFFFFFFFF  }
0xc8: {  	_ =	task.clear_ibuf [dreg:s7], $0x2FFFF;
	_ =	strace $0x9FFFFFFF  }
0xc9: {  	(tm) =	ssettm $0x7FFFFFFF  }
tec
execute0_lowered:
.L_overlay_start_1:
0x0: {  	(tag) =	ssettag $0x1  }
0x1: {  	s0 =	rddreg [dreg:$0x0]  }
0x2: {  	s3 =	rddreg [dreg:$0x2];
	s4 =	simm.s32 $0x0;
	s1 =	srdreg.scid  }
0x3: {  	s13 =	stileid.u32;
	s16 =	simm.s32 $0xA;
	s18 =	simm.s32 $0x1  }
0x4: {  	s19 =	simm.s32 $0x80;
	s20 =	simm.s32 $0x2;
	s21 =	simm.s32 $0x3  }
0x5: {  	s22 =	simm.s32 $0x4;
	s28 =	simm.s32 $0x0;
	[smem:$0x7FF] =	sst s4  }
0x6: {  	s1 =	sand.u32 $0x1, s1;
	s2 =	smul.u32 $0x3100, s13;
	s5 =	sadd.s32 $0x94C00, s0  }
0x7: {  	s6 =	sadd.s32 $0x1400, s0;
	s7 =	sadd.s32 $0x63C00, s0;
	s11 =	smul.u32 $0x62000, s13  }
0x8: {  	s25 =	sshll.u32 s13, $0x6;
	s26 =	smul.u32 $0x3180, s13;
	_ =	strace $0x8000004A  }
0x9: {  	s8 =	smul.u32 $0x31000, s1;
	s9 =	ssub.s32 $0x2, s1;
	p0 =	seq.s32 s1, $0x1  }
0xa: {  	s10 =	sshrl.u32 s9, $0x1;
	s24 =	sshrl.u32 s11, $0x2;
	s29 =	sadd.s32 s5, s26  }
0xb: {  	s30 =	sadd.s32 s6, s26;
	s26 =	simm.s32 $0x9;
	s2 =	sadd.s32 s2, s8  }
0xc: {  	s8 =	sadd.s32 $0x32C00, s0;
	s23 =	ssub.s32 s9, s10;
	s12 =	sadd.s32 s24, s3  }
.Ltmp0:
0xd: {  	s9 =	sor.u32 $0x1C0A, s25;
	[dreg:$0x4] =	wrdreg s29;
	(pc) =	sbr.rel .LBB2_1-.Ltmp0, $4  }
0xe: {  	s10 =	smul.u32 $0x318, s13;
	[dreg:$0x5] =	wrdreg s30;
	s31 =	smax.u32 s23, $0x1  }
0xf: {  	s0 =	sadd.s32 s2, s0;
	s1 =	sshrl.u32 s12, $0x3;
	[dreg:$0x7] =	wrdreg s31  }
0x10: {  	s24 =	simm.s32 $0x6;
	s0 =	sadd.s32 $0x24E400, s0;
	[dreg:$0x8] =	wrdreg s1  }
0x11: {  	s25 =	simm.s32 $0x7;
	s23 =	simm.s32 $0x5;
	[dreg:$0x6] =	wrdreg s0  }
.LBB2_8:
0x12: {  	_ =	swait.ge [sflag:s26], $0x800  }
0x13: {  	[sflag:s26] =	ssyncset.done $0x0  }
0x14: {  	[sflag:s26] =	ssyncadd.s32 $0xFFFFF800  }
0x15: {  	_ =	swait.ge [sflag:s26], $0x800  }
0x16: {  	[sflag:s26] =	ssyncset.done $0x0  }
0x17: {  	[sflag:s26] =	ssyncadd.s32 $0xFFFFF800  }
0x18: {  	_ =	swait.ge [sflag:s26], $0x800  }
0x19: {  	[sflag:s26] =	ssyncset.done $0x0  }
0x1a: {  	[sflag:s26] =	ssyncadd.s32 $0xFFFFF800  }
0x1b: {  	_ =	swait.ge [sflag:s26], $0x800  }
0x1c: {  	[sflag:s26] =	ssyncset.done $0x0  }
0x1d: {  	[sflag:s26] =	ssyncadd.s32 $0xFFFFF800  }
0x1e: {  	_ =	swait.ge [sflag:s26], $0x800  }
0x1f: {  	[sflag:s26] =	ssyncset.done $0x0  }
0x20: {  	[sflag:s26] =	ssyncadd.s32 $0xFFFFF800  }
0x21: {  	_ =	swait.ge [sflag:s26], $0x800  }
0x22: {  	[sflag:s26] =	ssyncset.done $0x0  }
0x23: {  	[sflag:s26] =	ssyncadd.s32 $0xFFFFF800  }
0x24: {  	[bflag:$0x0] =	sbarrier.arrive $0xFFFF  }
0x25: {  	s0 =	rddreg [dreg:$0x6]  }
0x26: {  	s1 =	rddreg [dreg:$0x8]  }
0x27: {  	[hbm:s0], [sflag:s15] =	dma.local [spmem:s1], $0x3100  }
0x28: {  	_ =	swait.ge [sflag:s16], $0x3100  }
0x29: {  	s28 =	sadd.s32 $0x1, s28;
	s31 =	rddreg [dreg:$0x7]  }
0x2a: {  	p1 =	sne.s32 s28, s31  }
.Ltmp1:
0x2b: {  	_ = 	snop;
	(pc) =	sbr.rel @!p1 .LBB2_9-.Ltmp1, $3  }
0x2c: {  	_ =	sdelay $0x1  }
0x2d: {  	[sflag:s16] =	ssyncset.done $0x0  }
0x2e: {  	s9 =	smov.u32 s15;
	[sflag:s16] =	ssyncadd.s32 $0xFFFFCF00  }
.LBB2_1:
0x2f: {  	s0 =	rddreg [dreg:$0x1]  }
0x30: {  	[spmem:s1], [sflag:s9] =	dma.local [hbm:s0], $0x3100  }
0x31: {  	_ =	swait.ge [sflag:s16], $0x3100  }
0x32: {  	[sflag:s16] =	ssyncset.done $0x0  }
0x33: {  	[sflag:s16] =	ssyncadd.s32 $0xFFFFCF00  }
.Ltmp2:
0x34: {  	s15 =	smov.u32 s9;
	[bflag:$0x0] =	sbarrier.arrive $0xFFFF;
	(pc) =	sbr.rel @p0 .LBB2_5-.Ltmp2, $4  }
.Ltmp3:
0x35: {  	s31 =	simm.s32 $0x600;
	s29 =	rddreg [dreg:$0x4];
	(pc) =	sbr.rel @!p0 .LBB2_2-.Ltmp3, $4  }
0x36: {  	[tilespmem:s4], [sflag:$0x1] =	stream.linear.gather [hbm4b:s29+s4], $0x300, $0x38;
	[tilespmem:$0x1F400] =	vst v63  }
0x37: {  	s12 =	simm.s32 $0x0;
	s13 =	simm.s32 $0x0;
	s30 =	rddreg [dreg:$0x5]  }
0x38: {  	[tilespmem:s31], [sflag:$0x1] =	stream.linear.gather [hbm4b:s30+s4], $0x300, $0x38;
	[tilespmem:$0x1F400] =	vst v63  }
0x39: {  	_ = 	snop  }
.LBB2_7:
0x3a: {  	_ =	swait.ge [sflag:s20], $0x800  }
0x3b: {  	[sflag:s20] =	ssyncset.done $0x0  }
0x3c: {  	s9 =	sadd.s32 $0x600, s29;
	s0 =	sor.u32 $0x8, s0;
	[sflag:s20] =	ssyncadd.s32 $0xFFFFF800  }
0x3d: {  	[spmem:s3] =	stream.indirect.scatter.add.f32 [tilespmem:s11], [sflag:s0], $0x10, s9, s19, $0xb8;
	[tilespmem:$0x1F400] =	vst v63  }
0x3e: {  	_ =	swait.ge [sflag:s21], $0x800  }
0x3f: {  	[sflag:s21] =	ssyncset.done $0x0  }
0x40: {  	s11 =	sadd.s32 $0x680, s29;
	[sflag:s21] =	ssyncadd.s32 $0xFFFFF800  }
0x41: {  	[spmem:s3] =	stream.indirect.scatter.add.f32 [tilespmem:s17], [sflag:s0], $0x10, s11, s19, $0xb8;
	[tilespmem:$0x1F400] =	vst v63  }
0x42: {  	_ =	swait.ge [sflag:s22], $0x800  }
0x43: {  	[sflag:s22] =	ssyncset.done $0x0  }
0x44: {  	s13 =	sadd.s32 $0x700, s29;
	[sflag:s22] =	ssyncadd.s32 $0xFFFFF800  }
0x45: {  	[spmem:s3] =	stream.indirect.scatter.add.f32 [tilespmem:s1], [sflag:s0], $0x10, s13, s19, $0xb8;
	[tilespmem:$0x1F400] =	vst v63  }
0x46: {  	_ =	swait.ge [sflag:s23], $0x800  }
0x47: {  	[sflag:s23] =	ssyncset.done $0x0  }
0x48: {  	s14 =	sadd.s32 $0x780, s29;
	[sflag:s23] =	ssyncadd.s32 $0xFFFFF800  }
0x49: {  	[spmem:s3] =	stream.indirect.scatter.add.f32 [tilespmem:s2], [sflag:s0], $0x10, s14, s19, $0xb8;
	[tilespmem:$0x1F400] =	vst v63  }
0x4a: {  	_ =	swait.ge [sflag:s24], $0x800  }
0x4b: {  	[sflag:s24] =	ssyncset.done $0x0  }
0x4c: {  	p1 =	slt.u32 s12, $0x84;
	s17 =	sor.u32 $0x800, s29;
	[sflag:s24] =	ssyncadd.s32 $0xFFFFF800  }
0x4d: {  	[spmem:s3] =	stream.indirect.scatter.add.f32 [tilespmem:s31], [sflag:s0], $0x10, s17, s19, $0xb8;
	[tilespmem:$0x1F400] =	vst v63  }
.Ltmp4:
0x4e: {  	_ = 	snop;
	(pc) =	sbr.rel @!p1 .LBB2_8-.Ltmp4, $4  }
0x4f: {  	_ =	swait.ge [sflag:s25], $0x800  }
0x50: {  	[sflag:s25] =	ssyncset.done $0x0  }
0x51: {  	s13 =	smov.u32 s12;
	s31 =	sadd.s32 $0x880, s29;
	[sflag:s25] =	ssyncadd.s32 $0xFFFFF800  }
0x52: {  	[spmem:s3] =	stream.indirect.scatter.add.f32 [tilespmem:s30], [sflag:s0], $0x10, s31, s19, $0xb8;
	[tilespmem:$0x1F400] =	vst v63  }
.LBB2_5:
0x53: {  	_ =	swait.ge [sflag:s18], $0x300  }
0x54: {  	s0 =	sand.u32 $0x1, s13;
	[sflag:s18] =	ssyncset.done $0x0  }
0x55: {  	s1 =	smul.u32 $0xC000, s0;
	[sflag:s18] =	ssyncadd.s32 $0xFFFFFD00  }
0x56: {  	_ =	swait.ge [sflag:s18], $0x300  }
0x57: {  	s29 =	smul.u32 $0x300, s0;
	s9 =	sshrl.u32 s1, $0x2;
	[sflag:s18] =	ssyncset.done $0x0  }
0x58: {  	s11 =	sor.u32 $0xC00, s9;
	[sflag:s18] =	ssyncadd.s32 $0xFFFFFD00  }
0x59: {  	[tilespmem:s11], [sflag:$0x2] =	stream.indirect.gather [hbm4b:s8+s19], $0x10, s29, s19, $0xb8;
	[tilespmem:$0x1F400] =	vst v63  }
0x5a: {  	s12 =	sor.u32 $0x80, s29;
	s17 =	sadd.s32 $0x1400, s9  }
0x5b: {  	[tilespmem:s17], [sflag:$0x3] =	stream.indirect.gather [hbm4b:s8+s19], $0x10, s12, s19, $0xb8;
	[tilespmem:$0x1F400] =	vst v63  }
0x5c: {  	s2 =	sadd.s32 $0x100, s29;
	s1 =	sadd.s32 $0x1C00, s9  }
0x5d: {  	[tilespmem:s1], [sflag:$0x4] =	stream.indirect.gather [hbm4b:s8+s19], $0x10, s2, s19, $0xb8;
	[tilespmem:$0x1F400] =	vst v63  }
0x5e: {  	s12 =	sadd.s32 $0x180, s29;
	s2 =	sadd.s32 $0x2400, s9  }
0x5f: {  	[tilespmem:s2], [sflag:$0x5] =	stream.indirect.gather [hbm4b:s8+s19], $0x10, s12, s19, $0xb8;
	[tilespmem:$0x1F400] =	vst v63  }
0x60: {  	s14 =	sadd.s32 $0x200, s29;
	s31 =	sadd.s32 $0x2C00, s9  }
0x61: {  	[tilespmem:s31], [sflag:$0x6] =	stream.indirect.gather [hbm4b:s8+s19], $0x10, s14, s19, $0xb8;
	[tilespmem:$0x1F400] =	vst v63  }
0x62: {  	p1 =	seq.s32 s13, $0x0;
	s30 =	sadd.s32 $0x3400, s9;
	s14 =	sadd.s32 $0x280, s29  }
0x63: {  	[tilespmem:s30], [sflag:$0x7] =	stream.indirect.gather [hbm4b:s8+s19], $0x10, s14, s19, $0xb8;
	[tilespmem:$0x1F400] =	vst v63  }
0x64: {  	s14 =	sxor.u32 @!p1 $0x1, s0  }
0x65: {  	s9 =	sor.u32 @!p1 $0x8, s14  }
0x66: {  	_ =	swait.ge @!p1 [sflag:s9], $0x800  }
0x67: {  	[sflag:s9] =	ssyncset.done @!p1 $0x0  }
0x68: {  	[sflag:s9] =	ssyncadd.s32 @!p1 $0xFFFFF800  }
0x69: {  	_ =	swait.ge @!p1 [sflag:s9], $0x800  }
0x6a: {  	[sflag:s9] =	ssyncset.done @!p1 $0x0  }
0x6b: {  	[sflag:s9] =	ssyncadd.s32 @!p1 $0xFFFFF800  }
0x6c: {  	_ =	swait.ge @!p1 [sflag:s9], $0x800  }
0x6d: {  	[sflag:s9] =	ssyncset.done @!p1 $0x0  }
0x6e: {  	[sflag:s9] =	ssyncadd.s32 @!p1 $0xFFFFF800  }
0x6f: {  	_ =	swait.ge @!p1 [sflag:s9], $0x800  }
0x70: {  	[sflag:s9] =	ssyncset.done @!p1 $0x0  }
0x71: {  	p2 =	seq.s32 @!p1 s13, $0x83;
	[sflag:s9] =	ssyncadd.s32 @!p1 $0xFFFFF800  }
0x72: {  	p2 =	por p1, !p2;
	_ =	swait.ge @!p1 [sflag:s9], $0x800  }
.Ltmp5:
0x73: {  	[sflag:s9] =	ssyncset.done @!p1 $0x0;
	(pc) =	sbr.rel @!p2 .LBB2_7-.Ltmp5, $4  }
0x74: {  	[sflag:s9] =	ssyncadd.s32 @!p1 $0xFFFFF800  }
0x75: {  	_ =	swait.ge @!p1 [sflag:s9], $0x800  }
0x76: {  	[sflag:s9] =	ssyncset.done @!p1 $0x0  }
0x77: {  	s12 =	simm.s32 @!p1 $0x84;
	[sflag:s9] =	ssyncadd.s32 @!p1 $0xFFFFF800  }
0x78: {  	s12 =	sadd.s32 @!p1 $0x1, s13  }
0x79: {  	s12 =	simm.s32 @p1 $0x1  }
0x7a: {  	s9 =	smul.u32 $0x6, s12;
	_ =	sdelay $0x1  }
0x7b: {  	s14 =	simm.s32 @p1 $0x1;
	s9 =	sadd.s32 s10, s9  }
0x7c: {  	s13 =	smul.u32 $0x300, s14;
	s9 =	sshll.u32 s9, $0x4  }
.Ltmp6:
0x7d: {  	s9 =	sand.u32 $0x1FFFFFE0, s9;
	(pc) =	sbr.rel .LBB2_7-.Ltmp6, $4  }
0x7e: {  	s14 =	sadd.s32 s5, s9  }
0x7f: {  	[tilespmem:s13], [sflag:$0x1] =	stream.linear.gather [hbm4b:s14+s4], $0x300, $0x38;
	[tilespmem:$0x1F400] =	vst v63  }
0x80: {  	s9 =	sadd.s32 s6, s9;
	s13 =	sadd.s32 $0x600, s13  }
0x81: {  	[tilespmem:s13], [sflag:$0x1] =	stream.linear.gather [hbm4b:s9+s4], $0x300, $0x38;
	[tilespmem:$0x1F400] =	vst v63  }
.LBB2_4:
0x82: {  	_ =	swait.ge [sflag:s20], $0x800  }
0x83: {  	[sflag:s20] =	ssyncset.done $0x0  }
0x84: {  	s9 =	sadd.s32 $0x600, s29;
	s0 =	sor.u32 $0x8, s0;
	[sflag:s20] =	ssyncadd.s32 $0xFFFFF800  }
0x85: {  	[spmem:s3] =	stream.indirect.scatter.add.f32 [tilespmem:s11], [sflag:s0], $0x10, s9, s19, $0xb8;
	[tilespmem:$0x1F400] =	vst v63  }
0x86: {  	_ =	swait.ge [sflag:s21], $0x800  }
0x87: {  	[sflag:s21] =	ssyncset.done $0x0  }
0x88: {  	s11 =	sadd.s32 $0x680, s29;
	[sflag:s21] =	ssyncadd.s32 $0xFFFFF800  }
0x89: {  	[spmem:s3] =	stream.indirect.scatter.add.f32 [tilespmem:s17], [sflag:s0], $0x10, s11, s19, $0xb8;
	[tilespmem:$0x1F400] =	vst v63  }
0x8a: {  	_ =	swait.ge [sflag:s22], $0x800  }
0x8b: {  	[sflag:s22] =	ssyncset.done $0x0  }
0x8c: {  	s12 =	sadd.s32 $0x700, s29;
	[sflag:s22] =	ssyncadd.s32 $0xFFFFF800  }
0x8d: {  	[spmem:s3] =	stream.indirect.scatter.add.f32 [tilespmem:s1], [sflag:s0], $0x10, s12, s19, $0xb8;
	[tilespmem:$0x1F400] =	vst v63  }
0x8e: {  	_ =	swait.ge [sflag:s23], $0x800  }
0x8f: {  	[sflag:s23] =	ssyncset.done $0x0  }
0x90: {  	s14 =	sadd.s32 $0x780, s29;
	[sflag:s23] =	ssyncadd.s32 $0xFFFFF800  }
0x91: {  	[spmem:s3] =	stream.indirect.scatter.add.f32 [tilespmem:s2], [sflag:s0], $0x10, s14, s19, $0xb8;
	[tilespmem:$0x1F400] =	vst v63  }
0x92: {  	_ =	swait.ge [sflag:s24], $0x800  }
0x93: {  	[sflag:s24] =	ssyncset.done $0x0  }
0x94: {  	p1 =	slt.u32 s13, $0x84;
	s17 =	sor.u32 $0x800, s29;
	[sflag:s24] =	ssyncadd.s32 $0xFFFFF800  }
0x95: {  	[spmem:s3] =	stream.indirect.scatter.add.f32 [tilespmem:s31], [sflag:s0], $0x10, s17, s19, $0xb8;
	[tilespmem:$0x1F400] =	vst v63  }
.Ltmp7:
0x96: {  	_ = 	snop;
	(pc) =	sbr.rel @!p1 .LBB2_8-.Ltmp7, $4  }
0x97: {  	_ =	swait.ge [sflag:s25], $0x800  }
0x98: {  	[sflag:s25] =	ssyncset.done $0x0  }
0x99: {  	s12 =	smov.u32 s13;
	s31 =	sadd.s32 $0x880, s29;
	[sflag:s25] =	ssyncadd.s32 $0xFFFFF800  }
0x9a: {  	[spmem:s3] =	stream.indirect.scatter.add.f32 [tilespmem:s30], [sflag:s0], $0x10, s31, s19, $0xb8;
	[tilespmem:$0x1F400] =	vst v63  }
.LBB2_2:
0x9b: {  	_ =	swait.ge [sflag:s18], $0x300  }
0x9c: {  	s0 =	sand.u32 $0x1, s12;
	[sflag:s18] =	ssyncset.done $0x0  }
0x9d: {  	s1 =	smul.u32 $0xC000, s0;
	[sflag:s18] =	ssyncadd.s32 $0xFFFFFD00  }
0x9e: {  	_ =	swait.ge [sflag:s18], $0x300  }
0x9f: {  	s29 =	smul.u32 $0x300, s0;
	s13 =	sshrl.u32 s1, $0x2;
	[sflag:s18] =	ssyncset.done $0x0  }
0xa0: {  	s11 =	sor.u32 $0xC00, s13;
	[sflag:s18] =	ssyncadd.s32 $0xFFFFFD00  }
0xa1: {  	[tilespmem:s11], [sflag:$0x2] =	stream.indirect.gather [hbm4b:s7+s19], $0x10, s29, s19, $0xb8;
	[tilespmem:$0x1F400] =	vst v63  }
0xa2: {  	s2 =	sor.u32 $0x80, s29;
	s17 =	sadd.s32 $0x1400, s13  }
0xa3: {  	[tilespmem:s17], [sflag:$0x3] =	stream.indirect.gather [hbm4b:s7+s19], $0x10, s2, s19, $0xb8;
	[tilespmem:$0x1F400] =	vst v63  }
0xa4: {  	s1 =	sadd.s32 $0x1C00, s13;
	s2 =	sadd.s32 $0x100, s29  }
0xa5: {  	[tilespmem:s1], [sflag:$0x4] =	stream.indirect.gather [hbm4b:s7+s19], $0x10, s2, s19, $0xb8;
	[tilespmem:$0x1F400] =	vst v63  }
0xa6: {  	s14 =	sadd.s32 $0x180, s29;
	s2 =	sadd.s32 $0x2400, s13  }
0xa7: {  	[tilespmem:s2], [sflag:$0x5] =	stream.indirect.gather [hbm4b:s7+s19], $0x10, s14, s19, $0xb8;
	[tilespmem:$0x1F400] =	vst v63  }
0xa8: {  	s9 =	sadd.s32 $0x200, s29;
	s31 =	sadd.s32 $0x2C00, s13  }
0xa9: {  	[tilespmem:s31], [sflag:$0x6] =	stream.indirect.gather [hbm4b:s7+s19], $0x10, s9, s19, $0xb8;
	[tilespmem:$0x1F400] =	vst v63  }
0xaa: {  	p1 =	seq.s32 s12, $0x0;
	s30 =	sadd.s32 $0x3400, s13;
	s14 =	sadd.s32 $0x280, s29  }
0xab: {  	[tilespmem:s30], [sflag:$0x7] =	stream.indirect.gather [hbm4b:s7+s19], $0x10, s14, s19, $0xb8;
	[tilespmem:$0x1F400] =	vst v63  }
0xac: {  	s14 =	sxor.u32 @!p1 $0x1, s0  }
0xad: {  	s13 =	sor.u32 @!p1 $0x8, s14  }
0xae: {  	_ =	swait.ge @!p1 [sflag:s13], $0x800  }
0xaf: {  	[sflag:s13] =	ssyncset.done @!p1 $0x0  }
0xb0: {  	[sflag:s13] =	ssyncadd.s32 @!p1 $0xFFFFF800  }
0xb1: {  	_ =	swait.ge @!p1 [sflag:s13], $0x800  }
0xb2: {  	[sflag:s13] =	ssyncset.done @!p1 $0x0  }
0xb3: {  	[sflag:s13] =	ssyncadd.s32 @!p1 $0xFFFFF800  }
0xb4: {  	_ =	swait.ge @!p1 [sflag:s13], $0x800  }
0xb5: {  	[sflag:s13] =	ssyncset.done @!p1 $0x0  }
0xb6: {  	[sflag:s13] =	ssyncadd.s32 @!p1 $0xFFFFF800  }
0xb7: {  	_ =	swait.ge @!p1 [sflag:s13], $0x800  }
0xb8: {  	[sflag:s13] =	ssyncset.done @!p1 $0x0  }
0xb9: {  	p2 =	seq.s32 @!p1 s12, $0x83;
	[sflag:s13] =	ssyncadd.s32 @!p1 $0xFFFFF800  }
0xba: {  	p2 =	por p1, !p2;
	_ =	swait.ge @!p1 [sflag:s13], $0x800  }
.Ltmp8:
0xbb: {  	[sflag:s13] =	ssyncset.done @!p1 $0x0;
	(pc) =	sbr.rel @!p2 .LBB2_4-.Ltmp8, $4  }
0xbc: {  	[sflag:s13] =	ssyncadd.s32 @!p1 $0xFFFFF800  }
0xbd: {  	_ =	swait.ge @!p1 [sflag:s13], $0x800  }
0xbe: {  	[sflag:s13] =	ssyncset.done @!p1 $0x0  }
0xbf: {  	[sflag:s13] =	ssyncadd.s32 @!p1 $0xFFFFF800;
	s13 =	simm.s32 @!p1 $0x84  }
0xc0: {  	s13 =	sadd.s32 @!p1 $0x1, s12  }
0xc1: {  	s13 =	simm.s32 @p1 $0x1  }
0xc2: {  	s9 =	smul.u32 $0x6, s13  }
0xc3: {  	s14 =	simm.s32 @p1 $0x1  }
0xc4: {  	s14 =	smul.u32 $0x300, s14;
	s12 =	sadd.s32 s10, s9  }
.Ltmp9:
0xc5: {  	s12 =	sshll.u32 s12, $0x4;
	(pc) =	sbr.rel .LBB2_4-.Ltmp9, $4  }
0xc6: {  	s9 =	sadd.s32 s5, s12  }
0xc7: {  	[tilespmem:s14], [sflag:$0x1] =	stream.linear.gather [hbm4b:s9+s4], $0x300, $0x38;
	[tilespmem:$0x1F400] =	vst v63  }
0xc8: {  	s12 =	sadd.s32 s6, s12;
	s14 =	sadd.s32 $0x600, s14  }
0xc9: {  	[tilespmem:s14], [sflag:$0x1] =	stream.linear.gather [hbm4b:s12+s4], $0x300, $0x38;
	[tilespmem:$0x1F400] =	vst v63  }
.LBB2_9:
0xca: {  	_ =	sfence.sel $0x180000  }
0xcb: {  	[bflag:$0x0] =	sbarrier.arrive $0xFFFF  }
0xcc: {  	_ =	strace $0x9000004A  }
0xcd: {  	s0 =	stileid.u32;
	[bflag:$0x2] =	sbarrier.arrive $0xFFFF  }
0xce: {  	p0 =	sne.s32 s0, $0x0;
	s0 =	rddreg [dreg:$0x3]  }
0xcf: {  	s0 =	sadd.s32 @!p0 $0x100000, s0  }
0xd0: {  	[sflag:s0] =	ssyncadd.tile.s32 @!p0 $0x1;
	_ =	shalt  }
.Lfunc_end2:
_tile_overlayer_lowered:
.L_overlay_start_2:
0xd1: {  	(tag) =	ssettag $0x2  }
0xd2: {  	s0 =	rddreg [dreg:$0x0];
	s2 =	stileid.u32  }
0xd3: {  	s1 =	rddreg [dreg:$0x1];
	p0 =	sne.s32 s2, $0x0  }
0xd4: {  	s3 =	rddreg [dreg:$0x2];
	[bflag:$0x3] =	sbarrier.arrive $0xFFFF;
	s2 =	simm.s32 @!p0 $0x1C0A  }
0xd5: {  	[timem:s3], [sflag:s2] =	dma.local @!p0 [hbm:s0], s1  }
0xd6: {  	s0 =	simm.s32 @!p0 $0xA  }
0xd7: {  	_ =	swait.ge @!p0 [sflag:s0], s1  }
0xd8: {  	s1 =	ssub.s32 @!p0 $0x0, s1;
	[sflag:s0] =	ssyncset.done @!p0 $0x0  }
0xd9: {  	[sflag:s0] =	ssyncadd.s32 @!p0 s1  }
0xda: {  	[bflag:$0x3] =	sbarrier.arrive $0xFFFF  }
0xdb: {  	_ =	shalt  }

// kernel: kernel.15.cloned.1.call-start
scs
__scs_entry_jumppad:
0x0: {  	(pc) =	sbr.rel $0x88, $3  }
0x1: {  	(tag) =	ssettag $0x0;
	lr =	simm.s32 $0x1  }
0x2: {  	[smem:$0x3F9A] =	sst lr;
	_ =	strace $0xD0000000  }
0x3: {  	_ = 	snop  }
0x4: {  	_ = 	snop  }
0x5: {  	_ = 	snop  }
0x6: {  	_ = 	snop  }
0x7: {  	_ = 	snop  }
__scs_overlays_trampoline_lowered:
0x8: {  	[smem:$0x3FA9] =	sst s0  }
0x9: {  	[smem:$0x3FAA] =	sst s1  }
0xa: {  	[smem:$0x3FAB] =	sst s2  }
0xb: {  	[smem:$0x3FAC] =	sst s3  }
0xc: {  	[smem:$0x3FAD] =	sst s4  }
0xd: {  	[smem:$0x3FAE] =	sst s5  }
0xe: {  	[smem:$0x3FAF] =	sst s6  }
0xf: {  	[smem:$0x3FB0] =	sst s7  }
0x10: {  	[smem:$0x3FB1] =	sst s8  }
0x11: {  	[smem:$0x3FB2] =	sst s9;
	s0 =	simm.s32 @!p0 $0x0  }
0x12: {  	s1 =	sld [smem:$0x3F98];
	s0 =	simm.s32 @p0 $0x1  }
0x13: {  	[smem:$0x3FB3] =	sst s0;
	s0 =	simm.s32 @!p1 $0x0  }
0x14: {  	s2 =	sld [smem:$0x3F97];
	s0 =	simm.s32 @p1 $0x1  }
0x15: {  	[smem:$0x3FB4] =	sst s0;
	s0 =	simm.s32 @!p2 $0x0  }
0x16: {  	s3 =	sld [smem:$0x3FDB];
	s0 =	simm.s32 @p2 $0x1  }
0x17: {  	s4 =	simm.s32 $0x1BF5;
	[smem:$0x3FB6] =	sst s0  }
0x18: {  	s0 =	sld [smem:$0x3F99];
	_ =	swait.ge [sflag:s4], $0x0  }
0x19: {  	s7 =	sld [smem:$0x3F9A]  }
0x1a: {  	s8 =	sadd.s32 $0xFFFFE003, lr  }
0x1b: {  	s9 =	sadd.s32 $0xFFFFFEF7, lr;
	s5 =	simm.s32 $0xFFFFFFFF;
	p2 =	slt.u32 s8, $0xFFFFF086  }
0x1c: {  	p1 =	slt.u32 s9, $0xF7A;
	s5 =	simm.s32 @!p2 $0x0  }
0x1d: {  	s5 =	simm.s32 @p1 $0x1;
	p0 =	seq.s32 s7, s2  }
0x1e: {  	s7 =	smul.u32 @!p0 $0xF7A, s2;
	p2 =	seq.s32 @!p0 s5, $0x0  }
0x1f: {  	s9 =	smul.u32 $0xF7A, s1;
	s8 =	simm.s32 @!p0 $0x1BF5;
	p2 =	por !p2, p0  }
0x20: {  	[sflag:s8] =	ssyncset.s32 @!p0 $0xFFFFF086;
	s6 =	sadd.s32 @!p0 s3, s7;
	s7 =	simm.s32 @!p0 $0x108  }
0x21: {  	s3 =	sadd.s32 s3, s9;
	s6 =	sadd.s32 @!p0 $0x88, s6;
	s7 =	simm.s32 @p2 $0x1082  }
0x22: {  	[simem:s7], [sflag:s8] =	dma.local @!p0 [hbm:s6], $0xF7A  }
0x23: {  	s9 =	sor.u32 $0xD0000000, s2;
	s6 =	simm.s32 $0x108;
	_ =	swait.ge @!p0 [sflag:s8], $0x0  }
0x24: {  	s3 =	sadd.s32 $0x88, s3;
	s6 =	simm.s32 @!p1 $0x1082;
	[sflag:s4] =	ssyncset.s32 $0xFFFFF086  }
0x25: {  	[simem:s6], [sflag:s4] =	dma.local [hbm:s3], $0xF7A  }
0x26: {  	[smem:$0x3F9A] =	sst s1;
	(tag) =	ssettag s2;
	_ =	strace s9  }
0x27: {  	s1 =	sld [smem:$0x3FAA]  }
0x28: {  	s2 =	sld [smem:$0x3FAB]  }
0x29: {  	s4 =	sld [smem:$0x3FAD]  }
0x2a: {  	p0 =	seq.s32 s5, $0x0;
	s5 =	sld [smem:$0x3FAE]  }
0x2b: {  	s6 =	sld [smem:$0x3FAF]  }
0x2c: {  	s7 =	sld [smem:$0x3FB0]  }
0x2d: {  	s3 =	simm.s32 $0x108;
	s8 =	sld [smem:$0x3FB1]  }
0x2e: {  	s3 =	simm.s32 @!p0 $0x1082;
	s9 =	sld [smem:$0x3FB2]  }
0x2f: {  	lr =	sadd.s32 s0, s3;
	s0 =	sld [smem:$0x3FA9]  }
0x30: {  	s3 =	sld [smem:$0x3FAC]  }
0x31: {  	[smem:$0x3FB5] =	sst s10  }
0x32: {  	s10 =	sld [smem:$0x3FB3];
	_ =	sdelay $0x3  }
0x33: {  	p0 =	seq.s32 s10, $0x1;
	s10 =	sld [smem:$0x3FB5];
	_ =	sdelay $0x3  }
0x34: {  	[smem:$0x3FB5] =	sst s10  }
0x35: {  	s10 =	sld [smem:$0x3FB4];
	_ =	sdelay $0x3  }
0x36: {  	p1 =	seq.s32 s10, $0x1;
	s10 =	sld [smem:$0x3FB5];
	_ =	sdelay $0x3  }
0x37: {  	[smem:$0x3FB5] =	sst s10  }
0x38: {  	s10 =	sld [smem:$0x3FB6]  }
0x39: {  	_ = 	snop;
	(pc) =	sbr.ind lr, $3  }
0x3a: {  	_ = 	snop  }
0x3b: {  	_ = 	snop  }
0x3c: {  	p2 =	seq.s32 s10, $0x1;
	s10 =	sld [smem:$0x3FB5]  }
0x3d: {  	_ =	shalt  }
0x3e: {  	_ =	shalt  }
0x3f: {  	_ =	shalt  }
0x40: {  	_ =	shalt  }
0x41: {  	_ =	shalt  }
0x42: {  	_ =	shalt  }
0x43: {  	_ =	shalt  }
0x44: {  	_ =	shalt  }
0x45: {  	_ =	shalt  }
0x46: {  	_ =	shalt  }
0x47: {  	_ =	shalt  }
0x48: {  	_ =	shalt  }
0x49: {  	_ =	shalt  }
0x4a: {  	_ =	shalt  }
0x4b: {  	_ =	shalt  }
0x4c: {  	_ =	shalt  }
0x4d: {  	_ =	shalt  }
0x4e: {  	_ =	shalt  }
0x4f: {  	_ =	shalt  }
0x50: {  	_ =	shalt  }
0x51: {  	_ =	shalt  }
0x52: {  	_ =	shalt  }
0x53: {  	_ =	shalt  }
0x54: {  	_ =	shalt  }
0x55: {  	_ =	shalt  }
0x56: {  	_ =	shalt  }
0x57: {  	_ =	shalt  }
0x58: {  	_ =	shalt  }
0x59: {  	_ =	shalt  }
0x5a: {  	_ =	shalt  }
0x5b: {  	_ =	shalt  }
0x5c: {  	_ =	shalt  }
0x5d: {  	_ =	shalt  }
0x5e: {  	_ =	shalt  }
0x5f: {  	_ =	shalt  }
0x60: {  	_ =	shalt  }
0x61: {  	_ =	shalt  }
0x62: {  	_ =	shalt  }
0x63: {  	_ =	shalt  }
0x64: {  	_ =	shalt  }
0x65: {  	_ =	shalt  }
0x66: {  	_ =	shalt  }
0x67: {  	_ =	shalt  }
0x68: {  	_ =	shalt  }
0x69: {  	_ =	shalt  }
0x6a: {  	_ =	shalt  }
0x6b: {  	_ =	shalt  }
0x6c: {  	_ =	shalt  }
0x6d: {  	_ =	shalt  }
0x6e: {  	_ =	shalt  }
0x6f: {  	_ =	shalt  }
0x70: {  	_ =	shalt  }
0x71: {  	_ =	shalt  }
0x72: {  	_ =	shalt  }
0x73: {  	_ =	shalt  }
0x74: {  	_ =	shalt  }
0x75: {  	_ =	shalt  }
0x76: {  	_ =	shalt  }
0x77: {  	_ =	shalt  }
0x78: {  	_ =	shalt  }
0x79: {  	_ =	shalt  }
0x7a: {  	_ =	shalt  }
0x7b: {  	_ =	shalt  }
0x7c: {  	_ =	shalt  }
0x7d: {  	_ =	shalt  }
0x7e: {  	_ =	shalt  }
0x7f: {  	_ =	shalt  }
0x80: {  	_ =	shalt  }
0x81: {  	_ =	shalt  }
0x82: {  	_ =	shalt  }
0x83: {  	_ =	shalt  }
0x84: {  	_ =	shalt  }
0x85: {  	_ =	shalt  }
0x86: {  	_ =	shalt  }
0x87: {  	_ =	shalt  }
.Lfunc_end0:
.L_simem_size_0:
called_computation.2_lowered:
.L_overlay_start_0:
0x88: {  	s2 =	sld [smem:$0x3FD9]  }
0x89: {  	s3 =	sld [smem:$0x3FFE];
	_ =	sdelay $0x1  }
0x8a: {  	s1 =	srdreg.scid  }
0x8b: {  	s0 =	sand.u32 $0x1, s1  }
0x8c: {  	s14 =	sshll.u32 s0, $0xA;
	s2 =	sadd.s32 s3, s2  }
0x8d: {  	s2 =	sadd.s32 s2, s14  }
0x8e: {  	[smem:$0x3FC1] =	sst s2  }
0x8f: {  	_ = 	snop  }
0x90: {  	s2 =	sld [smem:$0x3FD0];
	_ =	sdelay $0x2  }
0x91: {  	s15 =	simm.s32 $0xA;
	s4 =	simm.s32 $0x10  }
0x92: {  	[smem:s4], [sflag:s15] =	dma.local [hbm:s2], $0x1  }
0x93: {  	_ =	swait.eq [sflag:s15], $0x1  }
0x94: {  	[sflag:s15] =	ssyncset.done $0x0  }
0x95: {  	[sflag:s15] =	ssyncadd.s32 $0xFFFFFFFF  }
0x96: {  	s16 =	sld [smem:$0x11];
	(tm) =	ssettm $0x1  }
0x97: {  	s17 =	sld [smem:$0x3FFB];
	_ =	sdelay $0x3  }
0x98: {  	_ =	strace s17  }
0x99: {  	s3 =	sld [smem:$0x3FFC];
	_ =	sdelay $0x3  }
0x9a: {  	_ =	strace s3  }
0x9b: {  	s3 =	sld [smem:$0x3FFD];
	_ =	sdelay $0x3  }
0x9c: {  	_ =	strace s3  }
0x9d: {  	_ =	strace $0x8FFFFFFF  }
0x9e: {  	s18 =	sld [smem:$0x3FDB];
	_ =	sdelay $0x1  }
0x9f: {  	s19 =	simm.s32 $_scs_section_size  }
0xa0: {  	s5 =	simm.s32 $_size__tile_overlayer_lowered;
	s6 =	simm.s32 $_tile_overlayer_lowered  }
0xa1: {  	s22 =	simm.s32 $0x1BFF;
	s21 =	sshll.u32 s6, $0x1;
	s3 =	sadd.s32 s19, s18  }
0xa2: {  	s7 =	simm.s32 $0x0;
	s20 =	sshll.u32 s5, $0x1;
	s5 =	sadd.s32 s21, s3  }
0xa3: {  	[timem:s7], [sflag:s22] =	dma.local [hbm:s5], s20  }
0xa4: {  	_ =	swait.ge [sflag:s22], s20  }
0xa5: {  	s4 =	ssub.s32 $0x0, s20;
	[sflag:s22] =	ssyncset.done $0x0  }
0xa6: {  	[sflag:s22] =	ssyncadd.s32 s4;
	_ =	sdelay $0x1  }
0xa7: {  	s23 =	simm.s32 $0x1B8B  }
0xa8: {  	_ =	swait.ge [sflag:s23], $0x1  }
0xa9: {  	[sflag:s23] =	ssyncset.done $0x0  }
0xaa: {  	s25 =	simm.s32 $0x1B8E;
	s24 =	sld [smem:$0x3FFE];
	[sflag:s23] =	ssyncadd.s32 $0xFFFFFFFF  }
0xab: {  	s26 =	simm.s32 $execute0_lowered;
	[smem:$0x3FD2] =	sst s25  }
0xac: {  	s5 =	sshll.u32 s26, $0x1;
	_ =	strace $0x8000004C;
	[dreg:$0x1] =	wrdreg $0xFFFFFFFF  }
0xad: {  	s28 =	simm.s32 $_size_execute0_lowered;
	s3 =	sadd.s32 s3, s5;
	[dreg:$0x0] =	wrdreg $0x0  }
0xae: {  	s5 =	sshll.u32 s28, $0x1;
	[dreg:$0x2] =	wrdreg s3  }
0xaf: {  	[dreg:$0x3] =	wrdreg s5  }
0xb0: {  	[dreg:$0x4] =	wrdreg $0xC0  }
0xb1: {  	_ =	task [dreg:s7], $0x5FFFF  }
0xb2: {  	[dreg:$0x1] =	wrdreg $0xFFFFFFFF  }
0xb3: {  	[dreg:$0x0] =	wrdreg $0x60  }
0xb4: {  	[dreg:$0x2] =	wrdreg s24  }
0xb5: {  	[dreg:$0x3] =	wrdreg s16  }
0xb6: {  	[dreg:$0x4] =	wrdreg $0x6C000  }
0xb7: {  	[dreg:$0x5] =	wrdreg $0x9  }
0xb8: {  	_ =	task.clear_ibuf [dreg:s7], $0x6FFFF;
	_ =	strace $0x9000004C  }
0xb9: {  	s29 =	simm.s32 $0x9;
	_ =	strace $0x8000004E  }
0xba: {  	_ =	swait.ge [sflag:s29], $0x1  }
0xbb: {  	[sflag:s29] =	ssyncadd.s32 $0xFFFFFFFF  }
0xbc: {  	_ =	strace $0x9000004E  }
0xbd: {  	_ =	sfence  }
0xbe: {  	s30 =	sld [smem:$0x0];
	_ =	sdelay $0x2  }
0xbf: {  	s31 =	sshll.u32 s1, $0xD;
	s1 =	sshrl.u32 s1, $0x2  }
0xc0: {  	s3 =	sand.u32 $0x4000, s31;
	s1 =	sadd.s32 s1, s30  }
0xc1: {  	s0 =	sor.u32 s3, s0;
	s1 =	sshll.u32 s1, $0x11  }
0xc2: {  	s0 =	sor.u32 s1, s0  }
0xc3: {  	s0 =	sadd.s32 $0x8F2B, s0  }
0xc4: {  	[sflag:s0] =	ssyncadd.remote.s32 $0x1  }
0xc5: {  	_ =	sfence.sel $0xFFFF  }
0xc6: {  	[dreg:$0x0] =	wrdreg $0xFFFFFFFF;
	(pc) =	sbr.abs _section_cstart, $3  }
0xc7: {  	[dreg:$0x1] =	wrdreg $0xFFFFFFFF  }
0xc8: {  	_ =	task.clear_ibuf [dreg:s7], $0x2FFFF;
	_ =	strace $0x9FFFFFFF  }
0xc9: {  	(tm) =	ssettm $0x7FFFFFFF  }
tec
execute0_lowered:
.L_overlay_start_1:
0x0: {  	(tag) =	ssettag $0x1  }
0x1: {  	s0 =	rddreg [dreg:$0x0]  }
0x2: {  	s3 =	rddreg [dreg:$0x2];
	s1 =	srdreg.scid  }
0x3: {  	s10 =	stileid.u32;
	s4 =	simm.s32 $0x0;
	s15 =	simm.s32 $0xA  }
0x4: {  	s17 =	simm.s32 $0x1;
	s18 =	simm.s32 $0x80;
	s19 =	simm.s32 $0x2  }
0x5: {  	s20 =	simm.s32 $0x3;
	s21 =	simm.s32 $0x4;
	s22 =	simm.s32 $0x5  }
0x6: {  	s23 =	simm.s32 $0x6;
	s24 =	simm.s32 $0x7;
	s25 =	simm.s32 $0x9  }
0x7: {  	s1 =	sand.u32 $0x1, s1;
	s2 =	smul.u32 $0x3100, s10;
	[smem:$0x7FF] =	sst s4  }
0x8: {  	s5 =	sadd.s32 $0x94C00, s0;
	s6 =	sadd.s32 $0x1400, s0;
	s9 =	smul.u32 $0x62000, s10  }
0x9: {  	s8 =	smul.u32 $0x31000, s1;
	s26 =	ssub.s32 $0x2, s1;
	s1 =	sshll.u32 s1, $0x4  }
0xa: {  	s7 =	sadd.s32 $0x32C00, s0;
	_ =	strace $0x8000004D;
	s1 =	sor.u32 s10, s1  }
0xb: {  	s28 =	sshrl.u32 s26, $0x1;
	s9 =	sshrl.u32 s9, $0x2;
	s11 =	smul.u32 $0x18C0, s1  }
0xc: {  	s10 =	sshll.u32 s10, $0x6;
	s2 =	sadd.s32 s2, s8;
	s12 =	sadd.s32 s9, s3  }
.Ltmp0:
0xd: {  	s8 =	sor.u32 $0x1C0A, s10;
	s29 =	sadd.s32 s5, s11;
	(pc) =	sbr.rel .LBB2_1-.Ltmp0, $4  }
0xe: {  	s0 =	sadd.s32 s2, s0;
	s30 =	sadd.s32 s6, s11;
	[dreg:$0x4] =	wrdreg s29  }
0xf: {  	s2 =	ssub.s32 s26, s28;
	s0 =	sadd.s32 $0x748400, s0;
	[dreg:$0x5] =	wrdreg s30  }
0x10: {  	s9 =	smul.u32 $0x18C, s1;
	s31 =	smax.u32 s2, $0x1;
	[dreg:$0x6] =	wrdreg s0  }
0x11: {  	s14 =	sshrl.u32 s12, $0x3;
	s26 =	simm.s32 $0x0;
	[dreg:$0x7] =	wrdreg s31  }
.LBB2_5:
0x12: {  	_ =	swait.ge [sflag:s25], $0x800  }
0x13: {  	[sflag:s25] =	ssyncset.done $0x0  }
0x14: {  	[sflag:s25] =	ssyncadd.s32 $0xFFFFF800  }
0x15: {  	_ =	swait.ge [sflag:s25], $0x800  }
0x16: {  	[sflag:s25] =	ssyncset.done $0x0  }
0x17: {  	[sflag:s25] =	ssyncadd.s32 $0xFFFFF800  }
0x18: {  	_ =	swait.ge [sflag:s25], $0x800  }
0x19: {  	[sflag:s25] =	ssyncset.done $0x0  }
0x1a: {  	[sflag:s25] =	ssyncadd.s32 $0xFFFFF800  }
0x1b: {  	_ =	swait.ge [sflag:s25], $0x800  }
0x1c: {  	[sflag:s25] =	ssyncset.done $0x0  }
0x1d: {  	[sflag:s25] =	ssyncadd.s32 $0xFFFFF800  }
0x1e: {  	_ =	swait.ge [sflag:s25], $0x800  }
0x1f: {  	[sflag:s25] =	ssyncset.done $0x0  }
0x20: {  	[sflag:s25] =	ssyncadd.s32 $0xFFFFF800  }
0x21: {  	_ =	swait.ge [sflag:s25], $0x800  }
0x22: {  	[sflag:s25] =	ssyncset.done $0x0  }
0x23: {  	[sflag:s25] =	ssyncadd.s32 $0xFFFFF800  }
0x24: {  	[bflag:$0x0] =	sbarrier.arrive $0xFFFF  }
0x25: {  	s0 =	rddreg [dreg:$0x6]  }
0x26: {  	[hbm:s0], [sflag:s8] =	dma.local [spmem:s14], $0x3100  }
0x27: {  	_ =	swait.ge [sflag:s15], $0x3100  }
0x28: {  	s26 =	sadd.s32 $0x1, s26;
	s31 =	rddreg [dreg:$0x7]  }
0x29: {  	p0 =	sne.s32 s26, s31  }
.Ltmp1:
0x2a: {  	_ = 	snop;
	(pc) =	sbr.rel @!p0 .LBB2_6-.Ltmp1, $3  }
0x2b: {  	_ =	sdelay $0x1  }
0x2c: {  	[sflag:s15] =	ssyncset.done $0x0  }
0x2d: {  	[sflag:s15] =	ssyncadd.s32 $0xFFFFCF00  }
.LBB2_1:
0x2e: {  	s0 =	rddreg [dreg:$0x1]  }
0x2f: {  	[spmem:s14], [sflag:s8] =	dma.local [hbm:s0], $0x3100  }
0x30: {  	_ =	swait.ge [sflag:s15], $0x3100  }
0x31: {  	[sflag:s15] =	ssyncset.done $0x0  }
0x32: {  	[sflag:s15] =	ssyncadd.s32 $0xFFFFCF00  }
.Ltmp2:
0x33: {  	[bflag:$0x0] =	sbarrier.arrive $0xFFFF;
	(pc) =	sbr.rel .LBB2_2-.Ltmp2, $4  }
0x34: {  	s30 =	rddreg [dreg:$0x4]  }
0x35: {  	[tilespmem:s4], [sflag:$0x1] =	stream.linear.gather [hbm4b:s30+s4], $0x300, $0x38;
	[tilespmem:$0x1F400] =	vst v63  }
0x36: {  	s1 =	simm.s32 $0x600;
	s10 =	simm.s32 $0x0;
	s31 =	rddreg [dreg:$0x5]  }
0x37: {  	[tilespmem:s1], [sflag:$0x1] =	stream.linear.gather [hbm4b:s31+s4], $0x300, $0x38;
	[tilespmem:$0x1F400] =	vst v63  }
.LBB2_4:
0x38: {  	_ =	swait.ge [sflag:s19], $0x800  }
0x39: {  	[sflag:s19] =	ssyncset.done $0x0  }
0x3a: {  	s10 =	sadd.s32 $0x600, s28;
	s12 =	sor.u32 $0x8, s31;
	[sflag:s19] =	ssyncadd.s32 $0xFFFFF800  }
0x3b: {  	[spmem:s3] =	stream.indirect.scatter.add.f32 [tilespmem:s16], [sflag:s12], $0x10, s10, s18, $0xb8;
	[tilespmem:$0x1F400] =	vst v63  }
0x3c: {  	_ =	swait.ge [sflag:s20], $0x800  }
0x3d: {  	[sflag:s20] =	ssyncset.done $0x0  }
0x3e: {  	s31 =	sadd.s32 $0x680, s28;
	[sflag:s20] =	ssyncadd.s32 $0xFFFFF800  }
0x3f: {  	[spmem:s3] =	stream.indirect.scatter.add.f32 [tilespmem:s2], [sflag:s12], $0x10, s31, s18, $0xb8;
	[tilespmem:$0x1F400] =	vst v63  }
0x40: {  	_ =	swait.ge [sflag:s21], $0x800  }
0x41: {  	[sflag:s21] =	ssyncset.done $0x0  }
0x42: {  	s10 =	sadd.s32 $0x700, s28;
	[sflag:s21] =	ssyncadd.s32 $0xFFFFF800  }
0x43: {  	[spmem:s3] =	stream.indirect.scatter.add.f32 [tilespmem:s1], [sflag:s12], $0x10, s10, s18, $0xb8;
	[tilespmem:$0x1F400] =	vst v63  }
0x44: {  	_ =	swait.ge [sflag:s22], $0x800  }
0x45: {  	[sflag:s22] =	ssyncset.done $0x0  }
0x46: {  	s13 =	sadd.s32 $0x780, s28;
	[sflag:s22] =	ssyncadd.s32 $0xFFFFF800  }
0x47: {  	[spmem:s3] =	stream.indirect.scatter.add.f32 [tilespmem:s0], [sflag:s12], $0x10, s13, s18, $0xb8;
	[tilespmem:$0x1F400] =	vst v63  }
0x48: {  	_ =	swait.ge [sflag:s23], $0x800  }
0x49: {  	[sflag:s23] =	ssyncset.done $0x0  }
0x4a: {  	p0 =	slt.u32 s11, $0x42;
	s16 =	sor.u32 $0x800, s28;
	[sflag:s23] =	ssyncadd.s32 $0xFFFFF800  }
0x4b: {  	[spmem:s3] =	stream.indirect.scatter.add.f32 [tilespmem:s30], [sflag:s12], $0x10, s16, s18, $0xb8;
	[tilespmem:$0x1F400] =	vst v63  }
.Ltmp3:
0x4c: {  	_ = 	snop;
	(pc) =	sbr.rel @!p0 .LBB2_5-.Ltmp3, $4  }
0x4d: {  	_ =	swait.ge [sflag:s24], $0x800  }
0x4e: {  	[sflag:s24] =	ssyncset.done $0x0  }
0x4f: {  	s31 =	sadd.s32 $0x880, s28;
	s10 =	smov.u32 s11;
	[sflag:s24] =	ssyncadd.s32 $0xFFFFF800  }
0x50: {  	[spmem:s3] =	stream.indirect.scatter.add.f32 [tilespmem:s29], [sflag:s12], $0x10, s31, s18, $0xb8;
	[tilespmem:$0x1F400] =	vst v63  }
.LBB2_2:
0x51: {  	_ =	swait.ge [sflag:s17], $0x300  }
0x52: {  	s31 =	sand.u32 $0x1, s10;
	[sflag:s17] =	ssyncset.done $0x0  }
0x53: {  	s0 =	smul.u32 $0xC000, s31;
	[sflag:s17] =	ssyncadd.s32 $0xFFFFFD00  }
0x54: {  	_ =	swait.ge [sflag:s17], $0x300  }
0x55: {  	s28 =	smul.u32 $0x300, s31;
	s11 =	sshrl.u32 s0, $0x2;
	[sflag:s17] =	ssyncset.done $0x0  }
0x56: {  	s16 =	sor.u32 $0xC00, s11;
	[sflag:s17] =	ssyncadd.s32 $0xFFFFFD00  }
0x57: {  	[tilespmem:s16], [sflag:$0x2] =	stream.indirect.gather [hbm4b:s7+s18], $0x10, s28, s18, $0xb8;
	[tilespmem:$0x1F400] =	vst v63  }
0x58: {  	s1 =	sor.u32 $0x80, s28;
	s2 =	sadd.s32 $0x1400, s11  }
0x59: {  	[tilespmem:s2], [sflag:$0x3] =	stream.indirect.gather [hbm4b:s7+s18], $0x10, s1, s18, $0xb8;
	[tilespmem:$0x1F400] =	vst v63  }
0x5a: {  	s12 =	sadd.s32 $0x100, s28;
	s1 =	sadd.s32 $0x1C00, s11  }
0x5b: {  	[tilespmem:s1], [sflag:$0x4] =	stream.indirect.gather [hbm4b:s7+s18], $0x10, s12, s18, $0xb8;
	[tilespmem:$0x1F400] =	vst v63  }
0x5c: {  	p0 =	seq.s32 s10, $0x0;
	s0 =	sadd.s32 $0x2400, s11;
	s12 =	sadd.s32 $0x180, s28  }
0x5d: {  	[tilespmem:s0], [sflag:$0x5] =	stream.indirect.gather [hbm4b:s7+s18], $0x10, s12, s18, $0xb8;
	[tilespmem:$0x1F400] =	vst v63  }
0x5e: {  	s13 =	sadd.s32 $0x200, s28;
	s30 =	sadd.s32 $0x2C00, s11;
	s12 =	sxor.u32 @!p0 $0x1, s31  }
0x5f: {  	[tilespmem:s30], [sflag:$0x6] =	stream.indirect.gather [hbm4b:s7+s18], $0x10, s13, s18, $0xb8;
	[tilespmem:$0x1F400] =	vst v63  }
0x60: {  	s29 =	sadd.s32 $0x3400, s11;
	s11 =	sor.u32 @!p0 $0x8, s12;
	s13 =	sadd.s32 $0x280, s28  }
0x61: {  	[tilespmem:s29], [sflag:$0x7] =	stream.indirect.gather [hbm4b:s7+s18], $0x10, s13, s18, $0xb8;
	[tilespmem:$0x1F400] =	vst v63  }
0x62: {  	_ =	swait.ge @!p0 [sflag:s11], $0x800  }
0x63: {  	[sflag:s11] =	ssyncset.done @!p0 $0x0  }
0x64: {  	[sflag:s11] =	ssyncadd.s32 @!p0 $0xFFFFF800  }
0x65: {  	_ =	swait.ge @!p0 [sflag:s11], $0x800  }
0x66: {  	[sflag:s11] =	ssyncset.done @!p0 $0x0  }
0x67: {  	[sflag:s11] =	ssyncadd.s32 @!p0 $0xFFFFF800  }
0x68: {  	_ =	swait.ge @!p0 [sflag:s11], $0x800  }
0x69: {  	[sflag:s11] =	ssyncset.done @!p0 $0x0  }
0x6a: {  	[sflag:s11] =	ssyncadd.s32 @!p0 $0xFFFFF800  }
0x6b: {  	_ =	swait.ge @!p0 [sflag:s11], $0x800  }
0x6c: {  	[sflag:s11] =	ssyncset.done @!p0 $0x0  }
0x6d: {  	p1 =	seq.s32 @!p0 s10, $0x41;
	[sflag:s11] =	ssyncadd.s32 @!p0 $0xFFFFF800  }
0x6e: {  	p1 =	por p0, !p1;
	_ =	swait.ge @!p0 [sflag:s11], $0x800  }
.Ltmp4:
0x6f: {  	[sflag:s11] =	ssyncset.done @!p0 $0x0;
	(pc) =	sbr.rel @!p1 .LBB2_4-.Ltmp4, $4  }
0x70: {  	[sflag:s11] =	ssyncadd.s32 @!p0 $0xFFFFF800  }
0x71: {  	_ =	swait.ge @!p0 [sflag:s11], $0x800  }
0x72: {  	[sflag:s11] =	ssyncset.done @!p0 $0x0  }
0x73: {  	[sflag:s11] =	ssyncadd.s32 @!p0 $0xFFFFF800;
	s11 =	simm.s32 @!p0 $0x42  }
0x74: {  	s11 =	sadd.s32 @!p0 $0x1, s10  }
0x75: {  	s11 =	simm.s32 @p0 $0x1  }
0x76: {  	s13 =	smul.u32 $0x6, s11;
	_ =	sdelay $0x1  }
0x77: {  	s12 =	simm.s32 @p0 $0x1;
	s10 =	sadd.s32 s9, s13  }
0x78: {  	s12 =	smul.u32 $0x300, s12;
	s10 =	sshll.u32 s10, $0x4  }
.Ltmp5:
0x79: {  	s10 =	sand.u32 $0x1FFFFFE0, s10;
	(pc) =	sbr.rel .LBB2_4-.Ltmp5, $4  }
0x7a: {  	s13 =	sadd.s32 s5, s10  }
0x7b: {  	[tilespmem:s12], [sflag:$0x1] =	stream.linear.gather [hbm4b:s13+s4], $0x300, $0x38;
	[tilespmem:$0x1F400] =	vst v63  }
0x7c: {  	s10 =	sadd.s32 s6, s10;
	s12 =	sadd.s32 $0x600, s12  }
0x7d: {  	[tilespmem:s12], [sflag:$0x1] =	stream.linear.gather [hbm4b:s10+s4], $0x300, $0x38;
	[tilespmem:$0x1F400] =	vst v63  }
.LBB2_6:
0x7e: {  	_ =	sfence.sel $0x180000  }
0x7f: {  	[bflag:$0x0] =	sbarrier.arrive $0xFFFF  }
0x80: {  	_ =	strace $0x9000004D  }
0x81: {  	s0 =	stileid.u32;
	[bflag:$0x2] =	sbarrier.arrive $0xFFFF  }
0x82: {  	p0 =	sne.s32 s0, $0x0;
	s0 =	rddreg [dreg:$0x3]  }
0x83: {  	s0 =	sadd.s32 @!p0 $0x100000, s0  }
0x84: {  	[sflag:s0] =	ssyncadd.tile.s32 @!p0 $0x1;
	_ =	shalt  }
.Lfunc_end2:
_tile_overlayer_lowered:
.L_overlay_start_2:
0x85: {  	(tag) =	ssettag $0x2  }
0x86: {  	s0 =	rddreg [dreg:$0x0];
	s2 =	stileid.u32  }
0x87: {  	s1 =	rddreg [dreg:$0x1];
	p0 =	sne.s32 s2, $0x0  }
0x88: {  	s3 =	rddreg [dreg:$0x2];
	[bflag:$0x3] =	sbarrier.arrive $0xFFFF;
	s2 =	simm.s32 @!p0 $0x1C0A  }
0x89: {  	[timem:s3], [sflag:s2] =	dma.local @!p0 [hbm:s0], s1  }
0x8a: {  	s0 =	simm.s32 @!p0 $0xA  }
0x8b: {  	_ =	swait.ge @!p0 [sflag:s0], s1  }
0x8c: {  	s1 =	ssub.s32 @!p0 $0x0, s1;
	[sflag:s0] =	ssyncset.done @!p0 $0x0  }
0x8d: {  	[sflag:s0] =	ssyncadd.s32 @!p0 s1  }
0x8e: {  	[bflag:$0x3] =	sbarrier.arrive $0xFFFF  }
0x8f: {  	_ =	shalt  }

// kernel: kernel.9.cloned.1.call-start
scs
__scs_entry_jumppad:
0x0: {  	(pc) =	sbr.rel $0x88, $3  }
0x1: {  	(tag) =	ssettag $0x0;
	lr =	simm.s32 $0x1  }
0x2: {  	[smem:$0x3F9A] =	sst lr;
	_ =	strace $0xD0000000  }
0x3: {  	_ = 	snop  }
0x4: {  	_ = 	snop  }
0x5: {  	_ = 	snop  }
0x6: {  	_ = 	snop  }
0x7: {  	_ = 	snop  }
__scs_overlays_trampoline_lowered:
0x8: {  	[smem:$0x3FA9] =	sst s0  }
0x9: {  	[smem:$0x3FAA] =	sst s1  }
0xa: {  	[smem:$0x3FAB] =	sst s2  }
0xb: {  	[smem:$0x3FAC] =	sst s3  }
0xc: {  	[smem:$0x3FAD] =	sst s4  }
0xd: {  	[smem:$0x3FAE] =	sst s5  }
0xe: {  	[smem:$0x3FAF] =	sst s6  }
0xf: {  	[smem:$0x3FB0] =	sst s7  }
0x10: {  	[smem:$0x3FB1] =	sst s8  }
0x11: {  	[smem:$0x3FB2] =	sst s9;
	s0 =	simm.s32 @!p0 $0x0  }
0x12: {  	s1 =	sld [smem:$0x3F98];
	s0 =	simm.s32 @p0 $0x1  }
0x13: {  	[smem:$0x3FB3] =	sst s0;
	s0 =	simm.s32 @!p1 $0x0  }
0x14: {  	s2 =	sld [smem:$0x3F97];
	s0 =	simm.s32 @p1 $0x1  }
0x15: {  	[smem:$0x3FB4] =	sst s0;
	s0 =	simm.s32 @!p2 $0x0  }
0x16: {  	s3 =	sld [smem:$0x3FDB];
	s0 =	simm.s32 @p2 $0x1  }
0x17: {  	s4 =	simm.s32 $0x1BF5;
	[smem:$0x3FB6] =	sst s0  }
0x18: {  	s0 =	sld [smem:$0x3F99];
	_ =	swait.ge [sflag:s4], $0x0  }
0x19: {  	s7 =	sld [smem:$0x3F9A]  }
0x1a: {  	s8 =	sadd.s32 $0xFFFFE003, lr  }
0x1b: {  	s9 =	sadd.s32 $0xFFFFFEF7, lr;
	s5 =	simm.s32 $0xFFFFFFFF;
	p2 =	slt.u32 s8, $0xFFFFF086  }
0x1c: {  	p1 =	slt.u32 s9, $0xF7A;
	s5 =	simm.s32 @!p2 $0x0  }
0x1d: {  	s5 =	simm.s32 @p1 $0x1;
	p0 =	seq.s32 s7, s2  }
0x1e: {  	s7 =	smul.u32 @!p0 $0xF7A, s2;
	p2 =	seq.s32 @!p0 s5, $0x0  }
0x1f: {  	s9 =	smul.u32 $0xF7A, s1;
	s8 =	simm.s32 @!p0 $0x1BF5;
	p2 =	por !p2, p0  }
0x20: {  	[sflag:s8] =	ssyncset.s32 @!p0 $0xFFFFF086;
	s6 =	sadd.s32 @!p0 s3, s7;
	s7 =	simm.s32 @!p0 $0x108  }
0x21: {  	s3 =	sadd.s32 s3, s9;
	s6 =	sadd.s32 @!p0 $0x88, s6;
	s7 =	simm.s32 @p2 $0x1082  }
0x22: {  	[simem:s7], [sflag:s8] =	dma.local @!p0 [hbm:s6], $0xF7A  }
0x23: {  	s9 =	sor.u32 $0xD0000000, s2;
	s6 =	simm.s32 $0x108;
	_ =	swait.ge @!p0 [sflag:s8], $0x0  }
0x24: {  	s3 =	sadd.s32 $0x88, s3;
	s6 =	simm.s32 @!p1 $0x1082;
	[sflag:s4] =	ssyncset.s32 $0xFFFFF086  }
0x25: {  	[simem:s6], [sflag:s4] =	dma.local [hbm:s3], $0xF7A  }
0x26: {  	[smem:$0x3F9A] =	sst s1;
	(tag) =	ssettag s2;
	_ =	strace s9  }
0x27: {  	s1 =	sld [smem:$0x3FAA]  }
0x28: {  	s2 =	sld [smem:$0x3FAB]  }
0x29: {  	s4 =	sld [smem:$0x3FAD]  }
0x2a: {  	p0 =	seq.s32 s5, $0x0;
	s5 =	sld [smem:$0x3FAE]  }
0x2b: {  	s6 =	sld [smem:$0x3FAF]  }
0x2c: {  	s7 =	sld [smem:$0x3FB0]  }
0x2d: {  	s3 =	simm.s32 $0x108;
	s8 =	sld [smem:$0x3FB1]  }
0x2e: {  	s3 =	simm.s32 @!p0 $0x1082;
	s9 =	sld [smem:$0x3FB2]  }
0x2f: {  	lr =	sadd.s32 s0, s3;
	s0 =	sld [smem:$0x3FA9]  }
0x30: {  	s3 =	sld [smem:$0x3FAC]  }
0x31: {  	[smem:$0x3FB5] =	sst s10  }
0x32: {  	s10 =	sld [smem:$0x3FB3];
	_ =	sdelay $0x3  }
0x33: {  	p0 =	seq.s32 s10, $0x1;
	s10 =	sld [smem:$0x3FB5];
	_ =	sdelay $0x3  }
0x34: {  	[smem:$0x3FB5] =	sst s10  }
0x35: {  	s10 =	sld [smem:$0x3FB4];
	_ =	sdelay $0x3  }
0x36: {  	p1 =	seq.s32 s10, $0x1;
	s10 =	sld [smem:$0x3FB5];
	_ =	sdelay $0x3  }
0x37: {  	[smem:$0x3FB5] =	sst s10  }
0x38: {  	s10 =	sld [smem:$0x3FB6]  }
0x39: {  	_ = 	snop;
	(pc) =	sbr.ind lr, $3  }
0x3a: {  	_ = 	snop  }
0x3b: {  	_ = 	snop  }
0x3c: {  	p2 =	seq.s32 s10, $0x1;
	s10 =	sld [smem:$0x3FB5]  }
0x3d: {  	_ =	shalt  }
0x3e: {  	_ =	shalt  }
0x3f: {  	_ =	shalt  }
0x40: {  	_ =	shalt  }
0x41: {  	_ =	shalt  }
0x42: {  	_ =	shalt  }
0x43: {  	_ =	shalt  }
0x44: {  	_ =	shalt  }
0x45: {  	_ =	shalt  }
0x46: {  	_ =	shalt  }
0x47: {  	_ =	shalt  }
0x48: {  	_ =	shalt  }
0x49: {  	_ =	shalt  }
0x4a: {  	_ =	shalt  }
0x4b: {  	_ =	shalt  }
0x4c: {  	_ =	shalt  }
0x4d: {  	_ =	shalt  }
0x4e: {  	_ =	shalt  }
0x4f: {  	_ =	shalt  }
0x50: {  	_ =	shalt  }
0x51: {  	_ =	shalt  }
0x52: {  	_ =	shalt  }
0x53: {  	_ =	shalt  }
0x54: {  	_ =	shalt  }
0x55: {  	_ =	shalt  }
0x56: {  	_ =	shalt  }
0x57: {  	_ =	shalt  }
0x58: {  	_ =	shalt  }
0x59: {  	_ =	shalt  }
0x5a: {  	_ =	shalt  }
0x5b: {  	_ =	shalt  }
0x5c: {  	_ =	shalt  }
0x5d: {  	_ =	shalt  }
0x5e: {  	_ =	shalt  }
0x5f: {  	_ =	shalt  }
0x60: {  	_ =	shalt  }
0x61: {  	_ =	shalt  }
0x62: {  	_ =	shalt  }
0x63: {  	_ =	shalt  }
0x64: {  	_ =	shalt  }
0x65: {  	_ =	shalt  }
0x66: {  	_ =	shalt  }
0x67: {  	_ =	shalt  }
0x68: {  	_ =	shalt  }
0x69: {  	_ =	shalt  }
0x6a: {  	_ =	shalt  }
0x6b: {  	_ =	shalt  }
0x6c: {  	_ =	shalt  }
0x6d: {  	_ =	shalt  }
0x6e: {  	_ =	shalt  }
0x6f: {  	_ =	shalt  }
0x70: {  	_ =	shalt  }
0x71: {  	_ =	shalt  }
0x72: {  	_ =	shalt  }
0x73: {  	_ =	shalt  }
0x74: {  	_ =	shalt  }
0x75: {  	_ =	shalt  }
0x76: {  	_ =	shalt  }
0x77: {  	_ =	shalt  }
0x78: {  	_ =	shalt  }
0x79: {  	_ =	shalt  }
0x7a: {  	_ =	shalt  }
0x7b: {  	_ =	shalt  }
0x7c: {  	_ =	shalt  }
0x7d: {  	_ =	shalt  }
0x7e: {  	_ =	shalt  }
0x7f: {  	_ =	shalt  }
0x80: {  	_ =	shalt  }
0x81: {  	_ =	shalt  }
0x82: {  	_ =	shalt  }
0x83: {  	_ =	shalt  }
0x84: {  	_ =	shalt  }
0x85: {  	_ =	shalt  }
0x86: {  	_ =	shalt  }
0x87: {  	_ =	shalt  }
.Lfunc_end0:
.L_simem_size_0:
called_computation_lowered:
.L_overlay_start_0:
0x88: {  	s2 =	sld [smem:$0x3FD9]  }
0x89: {  	s3 =	sld [smem:$0x3FFE];
	_ =	sdelay $0x1  }
0x8a: {  	s1 =	srdreg.scid  }
0x8b: {  	s0 =	sand.u32 $0x1, s1  }
0x8c: {  	s14 =	sshll.u32 s0, $0xA;
	s2 =	sadd.s32 s3, s2  }
0x8d: {  	s2 =	sadd.s32 s2, s14  }
0x8e: {  	[smem:$0x3FC1] =	sst s2  }
0x8f: {  	_ = 	snop  }
0x90: {  	s2 =	sld [smem:$0x3FD0];
	_ =	sdelay $0x2  }
0x91: {  	s15 =	simm.s32 $0xA;
	s4 =	simm.s32 $0x10  }
0x92: {  	[smem:s4], [sflag:s15] =	dma.local [hbm:s2], $0x1  }
0x93: {  	_ =	swait.eq [sflag:s15], $0x1  }
0x94: {  	[sflag:s15] =	ssyncset.done $0x0  }
0x95: {  	s16 =	sld [smem:$0x10];
	[sflag:s15] =	ssyncadd.s32 $0xFFFFFFFF  }
0x96: {  	s17 =	sld [smem:$0x11];
	(tm) =	ssettm $0x1  }
0x97: {  	s18 =	sld [smem:$0x3FFB];
	_ =	sdelay $0x3  }
0x98: {  	_ =	strace s18  }
0x99: {  	s4 =	sld [smem:$0x3FFC];
	_ =	sdelay $0x3  }
0x9a: {  	_ =	strace s4  }
0x9b: {  	s4 =	sld [smem:$0x3FFD];
	_ =	sdelay $0x3  }
0x9c: {  	_ =	strace s4  }
0x9d: {  	_ =	strace $0x8FFFFFFF  }
0x9e: {  	s19 =	sld [smem:$0x3FDB];
	_ =	sdelay $0x1  }
0x9f: {  	s5 =	simm.s32 $_scs_section_size  }
0xa0: {  	s6 =	simm.s32 $_size__tile_overlayer_lowered;
	s7 =	simm.s32 $_tile_overlayer_lowered  }
0xa1: {  	s22 =	simm.s32 $0x1BFF;
	s21 =	sshll.u32 s7, $0x1;
	s4 =	sadd.s32 s5, s19  }
0xa2: {  	s8 =	simm.s32 $0x0;
	s20 =	sshll.u32 s6, $0x1;
	s6 =	sadd.s32 s21, s4  }
0xa3: {  	[timem:s8], [sflag:s22] =	dma.local [hbm:s6], s20  }
0xa4: {  	_ =	swait.ge [sflag:s22], s20  }
0xa5: {  	s5 =	ssub.s32 $0x0, s20;
	[sflag:s22] =	ssyncset.done $0x0  }
0xa6: {  	[sflag:s22] =	ssyncadd.s32 s5;
	_ =	sdelay $0x1  }
0xa7: {  	s23 =	simm.s32 $0x1B8B  }
0xa8: {  	_ =	swait.ge [sflag:s23], $0x1  }
0xa9: {  	[sflag:s23] =	ssyncset.done $0x0  }
0xaa: {  	s25 =	simm.s32 $0x1B8E;
	s24 =	sld [smem:$0x3FFE];
	[sflag:s23] =	ssyncadd.s32 $0xFFFFFFFF  }
0xab: {  	s26 =	simm.s32 $execute0_lowered;
	[smem:$0x3FD2] =	sst s25  }
0xac: {  	s6 =	sshll.u32 s26, $0x1;
	_ =	strace $0x80000046;
	[dreg:$0x1] =	wrdreg $0xFFFFFFFF  }
0xad: {  	s28 =	simm.s32 $_size_execute0_lowered;
	s4 =	sadd.s32 s4, s6;
	[dreg:$0x0] =	wrdreg $0x0  }
0xae: {  	s6 =	sshll.u32 s28, $0x1;
	[dreg:$0x2] =	wrdreg s4  }
0xaf: {  	[dreg:$0x3] =	wrdreg s6  }
0xb0: {  	[dreg:$0x4] =	wrdreg $0xC0  }
0xb1: {  	_ =	task [dreg:s8], $0x5FFFF  }
0xb2: {  	[dreg:$0x1] =	wrdreg $0xFFFFFFFF  }
0xb3: {  	[dreg:$0x0] =	wrdreg $0x60  }
0xb4: {  	[dreg:$0x2] =	wrdreg s24  }
0xb5: {  	[dreg:$0x3] =	wrdreg s16  }
0xb6: {  	[dreg:$0x4] =	wrdreg s17  }
0xb7: {  	[dreg:$0x5] =	wrdreg $0xE000  }
0xb8: {  	[dreg:$0x6] =	wrdreg $0x9  }
0xb9: {  	_ =	task.clear_ibuf [dreg:s8], $0x7FFFF;
	_ =	strace $0x90000046  }
0xba: {  	s29 =	simm.s32 $0x9;
	_ =	strace $0x80000048  }
0xbb: {  	_ =	swait.ge [sflag:s29], $0x1  }
0xbc: {  	[sflag:s29] =	ssyncadd.s32 $0xFFFFFFFF  }
0xbd: {  	_ =	strace $0x90000048  }
0xbe: {  	_ =	sfence  }
0xbf: {  	s30 =	sld [smem:$0x0];
	_ =	sdelay $0x2  }
0xc0: {  	s31 =	sshll.u32 s1, $0xD;
	s1 =	sshrl.u32 s1, $0x2  }
0xc1: {  	s3 =	sand.u32 $0x4000, s31;
	s1 =	sadd.s32 s1, s30  }
0xc2: {  	s0 =	sor.u32 s3, s0;
	s1 =	sshll.u32 s1, $0x11  }
0xc3: {  	s0 =	sor.u32 s1, s0  }
0xc4: {  	s0 =	sadd.s32 $0x8F2B, s0  }
0xc5: {  	[sflag:s0] =	ssyncadd.remote.s32 $0x1  }
0xc6: {  	_ =	sfence.sel $0xFFFF  }
0xc7: {  	[dreg:$0x0] =	wrdreg $0xFFFFFFFF;
	(pc) =	sbr.abs _section_cstart, $3  }
0xc8: {  	[dreg:$0x1] =	wrdreg $0xFFFFFFFF  }
0xc9: {  	_ =	task.clear_ibuf [dreg:s8], $0x2FFFF;
	_ =	strace $0x9FFFFFFF  }
0xca: {  	(tm) =	ssettm $0x7FFFFFFF  }
0xcb: {  	_ =	shalt  }
tec
execute0_lowered:
.L_overlay_start_1:
0x0: {  	(tag) =	ssettag $0x1  }
0x1: {  	s7 =	rddreg [dreg:$0x0]  }
0x2: {  	s1 =	rddreg [dreg:$0x1]  }
0x3: {  	s3 =	rddreg [dreg:$0x2]  }
0x4: {  	s4 =	rddreg [dreg:$0x3]  }
0x5: {  	s0 =	rddreg [dreg:$0x4];
	s6 =	srdreg.scid  }
0x6: {  	s2 =	stileid.u32;
	s5 =	simm.s32 $0x0;
	s14 =	simm.s32 $0x600  }
0x7: {  	s15 =	simm.s32 $0x1;
	s16 =	simm.s32 $0x80;
	s9 =	smul.u32 $0x3100, s2  }
0x8: {  	s17 =	simm.s32 $0x3;
	s18 =	simm.s32 $0x0;
	s11 =	smul.u32 $0x62000, s2  }
0x9: {  	s8 =	sand.u32 $0x1, s6;
	[smem:$0x7FF] =	sst s5;
	s30 =	smul.u32 $0x18C, s2  }
0xa: {  	s6 =	sadd.s32 $0x1400, s7;
	s31 =	sshll.u32 s2, $0x6;
	s10 =	smul.u32 $0x31000, s8  }
0xb: {  	_ =	strace $0x80000047;
	s26 =	ssub.s32 $0x2, s8;
	s12 =	smul.u32 $0x18C0, s8  }
0xc: {  	s8 =	sshll.u32 s8, $0x4;
	s28 =	sshrl.u32 s26, $0x1;
	s29 =	sshrl.u32 s11, $0x2  }
.Ltmp0:
0xd: {  	s8 =	sor.u32 s2, s8;
	s9 =	sadd.s32 s9, s10;
	(pc) =	sbr.rel .LBB2_1-.Ltmp0, $4  }
0xe: {  	s10 =	ssub.s32 s26, s28;
	s13 =	sadd.s32 s29, s4;
	s11 =	sadd.s32 s30, s12  }
0xf: {  	s8 =	smul.u32 $0x18C0, s8;
	s9 =	sadd.s32 s9, s7;
	s7 =	sor.u32 $0x1C04, s31  }
0x10: {  	s11 =	sshll.u32 s11, $0x4;
	s10 =	smax.u32 s10, $0x1;
	s12 =	sshrl.u32 s13, $0x3  }
0x11: {  	s13 =	simm.s32 $0x4;
	s9 =	sadd.s32 $0x32C00, s9;
	s11 =	sadd.s32 $0x60, s11  }
.LBB2_4:
0x12: {  	_ =	swait.ge [sflag:s17], $0x800  }
0x13: {  	[sflag:s17] =	ssyncset.done $0x0  }
0x14: {  	[sflag:s17] =	ssyncadd.s32 $0xFFFFF800  }
0x15: {  	_ =	swait.ge [sflag:s17], $0x800  }
0x16: {  	[sflag:s17] =	ssyncset.done $0x0  }
0x17: {  	[sflag:s17] =	ssyncadd.s32 $0xFFFFF800  }
0x18: {  	_ =	swait.ge [sflag:s17], $0x800  }
0x19: {  	[sflag:s17] =	ssyncset.done $0x0  }
0x1a: {  	[sflag:s17] =	ssyncadd.s32 $0xFFFFF800  }
0x1b: {  	_ =	swait.ge [sflag:s17], $0x800  }
0x1c: {  	[sflag:s17] =	ssyncset.done $0x0  }
0x1d: {  	[sflag:s17] =	ssyncadd.s32 $0xFFFFF800  }
0x1e: {  	_ =	swait.ge [sflag:s17], $0x800  }
0x1f: {  	[sflag:s17] =	ssyncset.done $0x0  }
0x20: {  	[sflag:s17] =	ssyncadd.s32 $0xFFFFF800  }
0x21: {  	_ =	swait.ge [sflag:s17], $0x800  }
0x22: {  	s18 =	sadd.s32 $0x1, s18;
	[sflag:s17] =	ssyncset.done $0x0  }
0x23: {  	p0 =	sne.s32 s18, s10;
	[sflag:s17] =	ssyncadd.s32 $0xFFFFF800  }
.Ltmp1:
0x24: {  	[bflag:$0x0] =	sbarrier.arrive $0xFFFF;
	(pc) =	sbr.rel @!p0 .LBB2_5-.Ltmp1, $4  }
0x25: {  	[hbm:s9], [sflag:s7] =	dma.local [spmem:s12], $0x3100  }
0x26: {  	_ =	swait.ge [sflag:s13], $0x3100  }
0x27: {  	[sflag:s13] =	ssyncset.done $0x0  }
0x28: {  	[sflag:s13] =	ssyncadd.s32 $0xFFFFCF00  }
.LBB2_1:
0x29: {  	[spmem:s12], [sflag:s7] =	dma.local [hbm:s3], $0x3100  }
0x2a: {  	_ =	swait.ge [sflag:s13], $0x3100  }
0x2b: {  	[sflag:s13] =	ssyncset.done $0x0  }
0x2c: {  	[sflag:s13] =	ssyncadd.s32 $0xFFFFCF00  }
0x2d: {  	[tilespmem:s14], [sflag:$0x4] =	stream.linear.gather [hbm4b:s1+s5], $0x800, $0x38;
	[tilespmem:$0x19600] =	vst v63  }
0x2e: {  	_ =	swait.ge [sflag:s13], $0x800  }
0x2f: {  	[sflag:s13] =	ssyncset.done $0x0  }
0x30: {  	s19 =	simm.s32 $0x0;
	s20 =	smov.u32 s11;
	[sflag:s13] =	ssyncadd.s32 $0xFFFFF800  }
0x31: {  	s21 =	smov.u32 s8;
	s22 =	simm.s32 $0x0;
	[bflag:$0x0] =	sbarrier.arrive $0xFFFF  }
.LBB2_2:
0x32: {  	s21 =	sadd.s32 s6, s21  }
0x33: {  	[tilespmem:s22], [sflag:$0x1] =	stream.linear.gather [hbm4b:s21+s5], $0x300, $0x38;
	[tilespmem:$0x19600] =	vst v63  }
0x34: {  	s21 =	sand.u32 $0x1, s19  }
0x35: {  	s28 =	smul.u32 $0xC00, s21;
	_ =	swait.ge [sflag:s15], $0x300  }
0x36: {  	[sflag:s15] =	ssyncset.done $0x0  }
0x37: {  	s23 =	sor.u32 $0x2, s21;
	s22 =	sshrl.u32 s28, $0x2;
	[sflag:s15] =	ssyncadd.s32 $0xFFFFFD00  }
0x38: {  	[spmem:s4] =	stream.indirect.scatter.add.f32 [tilespmem:s14], [sflag:s23], $0x10, s22, s16, $0xb8;
	[tilespmem:$0x19600] =	vst v63  }
0x39: {  	s24 =	sor.u32 $0x80, s22  }
0x3a: {  	[spmem:s4] =	stream.indirect.scatter.add.f32 [tilespmem:s14], [sflag:s23], $0x10, s24, s16, $0xb8;
	[tilespmem:$0x19600] =	vst v63  }
0x3b: {  	s29 =	sadd.s32 $0x100, s22  }
0x3c: {  	[spmem:s4] =	stream.indirect.scatter.add.f32 [tilespmem:s14], [sflag:s23], $0x10, s29, s16, $0xb8;
	[tilespmem:$0x19600] =	vst v63  }
0x3d: {  	s30 =	sadd.s32 $0x180, s22  }
0x3e: {  	[spmem:s4] =	stream.indirect.scatter.add.f32 [tilespmem:s14], [sflag:s23], $0x10, s30, s16, $0xb8;
	[tilespmem:$0x19600] =	vst v63  }
0x3f: {  	p0 =	seq.s32 s19, $0x0;
	s31 =	sadd.s32 $0x200, s22  }
0x40: {  	[spmem:s4] =	stream.indirect.scatter.add.f32 [tilespmem:s14], [sflag:s23], $0x10, s31, s16, $0xb8;
	[tilespmem:$0x19600] =	vst v63  }
0x41: {  	s21 =	sxor.u32 @!p0 $0x1, s21;
	s22 =	sadd.s32 $0x280, s22  }
0x42: {  	[spmem:s4] =	stream.indirect.scatter.add.f32 [tilespmem:s14], [sflag:s23], $0x10, s22, s16, $0xb8;
	[tilespmem:$0x19600] =	vst v63  }
0x43: {  	s22 =	sor.u32 @!p0 $0x2, s21  }
0x44: {  	_ =	swait.ge @!p0 [sflag:s22], $0x800  }
0x45: {  	[sflag:s22] =	ssyncset.done @!p0 $0x0  }
0x46: {  	[sflag:s22] =	ssyncadd.s32 @!p0 $0xFFFFF800  }
0x47: {  	_ =	swait.ge @!p0 [sflag:s22], $0x800  }
0x48: {  	[sflag:s22] =	ssyncset.done @!p0 $0x0  }
0x49: {  	[sflag:s22] =	ssyncadd.s32 @!p0 $0xFFFFF800  }
0x4a: {  	_ =	swait.ge @!p0 [sflag:s22], $0x800  }
0x4b: {  	[sflag:s22] =	ssyncset.done @!p0 $0x0  }
0x4c: {  	[sflag:s22] =	ssyncadd.s32 @!p0 $0xFFFFF800  }
0x4d: {  	_ =	swait.ge @!p0 [sflag:s22], $0x800  }
0x4e: {  	[sflag:s22] =	ssyncset.done @!p0 $0x0  }
0x4f: {  	p1 =	seq.s32 @!p0 s19, $0x41;
	[sflag:s22] =	ssyncadd.s32 @!p0 $0xFFFFF800  }
0x50: {  	p1 =	por p0, !p1;
	_ =	swait.ge @!p0 [sflag:s22], $0x800  }
.Ltmp2:
0x51: {  	[sflag:s22] =	ssyncset.done @!p0 $0x0;
	(pc) =	sbr.rel @!p1 .LBB2_4-.Ltmp2, $4  }
0x52: {  	[sflag:s22] =	ssyncadd.s32 @!p0 $0xFFFFF800  }
0x53: {  	_ =	swait.ge @!p0 [sflag:s22], $0x800  }
0x54: {  	[sflag:s22] =	ssyncset.done @!p0 $0x0  }
0x55: {  	[sflag:s22] =	ssyncadd.s32 @!p0 $0xFFFFF800  }
.Ltmp3:
0x56: {  	(pc) =	sbr.rel .LBB2_2-.Ltmp3, $4  }
0x57: {  	s21 =	simm.s32 @p0 $0x1  }
0x58: {  	s22 =	smul.u32 $0xC00, s21  }
0x59: {  	s19 =	sadd.s32 $0x1, s19  }
0x5a: {  	s21 =	sand.u32 $0x1FFFFFE0, s20;
	s20 =	sadd.s32 $0x60, s20;
	s22 =	sshrl.u32 s22, $0x2  }
.LBB2_5:
0x5b: {  	_ =	sfence.sel $0x180000  }
0x5c: {  	[bflag:$0x0] =	sbarrier.arrive $0xFFFF  }
0x5d: {  	p0 =	sne.s32 s2, $0x0;
	_ =	strace $0x90000047  }
0x5e: {  	s0 =	sadd.s32 @!p0 $0x100000, s0;
	[bflag:$0x2] =	sbarrier.arrive $0xFFFF  }
0x5f: {  	[sflag:s0] =	ssyncadd.tile.s32 @!p0 $0x1;
	_ =	shalt  }
.Lfunc_end2:
_tile_overlayer_lowered:
.L_overlay_start_2:
0x60: {  	(tag) =	ssettag $0x2  }
0x61: {  	s0 =	rddreg [dreg:$0x0];
	s2 =	stileid.u32  }
0x62: {  	s1 =	rddreg [dreg:$0x1];
	p0 =	sne.s32 s2, $0x0  }
0x63: {  	s3 =	rddreg [dreg:$0x2];
	[bflag:$0x3] =	sbarrier.arrive $0xFFFF;
	s2 =	simm.s32 @!p0 $0x1C04  }
0x64: {  	[timem:s3], [sflag:s2] =	dma.local @!p0 [hbm:s0], s1  }
0x65: {  	s0 =	simm.s32 @!p0 $0x4  }
0x66: {  	_ =	swait.ge @!p0 [sflag:s0], s1  }
0x67: {  	s1 =	ssub.s32 @!p0 $0x0, s1;
	[sflag:s0] =	ssyncset.done @!p0 $0x0  }
0x68: {  	[sflag:s0] =	ssyncadd.s32 @!p0 s1  }
0x69: {  	[bflag:$0x3] =	sbarrier.arrive $0xFFFF  }
0x6a: {  	_ =	shalt  }

</sc_bundles>
